<compile_context>
chip_gen: v7x
topology: tpu7x:2x2x1
jax: 0.10.2.dev20260603
libtpu: 0.0.44.dev20260713+nightly
codegen_flags: <defaults>
</compile_context>

<pallas_src>
import functools

import jax
import jax.numpy as jnp
from jax import lax
from jax.experimental import pallas as pl
from jax.experimental.pallas import tpu as pltpu
from jax.experimental.pallas import tpu_sc as plsc

N = 10000
D = 128
E = 320000
NP = 10240
NT = 16
NPT = NP // NT
EPT = E // NT
EUNROLL = 25


def _tc_body(x_ref, wn_ref, ws_ref, b0r, wn1r, b1r, ws1r, wn2r, b2r, ws2r,
             m_ref, s_ref, cs_ref, sc_ref):
    xb = x_ref[...]
    zt = jnp.zeros((NP - N, 1), jnp.float32)
    m_ref[pl.ds(0, N), :] = jnp.dot(xb, wn_ref[...],
                                    preferred_element_type=jnp.float32)
    m_ref[pl.ds(N, NP - N), :] = zt
    s_ref[pl.ds(0, N), :] = jnp.dot(xb, ws_ref[...],
                                    preferred_element_type=jnp.float32)
    s_ref[pl.ds(N, NP - N), :] = zt
    cs_ref[...] = jnp.sum(xb, axis=0)
    sc_ref[...] = jnp.concatenate([
        b0r[...], wn1r[...].reshape(1), b1r[...], ws1r[...].reshape(1),
        wn2r[...].reshape(1), b2r[...], ws2r[...].reshape(1),
        jnp.zeros((9,), jnp.float32),
    ])


def _sc_body(m0_hbm, s0_hbm, cs_hbm, scal_hbm, ei_hbm, out_hbm,
             partials_sp, v_sp, sums_sp, src_v, dst_v, v_loc, agg_loc,
             pw_in, hnew, s0_loc, scal_loc, sums_loc, cs_loc, fin_loc,
             val_loc, dma_sem):
    w = lax.axis_index("s")
    nbase = w * NPT

    cps0 = [
        pltpu.async_copy(ei_hbm.at[pl.ds(w * EPT, EPT)], src_v, dma_sem),
        pltpu.async_copy(ei_hbm.at[pl.ds(E + w * EPT, EPT)], dst_v, dma_sem),
        pltpu.async_copy(scal_hbm, scal_loc, dma_sem),
        pltpu.async_copy(s0_hbm.at[pl.ds(nbase, NPT)], s0_loc, dma_sem),
        pltpu.async_copy(m0_hbm, v_loc, dma_sem),
    ]

    zero16 = jnp.zeros((16,), jnp.float32)
    iota16 = lax.iota(jnp.int32, 16)

    for l in range(3):
        @plsc.parallel_loop(0, NP // 128, unroll=4)
        def _(i):
            base = i * 128
            for u in range(8):
                agg_loc[pl.ds(base + u * 16, 16)] = zero16

        if l == 0:
            for cp in cps0:
                cp.wait()
        else:
            cp_v.wait()

        @plsc.parallel_loop(0, EPT // 16, unroll=EUNROLL)
        def _(i):
            off = i * 16
            sidx = src_v[pl.ds(off, 16)]
            didx = dst_v[pl.ds(off, 16)]
            vals = plsc.load_gather(v_loc, [sidx])
            plsc.addupdate_scatter(agg_loc, [didx], vals)

        cps = [pltpu.async_copy(agg_loc.at[pl.ds(t * NPT, NPT)],
                                partials_sp.at[t, w], dma_sem)
               for t in range(NT)]
        for cp in cps:
            cp.wait()
        plsc.subcore_barrier()
        pltpu.sync_copy(partials_sp.at[w], pw_in)

        scv = scal_loc[...]
        if l == 0:
            wb = scv[0]
        elif l == 1:
            wn, wb, ws = scv[1], scv[2], scv[3]
        else:
            wn, wb, ws = scv[4], scv[5], scv[6]

        @plsc.parallel_loop(0, NPT // 16, unroll=4, carry=zero16)
        def sacc(j, sc):
            off = j * 16
            acc = pw_in[0, pl.ds(off, 16)]
            for t in range(1, NT):
                acc = acc + pw_in[t, pl.ds(off, 16)]
            if l == 0:
                h = acc + wb + s0_loc[pl.ds(off, 16)]
            else:
                h = wn * acc + wb + ws * v_loc[pl.ds(nbase + off, 16)]
            h = jnp.maximum(h, 0.0)
            nid = nbase + off + iota16
            h = jnp.where(nid < N, h, 0.0)
            hnew[pl.ds(off, 16)] = h
            return sc + h
        sums_loc[...] = sacc
        pltpu.sync_copy(hnew, v_sp.at[pl.ds(nbase, NPT)])
        pltpu.sync_copy(sums_loc, sums_sp.at[pl.ds((l * NT + w) * 16, 16)])
        plsc.subcore_barrier()
        if l < 2:
            cp_v = pltpu.async_copy(v_sp, v_loc, dma_sem)

    @pl.when(w == 0)
    def _():
        pltpu.sync_copy(cs_hbm, cs_loc)
        pltpu.sync_copy(cs_loc, out_hbm.at[pl.ds(0, D)])
        pltpu.sync_copy(sums_sp, fin_loc)
        tots = []
        for l in range(3):
            acc = fin_loc[pl.ds(l * NT * 16, 16)]
            for t in range(1, NT):
                acc = acc + fin_loc[pl.ds((l * NT + t) * 16, 16)]
            tots.append(jnp.sum(acc))
        val = jnp.where(iota16 == 0, tots[0],
                        jnp.where(iota16 == 1, tots[1],
                                  jnp.where(iota16 == 2, tots[2], 0.0)))
        val_loc[...] = val
        pltpu.sync_copy(val_loc, out_hbm.at[pl.ds(D, 16)])


@functools.partial(
    pl.kernel,
    out_type=jax.ShapeDtypeStruct((D + 16,), jnp.float32),
    mesh=plsc.VectorSubcoreMesh(
        core_axis_name="c", subcore_axis_name="s",
        num_cores=1, num_subcores=NT),
    scratch_types=[
        pltpu.VMEM_SHARED((NT, NT, NPT), jnp.float32),
        pltpu.VMEM_SHARED((NP,), jnp.float32),
        pltpu.VMEM_SHARED((3 * NT * 16,), jnp.float32),
        pltpu.VMEM((EPT,), jnp.int32),
        pltpu.VMEM((EPT,), jnp.int32),
        pltpu.VMEM((NP,), jnp.float32),
        pltpu.VMEM((NP,), jnp.float32),
        pltpu.VMEM((NT, NPT), jnp.float32),
        pltpu.VMEM((NPT,), jnp.float32),
        pltpu.VMEM((NPT,), jnp.float32),
        pltpu.VMEM((16,), jnp.float32),
        pltpu.VMEM((16,), jnp.float32),
        pltpu.VMEM((D,), jnp.float32),
        pltpu.VMEM((3 * NT * 16,), jnp.float32),
        pltpu.VMEM((16,), jnp.float32),
        pltpu.SemaphoreType.DMA,
    ],
    compiler_params=pltpu.CompilerParams(needs_layout_passes=False),
)
def _sc_edges(m0_hbm, s0_hbm, cs_hbm, scal_hbm, ei_hbm, out_hbm,
              partials_sp, v_sp, sums_sp, src_v, dst_v, v_loc, agg_loc,
              pw_in, hnew, s0_loc, scal_loc, sums_loc, cs_loc, fin_loc,
              val_loc, dma_sem):
    _sc_body(m0_hbm, s0_hbm, cs_hbm, scal_hbm, ei_hbm, out_hbm,
             partials_sp, v_sp, sums_sp, src_v, dst_v, v_loc, agg_loc,
             pw_in, hnew, s0_loc, scal_loc, sums_loc, cs_loc, fin_loc,
             val_loc, dma_sem)


def kernel(x, edge_index, W_neigh0, b0, W_self0, W_neigh1, b1, W_self1,
           W_neigh2, b2, W_self2):
    m0, s0, colsum, scal16 = pl.pallas_call(
        _tc_body,
        out_shape=[
            jax.ShapeDtypeStruct((NP, 1), jnp.float32),
            jax.ShapeDtypeStruct((NP, 1), jnp.float32),
            jax.ShapeDtypeStruct((D,), jnp.float32),
            jax.ShapeDtypeStruct((16,), jnp.float32),
        ],
    )(x, W_neigh0, W_self0, b0, W_neigh1, b1, W_self1, W_neigh2, b2, W_self2)

    out = _sc_edges(m0.reshape(NP), s0.reshape(NP), colsum, scal16,
                    edge_index.reshape(2 * E))
    return out[:D + 3]

# --- scband reference (transcript-rebuilt; emitter-appended) ---
"""Pipeline reference for scband-fixed-net-56040733278664 (READ-ONLY COPY).

The authoritative reference and input builder live on the scoring server;
editing this copy changes nothing except your own understanding.
"""

import jax, jax.numpy as jnp
import numpy as np

N = 10000
E = 320000
D = 128
NUM_LAYERS = 3


def setup_inputs(seed: int = 0) -> dict:
    key = jax.random.key(seed)
    ks = jax.random.split(key, 2 + 3 * NUM_LAYERS)
    inp = {}
    inp["x"] = jax.random.normal(ks[0], (N, D), dtype=jnp.float32)
    inp["edge_index"] = jax.random.randint(ks[1], (2, E), 0, N, dtype=jnp.int32)
    dims = [D] + [1] * NUM_LAYERS
    for l in range(NUM_LAYERS):
        fi, fo = dims[l], dims[l + 1]
        s = 1.0 / float(np.sqrt(fi))
        inp[f"W_neigh{l}"] = jax.random.uniform(ks[2 + 3 * l], (fi, fo), minval=-s, maxval=s, dtype=jnp.float32)
        inp[f"b{l}"] = jnp.zeros((fo,), dtype=jnp.float32)
        inp[f"W_self{l}"] = jax.random.uniform(ks[3 + 3 * l], (fi, fo), minval=-s, maxval=s, dtype=jnp.float32)
    return inp


def reference(x, edge_index, W_neigh0, b0, W_self0, W_neigh1, b1, W_self1, W_neigh2, b2, W_self2):
    # FixedNet with GraphConvWL layers (hidden dim = 1), single DGL graph represented
    # as edge_index[2, E] with messages src -> dst, sum aggregation (norm='none').
    src = edge_index[0]
    dst = edge_index[1]
    params = [(W_neigh0, b0, W_self0), (W_neigh1, b1, W_self1), (W_neigh2, b2, W_self2)]
    xs = [x]
    h = x
    n_nodes = x.shape[0]
    for Wn, bn, Ws in params:
        # GraphConv(norm='none'): project then aggregate (in_feats >= out_feats path)
        m = h @ Wn                                   # [N, out]
        msgs = jnp.take(m, src, axis=0)              # gather per-edge messages
        agg = jnp.zeros((n_nodes, m.shape[1]), dtype=m.dtype).at[dst].add(msgs)
        neigh = agg + bn
        self_feat = h @ Ws
        h = neigh + self_feat
        h = jax.nn.relu(h)
        xs.append(h)
    hcat = jnp.concatenate(xs, axis=1)               # [N, D + NUM_LAYERS]
    hg = jnp.sum(hcat, axis=0)                       # dgl.sum_nodes readout (one graph)
    return hg

if __name__ == "__main__":
    import jax
    _d = setup_inputs()
    print(jax.jit(kernel)(*tuple(_d.values())))

</pallas_src>

<mosaic_0001>
#map = affine_map<(d0, d1) -> (0)>
module attributes {stable_mosaic.version = 14 : i64} {
  func.func @_sc_edges(%arg0: i32, %arg1: i32, %arg2: memref<10240xf32, #tpu.memory_space<hbm>>, %arg3: memref<10240xf32, #tpu.memory_space<hbm>>, %arg4: memref<128xf32, #tpu.memory_space<hbm>>, %arg5: memref<16xf32, #tpu.memory_space<hbm>>, %arg6: memref<640000xi32, #tpu.memory_space<hbm>>, %arg7: memref<144xf32, #tpu.memory_space<hbm>>, %arg8: memref<16x16x640xf32, #tpu.memory_space<vmem_shared>>, %arg9: memref<10240xf32, #tpu.memory_space<vmem_shared>>, %arg10: memref<768xf32, #tpu.memory_space<vmem_shared>>, %arg11: memref<20000xi32, #tpu.memory_space<vmem>>, %arg12: memref<20000xi32, #tpu.memory_space<vmem>>, %arg13: memref<10240xf32, #tpu.memory_space<vmem>>, %arg14: memref<10240xf32, #tpu.memory_space<vmem>>, %arg15: memref<16x640xf32, #tpu.memory_space<vmem>>, %arg16: memref<640xf32, #tpu.memory_space<vmem>>, %arg17: memref<640xf32, #tpu.memory_space<vmem>>, %arg18: memref<16xf32, #tpu.memory_space<vmem>>, %arg19: memref<16xf32, #tpu.memory_space<vmem>>, %arg20: memref<128xf32, #tpu.memory_space<vmem>>, %arg21: memref<768xf32, #tpu.memory_space<vmem>>, %arg22: memref<16xf32, #tpu.memory_space<vmem>>, %arg23: memref<!tpu.dma_semaphore, #tpu.memory_space<semaphore_mem>>) attributes {dimension_semantics = [#tpu.dimension_semantics<core_parallel>, #tpu.dimension_semantics<subcore_parallel>], iteration_bounds = array<i64: 1, 16>, scalar_prefetch = 0 : i64, scratch_operands = 16 : i64, tpu.core_type = #tpu.core_type<sc_vector_subcore>, window_params = [{transform_indices = #map}, {transform_indices = #map}, {transform_indices = #map}, {transform_indices = #map}, {transform_indices = #map}, {transform_indices = #map}]} {
    %mul3A = arith.constant 640 : i32
    %mul3A_0 = arith.muli %arg1, %mul3A : i32
    %mul3A_1 = arith.constant 20000 : i32
    %mul3A_2 = arith.muli %arg1, %mul3A_1 : i32
    %dma_start3A = tpu.memref_slice %arg6[%mul3A_2] : memref<640000xi32, #tpu.memory_space<hbm>> -> memref<20000xi32, #tpu.memory_space<hbm>>
    %dma_start3A_3 = tpu.memref_slice %arg6[%mul3A_2] : memref<640000xi32, #tpu.memory_space<hbm>> -> memref<20000xi32, #tpu.memory_space<hbm>>
    tpu.enqueue_dma source(%dma_start3A_3 : memref<20000xi32, #tpu.memory_space<hbm>>) target(%arg11 : memref<20000xi32, #tpu.memory_space<vmem>>) target_semaphore(%arg23 : memref<!tpu.dma_semaphore, #tpu.memory_space<semaphore_mem>>)
    %mul3A_4 = arith.constant 20000 : i32
    %mul3A_5 = arith.muli %arg1, %mul3A_4 : i32
    %add3A = arith.constant 320000 : i32
    %add3A_6 = arith.addi %add3A, %mul3A_5 : i32
    %dma_start3A_7 = tpu.memref_slice %arg6[%add3A_6] : memref<640000xi32, #tpu.memory_space<hbm>> -> memref<20000xi32, #tpu.memory_space<hbm>>
    %dma_start3A_8 = tpu.memref_slice %arg6[%add3A_6] : memref<640000xi32, #tpu.memory_space<hbm>> -> memref<20000xi32, #tpu.memory_space<hbm>>
    tpu.enqueue_dma source(%dma_start3A_8 : memref<20000xi32, #tpu.memory_space<hbm>>) target(%arg12 : memref<20000xi32, #tpu.memory_space<vmem>>) target_semaphore(%arg23 : memref<!tpu.dma_semaphore, #tpu.memory_space<semaphore_mem>>)
    tpu.enqueue_dma source(%arg5 : memref<16xf32, #tpu.memory_space<hbm>>) target(%arg18 : memref<16xf32, #tpu.memory_space<vmem>>) target_semaphore(%arg23 : memref<!tpu.dma_semaphore, #tpu.memory_space<semaphore_mem>>)
    %dma_start3A_9 = tpu.memref_slice %arg3[%mul3A_0] : memref<10240xf32, #tpu.memory_space<hbm>> -> memref<640xf32, #tpu.memory_space<hbm>>
    %dma_start3A_10 = tpu.memref_slice %arg3[%mul3A_0] : memref<10240xf32, #tpu.memory_space<hbm>> -> memref<640xf32, #tpu.memory_space<hbm>>
    tpu.enqueue_dma source(%dma_start3A_10 : memref<640xf32, #tpu.memory_space<hbm>>) target(%arg17 : memref<640xf32, #tpu.memory_space<vmem>>) target_semaphore(%arg23 : memref<!tpu.dma_semaphore, #tpu.memory_space<semaphore_mem>>)
    tpu.enqueue_dma source(%arg2 : memref<10240xf32, #tpu.memory_space<hbm>>) target(%arg13 : memref<10240xf32, #tpu.memory_space<vmem>>) target_semaphore(%arg23 : memref<!tpu.dma_semaphore, #tpu.memory_space<semaphore_mem>>)
    %broadcast_in_dim3A = arith.constant 0.000000e+00 : f32
    %broadcast_in_dim3A_11 = vector.broadcast %broadcast_in_dim3A : f32 to vector<16xf32>
    %iota3A = tpu.iota {dimensions = array<i32: 0>} : vector<16xi32>
    %parallel_loop3A = arith.constant 0 : i32
    %parallel_loop3A_12 = arith.constant 80 : i32
    %parallel_loop3A_13 = arith.constant 1 : i32
    scf.for %parallel_loop3A_1143 = %parallel_loop3A to %parallel_loop3A_12 step %parallel_loop3A_13  : i32 {
      %parallel_loop3A_1144 = arith.constant 128 : i32
      %parallel_loop3A_1145 = arith.muli %parallel_loop3A_1143, %parallel_loop3A_1144 : i32
      %parallel_loop3A_1146 = arith.constant 0 : i32
      %parallel_loop3A_1147 = arith.addi %parallel_loop3A_1145, %parallel_loop3A_1146 : i32
      %parallel_loop3A_1148 = arith.index_cast %parallel_loop3A_1147 : i32 to index
      %parallel_loop3A_1149 = tpu.vector_load %arg14[%parallel_loop3A_1148] {strides = array<i32>} : memref<10240xf32, #tpu.memory_space<vmem>>, vector<16xf32>,
      tpu.vector_store %arg14[%parallel_loop3A_1148], %broadcast_in_dim3A_11 {strides = array<i32>} : memref<10240xf32, #tpu.memory_space<vmem>>, vector<16xf32>,
      %parallel_loop3A_1150 = arith.constant 16 : i32
      %parallel_loop3A_1151 = arith.addi %parallel_loop3A_1145, %parallel_loop3A_1150 : i32
      %parallel_loop3A_1152 = arith.index_cast %parallel_loop3A_1151 : i32 to index
      %parallel_loop3A_1153 = tpu.vector_load %arg14[%parallel_loop3A_1152] {strides = array<i32>} : memref<10240xf32, #tpu.memory_space<vmem>>, vector<16xf32>,
      tpu.vector_store %arg14[%parallel_loop3A_1152], %broadcast_in_dim3A_11 {strides = array<i32>} : memref<10240xf32, #tpu.memory_space<vmem>>, vector<16xf32>,
      %parallel_loop3A_1154 = arith.constant 32 : i32
      %parallel_loop3A_1155 = arith.addi %parallel_loop3A_1145, %parallel_loop3A_1154 : i32
      %parallel_loop3A_1156 = arith.index_cast %parallel_loop3A_1155 : i32 to index
      %parallel_loop3A_1157 = tpu.vector_load %arg14[%parallel_loop3A_1156] {strides = array<i32>} : memref<10240xf32, #tpu.memory_space<vmem>>, vector<16xf32>,
      tpu.vector_store %arg14[%parallel_loop3A_1156], %broadcast_in_dim3A_11 {strides = array<i32>} : memref<10240xf32, #tpu.memory_space<vmem>>, vector<16xf32>,
      %parallel_loop3A_1158 = arith.constant 48 : i32
      %parallel_loop3A_1159 = arith.addi %parallel_loop3A_1145, %parallel_loop3A_1158 : i32
      %parallel_loop3A_1160 = arith.index_cast %parallel_loop3A_1159 : i32 to index
      %parallel_loop3A_1161 = tpu.vector_load %arg14[%parallel_loop3A_1160] {strides = array<i32>} : memref<10240xf32, #tpu.memory_space<vmem>>, vector<16xf32>,
      tpu.vector_store %arg14[%parallel_loop3A_1160], %broadcast_in_dim3A_11 {strides = array<i32>} : memref<10240xf32, #tpu.memory_space<vmem>>, vector<16xf32>,
      %parallel_loop3A_1162 = arith.constant 64 : i32
      %parallel_loop3A_1163 = arith.addi %parallel_loop3A_1145, %parallel_loop3A_1162 : i32
      %parallel_loop3A_1164 = arith.index_cast %parallel_loop3A_1163 : i32 to index
      %parallel_loop3A_1165 = tpu.vector_load %arg14[%parallel_loop3A_1164] {strides = array<i32>} : memref<10240xf32, #tpu.memory_space<vmem>>, vector<16xf32>,
      tpu.vector_store %arg14[%parallel_loop3A_1164], %broadcast_in_dim3A_11 {strides = array<i32>} : memref<10240xf32, #tpu.memory_space<vmem>>, vector<16xf32>,
      %parallel_loop3A_1166 = arith.constant 80 : i32
      %parallel_loop3A_1167 = arith.addi %parallel_loop3A_1145, %parallel_loop3A_1166 : i32
      %parallel_loop3A_1168 = arith.index_cast %parallel_loop3A_1167 : i32 to index
      %parallel_loop3A_1169 = tpu.vector_load %arg14[%parallel_loop3A_1168] {strides = array<i32>} : memref<10240xf32, #tpu.memory_space<vmem>>, vector<16xf32>,
      tpu.vector_store %arg14[%parallel_loop3A_1168], %broadcast_in_dim3A_11 {strides = array<i32>} : memref<10240xf32, #tpu.memory_space<vmem>>, vector<16xf32>,
      %parallel_loop3A_1170 = arith.constant 96 : i32
      %parallel_loop3A_1171 = arith.addi %parallel_loop3A_1145, %parallel_loop3A_1170 : i32
      %parallel_loop3A_1172 = arith.index_cast %parallel_loop3A_1171 : i32 to index
      %parallel_loop3A_1173 = tpu.vector_load %arg14[%parallel_loop3A_1172] {strides = array<i32>} : memref<10240xf32, #tpu.memory_space<vmem>>, vector<16xf32>,
      tpu.vector_store %arg14[%parallel_loop3A_1172], %broadcast_in_dim3A_11 {strides = array<i32>} : memref<10240xf32, #tpu.memory_space<vmem>>, vector<16xf32>,
      %parallel_loop3A_1174 = arith.constant 112 : i32
      %parallel_loop3A_1175 = arith.addi %parallel_loop3A_1145, %parallel_loop3A_1174 : i32
      %parallel_loop3A_1176 = arith.index_cast %parallel_loop3A_1175 : i32 to index
      %parallel_loop3A_1177 = tpu.vector_load %arg14[%parallel_loop3A_1176] {strides = array<i32>} : memref<10240xf32, #tpu.memory_space<vmem>>, vector<16xf32>,
      tpu.vector_store %arg14[%parallel_loop3A_1176], %broadcast_in_dim3A_11 {strides = array<i32>} : memref<10240xf32, #tpu.memory_space<vmem>>, vector<16xf32>,
    } {sc.loop_unroll_factor = 4 : i64, sc.parallel_access}
    %dma_wait3A = tpu.memref_slice %arg6[%mul3A_2] : memref<640000xi32, #tpu.memory_space<hbm>> -> memref<20000xi32, #tpu.memory_space<hbm>>
    %dma_wait3A_14 = tpu.memref_slice %arg6[%mul3A_2] : memref<640000xi32, #tpu.memory_space<hbm>> -> memref<20000xi32, #tpu.memory_space<hbm>>
    tpu.wait_dma2 semaphore(%arg23 : memref<!tpu.dma_semaphore, #tpu.memory_space<semaphore_mem>>) src(%dma_wait3A_14 : memref<20000xi32, #tpu.memory_space<hbm>>) dst(%arg11 : memref<20000xi32, #tpu.memory_space<vmem>>)
    %dma_wait3A_15 = tpu.memref_slice %arg6[%add3A_6] : memref<640000xi32, #tpu.memory_space<hbm>> -> memref<20000xi32, #tpu.memory_space<hbm>>
    %dma_wait3A_16 = tpu.memref_slice %arg6[%add3A_6] : memref<640000xi32, #tpu.memory_space<hbm>> -> memref<20000xi32, #tpu.memory_space<hbm>>
    tpu.wait_dma2 semaphore(%arg23 : memref<!tpu.dma_semaphore, #tpu.memory_space<semaphore_mem>>) src(%dma_wait3A_16 : memref<20000xi32, #tpu.memory_space<hbm>>) dst(%arg12 : memref<20000xi32, #tpu.memory_space<vmem>>)
    tpu.wait_dma2 semaphore(%arg23 : memref<!tpu.dma_semaphore, #tpu.memory_space<semaphore_mem>>) src(%arg5 : memref<16xf32, #tpu.memory_space<hbm>>) dst(%arg18 : memref<16xf32, #tpu.memory_space<vmem>>)
    %dma_wait3A_17 = tpu.memref_slice %arg3[%mul3A_0] : memref<10240xf32, #tpu.memory_space<hbm>> -> memref<640xf32, #tpu.memory_space<hbm>>
    %dma_wait3A_18 = tpu.memref_slice %arg3[%mul3A_0] : memref<10240xf32, #tpu.memory_space<hbm>> -> memref<640xf32, #tpu.memory_space<hbm>>
    tpu.wait_dma2 semaphore(%arg23 : memref<!tpu.dma_semaphore, #tpu.memory_space<semaphore_mem>>) src(%dma_wait3A_18 : memref<640xf32, #tpu.memory_space<hbm>>) dst(%arg17 : memref<640xf32, #tpu.memory_space<vmem>>)
    tpu.wait_dma2 semaphore(%arg23 : memref<!tpu.dma_semaphore, #tpu.memory_space<semaphore_mem>>) src(%arg2 : memref<10240xf32, #tpu.memory_space<hbm>>) dst(%arg13 : memref<10240xf32, #tpu.memory_space<vmem>>)
    %parallel_loop3A_19 = arith.constant 0 : i32
    %parallel_loop3A_20 = arith.constant 1250 : i32
    %parallel_loop3A_21 = arith.constant 1 : i32
    scf.for %parallel_loop3A_1143 = %parallel_loop3A_19 to %parallel_loop3A_20 step %parallel_loop3A_21  : i32 {
      %parallel_loop3A_1144 = arith.constant 16 : i32
      %parallel_loop3A_1145 = arith.muli %parallel_loop3A_1143, %parallel_loop3A_1144 : i32
      %parallel_loop3A_1146 = arith.index_cast %parallel_loop3A_1145 : i32 to index
      %parallel_loop3A_1147 = tpu.vector_load %arg11[%parallel_loop3A_1146] {strides = array<i32>} : memref<20000xi32, #tpu.memory_space<vmem>>, vector<16xi32>,
      %parallel_loop3A_1148 = arith.index_cast %parallel_loop3A_1145 : i32 to index
      %parallel_loop3A_1149 = tpu.vector_load %arg12[%parallel_loop3A_1148] {strides = array<i32>} : memref<20000xi32, #tpu.memory_space<vmem>>, vector<16xi32>,
      %parallel_loop3A_1150 = tpu.vector_load_idx %arg13[%parallel_loop3A_1147] : memref<10240xf32, #tpu.memory_space<vmem>>[vector<16xi32>], vector<16xf32>,
      tpu.vector_store_idx %arg14[%parallel_loop3A_1149], %parallel_loop3A_1150 {add = true} : memref<10240xf32, #tpu.memory_space<vmem>>[vector<16xi32>], vector<16xf32>,
    } {sc.loop_unroll_factor = 25 : i64, sc.parallel_access}
    %dma_start3A_22 = arith.constant 0 : i32
    %dma_start3A_23 = arith.constant 0 : i32
    %dma_start3A_24 = tpu.memref_slice %arg14[%dma_start3A_23] : memref<10240xf32, #tpu.memory_space<vmem>> -> memref<640xf32, #tpu.memory_space<vmem>>
    %dma_start3A_25 = arith.constant 0 : i32
    %dma_start3A_26 = tpu.memref_slice %arg8[%dma_start3A_22, %arg1, %dma_start3A_25] : memref<16x16x640xf32, #tpu.memory_space<vmem_shared>> -> memref<1x1x640xf32, #tpu.memory_space<vmem_shared>>
    %dma_start3A_27 = tpu.memref_squeeze %dma_start3A_26 : memref<1x1x640xf32, #tpu.memory_space<vmem_shared>> -> memref<640xf32, #tpu.memory_space<vmem_shared>>
    %dma_start3A_28 = arith.constant 0 : i32
    %dma_start3A_29 = tpu.memref_slice %arg8[%dma_start3A_22, %arg1, %dma_start3A_28] : memref<16x16x640xf32, #tpu.memory_space<vmem_shared>> -> memref<1x1x640xf32, #tpu.memory_space<vmem_shared>>
    %dma_start3A_30 = tpu.memref_squeeze %dma_start3A_29 : memref<1x1x640xf32, #tpu.memory_space<vmem_shared>> -> memref<640xf32, #tpu.memory_space<vmem_shared>>
    %dma_start3A_31 = arith.constant 0 : i32
    %dma_start3A_32 = tpu.memref_slice %arg14[%dma_start3A_31] : memref<10240xf32, #tpu.memory_space<vmem>> -> memref<640xf32, #tpu.memory_space<vmem>>
    tpu.enqueue_dma source(%dma_start3A_32 : memref<640xf32, #tpu.memory_space<vmem>>) target(%dma_start3A_30 : memref<640xf32, #tpu.memory_space<vmem_shared>>) target_semaphore(%arg23 : memref<!tpu.dma_semaphore, #tpu.memory_space<semaphore_mem>>)
    %dma_start3A_33 = arith.constant 1 : i32
    %dma_start3A_34 = arith.constant 640 : i32
    %dma_start3A_35 = tpu.memref_slice %arg14[%dma_start3A_34] : memref<10240xf32, #tpu.memory_space<vmem>> -> memref<640xf32, #tpu.memory_space<vmem>>
    %dma_start3A_36 = arith.constant 0 : i32
    %dma_start3A_37 = tpu.memref_slice %arg8[%dma_start3A_33, %arg1, %dma_start3A_36] : memref<16x16x640xf32, #tpu.memory_space<vmem_shared>> -> memref<1x1x640xf32, #tpu.memory_space<vmem_shared>>
    %dma_start3A_38 = tpu.memref_squeeze %dma_start3A_37 : memref<1x1x640xf32, #tpu.memory_space<vmem_shared>> -> memref<640xf32, #tpu.memory_space<vmem_shared>>
    %dma_start3A_39 = arith.constant 0 : i32
    %dma_start3A_40 = tpu.memref_slice %arg8[%dma_start3A_33, %arg1, %dma_start3A_39] : memref<16x16x640xf32, #tpu.memory_space<vmem_shared>> -> memref<1x1x640xf32, #tpu.memory_space<vmem_shared>>
    %dma_start3A_41 = tpu.memref_squeeze %dma_start3A_40 : memref<1x1x640xf32, #tpu.memory_space<vmem_shared>> -> memref<640xf32, #tpu.memory_space<vmem_shared>>
    %dma_start3A_42 = arith.constant 640 : i32
    %dma_start3A_43 = tpu.memref_slice %arg14[%dma_start3A_42] : memref<10240xf32, #tpu.memory_space<vmem>> -> memref<640xf32, #tpu.memory_space<vmem>>
    tpu.enqueue_dma source(%dma_start3A_43 : memref<640xf32, #tpu.memory_space<vmem>>) target(%dma_start3A_41 : memref<640xf32, #tpu.memory_space<vmem_shared>>) target_semaphore(%arg23 : memref<!tpu.dma_semaphore, #tpu.memory_space<semaphore_mem>>)
    %dma_start3A_44 = arith.constant 2 : i32
    %dma_start3A_45 = arith.constant 1280 : i32
    %dma_start3A_46 = tpu.memref_slice %arg14[%dma_start3A_45] : memref<10240xf32, #tpu.memory_space<vmem>> -> memref<640xf32, #tpu.memory_space<vmem>>
    %dma_start3A_47 = arith.constant 0 : i32
    %dma_start3A_48 = tpu.memref_slice %arg8[%dma_start3A_44, %arg1, %dma_start3A_47] : memref<16x16x640xf32, #tpu.memory_space<vmem_shared>> -> memref<1x1x640xf32, #tpu.memory_space<vmem_shared>>
    %dma_start3A_49 = tpu.memref_squeeze %dma_start3A_48 : memref<1x1x640xf32, #tpu.memory_space<vmem_shared>> -> memref<640xf32, #tpu.memory_space<vmem_shared>>
    %dma_start3A_50 = arith.constant 0 : i32
    %dma_start3A_51 = tpu.memref_slice %arg8[%dma_start3A_44, %arg1, %dma_start3A_50] : memref<16x16x640xf32, #tpu.memory_space<vmem_shared>> -> memref<1x1x640xf32, #tpu.memory_space<vmem_shared>>
    %dma_start3A_52 = tpu.memref_squeeze %dma_start3A_51 : memref<1x1x640xf32, #tpu.memory_space<vmem_shared>> -> memref<640xf32, #tpu.memory_space<vmem_shared>>
    %dma_start3A_53 = arith.constant 1280 : i32
    %dma_start3A_54 = tpu.memref_slice %arg14[%dma_start3A_53] : memref<10240xf32, #tpu.memory_space<vmem>> -> memref<640xf32, #tpu.memory_space<vmem>>
    tpu.enqueue_dma source(%dma_start3A_54 : memref<640xf32, #tpu.memory_space<vmem>>) target(%dma_start3A_52 : memref<640xf32, #tpu.memory_space<vmem_shared>>) target_semaphore(%arg23 : memref<!tpu.dma_semaphore, #tpu.memory_space<semaphore_mem>>)
    %dma_start3A_55 = arith.constant 3 : i32
    %dma_start3A_56 = arith.constant 1920 : i32
    %dma_start3A_57 = tpu.memref_slice %arg14[%dma_start3A_56] : memref<10240xf32, #tpu.memory_space<vmem>> -> memref<640xf32, #tpu.memory_space<vmem>>
    %dma_start3A_58 = arith.constant 0 : i32
    %dma_start3A_59 = tpu.memref_slice %arg8[%dma_start3A_55, %arg1, %dma_start3A_58] : memref<16x16x640xf32, #tpu.memory_space<vmem_shared>> -> memref<1x1x640xf32, #tpu.memory_space<vmem_shared>>
    %dma_start3A_60 = tpu.memref_squeeze %dma_start3A_59 : memref<1x1x640xf32, #tpu.memory_space<vmem_shared>> -> memref<640xf32, #tpu.memory_space<vmem_shared>>
    %dma_start3A_61 = arith.constant 0 : i32
    %dma_start3A_62 = tpu.memref_slice %arg8[%dma_start3A_55, %arg1, %dma_start3A_61] : memref<16x16x640xf32, #tpu.memory_space<vmem_shared>> -> memref<1x1x640xf32, #tpu.memory_space<vmem_shared>>
    %dma_start3A_63 = tpu.memref_squeeze %dma_start3A_62 : memref<1x1x640xf32, #tpu.memory_space<vmem_shared>> -> memref<640xf32, #tpu.memory_space<vmem_shared>>
    %dma_start3A_64 = arith.constant 1920 : i32
    %dma_start3A_65 = tpu.memref_slice %arg14[%dma_start3A_64] : memref<10240xf32, #tpu.memory_space<vmem>> -> memref<640xf32, #tpu.memory_space<vmem>>
    tpu.enqueue_dma source(%dma_start3A_65 : memref<640xf32, #tpu.memory_space<vmem>>) target(%dma_start3A_63 : memref<640xf32, #tpu.memory_space<vmem_shared>>) target_semaphore(%arg23 : memref<!tpu.dma_semaphore, #tpu.memory_space<semaphore_mem>>)
    %dma_start3A_66 = arith.constant 4 : i32
    %dma_start3A_67 = arith.constant 2560 : i32
    %dma_start3A_68 = tpu.memref_slice %arg14[%dma_start3A_67] : memref<10240xf32, #tpu.memory_space<vmem>> -> memref<640xf32, #tpu.memory_space<vmem>>
    %dma_start3A_69 = arith.constant 0 : i32
    %dma_start3A_70 = tpu.memref_slice %arg8[%dma_start3A_66, %arg1, %dma_start3A_69] : memref<16x16x640xf32, #tpu.memory_space<vmem_shared>> -> memref<1x1x640xf32, #tpu.memory_space<vmem_shared>>
    %dma_start3A_71 = tpu.memref_squeeze %dma_start3A_70 : memref<1x1x640xf32, #tpu.memory_space<vmem_shared>> -> memref<640xf32, #tpu.memory_space<vmem_shared>>
    %dma_start3A_72 = arith.constant 0 : i32
    %dma_start3A_73 = tpu.memref_slice %arg8[%dma_start3A_66, %arg1, %dma_start3A_72] : memref<16x16x640xf32, #tpu.memory_space<vmem_shared>> -> memref<1x1x640xf32, #tpu.memory_space<vmem_shared>>
    %dma_start3A_74 = tpu.memref_squeeze %dma_start3A_73 : memref<1x1x640xf32, #tpu.memory_space<vmem_shared>> -> memref<640xf32, #tpu.memory_space<vmem_shared>>
    %dma_start3A_75 = arith.constant 2560 : i32
    %dma_start3A_76 = tpu.memref_slice %arg14[%dma_start3A_75] : memref<10240xf32, #tpu.memory_space<vmem>> -> memref<640xf32, #tpu.memory_space<vmem>>
    tpu.enqueue_dma source(%dma_start3A_76 : memref<640xf32, #tpu.memory_space<vmem>>) target(%dma_start3A_74 : memref<640xf32, #tpu.memory_space<vmem_shared>>) target_semaphore(%arg23 : memref<!tpu.dma_semaphore, #tpu.memory_space<semaphore_mem>>)
    %dma_start3A_77 = arith.constant 5 : i32
    %dma_start3A_78 = arith.constant 3200 : i32
    %dma_start3A_79 = tpu.memref_slice %arg14[%dma_start3A_78] : memref<10240xf32, #tpu.memory_space<vmem>> -> memref<640xf32, #tpu.memory_space<vmem>>
    %dma_start3A_80 = arith.constant 0 : i32
    %dma_start3A_81 = tpu.memref_slice %arg8[%dma_start3A_77, %arg1, %dma_start3A_80] : memref<16x16x640xf32, #tpu.memory_space<vmem_shared>> -> memref<1x1x640xf32, #tpu.memory_space<vmem_shared>>
    %dma_start3A_82 = tpu.memref_squeeze %dma_start3A_81 : memref<1x1x640xf32, #tpu.memory_space<vmem_shared>> -> memref<640xf32, #tpu.memory_space<vmem_shared>>
    %dma_start3A_83 = arith.constant 0 : i32
    %dma_start3A_84 = tpu.memref_slice %arg8[%dma_start3A_77, %arg1, %dma_start3A_83] : memref<16x16x640xf32, #tpu.memory_space<vmem_shared>> -> memref<1x1x640xf32, #tpu.memory_space<vmem_shared>>
    %dma_start3A_85 = tpu.memref_squeeze %dma_start3A_84 : memref<1x1x640xf32, #tpu.memory_space<vmem_shared>> -> memref<640xf32, #tpu.memory_space<vmem_shared>>
    %dma_start3A_86 = arith.constant 3200 : i32
    %dma_start3A_87 = tpu.memref_slice %arg14[%dma_start3A_86] : memref<10240xf32, #tpu.memory_space<vmem>> -> memref<640xf32, #tpu.memory_space<vmem>>
    tpu.enqueue_dma source(%dma_start3A_87 : memref<640xf32, #tpu.memory_space<vmem>>) target(%dma_start3A_85 : memref<640xf32, #tpu.memory_space<vmem_shared>>) target_semaphore(%arg23 : memref<!tpu.dma_semaphore, #tpu.memory_space<semaphore_mem>>)
    %dma_start3A_88 = arith.constant 6 : i32
    %dma_start3A_89 = arith.constant 3840 : i32
    %dma_start3A_90 = tpu.memref_slice %arg14[%dma_start3A_89] : memref<10240xf32, #tpu.memory_space<vmem>> -> memref<640xf32, #tpu.memory_space<vmem>>
    %dma_start3A_91 = arith.constant 0 : i32
    %dma_start3A_92 = tpu.memref_slice %arg8[%dma_start3A_88, %arg1, %dma_start3A_91] : memref<16x16x640xf32, #tpu.memory_space<vmem_shared>> -> memref<1x1x640xf32, #tpu.memory_space<vmem_shared>>
    %dma_start3A_93 = tpu.memref_squeeze %dma_start3A_92 : memref<1x1x640xf32, #tpu.memory_space<vmem_shared>> -> memref<640xf32, #tpu.memory_space<vmem_shared>>
    %dma_start3A_94 = arith.constant 0 : i32
    %dma_start3A_95 = tpu.memref_slice %arg8[%dma_start3A_88, %arg1, %dma_start3A_94] : memref<16x16x640xf32, #tpu.memory_space<vmem_shared>> -> memref<1x1x640xf32, #tpu.memory_space<vmem_shared>>
    %dma_start3A_96 = tpu.memref_squeeze %dma_start3A_95 : memref<1x1x640xf32, #tpu.memory_space<vmem_shared>> -> memref<640xf32, #tpu.memory_space<vmem_shared>>
    %dma_start3A_97 = arith.constant 3840 : i32
    %dma_start3A_98 = tpu.memref_slice %arg14[%dma_start3A_97] : memref<10240xf32, #tpu.memory_space<vmem>> -> memref<640xf32, #tpu.memory_space<vmem>>
    tpu.enqueue_dma source(%dma_start3A_98 : memref<640xf32, #tpu.memory_space<vmem>>) target(%dma_start3A_96 : memref<640xf32, #tpu.memory_space<vmem_shared>>) target_semaphore(%arg23 : memref<!tpu.dma_semaphore, #tpu.memory_space<semaphore_mem>>)
    %dma_start3A_99 = arith.constant 7 : i32
    %dma_start3A_100 = arith.constant 4480 : i32
    %dma_start3A_101 = tpu.memref_slice %arg14[%dma_start3A_100] : memref<10240xf32, #tpu.memory_space<vmem>> -> memref<640xf32, #tpu.memory_space<vmem>>
    %dma_start3A_102 = arith.constant 0 : i32
    %dma_start3A_103 = tpu.memref_slice %arg8[%dma_start3A_99, %arg1, %dma_start3A_102] : memref<16x16x640xf32, #tpu.memory_space<vmem_shared>> -> memref<1x1x640xf32, #tpu.memory_space<vmem_shared>>
    %dma_start3A_104 = tpu.memref_squeeze %dma_start3A_103 : memref<1x1x640xf32, #tpu.memory_space<vmem_shared>> -> memref<640xf32, #tpu.memory_space<vmem_shared>>
    %dma_start3A_105 = arith.constant 0 : i32
    %dma_start3A_106 = tpu.memref_slice %arg8[%dma_start3A_99, %arg1, %dma_start3A_105] : memref<16x16x640xf32, #tpu.memory_space<vmem_shared>> -> memref<1x1x640xf32, #tpu.memory_space<vmem_shared>>
    %dma_start3A_107 = tpu.memref_squeeze %dma_start3A_106 : memref<1x1x640xf32, #tpu.memory_space<vmem_shared>> -> memref<640xf32, #tpu.memory_space<vmem_shared>>
    %dma_start3A_108 = arith.constant 4480 : i32
    %dma_start3A_109 = tpu.memref_slice %arg14[%dma_start3A_108] : memref<10240xf32, #tpu.memory_space<vmem>> -> memref<640xf32, #tpu.memory_space<vmem>>
    tpu.enqueue_dma source(%dma_start3A_109 : memref<640xf32, #tpu.memory_space<vmem>>) target(%dma_start3A_107 : memref<640xf32, #tpu.memory_space<vmem_shared>>) target_semaphore(%arg23 : memref<!tpu.dma_semaphore, #tpu.memory_space<semaphore_mem>>)
    %dma_start3A_110 = arith.constant 8 : i32
    %dma_start3A_111 = arith.constant 5120 : i32
    %dma_start3A_112 = tpu.memref_slice %arg14[%dma_start3A_111] : memref<10240xf32, #tpu.memory_space<vmem>> -> memref<640xf32, #tpu.memory_space<vmem>>
    %dma_start3A_113 = arith.constant 0 : i32
    %dma_start3A_114 = tpu.memref_slice %arg8[%dma_start3A_110, %arg1, %dma_start3A_113] : memref<16x16x640xf32, #tpu.memory_space<vmem_shared>> -> memref<1x1x640xf32, #tpu.memory_space<vmem_shared>>
    %dma_start3A_115 = tpu.memref_squeeze %dma_start3A_114 : memref<1x1x640xf32, #tpu.memory_space<vmem_shared>> -> memref<640xf32, #tpu.memory_space<vmem_shared>>
    %dma_start3A_116 = arith.constant 0 : i32
    %dma_start3A_117 = tpu.memref_slice %arg8[%dma_start3A_110, %arg1, %dma_start3A_116] : memref<16x16x640xf32, #tpu.memory_space<vmem_shared>> -> memref<1x1x640xf32, #tpu.memory_space<vmem_shared>>
    %dma_start3A_118 = tpu.memref_squeeze %dma_start3A_117 : memref<1x1x640xf32, #tpu.memory_space<vmem_shared>> -> memref<640xf32, #tpu.memory_space<vmem_shared>>
    %dma_start3A_119 = arith.constant 5120 : i32
    %dma_start3A_120 = tpu.memref_slice %arg14[%dma_start3A_119] : memref<10240xf32, #tpu.memory_space<vmem>> -> memref<640xf32, #tpu.memory_space<vmem>>
    tpu.enqueue_dma source(%dma_start3A_120 : memref<640xf32, #tpu.memory_space<vmem>>) target(%dma_start3A_118 : memref<640xf32, #tpu.memory_space<vmem_shared>>) target_semaphore(%arg23 : memref<!tpu.dma_semaphore, #tpu.memory_space<semaphore_mem>>)
    %dma_start3A_121 = arith.constant 9 : i32
    %dma_start3A_122 = arith.constant 5760 : i32
    %dma_start3A_123 = tpu.memref_slice %arg14[%dma_start3A_122] : memref<10240xf32, #tpu.memory_space<vmem>> -> memref<640xf32, #tpu.memory_space<vmem>>
    %dma_start3A_124 = arith.constant 0 : i32
    %dma_start3A_125 = tpu.memref_slice %arg8[%dma_start3A_121, %arg1, %dma_start3A_124] : memref<16x16x640xf32, #tpu.memory_space<vmem_shared>> -> memref<1x1x640xf32, #tpu.memory_space<vmem_shared>>
    %dma_start3A_126 = tpu.memref_squeeze %dma_start3A_125 : memref<1x1x640xf32, #tpu.memory_space<vmem_shared>> -> memref<640xf32, #tpu.memory_space<vmem_shared>>
    %dma_start3A_127 = arith.constant 0 : i32
    %dma_start3A_128 = tpu.memref_slice %arg8[%dma_start3A_121, %arg1, %dma_start3A_127] : memref<16x16x640xf32, #tpu.memory_space<vmem_shared>> -> memref<1x1x640xf32, #tpu.memory_space<vmem_shared>>
    %dma_start3A_129 = tpu.memref_squeeze %dma_start3A_128 : memref<1x1x640xf32, #tpu.memory_space<vmem_shared>> -> memref<640xf32, #tpu.memory_space<vmem_shared>>
    %dma_start3A_130 = arith.constant 5760 : i32
    %dma_start3A_131 = tpu.memref_slice %arg14[%dma_start3A_130] : memref<10240xf32, #tpu.memory_space<vmem>> -> memref<640xf32, #tpu.memory_space<vmem>>
    tpu.enqueue_dma source(%dma_start3A_131 : memref<640xf32, #tpu.memory_space<vmem>>) target(%dma_start3A_129 : memref<640xf32, #tpu.memory_space<vmem_shared>>) target_semaphore(%arg23 : memref<!tpu.dma_semaphore, #tpu.memory_space<semaphore_mem>>)
    %dma_start3A_132 = arith.constant 10 : i32
    %dma_start3A_133 = arith.constant 6400 : i32
    %dma_start3A_134 = tpu.memref_slice %arg14[%dma_start3A_133] : memref<10240xf32, #tpu.memory_space<vmem>> -> memref<640xf32, #tpu.memory_space<vmem>>
    %dma_start3A_135 = arith.constant 0 : i32
    %dma_start3A_136 = tpu.memref_slice %arg8[%dma_start3A_132, %arg1, %dma_start3A_135] : memref<16x16x640xf32, #tpu.memory_space<vmem_shared>> -> memref<1x1x640xf32, #tpu.memory_space<vmem_shared>>
    %dma_start3A_137 = tpu.memref_squeeze %dma_start3A_136 : memref<1x1x640xf32, #tpu.memory_space<vmem_shared>> -> memref<640xf32, #tpu.memory_space<vmem_shared>>
    %dma_start3A_138 = arith.constant 0 : i32
    %dma_start3A_139 = tpu.memref_slice %arg8[%dma_start3A_132, %arg1, %dma_start3A_138] : memref<16x16x640xf32, #tpu.memory_space<vmem_shared>> -> memref<1x1x640xf32, #tpu.memory_space<vmem_shared>>
    %dma_start3A_140 = tpu.memref_squeeze %dma_start3A_139 : memref<1x1x640xf32, #tpu.memory_space<vmem_shared>> -> memref<640xf32, #tpu.memory_space<vmem_shared>>
    %dma_start3A_141 = arith.constant 6400 : i32
    %dma_start3A_142 = tpu.memref_slice %arg14[%dma_start3A_141] : memref<10240xf32, #tpu.memory_space<vmem>> -> memref<640xf32, #tpu.memory_space<vmem>>
    tpu.enqueue_dma source(%dma_start3A_142 : memref<640xf32, #tpu.memory_space<vmem>>) target(%dma_start3A_140 : memref<640xf32, #tpu.memory_space<vmem_shared>>) target_semaphore(%arg23 : memref<!tpu.dma_semaphore, #tpu.memory_space<semaphore_mem>>)
    %dma_start3A_143 = arith.constant 11 : i32
    %dma_start3A_144 = arith.constant 7040 : i32
    %dma_start3A_145 = tpu.memref_slice %arg14[%dma_start3A_144] : memref<10240xf32, #tpu.memory_space<vmem>> -> memref<640xf32, #tpu.memory_space<vmem>>
    %dma_start3A_146 = arith.constant 0 : i32
    %dma_start3A_147 = tpu.memref_slice %arg8[%dma_start3A_143, %arg1, %dma_start3A_146] : memref<16x16x640xf32, #tpu.memory_space<vmem_shared>> -> memref<1x1x640xf32, #tpu.memory_space<vmem_shared>>
    %dma_start3A_148 = tpu.memref_squeeze %dma_start3A_147 : memref<1x1x640xf32, #tpu.memory_space<vmem_shared>> -> memref<640xf32, #tpu.memory_space<vmem_shared>>
    %dma_start3A_149 = arith.constant 0 : i32
    %dma_start3A_150 = tpu.memref_slice %arg8[%dma_start3A_143, %arg1, %dma_start3A_149] : memref<16x16x640xf32, #tpu.memory_space<vmem_shared>> -> memref<1x1x640xf32, #tpu.memory_space<vmem_shared>>
    %dma_start3A_151 = tpu.memref_squeeze %dma_start3A_150 : memref<1x1x640xf32, #tpu.memory_space<vmem_shared>> -> memref<640xf32, #tpu.memory_space<vmem_shared>>
    %dma_start3A_152 = arith.constant 7040 : i32
    %dma_start3A_153 = tpu.memref_slice %arg14[%dma_start3A_152] : memref<10240xf32, #tpu.memory_space<vmem>> -> memref<640xf32, #tpu.memory_space<vmem>>
    tpu.enqueue_dma source(%dma_start3A_153 : memref<640xf32, #tpu.memory_space<vmem>>) target(%dma_start3A_151 : memref<640xf32, #tpu.memory_space<vmem_shared>>) target_semaphore(%arg23 : memref<!tpu.dma_semaphore, #tpu.memory_space<semaphore_mem>>)
    %dma_start3A_154 = arith.constant 12 : i32
    %dma_start3A_155 = arith.constant 7680 : i32
    %dma_start3A_156 = tpu.memref_slice %arg14[%dma_start3A_155] : memref<10240xf32, #tpu.memory_space<vmem>> -> memref<640xf32, #tpu.memory_space<vmem>>
    %dma_start3A_157 = arith.constant 0 : i32
    %dma_start3A_158 = tpu.memref_slice %arg8[%dma_start3A_154, %arg1, %dma_start3A_157] : memref<16x16x640xf32, #tpu.memory_space<vmem_shared>> -> memref<1x1x640xf32, #tpu.memory_space<vmem_shared>>
    %dma_start3A_159 = tpu.memref_squeeze %dma_start3A_158 : memref<1x1x640xf32, #tpu.memory_space<vmem_shared>> -> memref<640xf32, #tpu.memory_space<vmem_shared>>
    %dma_start3A_160 = arith.constant 0 : i32
    %dma_start3A_161 = tpu.memref_slice %arg8[%dma_start3A_154, %arg1, %dma_start3A_160] : memref<16x16x640xf32, #tpu.memory_space<vmem_shared>> -> memref<1x1x640xf32, #tpu.memory_space<vmem_shared>>
    %dma_start3A_162 = tpu.memref_squeeze %dma_start3A_161 : memref<1x1x640xf32, #tpu.memory_space<vmem_shared>> -> memref<640xf32, #tpu.memory_space<vmem_shared>>
    %dma_start3A_163 = arith.constant 7680 : i32
    %dma_start3A_164 = tpu.memref_slice %arg14[%dma_start3A_163] : memref<10240xf32, #tpu.memory_space<vmem>> -> memref<640xf32, #tpu.memory_space<vmem>>
    tpu.enqueue_dma source(%dma_start3A_164 : memref<640xf32, #tpu.memory_space<vmem>>) target(%dma_start3A_162 : memref<640xf32, #tpu.memory_space<vmem_shared>>) target_semaphore(%arg23 : memref<!tpu.dma_semaphore, #tpu.memory_space<semaphore_mem>>)
    %dma_start3A_165 = arith.constant 13 : i32
    %dma_start3A_166 = arith.constant 8320 : i32
    %dma_start3A_167 = tpu.memref_slice %arg14[%dma_start3A_166] : memref<10240xf32, #tpu.memory_space<vmem>> -> memref<640xf32, #tpu.memory_space<vmem>>
    %dma_start3A_168 = arith.constant 0 : i32
    %dma_start3A_169 = tpu.memref_slice %arg8[%dma_start3A_165, %arg1, %dma_start3A_168] : memref<16x16x640xf32, #tpu.memory_space<vmem_shared>> -> memref<1x1x640xf32, #tpu.memory_space<vmem_shared>>
    %dma_start3A_170 = tpu.memref_squeeze %dma_start3A_169 : memref<1x1x640xf32, #tpu.memory_space<vmem_shared>> -> memref<640xf32, #tpu.memory_space<vmem_shared>>
    %dma_start3A_171 = arith.constant 0 : i32
    %dma_start3A_172 = tpu.memref_slice %arg8[%dma_start3A_165, %arg1, %dma_start3A_171] : memref<16x16x640xf32, #tpu.memory_space<vmem_shared>> -> memref<1x1x640xf32, #tpu.memory_space<vmem_shared>>
    %dma_start3A_173 = tpu.memref_squeeze %dma_start3A_172 : memref<1x1x640xf32, #tpu.memory_space<vmem_shared>> -> memref<640xf32, #tpu.memory_space<vmem_shared>>
    %dma_start3A_174 = arith.constant 8320 : i32
    %dma_start3A_175 = tpu.memref_slice %arg14[%dma_start3A_174] : memref<10240xf32, #tpu.memory_space<vmem>> -> memref<640xf32, #tpu.memory_space<vmem>>
    tpu.enqueue_dma source(%dma_start3A_175 : memref<640xf32, #tpu.memory_space<vmem>>) target(%dma_start3A_173 : memref<640xf32, #tpu.memory_space<vmem_shared>>) target_semaphore(%arg23 : memref<!tpu.dma_semaphore, #tpu.memory_space<semaphore_mem>>)
    %dma_start3A_176 = arith.constant 14 : i32
    %dma_start3A_177 = arith.constant 8960 : i32
    %dma_start3A_178 = tpu.memref_slice %arg14[%dma_start3A_177] : memref<10240xf32, #tpu.memory_space<vmem>> -> memref<640xf32, #tpu.memory_space<vmem>>
    %dma_start3A_179 = arith.constant 0 : i32
    %dma_start3A_180 = tpu.memref_slice %arg8[%dma_start3A_176, %arg1, %dma_start3A_179] : memref<16x16x640xf32, #tpu.memory_space<vmem_shared>> -> memref<1x1x640xf32, #tpu.memory_space<vmem_shared>>
    %dma_start3A_181 = tpu.memref_squeeze %dma_start3A_180 : memref<1x1x640xf32, #tpu.memory_space<vmem_shared>> -> memref<640xf32, #tpu.memory_space<vmem_shared>>
    %dma_start3A_182 = arith.constant 0 : i32
    %dma_start3A_183 = tpu.memref_slice %arg8[%dma_start3A_176, %arg1, %dma_start3A_182] : memref<16x16x640xf32, #tpu.memory_space<vmem_shared>> -> memref<1x1x640xf32, #tpu.memory_space<vmem_shared>>
    %dma_start3A_184 = tpu.memref_squeeze %dma_start3A_183 : memref<1x1x640xf32, #tpu.memory_space<vmem_shared>> -> memref<640xf32, #tpu.memory_space<vmem_shared>>
    %dma_start3A_185 = arith.constant 8960 : i32
    %dma_start3A_186 = tpu.memref_slice %arg14[%dma_start3A_185] : memref<10240xf32, #tpu.memory_space<vmem>> -> memref<640xf32, #tpu.memory_space<vmem>>
    tpu.enqueue_dma source(%dma_start3A_186 : memref<640xf32, #tpu.memory_space<vmem>>) target(%dma_start3A_184 : memref<640xf32, #tpu.memory_space<vmem_shared>>) target_semaphore(%arg23 : memref<!tpu.dma_semaphore, #tpu.memory_space<semaphore_mem>>)
    %dma_start3A_187 = arith.constant 15 : i32
    %dma_start3A_188 = arith.constant 9600 : i32
    %dma_start3A_189 = tpu.memref_slice %arg14[%dma_start3A_188] : memref<10240xf32, #tpu.memory_space<vmem>> -> memref<640xf32, #tpu.memory_space<vmem>>
    %dma_start3A_190 = arith.constant 0 : i32
    %dma_start3A_191 = tpu.memref_slice %arg8[%dma_start3A_187, %arg1, %dma_start3A_190] : memref<16x16x640xf32, #tpu.memory_space<vmem_shared>> -> memref<1x1x640xf32, #tpu.memory_space<vmem_shared>>
    %dma_start3A_192 = tpu.memref_squeeze %dma_start3A_191 : memref<1x1x640xf32, #tpu.memory_space<vmem_shared>> -> memref<640xf32, #tpu.memory_space<vmem_shared>>
    %dma_start3A_193 = arith.constant 0 : i32
    %dma_start3A_194 = tpu.memref_slice %arg8[%dma_start3A_187, %arg1, %dma_start3A_193] : memref<16x16x640xf32, #tpu.memory_space<vmem_shared>> -> memref<1x1x640xf32, #tpu.memory_space<vmem_shared>>
    %dma_start3A_195 = tpu.memref_squeeze %dma_start3A_194 : memref<1x1x640xf32, #tpu.memory_space<vmem_shared>> -> memref<640xf32, #tpu.memory_space<vmem_shared>>
    %dma_start3A_196 = arith.constant 9600 : i32
    %dma_start3A_197 = tpu.memref_slice %arg14[%dma_start3A_196] : memref<10240xf32, #tpu.memory_space<vmem>> -> memref<640xf32, #tpu.memory_space<vmem>>
    tpu.enqueue_dma source(%dma_start3A_197 : memref<640xf32, #tpu.memory_space<vmem>>) target(%dma_start3A_195 : memref<640xf32, #tpu.memory_space<vmem_shared>>) target_semaphore(%arg23 : memref<!tpu.dma_semaphore, #tpu.memory_space<semaphore_mem>>)
    %dma_wait3A_198 = arith.constant 0 : i32
    %dma_wait3A_199 = arith.constant 0 : i32
    %dma_wait3A_200 = tpu.memref_slice %arg14[%dma_wait3A_199] : memref<10240xf32, #tpu.memory_space<vmem>> -> memref<640xf32, #tpu.memory_space<vmem>>
    %dma_wait3A_201 = arith.constant 0 : i32
    %dma_wait3A_202 = tpu.memref_slice %arg8[%dma_wait3A_198, %arg1, %dma_wait3A_201] : memref<16x16x640xf32, #tpu.memory_space<vmem_shared>> -> memref<1x1x640xf32, #tpu.memory_space<vmem_shared>>
    %dma_wait3A_203 = tpu.memref_squeeze %dma_wait3A_202 : memref<1x1x640xf32, #tpu.memory_space<vmem_shared>> -> memref<640xf32, #tpu.memory_space<vmem_shared>>
    %dma_wait3A_204 = arith.constant 0 : i32
    %dma_wait3A_205 = tpu.memref_slice %arg8[%dma_wait3A_198, %arg1, %dma_wait3A_204] : memref<16x16x640xf32, #tpu.memory_space<vmem_shared>> -> memref<1x1x640xf32, #tpu.memory_space<vmem_shared>>
    %dma_wait3A_206 = tpu.memref_squeeze %dma_wait3A_205 : memref<1x1x640xf32, #tpu.memory_space<vmem_shared>> -> memref<640xf32, #tpu.memory_space<vmem_shared>>
    %dma_wait3A_207 = arith.constant 0 : i32
    %dma_wait3A_208 = tpu.memref_slice %arg14[%dma_wait3A_207] : memref<10240xf32, #tpu.memory_space<vmem>> -> memref<640xf32, #tpu.memory_space<vmem>>
    tpu.wait_dma2 semaphore(%arg23 : memref<!tpu.dma_semaphore, #tpu.memory_space<semaphore_mem>>) src(%dma_wait3A_208 : memref<640xf32, #tpu.memory_space<vmem>>) dst(%dma_wait3A_206 : memref<640xf32, #tpu.memory_space<vmem_shared>>)
    %dma_wait3A_209 = arith.constant 1 : i32
    %dma_wait3A_210 = arith.constant 640 : i32
    %dma_wait3A_211 = tpu.memref_slice %arg14[%dma_wait3A_210] : memref<10240xf32, #tpu.memory_space<vmem>> -> memref<640xf32, #tpu.memory_space<vmem>>
    %dma_wait3A_212 = arith.constant 0 : i32
    %dma_wait3A_213 = tpu.memref_slice %arg8[%dma_wait3A_209, %arg1, %dma_wait3A_212] : memref<16x16x640xf32, #tpu.memory_space<vmem_shared>> -> memref<1x1x640xf32, #tpu.memory_space<vmem_shared>>
    %dma_wait3A_214 = tpu.memref_squeeze %dma_wait3A_213 : memref<1x1x640xf32, #tpu.memory_space<vmem_shared>> -> memref<640xf32, #tpu.memory_space<vmem_shared>>
    %dma_wait3A_215 = arith.constant 0 : i32
    %dma_wait3A_216 = tpu.memref_slice %arg8[%dma_wait3A_209, %arg1, %dma_wait3A_215] : memref<16x16x640xf32, #tpu.memory_space<vmem_shared>> -> memref<1x1x640xf32, #tpu.memory_space<vmem_shared>>
    %dma_wait3A_217 = tpu.memref_squeeze %dma_wait3A_216 : memref<1x1x640xf32, #tpu.memory_space<vmem_shared>> -> memref<640xf32, #tpu.memory_space<vmem_shared>>
    %dma_wait3A_218 = arith.constant 640 : i32
    %dma_wait3A_219 = tpu.memref_slice %arg14[%dma_wait3A_218] : memref<10240xf32, #tpu.memory_space<vmem>> -> memref<640xf32, #tpu.memory_space<vmem>>
    tpu.wait_dma2 semaphore(%arg23 : memref<!tpu.dma_semaphore, #tpu.memory_space<semaphore_mem>>) src(%dma_wait3A_219 : memref<640xf32, #tpu.memory_space<vmem>>) dst(%dma_wait3A_217 : memref<640xf32, #tpu.memory_space<vmem_shared>>)
    %dma_wait3A_220 = arith.constant 2 : i32
    %dma_wait3A_221 = arith.constant 1280 : i32
    %dma_wait3A_222 = tpu.memref_slice %arg14[%dma_wait3A_221] : memref<10240xf32, #tpu.memory_space<vmem>> -> memref<640xf32, #tpu.memory_space<vmem>>
    %dma_wait3A_223 = arith.constant 0 : i32
    %dma_wait3A_224 = tpu.memref_slice %arg8[%dma_wait3A_220, %arg1, %dma_wait3A_223] : memref<16x16x640xf32, #tpu.memory_space<vmem_shared>> -> memref<1x1x640xf32, #tpu.memory_space<vmem_shared>>
    %dma_wait3A_225 = tpu.memref_squeeze %dma_wait3A_224 : memref<1x1x640xf32, #tpu.memory_space<vmem_shared>> -> memref<640xf32, #tpu.memory_space<vmem_shared>>
    %dma_wait3A_226 = arith.constant 0 : i32
    %dma_wait3A_227 = tpu.memref_slice %arg8[%dma_wait3A_220, %arg1, %dma_wait3A_226] : memref<16x16x640xf32, #tpu.memory_space<vmem_shared>> -> memref<1x1x640xf32, #tpu.memory_space<vmem_shared>>
    %dma_wait3A_228 = tpu.memref_squeeze %dma_wait3A_227 : memref<1x1x640xf32, #tpu.memory_space<vmem_shared>> -> memref<640xf32, #tpu.memory_space<vmem_shared>>
    %dma_wait3A_229 = arith.constant 1280 : i32
    %dma_wait3A_230 = tpu.memref_slice %arg14[%dma_wait3A_229] : memref<10240xf32, #tpu.memory_space<vmem>> -> memref<640xf32, #tpu.memory_space<vmem>>
    tpu.wait_dma2 semaphore(%arg23 : memref<!tpu.dma_semaphore, #tpu.memory_space<semaphore_mem>>) src(%dma_wait3A_230 : memref<640xf32, #tpu.memory_space<vmem>>) dst(%dma_wait3A_228 : memref<640xf32, #tpu.memory_space<vmem_shared>>)
    %dma_wait3A_231 = arith.constant 3 : i32
    %dma_wait3A_232 = arith.constant 1920 : i32
    %dma_wait3A_233 = tpu.memref_slice %arg14[%dma_wait3A_232] : memref<10240xf32, #tpu.memory_space<vmem>> -> memref<640xf32, #tpu.memory_space<vmem>>
    %dma_wait3A_234 = arith.constant 0 : i32
    %dma_wait3A_235 = tpu.memref_slice %arg8[%dma_wait3A_231, %arg1, %dma_wait3A_234] : memref<16x16x640xf32, #tpu.memory_space<vmem_shared>> -> memref<1x1x640xf32, #tpu.memory_space<vmem_shared>>
    %dma_wait3A_236 = tpu.memref_squeeze %dma_wait3A_235 : memref<1x1x640xf32, #tpu.memory_space<vmem_shared>> -> memref<640xf32, #tpu.memory_space<vmem_shared>>
    %dma_wait3A_237 = arith.constant 0 : i32
    %dma_wait3A_238 = tpu.memref_slice %arg8[%dma_wait3A_231, %arg1, %dma_wait3A_237] : memref<16x16x640xf32, #tpu.memory_space<vmem_shared>> -> memref<1x1x640xf32, #tpu.memory_space<vmem_shared>>
    %dma_wait3A_239 = tpu.memref_squeeze %dma_wait3A_238 : memref<1x1x640xf32, #tpu.memory_space<vmem_shared>> -> memref<640xf32, #tpu.memory_space<vmem_shared>>
    %dma_wait3A_240 = arith.constant 1920 : i32
    %dma_wait3A_241 = tpu.memref_slice %arg14[%dma_wait3A_240] : memref<10240xf32, #tpu.memory_space<vmem>> -> memref<640xf32, #tpu.memory_space<vmem>>
    tpu.wait_dma2 semaphore(%arg23 : memref<!tpu.dma_semaphore, #tpu.memory_space<semaphore_mem>>) src(%dma_wait3A_241 : memref<640xf32, #tpu.memory_space<vmem>>) dst(%dma_wait3A_239 : memref<640xf32, #tpu.memory_space<vmem_shared>>)
    %dma_wait3A_242 = arith.constant 4 : i32
    %dma_wait3A_243 = arith.constant 2560 : i32
    %dma_wait3A_244 = tpu.memref_slice %arg14[%dma_wait3A_243] : memref<10240xf32, #tpu.memory_space<vmem>> -> memref<640xf32, #tpu.memory_space<vmem>>
    %dma_wait3A_245 = arith.constant 0 : i32
    %dma_wait3A_246 = tpu.memref_slice %arg8[%dma_wait3A_242, %arg1, %dma_wait3A_245] : memref<16x16x640xf32, #tpu.memory_space<vmem_shared>> -> memref<1x1x640xf32, #tpu.memory_space<vmem_shared>>
    %dma_wait3A_247 = tpu.memref_squeeze %dma_wait3A_246 : memref<1x1x640xf32, #tpu.memory_space<vmem_shared>> -> memref<640xf32, #tpu.memory_space<vmem_shared>>
    %dma_wait3A_248 = arith.constant 0 : i32
    %dma_wait3A_249 = tpu.memref_slice %arg8[%dma_wait3A_242, %arg1, %dma_wait3A_248] : memref<16x16x640xf32, #tpu.memory_space<vmem_shared>> -> memref<1x1x640xf32, #tpu.memory_space<vmem_shared>>
    %dma_wait3A_250 = tpu.memref_squeeze %dma_wait3A_249 : memref<1x1x640xf32, #tpu.memory_space<vmem_shared>> -> memref<640xf32, #tpu.memory_space<vmem_shared>>
    %dma_wait3A_251 = arith.constant 2560 : i32
    %dma_wait3A_252 = tpu.memref_slice %arg14[%dma_wait3A_251] : memref<10240xf32, #tpu.memory_space<vmem>> -> memref<640xf32, #tpu.memory_space<vmem>>
    tpu.wait_dma2 semaphore(%arg23 : memref<!tpu.dma_semaphore, #tpu.memory_space<semaphore_mem>>) src(%dma_wait3A_252 : memref<640xf32, #tpu.memory_space<vmem>>) dst(%dma_wait3A_250 : memref<640xf32, #tpu.memory_space<vmem_shared>>)
    %dma_wait3A_253 = arith.constant 5 : i32
    %dma_wait3A_254 = arith.constant 3200 : i32
    %dma_wait3A_255 = tpu.memref_slice %arg14[%dma_wait3A_254] : memref<10240xf32, #tpu.memory_space<vmem>> -> memref<640xf32, #tpu.memory_space<vmem>>
    %dma_wait3A_256 = arith.constant 0 : i32
    %dma_wait3A_257 = tpu.memref_slice %arg8[%dma_wait3A_253, %arg1, %dma_wait3A_256] : memref<16x16x640xf32, #tpu.memory_space<vmem_shared>> -> memref<1x1x640xf32, #tpu.memory_space<vmem_shared>>
    %dma_wait3A_258 = tpu.memref_squeeze %dma_wait3A_257 : memref<1x1x640xf32, #tpu.memory_space<vmem_shared>> -> memref<640xf32, #tpu.memory_space<vmem_shared>>
    %dma_wait3A_259 = arith.constant 0 : i32
    %dma_wait3A_260 = tpu.memref_slice %arg8[%dma_wait3A_253, %arg1, %dma_wait3A_259] : memref<16x16x640xf32, #tpu.memory_space<vmem_shared>> -> memref<1x1x640xf32, #tpu.memory_space<vmem_shared>>
    %dma_wait3A_261 = tpu.memref_squeeze %dma_wait3A_260 : memref<1x1x640xf32, #tpu.memory_space<vmem_shared>> -> memref<640xf32, #tpu.memory_space<vmem_shared>>
    %dma_wait3A_262 = arith.constant 3200 : i32
    %dma_wait3A_263 = tpu.memref_slice %arg14[%dma_wait3A_262] : memref<10240xf32, #tpu.memory_space<vmem>> -> memref<640xf32, #tpu.memory_space<vmem>>
    tpu.wait_dma2 semaphore(%arg23 : memref<!tpu.dma_semaphore, #tpu.memory_space<semaphore_mem>>) src(%dma_wait3A_263 : memref<640xf32, #tpu.memory_space<vmem>>) dst(%dma_wait3A_261 : memref<640xf32, #tpu.memory_space<vmem_shared>>)
    %dma_wait3A_264 = arith.constant 6 : i32
    %dma_wait3A_265 = arith.constant 3840 : i32
    %dma_wait3A_266 = tpu.memref_slice %arg14[%dma_wait3A_265] : memref<10240xf32, #tpu.memory_space<vmem>> -> memref<640xf32, #tpu.memory_space<vmem>>
    %dma_wait3A_267 = arith.constant 0 : i32
    %dma_wait3A_268 = tpu.memref_slice %arg8[%dma_wait3A_264, %arg1, %dma_wait3A_267] : memref<16x16x640xf32, #tpu.memory_space<vmem_shared>> -> memref<1x1x640xf32, #tpu.memory_space<vmem_shared>>
    %dma_wait3A_269 = tpu.memref_squeeze %dma_wait3A_268 : memref<1x1x640xf32, #tpu.memory_space<vmem_shared>> -> memref<640xf32, #tpu.memory_space<vmem_shared>>
    %dma_wait3A_270 = arith.constant 0 : i32
    %dma_wait3A_271 = tpu.memref_slice %arg8[%dma_wait3A_264, %arg1, %dma_wait3A_270] : memref<16x16x640xf32, #tpu.memory_space<vmem_shared>> -> memref<1x1x640xf32, #tpu.memory_space<vmem_shared>>
    %dma_wait3A_272 = tpu.memref_squeeze %dma_wait3A_271 : memref<1x1x640xf32, #tpu.memory_space<vmem_shared>> -> memref<640xf32, #tpu.memory_space<vmem_shared>>
    %dma_wait3A_273 = arith.constant 3840 : i32
    %dma_wait3A_274 = tpu.memref_slice %arg14[%dma_wait3A_273] : memref<10240xf32, #tpu.memory_space<vmem>> -> memref<640xf32, #tpu.memory_space<vmem>>
    tpu.wait_dma2 semaphore(%arg23 : memref<!tpu.dma_semaphore, #tpu.memory_space<semaphore_mem>>) src(%dma_wait3A_274 : memref<640xf32, #tpu.memory_space<vmem>>) dst(%dma_wait3A_272 : memref<640xf32, #tpu.memory_space<vmem_shared>>)
    %dma_wait3A_275 = arith.constant 7 : i32
    %dma_wait3A_276 = arith.constant 4480 : i32
    %dma_wait3A_277 = tpu.memref_slice %arg14[%dma_wait3A_276] : memref<10240xf32, #tpu.memory_space<vmem>> -> memref<640xf32, #tpu.memory_space<vmem>>
    %dma_wait3A_278 = arith.constant 0 : i32
    %dma_wait3A_279 = tpu.memref_slice %arg8[%dma_wait3A_275, %arg1, %dma_wait3A_278] : memref<16x16x640xf32, #tpu.memory_space<vmem_shared>> -> memref<1x1x640xf32, #tpu.memory_space<vmem_shared>>
    %dma_wait3A_280 = tpu.memref_squeeze %dma_wait3A_279 : memref<1x1x640xf32, #tpu.memory_space<vmem_shared>> -> memref<640xf32, #tpu.memory_space<vmem_shared>>
    %dma_wait3A_281 = arith.constant 0 : i32
    %dma_wait3A_282 = tpu.memref_slice %arg8[%dma_wait3A_275, %arg1, %dma_wait3A_281] : memref<16x16x640xf32, #tpu.memory_space<vmem_shared>> -> memref<1x1x640xf32, #tpu.memory_space<vmem_shared>>
    %dma_wait3A_283 = tpu.memref_squeeze %dma_wait3A_282 : memref<1x1x640xf32, #tpu.memory_space<vmem_shared>> -> memref<640xf32, #tpu.memory_space<vmem_shared>>
    %dma_wait3A_284 = arith.constant 4480 : i32
    %dma_wait3A_285 = tpu.memref_slice %arg14[%dma_wait3A_284] : memref<10240xf32, #tpu.memory_space<vmem>> -> memref<640xf32, #tpu.memory_space<vmem>>
    tpu.wait_dma2 semaphore(%arg23 : memref<!tpu.dma_semaphore, #tpu.memory_space<semaphore_mem>>) src(%dma_wait3A_285 : memref<640xf32, #tpu.memory_space<vmem>>) dst(%dma_wait3A_283 : memref<640xf32, #tpu.memory_space<vmem_shared>>)
    %dma_wait3A_286 = arith.constant 8 : i32
    %dma_wait3A_287 = arith.constant 5120 : i32
    %dma_wait3A_288 = tpu.memref_slice %arg14[%dma_wait3A_287] : memref<10240xf32, #tpu.memory_space<vmem>> -> memref<640xf32, #tpu.memory_space<vmem>>
    %dma_wait3A_289 = arith.constant 0 : i32
    %dma_wait3A_290 = tpu.memref_slice %arg8[%dma_wait3A_286, %arg1, %dma_wait3A_289] : memref<16x16x640xf32, #tpu.memory_space<vmem_shared>> -> memref<1x1x640xf32, #tpu.memory_space<vmem_shared>>
    %dma_wait3A_291 = tpu.memref_squeeze %dma_wait3A_290 : memref<1x1x640xf32, #tpu.memory_space<vmem_shared>> -> memref<640xf32, #tpu.memory_space<vmem_shared>>
    %dma_wait3A_292 = arith.constant 0 : i32
    %dma_wait3A_293 = tpu.memref_slice %arg8[%dma_wait3A_286, %arg1, %dma_wait3A_292] : memref<16x16x640xf32, #tpu.memory_space<vmem_shared>> -> memref<1x1x640xf32, #tpu.memory_space<vmem_shared>>
    %dma_wait3A_294 = tpu.memref_squeeze %dma_wait3A_293 : memref<1x1x640xf32, #tpu.memory_space<vmem_shared>> -> memref<640xf32, #tpu.memory_space<vmem_shared>>
    %dma_wait3A_295 = arith.constant 5120 : i32
    %dma_wait3A_296 = tpu.memref_slice %arg14[%dma_wait3A_295] : memref<10240xf32, #tpu.memory_space<vmem>> -> memref<640xf32, #tpu.memory_space<vmem>>
    tpu.wait_dma2 semaphore(%arg23 : memref<!tpu.dma_semaphore, #tpu.memory_space<semaphore_mem>>) src(%dma_wait3A_296 : memref<640xf32, #tpu.memory_space<vmem>>) dst(%dma_wait3A_294 : memref<640xf32, #tpu.memory_space<vmem_shared>>)
    %dma_wait3A_297 = arith.constant 9 : i32
    %dma_wait3A_298 = arith.constant 5760 : i32
    %dma_wait3A_299 = tpu.memref_slice %arg14[%dma_wait3A_298] : memref<10240xf32, #tpu.memory_space<vmem>> -> memref<640xf32, #tpu.memory_space<vmem>>
    %dma_wait3A_300 = arith.constant 0 : i32
    %dma_wait3A_301 = tpu.memref_slice %arg8[%dma_wait3A_297, %arg1, %dma_wait3A_300] : memref<16x16x640xf32, #tpu.memory_space<vmem_shared>> -> memref<1x1x640xf32, #tpu.memory_space<vmem_shared>>
    %dma_wait3A_302 = tpu.memref_squeeze %dma_wait3A_301 : memref<1x1x640xf32, #tpu.memory_space<vmem_shared>> -> memref<640xf32, #tpu.memory_space<vmem_shared>>
    %dma_wait3A_303 = arith.constant 0 : i32
    %dma_wait3A_304 = tpu.memref_slice %arg8[%dma_wait3A_297, %arg1, %dma_wait3A_303] : memref<16x16x640xf32, #tpu.memory_space<vmem_shared>> -> memref<1x1x640xf32, #tpu.memory_space<vmem_shared>>
    %dma_wait3A_305 = tpu.memref_squeeze %dma_wait3A_304 : memref<1x1x640xf32, #tpu.memory_space<vmem_shared>> -> memref<640xf32, #tpu.memory_space<vmem_shared>>
    %dma_wait3A_306 = arith.constant 5760 : i32
    %dma_wait3A_307 = tpu.memref_slice %arg14[%dma_wait3A_306] : memref<10240xf32, #tpu.memory_space<vmem>> -> memref<640xf32, #tpu.memory_space<vmem>>
    tpu.wait_dma2 semaphore(%arg23 : memref<!tpu.dma_semaphore, #tpu.memory_space<semaphore_mem>>) src(%dma_wait3A_307 : memref<640xf32, #tpu.memory_space<vmem>>) dst(%dma_wait3A_305 : memref<640xf32, #tpu.memory_space<vmem_shared>>)
    %dma_wait3A_308 = arith.constant 10 : i32
    %dma_wait3A_309 = arith.constant 6400 : i32
    %dma_wait3A_310 = tpu.memref_slice %arg14[%dma_wait3A_309] : memref<10240xf32, #tpu.memory_space<vmem>> -> memref<640xf32, #tpu.memory_space<vmem>>
    %dma_wait3A_311 = arith.constant 0 : i32
    %dma_wait3A_312 = tpu.memref_slice %arg8[%dma_wait3A_308, %arg1, %dma_wait3A_311] : memref<16x16x640xf32, #tpu.memory_space<vmem_shared>> -> memref<1x1x640xf32, #tpu.memory_space<vmem_shared>>
    %dma_wait3A_313 = tpu.memref_squeeze %dma_wait3A_312 : memref<1x1x640xf32, #tpu.memory_space<vmem_shared>> -> memref<640xf32, #tpu.memory_space<vmem_shared>>
    %dma_wait3A_314 = arith.constant 0 : i32
    %dma_wait3A_315 = tpu.memref_slice %arg8[%dma_wait3A_308, %arg1, %dma_wait3A_314] : memref<16x16x640xf32, #tpu.memory_space<vmem_shared>> -> memref<1x1x640xf32, #tpu.memory_space<vmem_shared>>
    %dma_wait3A_316 = tpu.memref_squeeze %dma_wait3A_315 : memref<1x1x640xf32, #tpu.memory_space<vmem_shared>> -> memref<640xf32, #tpu.memory_space<vmem_shared>>
    %dma_wait3A_317 = arith.constant 6400 : i32
    %dma_wait3A_318 = tpu.memref_slice %arg14[%dma_wait3A_317] : memref<10240xf32, #tpu.memory_space<vmem>> -> memref<640xf32, #tpu.memory_space<vmem>>
    tpu.wait_dma2 semaphore(%arg23 : memref<!tpu.dma_semaphore, #tpu.memory_space<semaphore_mem>>) src(%dma_wait3A_318 : memref<640xf32, #tpu.memory_space<vmem>>) dst(%dma_wait3A_316 : memref<640xf32, #tpu.memory_space<vmem_shared>>)
    %dma_wait3A_319 = arith.constant 11 : i32
    %dma_wait3A_320 = arith.constant 7040 : i32
    %dma_wait3A_321 = tpu.memref_slice %arg14[%dma_wait3A_320] : memref<10240xf32, #tpu.memory_space<vmem>> -> memref<640xf32, #tpu.memory_space<vmem>>
    %dma_wait3A_322 = arith.constant 0 : i32
    %dma_wait3A_323 = tpu.memref_slice %arg8[%dma_wait3A_319, %arg1, %dma_wait3A_322] : memref<16x16x640xf32, #tpu.memory_space<vmem_shared>> -> memref<1x1x640xf32, #tpu.memory_space<vmem_shared>>
    %dma_wait3A_324 = tpu.memref_squeeze %dma_wait3A_323 : memref<1x1x640xf32, #tpu.memory_space<vmem_shared>> -> memref<640xf32, #tpu.memory_space<vmem_shared>>
    %dma_wait3A_325 = arith.constant 0 : i32
    %dma_wait3A_326 = tpu.memref_slice %arg8[%dma_wait3A_319, %arg1, %dma_wait3A_325] : memref<16x16x640xf32, #tpu.memory_space<vmem_shared>> -> memref<1x1x640xf32, #tpu.memory_space<vmem_shared>>
    %dma_wait3A_327 = tpu.memref_squeeze %dma_wait3A_326 : memref<1x1x640xf32, #tpu.memory_space<vmem_shared>> -> memref<640xf32, #tpu.memory_space<vmem_shared>>
    %dma_wait3A_328 = arith.constant 7040 : i32
    %dma_wait3A_329 = tpu.memref_slice %arg14[%dma_wait3A_328] : memref<10240xf32, #tpu.memory_space<vmem>> -> memref<640xf32, #tpu.memory_space<vmem>>
    tpu.wait_dma2 semaphore(%arg23 : memref<!tpu.dma_semaphore, #tpu.memory_space<semaphore_mem>>) src(%dma_wait3A_329 : memref<640xf32, #tpu.memory_space<vmem>>) dst(%dma_wait3A_327 : memref<640xf32, #tpu.memory_space<vmem_shared>>)
    %dma_wait3A_330 = arith.constant 12 : i32
    %dma_wait3A_331 = arith.constant 7680 : i32
    %dma_wait3A_332 = tpu.memref_slice %arg14[%dma_wait3A_331] : memref<10240xf32, #tpu.memory_space<vmem>> -> memref<640xf32, #tpu.memory_space<vmem>>
    %dma_wait3A_333 = arith.constant 0 : i32
    %dma_wait3A_334 = tpu.memref_slice %arg8[%dma_wait3A_330, %arg1, %dma_wait3A_333] : memref<16x16x640xf32, #tpu.memory_space<vmem_shared>> -> memref<1x1x640xf32, #tpu.memory_space<vmem_shared>>
    %dma_wait3A_335 = tpu.memref_squeeze %dma_wait3A_334 : memref<1x1x640xf32, #tpu.memory_space<vmem_shared>> -> memref<640xf32, #tpu.memory_space<vmem_shared>>
    %dma_wait3A_336 = arith.constant 0 : i32
    %dma_wait3A_337 = tpu.memref_slice %arg8[%dma_wait3A_330, %arg1, %dma_wait3A_336] : memref<16x16x640xf32, #tpu.memory_space<vmem_shared>> -> memref<1x1x640xf32, #tpu.memory_space<vmem_shared>>
    %dma_wait3A_338 = tpu.memref_squeeze %dma_wait3A_337 : memref<1x1x640xf32, #tpu.memory_space<vmem_shared>> -> memref<640xf32, #tpu.memory_space<vmem_shared>>
    %dma_wait3A_339 = arith.constant 7680 : i32
    %dma_wait3A_340 = tpu.memref_slice %arg14[%dma_wait3A_339] : memref<10240xf32, #tpu.memory_space<vmem>> -> memref<640xf32, #tpu.memory_space<vmem>>
    tpu.wait_dma2 semaphore(%arg23 : memref<!tpu.dma_semaphore, #tpu.memory_space<semaphore_mem>>) src(%dma_wait3A_340 : memref<640xf32, #tpu.memory_space<vmem>>) dst(%dma_wait3A_338 : memref<640xf32, #tpu.memory_space<vmem_shared>>)
    %dma_wait3A_341 = arith.constant 13 : i32
    %dma_wait3A_342 = arith.constant 8320 : i32
    %dma_wait3A_343 = tpu.memref_slice %arg14[%dma_wait3A_342] : memref<10240xf32, #tpu.memory_space<vmem>> -> memref<640xf32, #tpu.memory_space<vmem>>
    %dma_wait3A_344 = arith.constant 0 : i32
    %dma_wait3A_345 = tpu.memref_slice %arg8[%dma_wait3A_341, %arg1, %dma_wait3A_344] : memref<16x16x640xf32, #tpu.memory_space<vmem_shared>> -> memref<1x1x640xf32, #tpu.memory_space<vmem_shared>>
    %dma_wait3A_346 = tpu.memref_squeeze %dma_wait3A_345 : memref<1x1x640xf32, #tpu.memory_space<vmem_shared>> -> memref<640xf32, #tpu.memory_space<vmem_shared>>
    %dma_wait3A_347 = arith.constant 0 : i32
    %dma_wait3A_348 = tpu.memref_slice %arg8[%dma_wait3A_341, %arg1, %dma_wait3A_347] : memref<16x16x640xf32, #tpu.memory_space<vmem_shared>> -> memref<1x1x640xf32, #tpu.memory_space<vmem_shared>>
    %dma_wait3A_349 = tpu.memref_squeeze %dma_wait3A_348 : memref<1x1x640xf32, #tpu.memory_space<vmem_shared>> -> memref<640xf32, #tpu.memory_space<vmem_shared>>
    %dma_wait3A_350 = arith.constant 8320 : i32
    %dma_wait3A_351 = tpu.memref_slice %arg14[%dma_wait3A_350] : memref<10240xf32, #tpu.memory_space<vmem>> -> memref<640xf32, #tpu.memory_space<vmem>>
    tpu.wait_dma2 semaphore(%arg23 : memref<!tpu.dma_semaphore, #tpu.memory_space<semaphore_mem>>) src(%dma_wait3A_351 : memref<640xf32, #tpu.memory_space<vmem>>) dst(%dma_wait3A_349 : memref<640xf32, #tpu.memory_space<vmem_shared>>)
    %dma_wait3A_352 = arith.constant 14 : i32
    %dma_wait3A_353 = arith.constant 8960 : i32
    %dma_wait3A_354 = tpu.memref_slice %arg14[%dma_wait3A_353] : memref<10240xf32, #tpu.memory_space<vmem>> -> memref<640xf32, #tpu.memory_space<vmem>>
    %dma_wait3A_355 = arith.constant 0 : i32
    %dma_wait3A_356 = tpu.memref_slice %arg8[%dma_wait3A_352, %arg1, %dma_wait3A_355] : memref<16x16x640xf32, #tpu.memory_space<vmem_shared>> -> memref<1x1x640xf32, #tpu.memory_space<vmem_shared>>
    %dma_wait3A_357 = tpu.memref_squeeze %dma_wait3A_356 : memref<1x1x640xf32, #tpu.memory_space<vmem_shared>> -> memref<640xf32, #tpu.memory_space<vmem_shared>>
    %dma_wait3A_358 = arith.constant 0 : i32
    %dma_wait3A_359 = tpu.memref_slice %arg8[%dma_wait3A_352, %arg1, %dma_wait3A_358] : memref<16x16x640xf32, #tpu.memory_space<vmem_shared>> -> memref<1x1x640xf32, #tpu.memory_space<vmem_shared>>
    %dma_wait3A_360 = tpu.memref_squeeze %dma_wait3A_359 : memref<1x1x640xf32, #tpu.memory_space<vmem_shared>> -> memref<640xf32, #tpu.memory_space<vmem_shared>>
    %dma_wait3A_361 = arith.constant 8960 : i32
    %dma_wait3A_362 = tpu.memref_slice %arg14[%dma_wait3A_361] : memref<10240xf32, #tpu.memory_space<vmem>> -> memref<640xf32, #tpu.memory_space<vmem>>
    tpu.wait_dma2 semaphore(%arg23 : memref<!tpu.dma_semaphore, #tpu.memory_space<semaphore_mem>>) src(%dma_wait3A_362 : memref<640xf32, #tpu.memory_space<vmem>>) dst(%dma_wait3A_360 : memref<640xf32, #tpu.memory_space<vmem_shared>>)
    %dma_wait3A_363 = arith.constant 15 : i32
    %dma_wait3A_364 = arith.constant 9600 : i32
    %dma_wait3A_365 = tpu.memref_slice %arg14[%dma_wait3A_364] : memref<10240xf32, #tpu.memory_space<vmem>> -> memref<640xf32, #tpu.memory_space<vmem>>
    %dma_wait3A_366 = arith.constant 0 : i32
    %dma_wait3A_367 = tpu.memref_slice %arg8[%dma_wait3A_363, %arg1, %dma_wait3A_366] : memref<16x16x640xf32, #tpu.memory_space<vmem_shared>> -> memref<1x1x640xf32, #tpu.memory_space<vmem_shared>>
    %dma_wait3A_368 = tpu.memref_squeeze %dma_wait3A_367 : memref<1x1x640xf32, #tpu.memory_space<vmem_shared>> -> memref<640xf32, #tpu.memory_space<vmem_shared>>
    %dma_wait3A_369 = arith.constant 0 : i32
    %dma_wait3A_370 = tpu.memref_slice %arg8[%dma_wait3A_363, %arg1, %dma_wait3A_369] : memref<16x16x640xf32, #tpu.memory_space<vmem_shared>> -> memref<1x1x640xf32, #tpu.memory_space<vmem_shared>>
    %dma_wait3A_371 = tpu.memref_squeeze %dma_wait3A_370 : memref<1x1x640xf32, #tpu.memory_space<vmem_shared>> -> memref<640xf32, #tpu.memory_space<vmem_shared>>
    %dma_wait3A_372 = arith.constant 9600 : i32
    %dma_wait3A_373 = tpu.memref_slice %arg14[%dma_wait3A_372] : memref<10240xf32, #tpu.memory_space<vmem>> -> memref<640xf32, #tpu.memory_space<vmem>>
    tpu.wait_dma2 semaphore(%arg23 : memref<!tpu.dma_semaphore, #tpu.memory_space<semaphore_mem>>) src(%dma_wait3A_373 : memref<640xf32, #tpu.memory_space<vmem>>) dst(%dma_wait3A_371 : memref<640xf32, #tpu.memory_space<vmem_shared>>)
    %barrier3A = arith.constant 0 : index
    tpu.barrier barrier_id(%barrier3A)
    "tpu.region"() ({
      %run_scoped3A = tpu.sem_alloc : memref<!tpu.dma_semaphore, #tpu.memory_space<semaphore_mem>>
      %dma_start3A_1143 = arith.constant 0 : i32
      %dma_start3A_1144 = arith.constant 0 : i32
      %dma_start3A_1145 = tpu.memref_slice %arg8[%arg1, %dma_start3A_1143, %dma_start3A_1144] : memref<16x16x640xf32, #tpu.memory_space<vmem_shared>> -> memref<1x16x640xf32, #tpu.memory_space<vmem_shared>>
      %dma_start3A_1146 = tpu.memref_squeeze %dma_start3A_1145 : memref<1x16x640xf32, #tpu.memory_space<vmem_shared>> -> memref<16x640xf32, #tpu.memory_space<vmem_shared>>
      %dma_start3A_1147 = arith.constant 0 : i32
      %dma_start3A_1148 = arith.constant 0 : i32
      %dma_start3A_1149 = tpu.memref_slice %arg8[%arg1, %dma_start3A_1147, %dma_start3A_1148] : memref<16x16x640xf32, #tpu.memory_space<vmem_shared>> -> memref<1x16x640xf32, #tpu.memory_space<vmem_shared>>
      %dma_start3A_1150 = tpu.memref_squeeze %dma_start3A_1149 : memref<1x16x640xf32, #tpu.memory_space<vmem_shared>> -> memref<16x640xf32, #tpu.memory_space<vmem_shared>>
      tpu.enqueue_dma source(%dma_start3A_1150 : memref<16x640xf32, #tpu.memory_space<vmem_shared>>) target(%arg15 : memref<16x640xf32, #tpu.memory_space<vmem>>) target_semaphore(%run_scoped3A : memref<!tpu.dma_semaphore, #tpu.memory_space<semaphore_mem>>)
      %dma_wait3A_1151 = arith.constant 0 : i32
      %dma_wait3A_1152 = arith.constant 0 : i32
      %dma_wait3A_1153 = tpu.memref_slice %arg8[%arg1, %dma_wait3A_1151, %dma_wait3A_1152] : memref<16x16x640xf32, #tpu.memory_space<vmem_shared>> -> memref<1x16x640xf32, #tpu.memory_space<vmem_shared>>
      %dma_wait3A_1154 = tpu.memref_squeeze %dma_wait3A_1153 : memref<1x16x640xf32, #tpu.memory_space<vmem_shared>> -> memref<16x640xf32, #tpu.memory_space<vmem_shared>>
      %dma_wait3A_1155 = arith.constant 0 : i32
      %dma_wait3A_1156 = arith.constant 0 : i32
      %dma_wait3A_1157 = tpu.memref_slice %arg8[%arg1, %dma_wait3A_1155, %dma_wait3A_1156] : memref<16x16x640xf32, #tpu.memory_space<vmem_shared>> -> memref<1x16x640xf32, #tpu.memory_space<vmem_shared>>
      %dma_wait3A_1158 = tpu.memref_squeeze %dma_wait3A_1157 : memref<1x16x640xf32, #tpu.memory_space<vmem_shared>> -> memref<16x640xf32, #tpu.memory_space<vmem_shared>>
      tpu.wait_dma2 semaphore(%run_scoped3A : memref<!tpu.dma_semaphore, #tpu.memory_space<semaphore_mem>>) src(%dma_wait3A_1158 : memref<16x640xf32, #tpu.memory_space<vmem_shared>>) dst(%arg15 : memref<16x640xf32, #tpu.memory_space<vmem>>)
      tpu.yield
    }) : () -> ()
    %get3A = arith.constant 0 : index
    %get3A_374 = tpu.vector_load %arg18[%get3A] {strides = array<i32>} : memref<16xf32, #tpu.memory_space<vmem>>, vector<16xf32>,
    %slice3A = vector.extract_strided_slice %get3A_374 {offsets = [0], sizes = [1], strides = [1]} : vector<16xf32> to vector<1xf32>
    %squeeze3A = vector.extract %slice3A[0] : f32 from vector<1xf32>
    %parallel_loop3A_375 = arith.constant 0 : i32
    %parallel_loop3A_376 = arith.constant 40 : i32
    %parallel_loop3A_377 = arith.constant 1 : i32
    %parallel_loop3A_378 = scf.for %parallel_loop3A_1143 = %parallel_loop3A_375 to %parallel_loop3A_376 step %parallel_loop3A_377 iter_args(%parallel_loop3A_1144 = %broadcast_in_dim3A_11) -> (vector<16xf32>)  : i32 {
      %parallel_loop3A_1145 = arith.constant 16 : i32
      %parallel_loop3A_1146 = arith.muli %parallel_loop3A_1143, %parallel_loop3A_1145 : i32
      %parallel_loop3A_1147 = arith.constant 0 : i32
      %parallel_loop3A_1148 = arith.index_cast %parallel_loop3A_1147 : i32 to index
      %parallel_loop3A_1149 = arith.index_cast %parallel_loop3A_1146 : i32 to index
      %parallel_loop3A_1150 = tpu.vector_load %arg15[%parallel_loop3A_1148, %parallel_loop3A_1149] {strides = array<i32>} : memref<16x640xf32, #tpu.memory_space<vmem>>, vector<16xf32>,
      %parallel_loop3A_1151 = arith.constant 1 : i32
      %parallel_loop3A_1152 = arith.index_cast %parallel_loop3A_1151 : i32 to index
      %parallel_loop3A_1153 = arith.index_cast %parallel_loop3A_1146 : i32 to index
      %parallel_loop3A_1154 = tpu.vector_load %arg15[%parallel_loop3A_1152, %parallel_loop3A_1153] {strides = array<i32>} : memref<16x640xf32, #tpu.memory_space<vmem>>, vector<16xf32>,
      %parallel_loop3A_1155 = arith.addf %parallel_loop3A_1150, %parallel_loop3A_1154 : vector<16xf32>
      %parallel_loop3A_1156 = arith.constant 2 : i32
      %parallel_loop3A_1157 = arith.index_cast %parallel_loop3A_1156 : i32 to index
      %parallel_loop3A_1158 = arith.index_cast %parallel_loop3A_1146 : i32 to index
      %parallel_loop3A_1159 = tpu.vector_load %arg15[%parallel_loop3A_1157, %parallel_loop3A_1158] {strides = array<i32>} : memref<16x640xf32, #tpu.memory_space<vmem>>, vector<16xf32>,
      %parallel_loop3A_1160 = arith.addf %parallel_loop3A_1155, %parallel_loop3A_1159 : vector<16xf32>
      %parallel_loop3A_1161 = arith.constant 3 : i32
      %parallel_loop3A_1162 = arith.index_cast %parallel_loop3A_1161 : i32 to index
      %parallel_loop3A_1163 = arith.index_cast %parallel_loop3A_1146 : i32 to index
      %parallel_loop3A_1164 = tpu.vector_load %arg15[%parallel_loop3A_1162, %parallel_loop3A_1163] {strides = array<i32>} : memref<16x640xf32, #tpu.memory_space<vmem>>, vector<16xf32>,
      %parallel_loop3A_1165 = arith.addf %parallel_loop3A_1160, %parallel_loop3A_1164 : vector<16xf32>
      %parallel_loop3A_1166 = arith.constant 4 : i32
      %parallel_loop3A_1167 = arith.index_cast %parallel_loop3A_1166 : i32 to index
      %parallel_loop3A_1168 = arith.index_cast %parallel_loop3A_1146 : i32 to index
      %parallel_loop3A_1169 = tpu.vector_load %arg15[%parallel_loop3A_1167, %parallel_loop3A_1168] {strides = array<i32>} : memref<16x640xf32, #tpu.memory_space<vmem>>, vector<16xf32>,
      %parallel_loop3A_1170 = arith.addf %parallel_loop3A_1165, %parallel_loop3A_1169 : vector<16xf32>
      %parallel_loop3A_1171 = arith.constant 5 : i32
      %parallel_loop3A_1172 = arith.index_cast %parallel_loop3A_1171 : i32 to index
      %parallel_loop3A_1173 = arith.index_cast %parallel_loop3A_1146 : i32 to index
      %parallel_loop3A_1174 = tpu.vector_load %arg15[%parallel_loop3A_1172, %parallel_loop3A_1173] {strides = array<i32>} : memref<16x640xf32, #tpu.memory_space<vmem>>, vector<16xf32>,
      %parallel_loop3A_1175 = arith.addf %parallel_loop3A_1170, %parallel_loop3A_1174 : vector<16xf32>
      %parallel_loop3A_1176 = arith.constant 6 : i32
      %parallel_loop3A_1177 = arith.index_cast %parallel_loop3A_1176 : i32 to index
      %parallel_loop3A_1178 = arith.index_cast %parallel_loop3A_1146 : i32 to index
      %parallel_loop3A_1179 = tpu.vector_load %arg15[%parallel_loop3A_1177, %parallel_loop3A_1178] {strides = array<i32>} : memref<16x640xf32, #tpu.memory_space<vmem>>, vector<16xf32>,
      %parallel_loop3A_1180 = arith.addf %parallel_loop3A_1175, %parallel_loop3A_1179 : vector<16xf32>
      %parallel_loop3A_1181 = arith.constant 7 : i32
      %parallel_loop3A_1182 = arith.index_cast %parallel_loop3A_1181 : i32 to index
      %parallel_loop3A_1183 = arith.index_cast %parallel_loop3A_1146 : i32 to index
      %parallel_loop3A_1184 = tpu.vector_load %arg15[%parallel_loop3A_1182, %parallel_loop3A_1183] {strides = array<i32>} : memref<16x640xf32, #tpu.memory_space<vmem>>, vector<16xf32>,
      %parallel_loop3A_1185 = arith.addf %parallel_loop3A_1180, %parallel_loop3A_1184 : vector<16xf32>
      %parallel_loop3A_1186 = arith.constant 8 : i32
      %parallel_loop3A_1187 = arith.index_cast %parallel_loop3A_1186 : i32 to index
      %parallel_loop3A_1188 = arith.index_cast %parallel_loop3A_1146 : i32 to index
      %parallel_loop3A_1189 = tpu.vector_load %arg15[%parallel_loop3A_1187, %parallel_loop3A_1188] {strides = array<i32>} : memref<16x640xf32, #tpu.memory_space<vmem>>, vector<16xf32>,
      %parallel_loop3A_1190 = arith.addf %parallel_loop3A_1185, %parallel_loop3A_1189 : vector<16xf32>
      %parallel_loop3A_1191 = arith.constant 9 : i32
      %parallel_loop3A_1192 = arith.index_cast %parallel_loop3A_1191 : i32 to index
      %parallel_loop3A_1193 = arith.index_cast %parallel_loop3A_1146 : i32 to index
      %parallel_loop3A_1194 = tpu.vector_load %arg15[%parallel_loop3A_1192, %parallel_loop3A_1193] {strides = array<i32>} : memref<16x640xf32, #tpu.memory_space<vmem>>, vector<16xf32>,
      %parallel_loop3A_1195 = arith.addf %parallel_loop3A_1190, %parallel_loop3A_1194 : vector<16xf32>
      %parallel_loop3A_1196 = arith.constant 10 : i32
      %parallel_loop3A_1197 = arith.index_cast %parallel_loop3A_1196 : i32 to index
      %parallel_loop3A_1198 = arith.index_cast %parallel_loop3A_1146 : i32 to index
      %parallel_loop3A_1199 = tpu.vector_load %arg15[%parallel_loop3A_1197, %parallel_loop3A_1198] {strides = array<i32>} : memref<16x640xf32, #tpu.memory_space<vmem>>, vector<16xf32>,
      %parallel_loop3A_1200 = arith.addf %parallel_loop3A_1195, %parallel_loop3A_1199 : vector<16xf32>
      %parallel_loop3A_1201 = arith.constant 11 : i32
      %parallel_loop3A_1202 = arith.index_cast %parallel_loop3A_1201 : i32 to index
      %parallel_loop3A_1203 = arith.index_cast %parallel_loop3A_1146 : i32 to index
      %parallel_loop3A_1204 = tpu.vector_load %arg15[%parallel_loop3A_1202, %parallel_loop3A_1203] {strides = array<i32>} : memref<16x640xf32, #tpu.memory_space<vmem>>, vector<16xf32>,
      %parallel_loop3A_1205 = arith.addf %parallel_loop3A_1200, %parallel_loop3A_1204 : vector<16xf32>
      %parallel_loop3A_1206 = arith.constant 12 : i32
      %parallel_loop3A_1207 = arith.index_cast %parallel_loop3A_1206 : i32 to index
      %parallel_loop3A_1208 = arith.index_cast %parallel_loop3A_1146 : i32 to index
      %parallel_loop3A_1209 = tpu.vector_load %arg15[%parallel_loop3A_1207, %parallel_loop3A_1208] {strides = array<i32>} : memref<16x640xf32, #tpu.memory_space<vmem>>, vector<16xf32>,
      %parallel_loop3A_1210 = arith.addf %parallel_loop3A_1205, %parallel_loop3A_1209 : vector<16xf32>
      %parallel_loop3A_1211 = arith.constant 13 : i32
      %parallel_loop3A_1212 = arith.index_cast %parallel_loop3A_1211 : i32 to index
      %parallel_loop3A_1213 = arith.index_cast %parallel_loop3A_1146 : i32 to index
      %parallel_loop3A_1214 = tpu.vector_load %arg15[%parallel_loop3A_1212, %parallel_loop3A_1213] {strides = array<i32>} : memref<16x640xf32, #tpu.memory_space<vmem>>, vector<16xf32>,
      %parallel_loop3A_1215 = arith.addf %parallel_loop3A_1210, %parallel_loop3A_1214 : vector<16xf32>
      %parallel_loop3A_1216 = arith.constant 14 : i32
      %parallel_loop3A_1217 = arith.index_cast %parallel_loop3A_1216 : i32 to index
      %parallel_loop3A_1218 = arith.index_cast %parallel_loop3A_1146 : i32 to index
      %parallel_loop3A_1219 = tpu.vector_load %arg15[%parallel_loop3A_1217, %parallel_loop3A_1218] {strides = array<i32>} : memref<16x640xf32, #tpu.memory_space<vmem>>, vector<16xf32>,
      %parallel_loop3A_1220 = arith.addf %parallel_loop3A_1215, %parallel_loop3A_1219 : vector<16xf32>
      %parallel_loop3A_1221 = arith.constant 15 : i32
      %parallel_loop3A_1222 = arith.index_cast %parallel_loop3A_1221 : i32 to index
      %parallel_loop3A_1223 = arith.index_cast %parallel_loop3A_1146 : i32 to index
      %parallel_loop3A_1224 = tpu.vector_load %arg15[%parallel_loop3A_1222, %parallel_loop3A_1223] {strides = array<i32>} : memref<16x640xf32, #tpu.memory_space<vmem>>, vector<16xf32>,
      %parallel_loop3A_1225 = arith.addf %parallel_loop3A_1220, %parallel_loop3A_1224 : vector<16xf32>
      %parallel_loop3A_1226 = vector.broadcast %squeeze3A : f32 to vector<16xf32>
      %parallel_loop3A_1227 = arith.addf %parallel_loop3A_1225, %parallel_loop3A_1226 : vector<16xf32>
      %parallel_loop3A_1228 = arith.index_cast %parallel_loop3A_1146 : i32 to index
      %parallel_loop3A_1229 = tpu.vector_load %arg17[%parallel_loop3A_1228] {strides = array<i32>} : memref<640xf32, #tpu.memory_space<vmem>>, vector<16xf32>,
      %parallel_loop3A_1230 = arith.addf %parallel_loop3A_1227, %parallel_loop3A_1229 : vector<16xf32>
      %parallel_loop3A_1231 = arith.constant 0.000000e+00 : f32
      %parallel_loop3A_1232 = vector.broadcast %parallel_loop3A_1231 : f32 to vector<16xf32>
      %parallel_loop3A_1233 = arith.maximumf %parallel_loop3A_1230, %parallel_loop3A_1232 : vector<16xf32>
      %parallel_loop3A_1234 = arith.addi %mul3A_0, %parallel_loop3A_1146 : i32
      %parallel_loop3A_1235 = vector.broadcast %parallel_loop3A_1234 : i32 to vector<16xi32>
      %parallel_loop3A_1236 = arith.addi %parallel_loop3A_1235, %iota3A : vector<16xi32>
      %parallel_loop3A_1237 = arith.constant 10000 : i32
      %parallel_loop3A_1238 = vector.broadcast %parallel_loop3A_1237 : i32 to vector<16xi32>
      %parallel_loop3A_1239 = arith.cmpi slt, %parallel_loop3A_1236, %parallel_loop3A_1238 : vector<16xi32>
      %parallel_loop3A_1240 = arith.constant 0.000000e+00 : f32
      %parallel_loop3A_1241 = vector.broadcast %parallel_loop3A_1240 : f32 to vector<16xf32>
      %parallel_loop3A_1242 = arith.select %parallel_loop3A_1239, %parallel_loop3A_1233, %parallel_loop3A_1241 : vector<16xi1>, vector<16xf32>
      %parallel_loop3A_1243 = arith.index_cast %parallel_loop3A_1146 : i32 to index
      %parallel_loop3A_1244 = tpu.vector_load %arg16[%parallel_loop3A_1243] {strides = array<i32>} : memref<640xf32, #tpu.memory_space<vmem>>, vector<16xf32>,
      tpu.vector_store %arg16[%parallel_loop3A_1243], %parallel_loop3A_1242 {strides = array<i32>} : memref<640xf32, #tpu.memory_space<vmem>>, vector<16xf32>,
      %parallel_loop3A_1245 = arith.addf %parallel_loop3A_1144, %parallel_loop3A_1242 : vector<16xf32>
      scf.yield %parallel_loop3A_1245 : vector<16xf32>
    } {sc.loop_unroll_factor = 4 : i64, sc.parallel_access}
    %swap3A = arith.constant 0 : index
    %swap3A_379 = tpu.vector_load %arg19[%swap3A] {strides = array<i32>} : memref<16xf32, #tpu.memory_space<vmem>>, vector<16xf32>,
    tpu.vector_store %arg19[%swap3A], %parallel_loop3A_378 {strides = array<i32>} : memref<16xf32, #tpu.memory_space<vmem>>, vector<16xf32>,
    "tpu.region"() ({
      %run_scoped3A = tpu.sem_alloc : memref<!tpu.dma_semaphore, #tpu.memory_space<semaphore_mem>>
      %dma_start3A_1143 = tpu.memref_slice %arg9[%mul3A_0] : memref<10240xf32, #tpu.memory_space<vmem_shared>> -> memref<640xf32, #tpu.memory_space<vmem_shared>>
      %dma_start3A_1144 = tpu.memref_slice %arg9[%mul3A_0] : memref<10240xf32, #tpu.memory_space<vmem_shared>> -> memref<640xf32, #tpu.memory_space<vmem_shared>>
      tpu.enqueue_dma source(%arg16 : memref<640xf32, #tpu.memory_space<vmem>>) target(%dma_start3A_1144 : memref<640xf32, #tpu.memory_space<vmem_shared>>) target_semaphore(%run_scoped3A : memref<!tpu.dma_semaphore, #tpu.memory_space<semaphore_mem>>)
      %dma_wait3A_1145 = tpu.memref_slice %arg9[%mul3A_0] : memref<10240xf32, #tpu.memory_space<vmem_shared>> -> memref<640xf32, #tpu.memory_space<vmem_shared>>
      %dma_wait3A_1146 = tpu.memref_slice %arg9[%mul3A_0] : memref<10240xf32, #tpu.memory_space<vmem_shared>> -> memref<640xf32, #tpu.memory_space<vmem_shared>>
      tpu.wait_dma2 semaphore(%run_scoped3A : memref<!tpu.dma_semaphore, #tpu.memory_space<semaphore_mem>>) src(%arg16 : memref<640xf32, #tpu.memory_space<vmem>>) dst(%dma_wait3A_1146 : memref<640xf32, #tpu.memory_space<vmem_shared>>)
      tpu.yield
    }) : () -> ()
    %add3A_380 = arith.constant 0 : i32
    %add3A_381 = arith.addi %add3A_380, %arg1 : i32
    %mul3A_382 = arith.constant 16 : i32
    %mul3A_383 = arith.muli %add3A_381, %mul3A_382 : i32
    "tpu.region"() ({
      %run_scoped3A = tpu.sem_alloc : memref<!tpu.dma_semaphore, #tpu.memory_space<semaphore_mem>>
      %dma_start3A_1143 = tpu.memref_slice %arg10[%mul3A_383] : memref<768xf32, #tpu.memory_space<vmem_shared>> -> memref<16xf32, #tpu.memory_space<vmem_shared>>
      %dma_start3A_1144 = tpu.memref_slice %arg10[%mul3A_383] : memref<768xf32, #tpu.memory_space<vmem_shared>> -> memref<16xf32, #tpu.memory_space<vmem_shared>>
      tpu.enqueue_dma source(%arg19 : memref<16xf32, #tpu.memory_space<vmem>>) target(%dma_start3A_1144 : memref<16xf32, #tpu.memory_space<vmem_shared>>) target_semaphore(%run_scoped3A : memref<!tpu.dma_semaphore, #tpu.memory_space<semaphore_mem>>)
      %dma_wait3A_1145 = tpu.memref_slice %arg10[%mul3A_383] : memref<768xf32, #tpu.memory_space<vmem_shared>> -> memref<16xf32, #tpu.memory_space<vmem_shared>>
      %dma_wait3A_1146 = tpu.memref_slice %arg10[%mul3A_383] : memref<768xf32, #tpu.memory_space<vmem_shared>> -> memref<16xf32, #tpu.memory_space<vmem_shared>>
      tpu.wait_dma2 semaphore(%run_scoped3A : memref<!tpu.dma_semaphore, #tpu.memory_space<semaphore_mem>>) src(%arg19 : memref<16xf32, #tpu.memory_space<vmem>>) dst(%dma_wait3A_1146 : memref<16xf32, #tpu.memory_space<vmem_shared>>)
      tpu.yield
    }) : () -> ()
    %barrier3A_384 = arith.constant 0 : index
    tpu.barrier barrier_id(%barrier3A_384)
    tpu.enqueue_dma source(%arg9 : memref<10240xf32, #tpu.memory_space<vmem_shared>>) target(%arg13 : memref<10240xf32, #tpu.memory_space<vmem>>) target_semaphore(%arg23 : memref<!tpu.dma_semaphore, #tpu.memory_space<semaphore_mem>>)
    %parallel_loop3A_385 = arith.constant 0 : i32
    %parallel_loop3A_386 = arith.constant 80 : i32
    %parallel_loop3A_387 = arith.constant 1 : i32
    scf.for %parallel_loop3A_1143 = %parallel_loop3A_385 to %parallel_loop3A_386 step %parallel_loop3A_387  : i32 {
      %parallel_loop3A_1144 = arith.constant 128 : i32
      %parallel_loop3A_1145 = arith.muli %parallel_loop3A_1143, %parallel_loop3A_1144 : i32
      %parallel_loop3A_1146 = arith.constant 0 : i32
      %parallel_loop3A_1147 = arith.addi %parallel_loop3A_1145, %parallel_loop3A_1146 : i32
      %parallel_loop3A_1148 = arith.index_cast %parallel_loop3A_1147 : i32 to index
      %parallel_loop3A_1149 = tpu.vector_load %arg14[%parallel_loop3A_1148] {strides = array<i32>} : memref<10240xf32, #tpu.memory_space<vmem>>, vector<16xf32>,
      tpu.vector_store %arg14[%parallel_loop3A_1148], %broadcast_in_dim3A_11 {strides = array<i32>} : memref<10240xf32, #tpu.memory_space<vmem>>, vector<16xf32>,
      %parallel_loop3A_1150 = arith.constant 16 : i32
      %parallel_loop3A_1151 = arith.addi %parallel_loop3A_1145, %parallel_loop3A_1150 : i32
      %parallel_loop3A_1152 = arith.index_cast %parallel_loop3A_1151 : i32 to index
      %parallel_loop3A_1153 = tpu.vector_load %arg14[%parallel_loop3A_1152] {strides = array<i32>} : memref<10240xf32, #tpu.memory_space<vmem>>, vector<16xf32>,
      tpu.vector_store %arg14[%parallel_loop3A_1152], %broadcast_in_dim3A_11 {strides = array<i32>} : memref<10240xf32, #tpu.memory_space<vmem>>, vector<16xf32>,
      %parallel_loop3A_1154 = arith.constant 32 : i32
      %parallel_loop3A_1155 = arith.addi %parallel_loop3A_1145, %parallel_loop3A_1154 : i32
      %parallel_loop3A_1156 = arith.index_cast %parallel_loop3A_1155 : i32 to index
      %parallel_loop3A_1157 = tpu.vector_load %arg14[%parallel_loop3A_1156] {strides = array<i32>} : memref<10240xf32, #tpu.memory_space<vmem>>, vector<16xf32>,
      tpu.vector_store %arg14[%parallel_loop3A_1156], %broadcast_in_dim3A_11 {strides = array<i32>} : memref<10240xf32, #tpu.memory_space<vmem>>, vector<16xf32>,
      %parallel_loop3A_1158 = arith.constant 48 : i32
      %parallel_loop3A_1159 = arith.addi %parallel_loop3A_1145, %parallel_loop3A_1158 : i32
      %parallel_loop3A_1160 = arith.index_cast %parallel_loop3A_1159 : i32 to index
      %parallel_loop3A_1161 = tpu.vector_load %arg14[%parallel_loop3A_1160] {strides = array<i32>} : memref<10240xf32, #tpu.memory_space<vmem>>, vector<16xf32>,
      tpu.vector_store %arg14[%parallel_loop3A_1160], %broadcast_in_dim3A_11 {strides = array<i32>} : memref<10240xf32, #tpu.memory_space<vmem>>, vector<16xf32>,
      %parallel_loop3A_1162 = arith.constant 64 : i32
      %parallel_loop3A_1163 = arith.addi %parallel_loop3A_1145, %parallel_loop3A_1162 : i32
      %parallel_loop3A_1164 = arith.index_cast %parallel_loop3A_1163 : i32 to index
      %parallel_loop3A_1165 = tpu.vector_load %arg14[%parallel_loop3A_1164] {strides = array<i32>} : memref<10240xf32, #tpu.memory_space<vmem>>, vector<16xf32>,
      tpu.vector_store %arg14[%parallel_loop3A_1164], %broadcast_in_dim3A_11 {strides = array<i32>} : memref<10240xf32, #tpu.memory_space<vmem>>, vector<16xf32>,
      %parallel_loop3A_1166 = arith.constant 80 : i32
      %parallel_loop3A_1167 = arith.addi %parallel_loop3A_1145, %parallel_loop3A_1166 : i32
      %parallel_loop3A_1168 = arith.index_cast %parallel_loop3A_1167 : i32 to index
      %parallel_loop3A_1169 = tpu.vector_load %arg14[%parallel_loop3A_1168] {strides = array<i32>} : memref<10240xf32, #tpu.memory_space<vmem>>, vector<16xf32>,
      tpu.vector_store %arg14[%parallel_loop3A_1168], %broadcast_in_dim3A_11 {strides = array<i32>} : memref<10240xf32, #tpu.memory_space<vmem>>, vector<16xf32>,
      %parallel_loop3A_1170 = arith.constant 96 : i32
      %parallel_loop3A_1171 = arith.addi %parallel_loop3A_1145, %parallel_loop3A_1170 : i32
      %parallel_loop3A_1172 = arith.index_cast %parallel_loop3A_1171 : i32 to index
      %parallel_loop3A_1173 = tpu.vector_load %arg14[%parallel_loop3A_1172] {strides = array<i32>} : memref<10240xf32, #tpu.memory_space<vmem>>, vector<16xf32>,
      tpu.vector_store %arg14[%parallel_loop3A_1172], %broadcast_in_dim3A_11 {strides = array<i32>} : memref<10240xf32, #tpu.memory_space<vmem>>, vector<16xf32>,
      %parallel_loop3A_1174 = arith.constant 112 : i32
      %parallel_loop3A_1175 = arith.addi %parallel_loop3A_1145, %parallel_loop3A_1174 : i32
      %parallel_loop3A_1176 = arith.index_cast %parallel_loop3A_1175 : i32 to index
      %parallel_loop3A_1177 = tpu.vector_load %arg14[%parallel_loop3A_1176] {strides = array<i32>} : memref<10240xf32, #tpu.memory_space<vmem>>, vector<16xf32>,
      tpu.vector_store %arg14[%parallel_loop3A_1176], %broadcast_in_dim3A_11 {strides = array<i32>} : memref<10240xf32, #tpu.memory_space<vmem>>, vector<16xf32>,
    } {sc.loop_unroll_factor = 4 : i64, sc.parallel_access}
    tpu.wait_dma2 semaphore(%arg23 : memref<!tpu.dma_semaphore, #tpu.memory_space<semaphore_mem>>) src(%arg9 : memref<10240xf32, #tpu.memory_space<vmem_shared>>) dst(%arg13 : memref<10240xf32, #tpu.memory_space<vmem>>)
    %parallel_loop3A_388 = arith.constant 0 : i32
    %parallel_loop3A_389 = arith.constant 1250 : i32
    %parallel_loop3A_390 = arith.constant 1 : i32
    scf.for %parallel_loop3A_1143 = %parallel_loop3A_388 to %parallel_loop3A_389 step %parallel_loop3A_390  : i32 {
      %parallel_loop3A_1144 = arith.constant 16 : i32
      %parallel_loop3A_1145 = arith.muli %parallel_loop3A_1143, %parallel_loop3A_1144 : i32
      %parallel_loop3A_1146 = arith.index_cast %parallel_loop3A_1145 : i32 to index
      %parallel_loop3A_1147 = tpu.vector_load %arg11[%parallel_loop3A_1146] {strides = array<i32>} : memref<20000xi32, #tpu.memory_space<vmem>>, vector<16xi32>,
      %parallel_loop3A_1148 = arith.index_cast %parallel_loop3A_1145 : i32 to index
      %parallel_loop3A_1149 = tpu.vector_load %arg12[%parallel_loop3A_1148] {strides = array<i32>} : memref<20000xi32, #tpu.memory_space<vmem>>, vector<16xi32>,
      %parallel_loop3A_1150 = tpu.vector_load_idx %arg13[%parallel_loop3A_1147] : memref<10240xf32, #tpu.memory_space<vmem>>[vector<16xi32>], vector<16xf32>,
      tpu.vector_store_idx %arg14[%parallel_loop3A_1149], %parallel_loop3A_1150 {add = true} : memref<10240xf32, #tpu.memory_space<vmem>>[vector<16xi32>], vector<16xf32>,
    } {sc.loop_unroll_factor = 25 : i64, sc.parallel_access}
    %dma_start3A_391 = arith.constant 0 : i32
    %dma_start3A_392 = arith.constant 0 : i32
    %dma_start3A_393 = tpu.memref_slice %arg14[%dma_start3A_392] : memref<10240xf32, #tpu.memory_space<vmem>> -> memref<640xf32, #tpu.memory_space<vmem>>
    %dma_start3A_394 = arith.constant 0 : i32
    %dma_start3A_395 = tpu.memref_slice %arg8[%dma_start3A_391, %arg1, %dma_start3A_394] : memref<16x16x640xf32, #tpu.memory_space<vmem_shared>> -> memref<1x1x640xf32, #tpu.memory_space<vmem_shared>>
    %dma_start3A_396 = tpu.memref_squeeze %dma_start3A_395 : memref<1x1x640xf32, #tpu.memory_space<vmem_shared>> -> memref<640xf32, #tpu.memory_space<vmem_shared>>
    %dma_start3A_397 = arith.constant 0 : i32
    %dma_start3A_398 = tpu.memref_slice %arg8[%dma_start3A_391, %arg1, %dma_start3A_397] : memref<16x16x640xf32, #tpu.memory_space<vmem_shared>> -> memref<1x1x640xf32, #tpu.memory_space<vmem_shared>>
    %dma_start3A_399 = tpu.memref_squeeze %dma_start3A_398 : memref<1x1x640xf32, #tpu.memory_space<vmem_shared>> -> memref<640xf32, #tpu.memory_space<vmem_shared>>
    %dma_start3A_400 = arith.constant 0 : i32
    %dma_start3A_401 = tpu.memref_slice %arg14[%dma_start3A_400] : memref<10240xf32, #tpu.memory_space<vmem>> -> memref<640xf32, #tpu.memory_space<vmem>>
    tpu.enqueue_dma source(%dma_start3A_401 : memref<640xf32, #tpu.memory_space<vmem>>) target(%dma_start3A_399 : memref<640xf32, #tpu.memory_space<vmem_shared>>) target_semaphore(%arg23 : memref<!tpu.dma_semaphore, #tpu.memory_space<semaphore_mem>>)
    %dma_start3A_402 = arith.constant 1 : i32
    %dma_start3A_403 = arith.constant 640 : i32
    %dma_start3A_404 = tpu.memref_slice %arg14[%dma_start3A_403] : memref<10240xf32, #tpu.memory_space<vmem>> -> memref<640xf32, #tpu.memory_space<vmem>>
    %dma_start3A_405 = arith.constant 0 : i32
    %dma_start3A_406 = tpu.memref_slice %arg8[%dma_start3A_402, %arg1, %dma_start3A_405] : memref<16x16x640xf32, #tpu.memory_space<vmem_shared>> -> memref<1x1x640xf32, #tpu.memory_space<vmem_shared>>
    %dma_start3A_407 = tpu.memref_squeeze %dma_start3A_406 : memref<1x1x640xf32, #tpu.memory_space<vmem_shared>> -> memref<640xf32, #tpu.memory_space<vmem_shared>>
    %dma_start3A_408 = arith.constant 0 : i32
    %dma_start3A_409 = tpu.memref_slice %arg8[%dma_start3A_402, %arg1, %dma_start3A_408] : memref<16x16x640xf32, #tpu.memory_space<vmem_shared>> -> memref<1x1x640xf32, #tpu.memory_space<vmem_shared>>
    %dma_start3A_410 = tpu.memref_squeeze %dma_start3A_409 : memref<1x1x640xf32, #tpu.memory_space<vmem_shared>> -> memref<640xf32, #tpu.memory_space<vmem_shared>>
    %dma_start3A_411 = arith.constant 640 : i32
    %dma_start3A_412 = tpu.memref_slice %arg14[%dma_start3A_411] : memref<10240xf32, #tpu.memory_space<vmem>> -> memref<640xf32, #tpu.memory_space<vmem>>
    tpu.enqueue_dma source(%dma_start3A_412 : memref<640xf32, #tpu.memory_space<vmem>>) target(%dma_start3A_410 : memref<640xf32, #tpu.memory_space<vmem_shared>>) target_semaphore(%arg23 : memref<!tpu.dma_semaphore, #tpu.memory_space<semaphore_mem>>)
    %dma_start3A_413 = arith.constant 2 : i32
    %dma_start3A_414 = arith.constant 1280 : i32
    %dma_start3A_415 = tpu.memref_slice %arg14[%dma_start3A_414] : memref<10240xf32, #tpu.memory_space<vmem>> -> memref<640xf32, #tpu.memory_space<vmem>>
    %dma_start3A_416 = arith.constant 0 : i32
    %dma_start3A_417 = tpu.memref_slice %arg8[%dma_start3A_413, %arg1, %dma_start3A_416] : memref<16x16x640xf32, #tpu.memory_space<vmem_shared>> -> memref<1x1x640xf32, #tpu.memory_space<vmem_shared>>
    %dma_start3A_418 = tpu.memref_squeeze %dma_start3A_417 : memref<1x1x640xf32, #tpu.memory_space<vmem_shared>> -> memref<640xf32, #tpu.memory_space<vmem_shared>>
    %dma_start3A_419 = arith.constant 0 : i32
    %dma_start3A_420 = tpu.memref_slice %arg8[%dma_start3A_413, %arg1, %dma_start3A_419] : memref<16x16x640xf32, #tpu.memory_space<vmem_shared>> -> memref<1x1x640xf32, #tpu.memory_space<vmem_shared>>
    %dma_start3A_421 = tpu.memref_squeeze %dma_start3A_420 : memref<1x1x640xf32, #tpu.memory_space<vmem_shared>> -> memref<640xf32, #tpu.memory_space<vmem_shared>>
    %dma_start3A_422 = arith.constant 1280 : i32
    %dma_start3A_423 = tpu.memref_slice %arg14[%dma_start3A_422] : memref<10240xf32, #tpu.memory_space<vmem>> -> memref<640xf32, #tpu.memory_space<vmem>>
    tpu.enqueue_dma source(%dma_start3A_423 : memref<640xf32, #tpu.memory_space<vmem>>) target(%dma_start3A_421 : memref<640xf32, #tpu.memory_space<vmem_shared>>) target_semaphore(%arg23 : memref<!tpu.dma_semaphore, #tpu.memory_space<semaphore_mem>>)
    %dma_start3A_424 = arith.constant 3 : i32
    %dma_start3A_425 = arith.constant 1920 : i32
    %dma_start3A_426 = tpu.memref_slice %arg14[%dma_start3A_425] : memref<10240xf32, #tpu.memory_space<vmem>> -> memref<640xf32, #tpu.memory_space<vmem>>
    %dma_start3A_427 = arith.constant 0 : i32
    %dma_start3A_428 = tpu.memref_slice %arg8[%dma_start3A_424, %arg1, %dma_start3A_427] : memref<16x16x640xf32, #tpu.memory_space<vmem_shared>> -> memref<1x1x640xf32, #tpu.memory_space<vmem_shared>>
    %dma_start3A_429 = tpu.memref_squeeze %dma_start3A_428 : memref<1x1x640xf32, #tpu.memory_space<vmem_shared>> -> memref<640xf32, #tpu.memory_space<vmem_shared>>
    %dma_start3A_430 = arith.constant 0 : i32
    %dma_start3A_431 = tpu.memref_slice %arg8[%dma_start3A_424, %arg1, %dma_start3A_430] : memref<16x16x640xf32, #tpu.memory_space<vmem_shared>> -> memref<1x1x640xf32, #tpu.memory_space<vmem_shared>>
    %dma_start3A_432 = tpu.memref_squeeze %dma_start3A_431 : memref<1x1x640xf32, #tpu.memory_space<vmem_shared>> -> memref<640xf32, #tpu.memory_space<vmem_shared>>
    %dma_start3A_433 = arith.constant 1920 : i32
    %dma_start3A_434 = tpu.memref_slice %arg14[%dma_start3A_433] : memref<10240xf32, #tpu.memory_space<vmem>> -> memref<640xf32, #tpu.memory_space<vmem>>
    tpu.enqueue_dma source(%dma_start3A_434 : memref<640xf32, #tpu.memory_space<vmem>>) target(%dma_start3A_432 : memref<640xf32, #tpu.memory_space<vmem_shared>>) target_semaphore(%arg23 : memref<!tpu.dma_semaphore, #tpu.memory_space<semaphore_mem>>)
    %dma_start3A_435 = arith.constant 4 : i32
    %dma_start3A_436 = arith.constant 2560 : i32
    %dma_start3A_437 = tpu.memref_slice %arg14[%dma_start3A_436] : memref<10240xf32, #tpu.memory_space<vmem>> -> memref<640xf32, #tpu.memory_space<vmem>>
    %dma_start3A_438 = arith.constant 0 : i32
    %dma_start3A_439 = tpu.memref_slice %arg8[%dma_start3A_435, %arg1, %dma_start3A_438] : memref<16x16x640xf32, #tpu.memory_space<vmem_shared>> -> memref<1x1x640xf32, #tpu.memory_space<vmem_shared>>
    %dma_start3A_440 = tpu.memref_squeeze %dma_start3A_439 : memref<1x1x640xf32, #tpu.memory_space<vmem_shared>> -> memref<640xf32, #tpu.memory_space<vmem_shared>>
    %dma_start3A_441 = arith.constant 0 : i32
    %dma_start3A_442 = tpu.memref_slice %arg8[%dma_start3A_435, %arg1, %dma_start3A_441] : memref<16x16x640xf32, #tpu.memory_space<vmem_shared>> -> memref<1x1x640xf32, #tpu.memory_space<vmem_shared>>
    %dma_start3A_443 = tpu.memref_squeeze %dma_start3A_442 : memref<1x1x640xf32, #tpu.memory_space<vmem_shared>> -> memref<640xf32, #tpu.memory_space<vmem_shared>>
    %dma_start3A_444 = arith.constant 2560 : i32
    %dma_start3A_445 = tpu.memref_slice %arg14[%dma_start3A_444] : memref<10240xf32, #tpu.memory_space<vmem>> -> memref<640xf32, #tpu.memory_space<vmem>>
    tpu.enqueue_dma source(%dma_start3A_445 : memref<640xf32, #tpu.memory_space<vmem>>) target(%dma_start3A_443 : memref<640xf32, #tpu.memory_space<vmem_shared>>) target_semaphore(%arg23 : memref<!tpu.dma_semaphore, #tpu.memory_space<semaphore_mem>>)
    %dma_start3A_446 = arith.constant 5 : i32
    %dma_start3A_447 = arith.constant 3200 : i32
    %dma_start3A_448 = tpu.memref_slice %arg14[%dma_start3A_447] : memref<10240xf32, #tpu.memory_space<vmem>> -> memref<640xf32, #tpu.memory_space<vmem>>
    %dma_start3A_449 = arith.constant 0 : i32
    %dma_start3A_450 = tpu.memref_slice %arg8[%dma_start3A_446, %arg1, %dma_start3A_449] : memref<16x16x640xf32, #tpu.memory_space<vmem_shared>> -> memref<1x1x640xf32, #tpu.memory_space<vmem_shared>>
    %dma_start3A_451 = tpu.memref_squeeze %dma_start3A_450 : memref<1x1x640xf32, #tpu.memory_space<vmem_shared>> -> memref<640xf32, #tpu.memory_space<vmem_shared>>
    %dma_start3A_452 = arith.constant 0 : i32
    %dma_start3A_453 = tpu.memref_slice %arg8[%dma_start3A_446, %arg1, %dma_start3A_452] : memref<16x16x640xf32, #tpu.memory_space<vmem_shared>> -> memref<1x1x640xf32, #tpu.memory_space<vmem_shared>>
    %dma_start3A_454 = tpu.memref_squeeze %dma_start3A_453 : memref<1x1x640xf32, #tpu.memory_space<vmem_shared>> -> memref<640xf32, #tpu.memory_space<vmem_shared>>
    %dma_start3A_455 = arith.constant 3200 : i32
    %dma_start3A_456 = tpu.memref_slice %arg14[%dma_start3A_455] : memref<10240xf32, #tpu.memory_space<vmem>> -> memref<640xf32, #tpu.memory_space<vmem>>
    tpu.enqueue_dma source(%dma_start3A_456 : memref<640xf32, #tpu.memory_space<vmem>>) target(%dma_start3A_454 : memref<640xf32, #tpu.memory_space<vmem_shared>>) target_semaphore(%arg23 : memref<!tpu.dma_semaphore, #tpu.memory_space<semaphore_mem>>)
    %dma_start3A_457 = arith.constant 6 : i32
    %dma_start3A_458 = arith.constant 3840 : i32
    %dma_start3A_459 = tpu.memref_slice %arg14[%dma_start3A_458] : memref<10240xf32, #tpu.memory_space<vmem>> -> memref<640xf32, #tpu.memory_space<vmem>>
    %dma_start3A_460 = arith.constant 0 : i32
    %dma_start3A_461 = tpu.memref_slice %arg8[%dma_start3A_457, %arg1, %dma_start3A_460] : memref<16x16x640xf32, #tpu.memory_space<vmem_shared>> -> memref<1x1x640xf32, #tpu.memory_space<vmem_shared>>
    %dma_start3A_462 = tpu.memref_squeeze %dma_start3A_461 : memref<1x1x640xf32, #tpu.memory_space<vmem_shared>> -> memref<640xf32, #tpu.memory_space<vmem_shared>>
    %dma_start3A_463 = arith.constant 0 : i32
    %dma_start3A_464 = tpu.memref_slice %arg8[%dma_start3A_457, %arg1, %dma_start3A_463] : memref<16x16x640xf32, #tpu.memory_space<vmem_shared>> -> memref<1x1x640xf32, #tpu.memory_space<vmem_shared>>
    %dma_start3A_465 = tpu.memref_squeeze %dma_start3A_464 : memref<1x1x640xf32, #tpu.memory_space<vmem_shared>> -> memref<640xf32, #tpu.memory_space<vmem_shared>>
    %dma_start3A_466 = arith.constant 3840 : i32
    %dma_start3A_467 = tpu.memref_slice %arg14[%dma_start3A_466] : memref<10240xf32, #tpu.memory_space<vmem>> -> memref<640xf32, #tpu.memory_space<vmem>>
    tpu.enqueue_dma source(%dma_start3A_467 : memref<640xf32, #tpu.memory_space<vmem>>) target(%dma_start3A_465 : memref<640xf32, #tpu.memory_space<vmem_shared>>) target_semaphore(%arg23 : memref<!tpu.dma_semaphore, #tpu.memory_space<semaphore_mem>>)
    %dma_start3A_468 = arith.constant 7 : i32
    %dma_start3A_469 = arith.constant 4480 : i32
    %dma_start3A_470 = tpu.memref_slice %arg14[%dma_start3A_469] : memref<10240xf32, #tpu.memory_space<vmem>> -> memref<640xf32, #tpu.memory_space<vmem>>
    %dma_start3A_471 = arith.constant 0 : i32
    %dma_start3A_472 = tpu.memref_slice %arg8[%dma_start3A_468, %arg1, %dma_start3A_471] : memref<16x16x640xf32, #tpu.memory_space<vmem_shared>> -> memref<1x1x640xf32, #tpu.memory_space<vmem_shared>>
    %dma_start3A_473 = tpu.memref_squeeze %dma_start3A_472 : memref<1x1x640xf32, #tpu.memory_space<vmem_shared>> -> memref<640xf32, #tpu.memory_space<vmem_shared>>
    %dma_start3A_474 = arith.constant 0 : i32
    %dma_start3A_475 = tpu.memref_slice %arg8[%dma_start3A_468, %arg1, %dma_start3A_474] : memref<16x16x640xf32, #tpu.memory_space<vmem_shared>> -> memref<1x1x640xf32, #tpu.memory_space<vmem_shared>>
    %dma_start3A_476 = tpu.memref_squeeze %dma_start3A_475 : memref<1x1x640xf32, #tpu.memory_space<vmem_shared>> -> memref<640xf32, #tpu.memory_space<vmem_shared>>
    %dma_start3A_477 = arith.constant 4480 : i32
    %dma_start3A_478 = tpu.memref_slice %arg14[%dma_start3A_477] : memref<10240xf32, #tpu.memory_space<vmem>> -> memref<640xf32, #tpu.memory_space<vmem>>
    tpu.enqueue_dma source(%dma_start3A_478 : memref<640xf32, #tpu.memory_space<vmem>>) target(%dma_start3A_476 : memref<640xf32, #tpu.memory_space<vmem_shared>>) target_semaphore(%arg23 : memref<!tpu.dma_semaphore, #tpu.memory_space<semaphore_mem>>)
    %dma_start3A_479 = arith.constant 8 : i32
    %dma_start3A_480 = arith.constant 5120 : i32
    %dma_start3A_481 = tpu.memref_slice %arg14[%dma_start3A_480] : memref<10240xf32, #tpu.memory_space<vmem>> -> memref<640xf32, #tpu.memory_space<vmem>>
    %dma_start3A_482 = arith.constant 0 : i32
    %dma_start3A_483 = tpu.memref_slice %arg8[%dma_start3A_479, %arg1, %dma_start3A_482] : memref<16x16x640xf32, #tpu.memory_space<vmem_shared>> -> memref<1x1x640xf32, #tpu.memory_space<vmem_shared>>
    %dma_start3A_484 = tpu.memref_squeeze %dma_start3A_483 : memref<1x1x640xf32, #tpu.memory_space<vmem_shared>> -> memref<640xf32, #tpu.memory_space<vmem_shared>>
    %dma_start3A_485 = arith.constant 0 : i32
    %dma_start3A_486 = tpu.memref_slice %arg8[%dma_start3A_479, %arg1, %dma_start3A_485] : memref<16x16x640xf32, #tpu.memory_space<vmem_shared>> -> memref<1x1x640xf32, #tpu.memory_space<vmem_shared>>
    %dma_start3A_487 = tpu.memref_squeeze %dma_start3A_486 : memref<1x1x640xf32, #tpu.memory_space<vmem_shared>> -> memref<640xf32, #tpu.memory_space<vmem_shared>>
    %dma_start3A_488 = arith.constant 5120 : i32
    %dma_start3A_489 = tpu.memref_slice %arg14[%dma_start3A_488] : memref<10240xf32, #tpu.memory_space<vmem>> -> memref<640xf32, #tpu.memory_space<vmem>>
    tpu.enqueue_dma source(%dma_start3A_489 : memref<640xf32, #tpu.memory_space<vmem>>) target(%dma_start3A_487 : memref<640xf32, #tpu.memory_space<vmem_shared>>) target_semaphore(%arg23 : memref<!tpu.dma_semaphore, #tpu.memory_space<semaphore_mem>>)
    %dma_start3A_490 = arith.constant 9 : i32
    %dma_start3A_491 = arith.constant 5760 : i32
    %dma_start3A_492 = tpu.memref_slice %arg14[%dma_start3A_491] : memref<10240xf32, #tpu.memory_space<vmem>> -> memref<640xf32, #tpu.memory_space<vmem>>
    %dma_start3A_493 = arith.constant 0 : i32
    %dma_start3A_494 = tpu.memref_slice %arg8[%dma_start3A_490, %arg1, %dma_start3A_493] : memref<16x16x640xf32, #tpu.memory_space<vmem_shared>> -> memref<1x1x640xf32, #tpu.memory_space<vmem_shared>>
    %dma_start3A_495 = tpu.memref_squeeze %dma_start3A_494 : memref<1x1x640xf32, #tpu.memory_space<vmem_shared>> -> memref<640xf32, #tpu.memory_space<vmem_shared>>
    %dma_start3A_496 = arith.constant 0 : i32
    %dma_start3A_497 = tpu.memref_slice %arg8[%dma_start3A_490, %arg1, %dma_start3A_496] : memref<16x16x640xf32, #tpu.memory_space<vmem_shared>> -> memref<1x1x640xf32, #tpu.memory_space<vmem_shared>>
    %dma_start3A_498 = tpu.memref_squeeze %dma_start3A_497 : memref<1x1x640xf32, #tpu.memory_space<vmem_shared>> -> memref<640xf32, #tpu.memory_space<vmem_shared>>
    %dma_start3A_499 = arith.constant 5760 : i32
    %dma_start3A_500 = tpu.memref_slice %arg14[%dma_start3A_499] : memref<10240xf32, #tpu.memory_space<vmem>> -> memref<640xf32, #tpu.memory_space<vmem>>
    tpu.enqueue_dma source(%dma_start3A_500 : memref<640xf32, #tpu.memory_space<vmem>>) target(%dma_start3A_498 : memref<640xf32, #tpu.memory_space<vmem_shared>>) target_semaphore(%arg23 : memref<!tpu.dma_semaphore, #tpu.memory_space<semaphore_mem>>)
    %dma_start3A_501 = arith.constant 10 : i32
    %dma_start3A_502 = arith.constant 6400 : i32
    %dma_start3A_503 = tpu.memref_slice %arg14[%dma_start3A_502] : memref<10240xf32, #tpu.memory_space<vmem>> -> memref<640xf32, #tpu.memory_space<vmem>>
    %dma_start3A_504 = arith.constant 0 : i32
    %dma_start3A_505 = tpu.memref_slice %arg8[%dma_start3A_501, %arg1, %dma_start3A_504] : memref<16x16x640xf32, #tpu.memory_space<vmem_shared>> -> memref<1x1x640xf32, #tpu.memory_space<vmem_shared>>
    %dma_start3A_506 = tpu.memref_squeeze %dma_start3A_505 : memref<1x1x640xf32, #tpu.memory_space<vmem_shared>> -> memref<640xf32, #tpu.memory_space<vmem_shared>>
    %dma_start3A_507 = arith.constant 0 : i32
    %dma_start3A_508 = tpu.memref_slice %arg8[%dma_start3A_501, %arg1, %dma_start3A_507] : memref<16x16x640xf32, #tpu.memory_space<vmem_shared>> -> memref<1x1x640xf32, #tpu.memory_space<vmem_shared>>
    %dma_start3A_509 = tpu.memref_squeeze %dma_start3A_508 : memref<1x1x640xf32, #tpu.memory_space<vmem_shared>> -> memref<640xf32, #tpu.memory_space<vmem_shared>>
    %dma_start3A_510 = arith.constant 6400 : i32
    %dma_start3A_511 = tpu.memref_slice %arg14[%dma_start3A_510] : memref<10240xf32, #tpu.memory_space<vmem>> -> memref<640xf32, #tpu.memory_space<vmem>>
    tpu.enqueue_dma source(%dma_start3A_511 : memref<640xf32, #tpu.memory_space<vmem>>) target(%dma_start3A_509 : memref<640xf32, #tpu.memory_space<vmem_shared>>) target_semaphore(%arg23 : memref<!tpu.dma_semaphore, #tpu.memory_space<semaphore_mem>>)
    %dma_start3A_512 = arith.constant 11 : i32
    %dma_start3A_513 = arith.constant 7040 : i32
    %dma_start3A_514 = tpu.memref_slice %arg14[%dma_start3A_513] : memref<10240xf32, #tpu.memory_space<vmem>> -> memref<640xf32, #tpu.memory_space<vmem>>
    %dma_start3A_515 = arith.constant 0 : i32
    %dma_start3A_516 = tpu.memref_slice %arg8[%dma_start3A_512, %arg1, %dma_start3A_515] : memref<16x16x640xf32, #tpu.memory_space<vmem_shared>> -> memref<1x1x640xf32, #tpu.memory_space<vmem_shared>>
    %dma_start3A_517 = tpu.memref_squeeze %dma_start3A_516 : memref<1x1x640xf32, #tpu.memory_space<vmem_shared>> -> memref<640xf32, #tpu.memory_space<vmem_shared>>
    %dma_start3A_518 = arith.constant 0 : i32
    %dma_start3A_519 = tpu.memref_slice %arg8[%dma_start3A_512, %arg1, %dma_start3A_518] : memref<16x16x640xf32, #tpu.memory_space<vmem_shared>> -> memref<1x1x640xf32, #tpu.memory_space<vmem_shared>>
    %dma_start3A_520 = tpu.memref_squeeze %dma_start3A_519 : memref<1x1x640xf32, #tpu.memory_space<vmem_shared>> -> memref<640xf32, #tpu.memory_space<vmem_shared>>
    %dma_start3A_521 = arith.constant 7040 : i32
    %dma_start3A_522 = tpu.memref_slice %arg14[%dma_start3A_521] : memref<10240xf32, #tpu.memory_space<vmem>> -> memref<640xf32, #tpu.memory_space<vmem>>
    tpu.enqueue_dma source(%dma_start3A_522 : memref<640xf32, #tpu.memory_space<vmem>>) target(%dma_start3A_520 : memref<640xf32, #tpu.memory_space<vmem_shared>>) target_semaphore(%arg23 : memref<!tpu.dma_semaphore, #tpu.memory_space<semaphore_mem>>)
    %dma_start3A_523 = arith.constant 12 : i32
    %dma_start3A_524 = arith.constant 7680 : i32
    %dma_start3A_525 = tpu.memref_slice %arg14[%dma_start3A_524] : memref<10240xf32, #tpu.memory_space<vmem>> -> memref<640xf32, #tpu.memory_space<vmem>>
    %dma_start3A_526 = arith.constant 0 : i32
    %dma_start3A_527 = tpu.memref_slice %arg8[%dma_start3A_523, %arg1, %dma_start3A_526] : memref<16x16x640xf32, #tpu.memory_space<vmem_shared>> -> memref<1x1x640xf32, #tpu.memory_space<vmem_shared>>
    %dma_start3A_528 = tpu.memref_squeeze %dma_start3A_527 : memref<1x1x640xf32, #tpu.memory_space<vmem_shared>> -> memref<640xf32, #tpu.memory_space<vmem_shared>>
    %dma_start3A_529 = arith.constant 0 : i32
    %dma_start3A_530 = tpu.memref_slice %arg8[%dma_start3A_523, %arg1, %dma_start3A_529] : memref<16x16x640xf32, #tpu.memory_space<vmem_shared>> -> memref<1x1x640xf32, #tpu.memory_space<vmem_shared>>
    %dma_start3A_531 = tpu.memref_squeeze %dma_start3A_530 : memref<1x1x640xf32, #tpu.memory_space<vmem_shared>> -> memref<640xf32, #tpu.memory_space<vmem_shared>>
    %dma_start3A_532 = arith.constant 7680 : i32
    %dma_start3A_533 = tpu.memref_slice %arg14[%dma_start3A_532] : memref<10240xf32, #tpu.memory_space<vmem>> -> memref<640xf32, #tpu.memory_space<vmem>>
    tpu.enqueue_dma source(%dma_start3A_533 : memref<640xf32, #tpu.memory_space<vmem>>) target(%dma_start3A_531 : memref<640xf32, #tpu.memory_space<vmem_shared>>) target_semaphore(%arg23 : memref<!tpu.dma_semaphore, #tpu.memory_space<semaphore_mem>>)
    %dma_start3A_534 = arith.constant 13 : i32
    %dma_start3A_535 = arith.constant 8320 : i32
    %dma_start3A_536 = tpu.memref_slice %arg14[%dma_start3A_535] : memref<10240xf32, #tpu.memory_space<vmem>> -> memref<640xf32, #tpu.memory_space<vmem>>
    %dma_start3A_537 = arith.constant 0 : i32
    %dma_start3A_538 = tpu.memref_slice %arg8[%dma_start3A_534, %arg1, %dma_start3A_537] : memref<16x16x640xf32, #tpu.memory_space<vmem_shared>> -> memref<1x1x640xf32, #tpu.memory_space<vmem_shared>>
    %dma_start3A_539 = tpu.memref_squeeze %dma_start3A_538 : memref<1x1x640xf32, #tpu.memory_space<vmem_shared>> -> memref<640xf32, #tpu.memory_space<vmem_shared>>
    %dma_start3A_540 = arith.constant 0 : i32
    %dma_start3A_541 = tpu.memref_slice %arg8[%dma_start3A_534, %arg1, %dma_start3A_540] : memref<16x16x640xf32, #tpu.memory_space<vmem_shared>> -> memref<1x1x640xf32, #tpu.memory_space<vmem_shared>>
    %dma_start3A_542 = tpu.memref_squeeze %dma_start3A_541 : memref<1x1x640xf32, #tpu.memory_space<vmem_shared>> -> memref<640xf32, #tpu.memory_space<vmem_shared>>
    %dma_start3A_543 = arith.constant 8320 : i32
    %dma_start3A_544 = tpu.memref_slice %arg14[%dma_start3A_543] : memref<10240xf32, #tpu.memory_space<vmem>> -> memref<640xf32, #tpu.memory_space<vmem>>
    tpu.enqueue_dma source(%dma_start3A_544 : memref<640xf32, #tpu.memory_space<vmem>>) target(%dma_start3A_542 : memref<640xf32, #tpu.memory_space<vmem_shared>>) target_semaphore(%arg23 : memref<!tpu.dma_semaphore, #tpu.memory_space<semaphore_mem>>)
    %dma_start3A_545 = arith.constant 14 : i32
    %dma_start3A_546 = arith.constant 8960 : i32
    %dma_start3A_547 = tpu.memref_slice %arg14[%dma_start3A_546] : memref<10240xf32, #tpu.memory_space<vmem>> -> memref<640xf32, #tpu.memory_space<vmem>>
    %dma_start3A_548 = arith.constant 0 : i32
    %dma_start3A_549 = tpu.memref_slice %arg8[%dma_start3A_545, %arg1, %dma_start3A_548] : memref<16x16x640xf32, #tpu.memory_space<vmem_shared>> -> memref<1x1x640xf32, #tpu.memory_space<vmem_shared>>
    %dma_start3A_550 = tpu.memref_squeeze %dma_start3A_549 : memref<1x1x640xf32, #tpu.memory_space<vmem_shared>> -> memref<640xf32, #tpu.memory_space<vmem_shared>>
    %dma_start3A_551 = arith.constant 0 : i32
    %dma_start3A_552 = tpu.memref_slice %arg8[%dma_start3A_545, %arg1, %dma_start3A_551] : memref<16x16x640xf32, #tpu.memory_space<vmem_shared>> -> memref<1x1x640xf32, #tpu.memory_space<vmem_shared>>
    %dma_start3A_553 = tpu.memref_squeeze %dma_start3A_552 : memref<1x1x640xf32, #tpu.memory_space<vmem_shared>> -> memref<640xf32, #tpu.memory_space<vmem_shared>>
    %dma_start3A_554 = arith.constant 8960 : i32
    %dma_start3A_555 = tpu.memref_slice %arg14[%dma_start3A_554] : memref<10240xf32, #tpu.memory_space<vmem>> -> memref<640xf32, #tpu.memory_space<vmem>>
    tpu.enqueue_dma source(%dma_start3A_555 : memref<640xf32, #tpu.memory_space<vmem>>) target(%dma_start3A_553 : memref<640xf32, #tpu.memory_space<vmem_shared>>) target_semaphore(%arg23 : memref<!tpu.dma_semaphore, #tpu.memory_space<semaphore_mem>>)
    %dma_start3A_556 = arith.constant 15 : i32
    %dma_start3A_557 = arith.constant 9600 : i32
    %dma_start3A_558 = tpu.memref_slice %arg14[%dma_start3A_557] : memref<10240xf32, #tpu.memory_space<vmem>> -> memref<640xf32, #tpu.memory_space<vmem>>
    %dma_start3A_559 = arith.constant 0 : i32
    %dma_start3A_560 = tpu.memref_slice %arg8[%dma_start3A_556, %arg1, %dma_start3A_559] : memref<16x16x640xf32, #tpu.memory_space<vmem_shared>> -> memref<1x1x640xf32, #tpu.memory_space<vmem_shared>>
    %dma_start3A_561 = tpu.memref_squeeze %dma_start3A_560 : memref<1x1x640xf32, #tpu.memory_space<vmem_shared>> -> memref<640xf32, #tpu.memory_space<vmem_shared>>
    %dma_start3A_562 = arith.constant 0 : i32
    %dma_start3A_563 = tpu.memref_slice %arg8[%dma_start3A_556, %arg1, %dma_start3A_562] : memref<16x16x640xf32, #tpu.memory_space<vmem_shared>> -> memref<1x1x640xf32, #tpu.memory_space<vmem_shared>>
    %dma_start3A_564 = tpu.memref_squeeze %dma_start3A_563 : memref<1x1x640xf32, #tpu.memory_space<vmem_shared>> -> memref<640xf32, #tpu.memory_space<vmem_shared>>
    %dma_start3A_565 = arith.constant 9600 : i32
    %dma_start3A_566 = tpu.memref_slice %arg14[%dma_start3A_565] : memref<10240xf32, #tpu.memory_space<vmem>> -> memref<640xf32, #tpu.memory_space<vmem>>
    tpu.enqueue_dma source(%dma_start3A_566 : memref<640xf32, #tpu.memory_space<vmem>>) target(%dma_start3A_564 : memref<640xf32, #tpu.memory_space<vmem_shared>>) target_semaphore(%arg23 : memref<!tpu.dma_semaphore, #tpu.memory_space<semaphore_mem>>)
    %dma_wait3A_567 = arith.constant 0 : i32
    %dma_wait3A_568 = arith.constant 0 : i32
    %dma_wait3A_569 = tpu.memref_slice %arg14[%dma_wait3A_568] : memref<10240xf32, #tpu.memory_space<vmem>> -> memref<640xf32, #tpu.memory_space<vmem>>
    %dma_wait3A_570 = arith.constant 0 : i32
    %dma_wait3A_571 = tpu.memref_slice %arg8[%dma_wait3A_567, %arg1, %dma_wait3A_570] : memref<16x16x640xf32, #tpu.memory_space<vmem_shared>> -> memref<1x1x640xf32, #tpu.memory_space<vmem_shared>>
    %dma_wait3A_572 = tpu.memref_squeeze %dma_wait3A_571 : memref<1x1x640xf32, #tpu.memory_space<vmem_shared>> -> memref<640xf32, #tpu.memory_space<vmem_shared>>
    %dma_wait3A_573 = arith.constant 0 : i32
    %dma_wait3A_574 = tpu.memref_slice %arg8[%dma_wait3A_567, %arg1, %dma_wait3A_573] : memref<16x16x640xf32, #tpu.memory_space<vmem_shared>> -> memref<1x1x640xf32, #tpu.memory_space<vmem_shared>>
    %dma_wait3A_575 = tpu.memref_squeeze %dma_wait3A_574 : memref<1x1x640xf32, #tpu.memory_space<vmem_shared>> -> memref<640xf32, #tpu.memory_space<vmem_shared>>
    %dma_wait3A_576 = arith.constant 0 : i32
    %dma_wait3A_577 = tpu.memref_slice %arg14[%dma_wait3A_576] : memref<10240xf32, #tpu.memory_space<vmem>> -> memref<640xf32, #tpu.memory_space<vmem>>
    tpu.wait_dma2 semaphore(%arg23 : memref<!tpu.dma_semaphore, #tpu.memory_space<semaphore_mem>>) src(%dma_wait3A_577 : memref<640xf32, #tpu.memory_space<vmem>>) dst(%dma_wait3A_575 : memref<640xf32, #tpu.memory_space<vmem_shared>>)
    %dma_wait3A_578 = arith.constant 1 : i32
    %dma_wait3A_579 = arith.constant 640 : i32
    %dma_wait3A_580 = tpu.memref_slice %arg14[%dma_wait3A_579] : memref<10240xf32, #tpu.memory_space<vmem>> -> memref<640xf32, #tpu.memory_space<vmem>>
    %dma_wait3A_581 = arith.constant 0 : i32
    %dma_wait3A_582 = tpu.memref_slice %arg8[%dma_wait3A_578, %arg1, %dma_wait3A_581] : memref<16x16x640xf32, #tpu.memory_space<vmem_shared>> -> memref<1x1x640xf32, #tpu.memory_space<vmem_shared>>
    %dma_wait3A_583 = tpu.memref_squeeze %dma_wait3A_582 : memref<1x1x640xf32, #tpu.memory_space<vmem_shared>> -> memref<640xf32, #tpu.memory_space<vmem_shared>>
    %dma_wait3A_584 = arith.constant 0 : i32
    %dma_wait3A_585 = tpu.memref_slice %arg8[%dma_wait3A_578, %arg1, %dma_wait3A_584] : memref<16x16x640xf32, #tpu.memory_space<vmem_shared>> -> memref<1x1x640xf32, #tpu.memory_space<vmem_shared>>
    %dma_wait3A_586 = tpu.memref_squeeze %dma_wait3A_585 : memref<1x1x640xf32, #tpu.memory_space<vmem_shared>> -> memref<640xf32, #tpu.memory_space<vmem_shared>>
    %dma_wait3A_587 = arith.constant 640 : i32
    %dma_wait3A_588 = tpu.memref_slice %arg14[%dma_wait3A_587] : memref<10240xf32, #tpu.memory_space<vmem>> -> memref<640xf32, #tpu.memory_space<vmem>>
    tpu.wait_dma2 semaphore(%arg23 : memref<!tpu.dma_semaphore, #tpu.memory_space<semaphore_mem>>) src(%dma_wait3A_588 : memref<640xf32, #tpu.memory_space<vmem>>) dst(%dma_wait3A_586 : memref<640xf32, #tpu.memory_space<vmem_shared>>)
    %dma_wait3A_589 = arith.constant 2 : i32
    %dma_wait3A_590 = arith.constant 1280 : i32
    %dma_wait3A_591 = tpu.memref_slice %arg14[%dma_wait3A_590] : memref<10240xf32, #tpu.memory_space<vmem>> -> memref<640xf32, #tpu.memory_space<vmem>>
    %dma_wait3A_592 = arith.constant 0 : i32
    %dma_wait3A_593 = tpu.memref_slice %arg8[%dma_wait3A_589, %arg1, %dma_wait3A_592] : memref<16x16x640xf32, #tpu.memory_space<vmem_shared>> -> memref<1x1x640xf32, #tpu.memory_space<vmem_shared>>
    %dma_wait3A_594 = tpu.memref_squeeze %dma_wait3A_593 : memref<1x1x640xf32, #tpu.memory_space<vmem_shared>> -> memref<640xf32, #tpu.memory_space<vmem_shared>>
    %dma_wait3A_595 = arith.constant 0 : i32
    %dma_wait3A_596 = tpu.memref_slice %arg8[%dma_wait3A_589, %arg1, %dma_wait3A_595] : memref<16x16x640xf32, #tpu.memory_space<vmem_shared>> -> memref<1x1x640xf32, #tpu.memory_space<vmem_shared>>
    %dma_wait3A_597 = tpu.memref_squeeze %dma_wait3A_596 : memref<1x1x640xf32, #tpu.memory_space<vmem_shared>> -> memref<640xf32, #tpu.memory_space<vmem_shared>>
    %dma_wait3A_598 = arith.constant 1280 : i32
    %dma_wait3A_599 = tpu.memref_slice %arg14[%dma_wait3A_598] : memref<10240xf32, #tpu.memory_space<vmem>> -> memref<640xf32, #tpu.memory_space<vmem>>
    tpu.wait_dma2 semaphore(%arg23 : memref<!tpu.dma_semaphore, #tpu.memory_space<semaphore_mem>>) src(%dma_wait3A_599 : memref<640xf32, #tpu.memory_space<vmem>>) dst(%dma_wait3A_597 : memref<640xf32, #tpu.memory_space<vmem_shared>>)
    %dma_wait3A_600 = arith.constant 3 : i32
    %dma_wait3A_601 = arith.constant 1920 : i32
    %dma_wait3A_602 = tpu.memref_slice %arg14[%dma_wait3A_601] : memref<10240xf32, #tpu.memory_space<vmem>> -> memref<640xf32, #tpu.memory_space<vmem>>
    %dma_wait3A_603 = arith.constant 0 : i32
    %dma_wait3A_604 = tpu.memref_slice %arg8[%dma_wait3A_600, %arg1, %dma_wait3A_603] : memref<16x16x640xf32, #tpu.memory_space<vmem_shared>> -> memref<1x1x640xf32, #tpu.memory_space<vmem_shared>>
    %dma_wait3A_605 = tpu.memref_squeeze %dma_wait3A_604 : memref<1x1x640xf32, #tpu.memory_space<vmem_shared>> -> memref<640xf32, #tpu.memory_space<vmem_shared>>
    %dma_wait3A_606 = arith.constant 0 : i32
    %dma_wait3A_607 = tpu.memref_slice %arg8[%dma_wait3A_600, %arg1, %dma_wait3A_606] : memref<16x16x640xf32, #tpu.memory_space<vmem_shared>> -> memref<1x1x640xf32, #tpu.memory_space<vmem_shared>>
    %dma_wait3A_608 = tpu.memref_squeeze %dma_wait3A_607 : memref<1x1x640xf32, #tpu.memory_space<vmem_shared>> -> memref<640xf32, #tpu.memory_space<vmem_shared>>
    %dma_wait3A_609 = arith.constant 1920 : i32
    %dma_wait3A_610 = tpu.memref_slice %arg14[%dma_wait3A_609] : memref<10240xf32, #tpu.memory_space<vmem>> -> memref<640xf32, #tpu.memory_space<vmem>>
    tpu.wait_dma2 semaphore(%arg23 : memref<!tpu.dma_semaphore, #tpu.memory_space<semaphore_mem>>) src(%dma_wait3A_610 : memref<640xf32, #tpu.memory_space<vmem>>) dst(%dma_wait3A_608 : memref<640xf32, #tpu.memory_space<vmem_shared>>)
    %dma_wait3A_611 = arith.constant 4 : i32
    %dma_wait3A_612 = arith.constant 2560 : i32
    %dma_wait3A_613 = tpu.memref_slice %arg14[%dma_wait3A_612] : memref<10240xf32, #tpu.memory_space<vmem>> -> memref<640xf32, #tpu.memory_space<vmem>>
    %dma_wait3A_614 = arith.constant 0 : i32
    %dma_wait3A_615 = tpu.memref_slice %arg8[%dma_wait3A_611, %arg1, %dma_wait3A_614] : memref<16x16x640xf32, #tpu.memory_space<vmem_shared>> -> memref<1x1x640xf32, #tpu.memory_space<vmem_shared>>
    %dma_wait3A_616 = tpu.memref_squeeze %dma_wait3A_615 : memref<1x1x640xf32, #tpu.memory_space<vmem_shared>> -> memref<640xf32, #tpu.memory_space<vmem_shared>>
    %dma_wait3A_617 = arith.constant 0 : i32
    %dma_wait3A_618 = tpu.memref_slice %arg8[%dma_wait3A_611, %arg1, %dma_wait3A_617] : memref<16x16x640xf32, #tpu.memory_space<vmem_shared>> -> memref<1x1x640xf32, #tpu.memory_space<vmem_shared>>
    %dma_wait3A_619 = tpu.memref_squeeze %dma_wait3A_618 : memref<1x1x640xf32, #tpu.memory_space<vmem_shared>> -> memref<640xf32, #tpu.memory_space<vmem_shared>>
    %dma_wait3A_620 = arith.constant 2560 : i32
    %dma_wait3A_621 = tpu.memref_slice %arg14[%dma_wait3A_620] : memref<10240xf32, #tpu.memory_space<vmem>> -> memref<640xf32, #tpu.memory_space<vmem>>
    tpu.wait_dma2 semaphore(%arg23 : memref<!tpu.dma_semaphore, #tpu.memory_space<semaphore_mem>>) src(%dma_wait3A_621 : memref<640xf32, #tpu.memory_space<vmem>>) dst(%dma_wait3A_619 : memref<640xf32, #tpu.memory_space<vmem_shared>>)
    %dma_wait3A_622 = arith.constant 5 : i32
    %dma_wait3A_623 = arith.constant 3200 : i32
    %dma_wait3A_624 = tpu.memref_slice %arg14[%dma_wait3A_623] : memref<10240xf32, #tpu.memory_space<vmem>> -> memref<640xf32, #tpu.memory_space<vmem>>
    %dma_wait3A_625 = arith.constant 0 : i32
    %dma_wait3A_626 = tpu.memref_slice %arg8[%dma_wait3A_622, %arg1, %dma_wait3A_625] : memref<16x16x640xf32, #tpu.memory_space<vmem_shared>> -> memref<1x1x640xf32, #tpu.memory_space<vmem_shared>>
    %dma_wait3A_627 = tpu.memref_squeeze %dma_wait3A_626 : memref<1x1x640xf32, #tpu.memory_space<vmem_shared>> -> memref<640xf32, #tpu.memory_space<vmem_shared>>
    %dma_wait3A_628 = arith.constant 0 : i32
    %dma_wait3A_629 = tpu.memref_slice %arg8[%dma_wait3A_622, %arg1, %dma_wait3A_628] : memref<16x16x640xf32, #tpu.memory_space<vmem_shared>> -> memref<1x1x640xf32, #tpu.memory_space<vmem_shared>>
    %dma_wait3A_630 = tpu.memref_squeeze %dma_wait3A_629 : memref<1x1x640xf32, #tpu.memory_space<vmem_shared>> -> memref<640xf32, #tpu.memory_space<vmem_shared>>
    %dma_wait3A_631 = arith.constant 3200 : i32
    %dma_wait3A_632 = tpu.memref_slice %arg14[%dma_wait3A_631] : memref<10240xf32, #tpu.memory_space<vmem>> -> memref<640xf32, #tpu.memory_space<vmem>>
    tpu.wait_dma2 semaphore(%arg23 : memref<!tpu.dma_semaphore, #tpu.memory_space<semaphore_mem>>) src(%dma_wait3A_632 : memref<640xf32, #tpu.memory_space<vmem>>) dst(%dma_wait3A_630 : memref<640xf32, #tpu.memory_space<vmem_shared>>)
    %dma_wait3A_633 = arith.constant 6 : i32
    %dma_wait3A_634 = arith.constant 3840 : i32
    %dma_wait3A_635 = tpu.memref_slice %arg14[%dma_wait3A_634] : memref<10240xf32, #tpu.memory_space<vmem>> -> memref<640xf32, #tpu.memory_space<vmem>>
    %dma_wait3A_636 = arith.constant 0 : i32
    %dma_wait3A_637 = tpu.memref_slice %arg8[%dma_wait3A_633, %arg1, %dma_wait3A_636] : memref<16x16x640xf32, #tpu.memory_space<vmem_shared>> -> memref<1x1x640xf32, #tpu.memory_space<vmem_shared>>
    %dma_wait3A_638 = tpu.memref_squeeze %dma_wait3A_637 : memref<1x1x640xf32, #tpu.memory_space<vmem_shared>> -> memref<640xf32, #tpu.memory_space<vmem_shared>>
    %dma_wait3A_639 = arith.constant 0 : i32
    %dma_wait3A_640 = tpu.memref_slice %arg8[%dma_wait3A_633, %arg1, %dma_wait3A_639] : memref<16x16x640xf32, #tpu.memory_space<vmem_shared>> -> memref<1x1x640xf32, #tpu.memory_space<vmem_shared>>
    %dma_wait3A_641 = tpu.memref_squeeze %dma_wait3A_640 : memref<1x1x640xf32, #tpu.memory_space<vmem_shared>> -> memref<640xf32, #tpu.memory_space<vmem_shared>>
    %dma_wait3A_642 = arith.constant 3840 : i32
    %dma_wait3A_643 = tpu.memref_slice %arg14[%dma_wait3A_642] : memref<10240xf32, #tpu.memory_space<vmem>> -> memref<640xf32, #tpu.memory_space<vmem>>
    tpu.wait_dma2 semaphore(%arg23 : memref<!tpu.dma_semaphore, #tpu.memory_space<semaphore_mem>>) src(%dma_wait3A_643 : memref<640xf32, #tpu.memory_space<vmem>>) dst(%dma_wait3A_641 : memref<640xf32, #tpu.memory_space<vmem_shared>>)
    %dma_wait3A_644 = arith.constant 7 : i32
    %dma_wait3A_645 = arith.constant 4480 : i32
    %dma_wait3A_646 = tpu.memref_slice %arg14[%dma_wait3A_645] : memref<10240xf32, #tpu.memory_space<vmem>> -> memref<640xf32, #tpu.memory_space<vmem>>
    %dma_wait3A_647 = arith.constant 0 : i32
    %dma_wait3A_648 = tpu.memref_slice %arg8[%dma_wait3A_644, %arg1, %dma_wait3A_647] : memref<16x16x640xf32, #tpu.memory_space<vmem_shared>> -> memref<1x1x640xf32, #tpu.memory_space<vmem_shared>>
    %dma_wait3A_649 = tpu.memref_squeeze %dma_wait3A_648 : memref<1x1x640xf32, #tpu.memory_space<vmem_shared>> -> memref<640xf32, #tpu.memory_space<vmem_shared>>
    %dma_wait3A_650 = arith.constant 0 : i32
    %dma_wait3A_651 = tpu.memref_slice %arg8[%dma_wait3A_644, %arg1, %dma_wait3A_650] : memref<16x16x640xf32, #tpu.memory_space<vmem_shared>> -> memref<1x1x640xf32, #tpu.memory_space<vmem_shared>>
    %dma_wait3A_652 = tpu.memref_squeeze %dma_wait3A_651 : memref<1x1x640xf32, #tpu.memory_space<vmem_shared>> -> memref<640xf32, #tpu.memory_space<vmem_shared>>
    %dma_wait3A_653 = arith.constant 4480 : i32
    %dma_wait3A_654 = tpu.memref_slice %arg14[%dma_wait3A_653] : memref<10240xf32, #tpu.memory_space<vmem>> -> memref<640xf32, #tpu.memory_space<vmem>>
    tpu.wait_dma2 semaphore(%arg23 : memref<!tpu.dma_semaphore, #tpu.memory_space<semaphore_mem>>) src(%dma_wait3A_654 : memref<640xf32, #tpu.memory_space<vmem>>) dst(%dma_wait3A_652 : memref<640xf32, #tpu.memory_space<vmem_shared>>)
    %dma_wait3A_655 = arith.constant 8 : i32
    %dma_wait3A_656 = arith.constant 5120 : i32
    %dma_wait3A_657 = tpu.memref_slice %arg14[%dma_wait3A_656] : memref<10240xf32, #tpu.memory_space<vmem>> -> memref<640xf32, #tpu.memory_space<vmem>>
    %dma_wait3A_658 = arith.constant 0 : i32
    %dma_wait3A_659 = tpu.memref_slice %arg8[%dma_wait3A_655, %arg1, %dma_wait3A_658] : memref<16x16x640xf32, #tpu.memory_space<vmem_shared>> -> memref<1x1x640xf32, #tpu.memory_space<vmem_shared>>
    %dma_wait3A_660 = tpu.memref_squeeze %dma_wait3A_659 : memref<1x1x640xf32, #tpu.memory_space<vmem_shared>> -> memref<640xf32, #tpu.memory_space<vmem_shared>>
    %dma_wait3A_661 = arith.constant 0 : i32
    %dma_wait3A_662 = tpu.memref_slice %arg8[%dma_wait3A_655, %arg1, %dma_wait3A_661] : memref<16x16x640xf32, #tpu.memory_space<vmem_shared>> -> memref<1x1x640xf32, #tpu.memory_space<vmem_shared>>
    %dma_wait3A_663 = tpu.memref_squeeze %dma_wait3A_662 : memref<1x1x640xf32, #tpu.memory_space<vmem_shared>> -> memref<640xf32, #tpu.memory_space<vmem_shared>>
    %dma_wait3A_664 = arith.constant 5120 : i32
    %dma_wait3A_665 = tpu.memref_slice %arg14[%dma_wait3A_664] : memref<10240xf32, #tpu.memory_space<vmem>> -> memref<640xf32, #tpu.memory_space<vmem>>
    tpu.wait_dma2 semaphore(%arg23 : memref<!tpu.dma_semaphore, #tpu.memory_space<semaphore_mem>>) src(%dma_wait3A_665 : memref<640xf32, #tpu.memory_space<vmem>>) dst(%dma_wait3A_663 : memref<640xf32, #tpu.memory_space<vmem_shared>>)
    %dma_wait3A_666 = arith.constant 9 : i32
    %dma_wait3A_667 = arith.constant 5760 : i32
    %dma_wait3A_668 = tpu.memref_slice %arg14[%dma_wait3A_667] : memref<10240xf32, #tpu.memory_space<vmem>> -> memref<640xf32, #tpu.memory_space<vmem>>
    %dma_wait3A_669 = arith.constant 0 : i32
    %dma_wait3A_670 = tpu.memref_slice %arg8[%dma_wait3A_666, %arg1, %dma_wait3A_669] : memref<16x16x640xf32, #tpu.memory_space<vmem_shared>> -> memref<1x1x640xf32, #tpu.memory_space<vmem_shared>>
    %dma_wait3A_671 = tpu.memref_squeeze %dma_wait3A_670 : memref<1x1x640xf32, #tpu.memory_space<vmem_shared>> -> memref<640xf32, #tpu.memory_space<vmem_shared>>
    %dma_wait3A_672 = arith.constant 0 : i32
    %dma_wait3A_673 = tpu.memref_slice %arg8[%dma_wait3A_666, %arg1, %dma_wait3A_672] : memref<16x16x640xf32, #tpu.memory_space<vmem_shared>> -> memref<1x1x640xf32, #tpu.memory_space<vmem_shared>>
    %dma_wait3A_674 = tpu.memref_squeeze %dma_wait3A_673 : memref<1x1x640xf32, #tpu.memory_space<vmem_shared>> -> memref<640xf32, #tpu.memory_space<vmem_shared>>
    %dma_wait3A_675 = arith.constant 5760 : i32
    %dma_wait3A_676 = tpu.memref_slice %arg14[%dma_wait3A_675] : memref<10240xf32, #tpu.memory_space<vmem>> -> memref<640xf32, #tpu.memory_space<vmem>>
    tpu.wait_dma2 semaphore(%arg23 : memref<!tpu.dma_semaphore, #tpu.memory_space<semaphore_mem>>) src(%dma_wait3A_676 : memref<640xf32, #tpu.memory_space<vmem>>) dst(%dma_wait3A_674 : memref<640xf32, #tpu.memory_space<vmem_shared>>)
    %dma_wait3A_677 = arith.constant 10 : i32
    %dma_wait3A_678 = arith.constant 6400 : i32
    %dma_wait3A_679 = tpu.memref_slice %arg14[%dma_wait3A_678] : memref<10240xf32, #tpu.memory_space<vmem>> -> memref<640xf32, #tpu.memory_space<vmem>>
    %dma_wait3A_680 = arith.constant 0 : i32
    %dma_wait3A_681 = tpu.memref_slice %arg8[%dma_wait3A_677, %arg1, %dma_wait3A_680] : memref<16x16x640xf32, #tpu.memory_space<vmem_shared>> -> memref<1x1x640xf32, #tpu.memory_space<vmem_shared>>
    %dma_wait3A_682 = tpu.memref_squeeze %dma_wait3A_681 : memref<1x1x640xf32, #tpu.memory_space<vmem_shared>> -> memref<640xf32, #tpu.memory_space<vmem_shared>>
    %dma_wait3A_683 = arith.constant 0 : i32
    %dma_wait3A_684 = tpu.memref_slice %arg8[%dma_wait3A_677, %arg1, %dma_wait3A_683] : memref<16x16x640xf32, #tpu.memory_space<vmem_shared>> -> memref<1x1x640xf32, #tpu.memory_space<vmem_shared>>
    %dma_wait3A_685 = tpu.memref_squeeze %dma_wait3A_684 : memref<1x1x640xf32, #tpu.memory_space<vmem_shared>> -> memref<640xf32, #tpu.memory_space<vmem_shared>>
    %dma_wait3A_686 = arith.constant 6400 : i32
    %dma_wait3A_687 = tpu.memref_slice %arg14[%dma_wait3A_686] : memref<10240xf32, #tpu.memory_space<vmem>> -> memref<640xf32, #tpu.memory_space<vmem>>
    tpu.wait_dma2 semaphore(%arg23 : memref<!tpu.dma_semaphore, #tpu.memory_space<semaphore_mem>>) src(%dma_wait3A_687 : memref<640xf32, #tpu.memory_space<vmem>>) dst(%dma_wait3A_685 : memref<640xf32, #tpu.memory_space<vmem_shared>>)
    %dma_wait3A_688 = arith.constant 11 : i32
    %dma_wait3A_689 = arith.constant 7040 : i32
    %dma_wait3A_690 = tpu.memref_slice %arg14[%dma_wait3A_689] : memref<10240xf32, #tpu.memory_space<vmem>> -> memref<640xf32, #tpu.memory_space<vmem>>
    %dma_wait3A_691 = arith.constant 0 : i32
    %dma_wait3A_692 = tpu.memref_slice %arg8[%dma_wait3A_688, %arg1, %dma_wait3A_691] : memref<16x16x640xf32, #tpu.memory_space<vmem_shared>> -> memref<1x1x640xf32, #tpu.memory_space<vmem_shared>>
    %dma_wait3A_693 = tpu.memref_squeeze %dma_wait3A_692 : memref<1x1x640xf32, #tpu.memory_space<vmem_shared>> -> memref<640xf32, #tpu.memory_space<vmem_shared>>
    %dma_wait3A_694 = arith.constant 0 : i32
    %dma_wait3A_695 = tpu.memref_slice %arg8[%dma_wait3A_688, %arg1, %dma_wait3A_694] : memref<16x16x640xf32, #tpu.memory_space<vmem_shared>> -> memref<1x1x640xf32, #tpu.memory_space<vmem_shared>>
    %dma_wait3A_696 = tpu.memref_squeeze %dma_wait3A_695 : memref<1x1x640xf32, #tpu.memory_space<vmem_shared>> -> memref<640xf32, #tpu.memory_space<vmem_shared>>
    %dma_wait3A_697 = arith.constant 7040 : i32
    %dma_wait3A_698 = tpu.memref_slice %arg14[%dma_wait3A_697] : memref<10240xf32, #tpu.memory_space<vmem>> -> memref<640xf32, #tpu.memory_space<vmem>>
    tpu.wait_dma2 semaphore(%arg23 : memref<!tpu.dma_semaphore, #tpu.memory_space<semaphore_mem>>) src(%dma_wait3A_698 : memref<640xf32, #tpu.memory_space<vmem>>) dst(%dma_wait3A_696 : memref<640xf32, #tpu.memory_space<vmem_shared>>)
    %dma_wait3A_699 = arith.constant 12 : i32
    %dma_wait3A_700 = arith.constant 7680 : i32
    %dma_wait3A_701 = tpu.memref_slice %arg14[%dma_wait3A_700] : memref<10240xf32, #tpu.memory_space<vmem>> -> memref<640xf32, #tpu.memory_space<vmem>>
    %dma_wait3A_702 = arith.constant 0 : i32
    %dma_wait3A_703 = tpu.memref_slice %arg8[%dma_wait3A_699, %arg1, %dma_wait3A_702] : memref<16x16x640xf32, #tpu.memory_space<vmem_shared>> -> memref<1x1x640xf32, #tpu.memory_space<vmem_shared>>
    %dma_wait3A_704 = tpu.memref_squeeze %dma_wait3A_703 : memref<1x1x640xf32, #tpu.memory_space<vmem_shared>> -> memref<640xf32, #tpu.memory_space<vmem_shared>>
    %dma_wait3A_705 = arith.constant 0 : i32
    %dma_wait3A_706 = tpu.memref_slice %arg8[%dma_wait3A_699, %arg1, %dma_wait3A_705] : memref<16x16x640xf32, #tpu.memory_space<vmem_shared>> -> memref<1x1x640xf32, #tpu.memory_space<vmem_shared>>
    %dma_wait3A_707 = tpu.memref_squeeze %dma_wait3A_706 : memref<1x1x640xf32, #tpu.memory_space<vmem_shared>> -> memref<640xf32, #tpu.memory_space<vmem_shared>>
    %dma_wait3A_708 = arith.constant 7680 : i32
    %dma_wait3A_709 = tpu.memref_slice %arg14[%dma_wait3A_708] : memref<10240xf32, #tpu.memory_space<vmem>> -> memref<640xf32, #tpu.memory_space<vmem>>
    tpu.wait_dma2 semaphore(%arg23 : memref<!tpu.dma_semaphore, #tpu.memory_space<semaphore_mem>>) src(%dma_wait3A_709 : memref<640xf32, #tpu.memory_space<vmem>>) dst(%dma_wait3A_707 : memref<640xf32, #tpu.memory_space<vmem_shared>>)
    %dma_wait3A_710 = arith.constant 13 : i32
    %dma_wait3A_711 = arith.constant 8320 : i32
    %dma_wait3A_712 = tpu.memref_slice %arg14[%dma_wait3A_711] : memref<10240xf32, #tpu.memory_space<vmem>> -> memref<640xf32, #tpu.memory_space<vmem>>
    %dma_wait3A_713 = arith.constant 0 : i32
    %dma_wait3A_714 = tpu.memref_slice %arg8[%dma_wait3A_710, %arg1, %dma_wait3A_713] : memref<16x16x640xf32, #tpu.memory_space<vmem_shared>> -> memref<1x1x640xf32, #tpu.memory_space<vmem_shared>>
    %dma_wait3A_715 = tpu.memref_squeeze %dma_wait3A_714 : memref<1x1x640xf32, #tpu.memory_space<vmem_shared>> -> memref<640xf32, #tpu.memory_space<vmem_shared>>
    %dma_wait3A_716 = arith.constant 0 : i32
    %dma_wait3A_717 = tpu.memref_slice %arg8[%dma_wait3A_710, %arg1, %dma_wait3A_716] : memref<16x16x640xf32, #tpu.memory_space<vmem_shared>> -> memref<1x1x640xf32, #tpu.memory_space<vmem_shared>>
    %dma_wait3A_718 = tpu.memref_squeeze %dma_wait3A_717 : memref<1x1x640xf32, #tpu.memory_space<vmem_shared>> -> memref<640xf32, #tpu.memory_space<vmem_shared>>
    %dma_wait3A_719 = arith.constant 8320 : i32
    %dma_wait3A_720 = tpu.memref_slice %arg14[%dma_wait3A_719] : memref<10240xf32, #tpu.memory_space<vmem>> -> memref<640xf32, #tpu.memory_space<vmem>>
    tpu.wait_dma2 semaphore(%arg23 : memref<!tpu.dma_semaphore, #tpu.memory_space<semaphore_mem>>) src(%dma_wait3A_720 : memref<640xf32, #tpu.memory_space<vmem>>) dst(%dma_wait3A_718 : memref<640xf32, #tpu.memory_space<vmem_shared>>)
    %dma_wait3A_721 = arith.constant 14 : i32
    %dma_wait3A_722 = arith.constant 8960 : i32
    %dma_wait3A_723 = tpu.memref_slice %arg14[%dma_wait3A_722] : memref<10240xf32, #tpu.memory_space<vmem>> -> memref<640xf32, #tpu.memory_space<vmem>>
    %dma_wait3A_724 = arith.constant 0 : i32
    %dma_wait3A_725 = tpu.memref_slice %arg8[%dma_wait3A_721, %arg1, %dma_wait3A_724] : memref<16x16x640xf32, #tpu.memory_space<vmem_shared>> -> memref<1x1x640xf32, #tpu.memory_space<vmem_shared>>
    %dma_wait3A_726 = tpu.memref_squeeze %dma_wait3A_725 : memref<1x1x640xf32, #tpu.memory_space<vmem_shared>> -> memref<640xf32, #tpu.memory_space<vmem_shared>>
    %dma_wait3A_727 = arith.constant 0 : i32
    %dma_wait3A_728 = tpu.memref_slice %arg8[%dma_wait3A_721, %arg1, %dma_wait3A_727] : memref<16x16x640xf32, #tpu.memory_space<vmem_shared>> -> memref<1x1x640xf32, #tpu.memory_space<vmem_shared>>
    %dma_wait3A_729 = tpu.memref_squeeze %dma_wait3A_728 : memref<1x1x640xf32, #tpu.memory_space<vmem_shared>> -> memref<640xf32, #tpu.memory_space<vmem_shared>>
    %dma_wait3A_730 = arith.constant 8960 : i32
    %dma_wait3A_731 = tpu.memref_slice %arg14[%dma_wait3A_730] : memref<10240xf32, #tpu.memory_space<vmem>> -> memref<640xf32, #tpu.memory_space<vmem>>
    tpu.wait_dma2 semaphore(%arg23 : memref<!tpu.dma_semaphore, #tpu.memory_space<semaphore_mem>>) src(%dma_wait3A_731 : memref<640xf32, #tpu.memory_space<vmem>>) dst(%dma_wait3A_729 : memref<640xf32, #tpu.memory_space<vmem_shared>>)
    %dma_wait3A_732 = arith.constant 15 : i32
    %dma_wait3A_733 = arith.constant 9600 : i32
    %dma_wait3A_734 = tpu.memref_slice %arg14[%dma_wait3A_733] : memref<10240xf32, #tpu.memory_space<vmem>> -> memref<640xf32, #tpu.memory_space<vmem>>
    %dma_wait3A_735 = arith.constant 0 : i32
    %dma_wait3A_736 = tpu.memref_slice %arg8[%dma_wait3A_732, %arg1, %dma_wait3A_735] : memref<16x16x640xf32, #tpu.memory_space<vmem_shared>> -> memref<1x1x640xf32, #tpu.memory_space<vmem_shared>>
    %dma_wait3A_737 = tpu.memref_squeeze %dma_wait3A_736 : memref<1x1x640xf32, #tpu.memory_space<vmem_shared>> -> memref<640xf32, #tpu.memory_space<vmem_shared>>
    %dma_wait3A_738 = arith.constant 0 : i32
    %dma_wait3A_739 = tpu.memref_slice %arg8[%dma_wait3A_732, %arg1, %dma_wait3A_738] : memref<16x16x640xf32, #tpu.memory_space<vmem_shared>> -> memref<1x1x640xf32, #tpu.memory_space<vmem_shared>>
    %dma_wait3A_740 = tpu.memref_squeeze %dma_wait3A_739 : memref<1x1x640xf32, #tpu.memory_space<vmem_shared>> -> memref<640xf32, #tpu.memory_space<vmem_shared>>
    %dma_wait3A_741 = arith.constant 9600 : i32
    %dma_wait3A_742 = tpu.memref_slice %arg14[%dma_wait3A_741] : memref<10240xf32, #tpu.memory_space<vmem>> -> memref<640xf32, #tpu.memory_space<vmem>>
    tpu.wait_dma2 semaphore(%arg23 : memref<!tpu.dma_semaphore, #tpu.memory_space<semaphore_mem>>) src(%dma_wait3A_742 : memref<640xf32, #tpu.memory_space<vmem>>) dst(%dma_wait3A_740 : memref<640xf32, #tpu.memory_space<vmem_shared>>)
    %barrier3A_743 = arith.constant 0 : index
    tpu.barrier barrier_id(%barrier3A_743)
    "tpu.region"() ({
      %run_scoped3A = tpu.sem_alloc : memref<!tpu.dma_semaphore, #tpu.memory_space<semaphore_mem>>
      %dma_start3A_1143 = arith.constant 0 : i32
      %dma_start3A_1144 = arith.constant 0 : i32
      %dma_start3A_1145 = tpu.memref_slice %arg8[%arg1, %dma_start3A_1143, %dma_start3A_1144] : memref<16x16x640xf32, #tpu.memory_space<vmem_shared>> -> memref<1x16x640xf32, #tpu.memory_space<vmem_shared>>
      %dma_start3A_1146 = tpu.memref_squeeze %dma_start3A_1145 : memref<1x16x640xf32, #tpu.memory_space<vmem_shared>> -> memref<16x640xf32, #tpu.memory_space<vmem_shared>>
      %dma_start3A_1147 = arith.constant 0 : i32
      %dma_start3A_1148 = arith.constant 0 : i32
      %dma_start3A_1149 = tpu.memref_slice %arg8[%arg1, %dma_start3A_1147, %dma_start3A_1148] : memref<16x16x640xf32, #tpu.memory_space<vmem_shared>> -> memref<1x16x640xf32, #tpu.memory_space<vmem_shared>>
      %dma_start3A_1150 = tpu.memref_squeeze %dma_start3A_1149 : memref<1x16x640xf32, #tpu.memory_space<vmem_shared>> -> memref<16x640xf32, #tpu.memory_space<vmem_shared>>
      tpu.enqueue_dma source(%dma_start3A_1150 : memref<16x640xf32, #tpu.memory_space<vmem_shared>>) target(%arg15 : memref<16x640xf32, #tpu.memory_space<vmem>>) target_semaphore(%run_scoped3A : memref<!tpu.dma_semaphore, #tpu.memory_space<semaphore_mem>>)
      %dma_wait3A_1151 = arith.constant 0 : i32
      %dma_wait3A_1152 = arith.constant 0 : i32
      %dma_wait3A_1153 = tpu.memref_slice %arg8[%arg1, %dma_wait3A_1151, %dma_wait3A_1152] : memref<16x16x640xf32, #tpu.memory_space<vmem_shared>> -> memref<1x16x640xf32, #tpu.memory_space<vmem_shared>>
      %dma_wait3A_1154 = tpu.memref_squeeze %dma_wait3A_1153 : memref<1x16x640xf32, #tpu.memory_space<vmem_shared>> -> memref<16x640xf32, #tpu.memory_space<vmem_shared>>
      %dma_wait3A_1155 = arith.constant 0 : i32
      %dma_wait3A_1156 = arith.constant 0 : i32
      %dma_wait3A_1157 = tpu.memref_slice %arg8[%arg1, %dma_wait3A_1155, %dma_wait3A_1156] : memref<16x16x640xf32, #tpu.memory_space<vmem_shared>> -> memref<1x16x640xf32, #tpu.memory_space<vmem_shared>>
      %dma_wait3A_1158 = tpu.memref_squeeze %dma_wait3A_1157 : memref<1x16x640xf32, #tpu.memory_space<vmem_shared>> -> memref<16x640xf32, #tpu.memory_space<vmem_shared>>
      tpu.wait_dma2 semaphore(%run_scoped3A : memref<!tpu.dma_semaphore, #tpu.memory_space<semaphore_mem>>) src(%dma_wait3A_1158 : memref<16x640xf32, #tpu.memory_space<vmem_shared>>) dst(%arg15 : memref<16x640xf32, #tpu.memory_space<vmem>>)
      tpu.yield
    }) : () -> ()
    %get3A_744 = arith.constant 0 : index
    %get3A_745 = tpu.vector_load %arg18[%get3A_744] {strides = array<i32>} : memref<16xf32, #tpu.memory_space<vmem>>, vector<16xf32>,
    %slice3A_746 = vector.extract_strided_slice %get3A_745 {offsets = [1], sizes = [1], strides = [1]} : vector<16xf32> to vector<1xf32>
    %squeeze3A_747 = vector.extract %slice3A_746[0] : f32 from vector<1xf32>
    %slice3A_748 = vector.extract_strided_slice %get3A_745 {offsets = [2], sizes = [1], strides = [1]} : vector<16xf32> to vector<1xf32>
    %squeeze3A_749 = vector.extract %slice3A_748[0] : f32 from vector<1xf32>
    %slice3A_750 = vector.extract_strided_slice %get3A_745 {offsets = [3], sizes = [1], strides = [1]} : vector<16xf32> to vector<1xf32>
    %squeeze3A_751 = vector.extract %slice3A_750[0] : f32 from vector<1xf32>
    %parallel_loop3A_752 = arith.constant 0 : i32
    %parallel_loop3A_753 = arith.constant 40 : i32
    %parallel_loop3A_754 = arith.constant 1 : i32
    %parallel_loop3A_755 = scf.for %parallel_loop3A_1143 = %parallel_loop3A_752 to %parallel_loop3A_753 step %parallel_loop3A_754 iter_args(%parallel_loop3A_1144 = %broadcast_in_dim3A_11) -> (vector<16xf32>)  : i32 {
      %parallel_loop3A_1145 = arith.constant 16 : i32
      %parallel_loop3A_1146 = arith.muli %parallel_loop3A_1143, %parallel_loop3A_1145 : i32
      %parallel_loop3A_1147 = arith.constant 0 : i32
      %parallel_loop3A_1148 = arith.index_cast %parallel_loop3A_1147 : i32 to index
      %parallel_loop3A_1149 = arith.index_cast %parallel_loop3A_1146 : i32 to index
      %parallel_loop3A_1150 = tpu.vector_load %arg15[%parallel_loop3A_1148, %parallel_loop3A_1149] {strides = array<i32>} : memref<16x640xf32, #tpu.memory_space<vmem>>, vector<16xf32>,
      %parallel_loop3A_1151 = arith.constant 1 : i32
      %parallel_loop3A_1152 = arith.index_cast %parallel_loop3A_1151 : i32 to index
      %parallel_loop3A_1153 = arith.index_cast %parallel_loop3A_1146 : i32 to index
      %parallel_loop3A_1154 = tpu.vector_load %arg15[%parallel_loop3A_1152, %parallel_loop3A_1153] {strides = array<i32>} : memref<16x640xf32, #tpu.memory_space<vmem>>, vector<16xf32>,
      %parallel_loop3A_1155 = arith.addf %parallel_loop3A_1150, %parallel_loop3A_1154 : vector<16xf32>
      %parallel_loop3A_1156 = arith.constant 2 : i32
      %parallel_loop3A_1157 = arith.index_cast %parallel_loop3A_1156 : i32 to index
      %parallel_loop3A_1158 = arith.index_cast %parallel_loop3A_1146 : i32 to index
      %parallel_loop3A_1159 = tpu.vector_load %arg15[%parallel_loop3A_1157, %parallel_loop3A_1158] {strides = array<i32>} : memref<16x640xf32, #tpu.memory_space<vmem>>, vector<16xf32>,
      %parallel_loop3A_1160 = arith.addf %parallel_loop3A_1155, %parallel_loop3A_1159 : vector<16xf32>
      %parallel_loop3A_1161 = arith.constant 3 : i32
      %parallel_loop3A_1162 = arith.index_cast %parallel_loop3A_1161 : i32 to index
      %parallel_loop3A_1163 = arith.index_cast %parallel_loop3A_1146 : i32 to index
      %parallel_loop3A_1164 = tpu.vector_load %arg15[%parallel_loop3A_1162, %parallel_loop3A_1163] {strides = array<i32>} : memref<16x640xf32, #tpu.memory_space<vmem>>, vector<16xf32>,
      %parallel_loop3A_1165 = arith.addf %parallel_loop3A_1160, %parallel_loop3A_1164 : vector<16xf32>
      %parallel_loop3A_1166 = arith.constant 4 : i32
      %parallel_loop3A_1167 = arith.index_cast %parallel_loop3A_1166 : i32 to index
      %parallel_loop3A_1168 = arith.index_cast %parallel_loop3A_1146 : i32 to index
      %parallel_loop3A_1169 = tpu.vector_load %arg15[%parallel_loop3A_1167, %parallel_loop3A_1168] {strides = array<i32>} : memref<16x640xf32, #tpu.memory_space<vmem>>, vector<16xf32>,
      %parallel_loop3A_1170 = arith.addf %parallel_loop3A_1165, %parallel_loop3A_1169 : vector<16xf32>
      %parallel_loop3A_1171 = arith.constant 5 : i32
      %parallel_loop3A_1172 = arith.index_cast %parallel_loop3A_1171 : i32 to index
      %parallel_loop3A_1173 = arith.index_cast %parallel_loop3A_1146 : i32 to index
      %parallel_loop3A_1174 = tpu.vector_load %arg15[%parallel_loop3A_1172, %parallel_loop3A_1173] {strides = array<i32>} : memref<16x640xf32, #tpu.memory_space<vmem>>, vector<16xf32>,
      %parallel_loop3A_1175 = arith.addf %parallel_loop3A_1170, %parallel_loop3A_1174 : vector<16xf32>
      %parallel_loop3A_1176 = arith.constant 6 : i32
      %parallel_loop3A_1177 = arith.index_cast %parallel_loop3A_1176 : i32 to index
      %parallel_loop3A_1178 = arith.index_cast %parallel_loop3A_1146 : i32 to index
      %parallel_loop3A_1179 = tpu.vector_load %arg15[%parallel_loop3A_1177, %parallel_loop3A_1178] {strides = array<i32>} : memref<16x640xf32, #tpu.memory_space<vmem>>, vector<16xf32>,
      %parallel_loop3A_1180 = arith.addf %parallel_loop3A_1175, %parallel_loop3A_1179 : vector<16xf32>
      %parallel_loop3A_1181 = arith.constant 7 : i32
      %parallel_loop3A_1182 = arith.index_cast %parallel_loop3A_1181 : i32 to index
      %parallel_loop3A_1183 = arith.index_cast %parallel_loop3A_1146 : i32 to index
      %parallel_loop3A_1184 = tpu.vector_load %arg15[%parallel_loop3A_1182, %parallel_loop3A_1183] {strides = array<i32>} : memref<16x640xf32, #tpu.memory_space<vmem>>, vector<16xf32>,
      %parallel_loop3A_1185 = arith.addf %parallel_loop3A_1180, %parallel_loop3A_1184 : vector<16xf32>
      %parallel_loop3A_1186 = arith.constant 8 : i32
      %parallel_loop3A_1187 = arith.index_cast %parallel_loop3A_1186 : i32 to index
      %parallel_loop3A_1188 = arith.index_cast %parallel_loop3A_1146 : i32 to index
      %parallel_loop3A_1189 = tpu.vector_load %arg15[%parallel_loop3A_1187, %parallel_loop3A_1188] {strides = array<i32>} : memref<16x640xf32, #tpu.memory_space<vmem>>, vector<16xf32>,
      %parallel_loop3A_1190 = arith.addf %parallel_loop3A_1185, %parallel_loop3A_1189 : vector<16xf32>
      %parallel_loop3A_1191 = arith.constant 9 : i32
      %parallel_loop3A_1192 = arith.index_cast %parallel_loop3A_1191 : i32 to index
      %parallel_loop3A_1193 = arith.index_cast %parallel_loop3A_1146 : i32 to index
      %parallel_loop3A_1194 = tpu.vector_load %arg15[%parallel_loop3A_1192, %parallel_loop3A_1193] {strides = array<i32>} : memref<16x640xf32, #tpu.memory_space<vmem>>, vector<16xf32>,
      %parallel_loop3A_1195 = arith.addf %parallel_loop3A_1190, %parallel_loop3A_1194 : vector<16xf32>
      %parallel_loop3A_1196 = arith.constant 10 : i32
      %parallel_loop3A_1197 = arith.index_cast %parallel_loop3A_1196 : i32 to index
      %parallel_loop3A_1198 = arith.index_cast %parallel_loop3A_1146 : i32 to index
      %parallel_loop3A_1199 = tpu.vector_load %arg15[%parallel_loop3A_1197, %parallel_loop3A_1198] {strides = array<i32>} : memref<16x640xf32, #tpu.memory_space<vmem>>, vector<16xf32>,
      %parallel_loop3A_1200 = arith.addf %parallel_loop3A_1195, %parallel_loop3A_1199 : vector<16xf32>
      %parallel_loop3A_1201 = arith.constant 11 : i32
      %parallel_loop3A_1202 = arith.index_cast %parallel_loop3A_1201 : i32 to index
      %parallel_loop3A_1203 = arith.index_cast %parallel_loop3A_1146 : i32 to index
      %parallel_loop3A_1204 = tpu.vector_load %arg15[%parallel_loop3A_1202, %parallel_loop3A_1203] {strides = array<i32>} : memref<16x640xf32, #tpu.memory_space<vmem>>, vector<16xf32>,
      %parallel_loop3A_1205 = arith.addf %parallel_loop3A_1200, %parallel_loop3A_1204 : vector<16xf32>
      %parallel_loop3A_1206 = arith.constant 12 : i32
      %parallel_loop3A_1207 = arith.index_cast %parallel_loop3A_1206 : i32 to index
      %parallel_loop3A_1208 = arith.index_cast %parallel_loop3A_1146 : i32 to index
      %parallel_loop3A_1209 = tpu.vector_load %arg15[%parallel_loop3A_1207, %parallel_loop3A_1208] {strides = array<i32>} : memref<16x640xf32, #tpu.memory_space<vmem>>, vector<16xf32>,
      %parallel_loop3A_1210 = arith.addf %parallel_loop3A_1205, %parallel_loop3A_1209 : vector<16xf32>
      %parallel_loop3A_1211 = arith.constant 13 : i32
      %parallel_loop3A_1212 = arith.index_cast %parallel_loop3A_1211 : i32 to index
      %parallel_loop3A_1213 = arith.index_cast %parallel_loop3A_1146 : i32 to index
      %parallel_loop3A_1214 = tpu.vector_load %arg15[%parallel_loop3A_1212, %parallel_loop3A_1213] {strides = array<i32>} : memref<16x640xf32, #tpu.memory_space<vmem>>, vector<16xf32>,
      %parallel_loop3A_1215 = arith.addf %parallel_loop3A_1210, %parallel_loop3A_1214 : vector<16xf32>
      %parallel_loop3A_1216 = arith.constant 14 : i32
      %parallel_loop3A_1217 = arith.index_cast %parallel_loop3A_1216 : i32 to index
      %parallel_loop3A_1218 = arith.index_cast %parallel_loop3A_1146 : i32 to index
      %parallel_loop3A_1219 = tpu.vector_load %arg15[%parallel_loop3A_1217, %parallel_loop3A_1218] {strides = array<i32>} : memref<16x640xf32, #tpu.memory_space<vmem>>, vector<16xf32>,
      %parallel_loop3A_1220 = arith.addf %parallel_loop3A_1215, %parallel_loop3A_1219 : vector<16xf32>
      %parallel_loop3A_1221 = arith.constant 15 : i32
      %parallel_loop3A_1222 = arith.index_cast %parallel_loop3A_1221 : i32 to index
      %parallel_loop3A_1223 = arith.index_cast %parallel_loop3A_1146 : i32 to index
      %parallel_loop3A_1224 = tpu.vector_load %arg15[%parallel_loop3A_1222, %parallel_loop3A_1223] {strides = array<i32>} : memref<16x640xf32, #tpu.memory_space<vmem>>, vector<16xf32>,
      %parallel_loop3A_1225 = arith.addf %parallel_loop3A_1220, %parallel_loop3A_1224 : vector<16xf32>
      %parallel_loop3A_1226 = vector.broadcast %squeeze3A_747 : f32 to vector<16xf32>
      %parallel_loop3A_1227 = arith.mulf %parallel_loop3A_1226, %parallel_loop3A_1225 : vector<16xf32>
      %parallel_loop3A_1228 = vector.broadcast %squeeze3A_749 : f32 to vector<16xf32>
      %parallel_loop3A_1229 = arith.addf %parallel_loop3A_1227, %parallel_loop3A_1228 : vector<16xf32>
      %parallel_loop3A_1230 = arith.addi %mul3A_0, %parallel_loop3A_1146 : i32
      %parallel_loop3A_1231 = arith.index_cast %parallel_loop3A_1230 : i32 to index
      %parallel_loop3A_1232 = tpu.vector_load %arg13[%parallel_loop3A_1231] {strides = array<i32>} : memref<10240xf32, #tpu.memory_space<vmem>>, vector<16xf32>,
      %parallel_loop3A_1233 = vector.broadcast %squeeze3A_751 : f32 to vector<16xf32>
      %parallel_loop3A_1234 = arith.mulf %parallel_loop3A_1233, %parallel_loop3A_1232 : vector<16xf32>
      %parallel_loop3A_1235 = arith.addf %parallel_loop3A_1229, %parallel_loop3A_1234 : vector<16xf32>
      %parallel_loop3A_1236 = arith.constant 0.000000e+00 : f32
      %parallel_loop3A_1237 = vector.broadcast %parallel_loop3A_1236 : f32 to vector<16xf32>
      %parallel_loop3A_1238 = arith.maximumf %parallel_loop3A_1235, %parallel_loop3A_1237 : vector<16xf32>
      %parallel_loop3A_1239 = arith.addi %mul3A_0, %parallel_loop3A_1146 : i32
      %parallel_loop3A_1240 = vector.broadcast %parallel_loop3A_1239 : i32 to vector<16xi32>
      %parallel_loop3A_1241 = arith.addi %parallel_loop3A_1240, %iota3A : vector<16xi32>
      %parallel_loop3A_1242 = arith.constant 10000 : i32
      %parallel_loop3A_1243 = vector.broadcast %parallel_loop3A_1242 : i32 to vector<16xi32>
      %parallel_loop3A_1244 = arith.cmpi slt, %parallel_loop3A_1241, %parallel_loop3A_1243 : vector<16xi32>
      %parallel_loop3A_1245 = arith.constant 0.000000e+00 : f32
      %parallel_loop3A_1246 = vector.broadcast %parallel_loop3A_1245 : f32 to vector<16xf32>
      %parallel_loop3A_1247 = arith.select %parallel_loop3A_1244, %parallel_loop3A_1238, %parallel_loop3A_1246 : vector<16xi1>, vector<16xf32>
      %parallel_loop3A_1248 = arith.index_cast %parallel_loop3A_1146 : i32 to index
      %parallel_loop3A_1249 = tpu.vector_load %arg16[%parallel_loop3A_1248] {strides = array<i32>} : memref<640xf32, #tpu.memory_space<vmem>>, vector<16xf32>,
      tpu.vector_store %arg16[%parallel_loop3A_1248], %parallel_loop3A_1247 {strides = array<i32>} : memref<640xf32, #tpu.memory_space<vmem>>, vector<16xf32>,
      %parallel_loop3A_1250 = arith.addf %parallel_loop3A_1144, %parallel_loop3A_1247 : vector<16xf32>
      scf.yield %parallel_loop3A_1250 : vector<16xf32>
    } {sc.loop_unroll_factor = 4 : i64, sc.parallel_access}
    %swap3A_756 = arith.constant 0 : index
    %swap3A_757 = tpu.vector_load %arg19[%swap3A_756] {strides = array<i32>} : memref<16xf32, #tpu.memory_space<vmem>>, vector<16xf32>,
    tpu.vector_store %arg19[%swap3A_756], %parallel_loop3A_755 {strides = array<i32>} : memref<16xf32, #tpu.memory_space<vmem>>, vector<16xf32>,
    "tpu.region"() ({
      %run_scoped3A = tpu.sem_alloc : memref<!tpu.dma_semaphore, #tpu.memory_space<semaphore_mem>>
      %dma_start3A_1143 = tpu.memref_slice %arg9[%mul3A_0] : memref<10240xf32, #tpu.memory_space<vmem_shared>> -> memref<640xf32, #tpu.memory_space<vmem_shared>>
      %dma_start3A_1144 = tpu.memref_slice %arg9[%mul3A_0] : memref<10240xf32, #tpu.memory_space<vmem_shared>> -> memref<640xf32, #tpu.memory_space<vmem_shared>>
      tpu.enqueue_dma source(%arg16 : memref<640xf32, #tpu.memory_space<vmem>>) target(%dma_start3A_1144 : memref<640xf32, #tpu.memory_space<vmem_shared>>) target_semaphore(%run_scoped3A : memref<!tpu.dma_semaphore, #tpu.memory_space<semaphore_mem>>)
      %dma_wait3A_1145 = tpu.memref_slice %arg9[%mul3A_0] : memref<10240xf32, #tpu.memory_space<vmem_shared>> -> memref<640xf32, #tpu.memory_space<vmem_shared>>
      %dma_wait3A_1146 = tpu.memref_slice %arg9[%mul3A_0] : memref<10240xf32, #tpu.memory_space<vmem_shared>> -> memref<640xf32, #tpu.memory_space<vmem_shared>>
      tpu.wait_dma2 semaphore(%run_scoped3A : memref<!tpu.dma_semaphore, #tpu.memory_space<semaphore_mem>>) src(%arg16 : memref<640xf32, #tpu.memory_space<vmem>>) dst(%dma_wait3A_1146 : memref<640xf32, #tpu.memory_space<vmem_shared>>)
      tpu.yield
    }) : () -> ()
    %add3A_758 = arith.constant 16 : i32
    %add3A_759 = arith.addi %add3A_758, %arg1 : i32
    %mul3A_760 = arith.constant 16 : i32
    %mul3A_761 = arith.muli %add3A_759, %mul3A_760 : i32
    "tpu.region"() ({
      %run_scoped3A = tpu.sem_alloc : memref<!tpu.dma_semaphore, #tpu.memory_space<semaphore_mem>>
      %dma_start3A_1143 = tpu.memref_slice %arg10[%mul3A_761] : memref<768xf32, #tpu.memory_space<vmem_shared>> -> memref<16xf32, #tpu.memory_space<vmem_shared>>
      %dma_start3A_1144 = tpu.memref_slice %arg10[%mul3A_761] : memref<768xf32, #tpu.memory_space<vmem_shared>> -> memref<16xf32, #tpu.memory_space<vmem_shared>>
      tpu.enqueue_dma source(%arg19 : memref<16xf32, #tpu.memory_space<vmem>>) target(%dma_start3A_1144 : memref<16xf32, #tpu.memory_space<vmem_shared>>) target_semaphore(%run_scoped3A : memref<!tpu.dma_semaphore, #tpu.memory_space<semaphore_mem>>)
      %dma_wait3A_1145 = tpu.memref_slice %arg10[%mul3A_761] : memref<768xf32, #tpu.memory_space<vmem_shared>> -> memref<16xf32, #tpu.memory_space<vmem_shared>>
      %dma_wait3A_1146 = tpu.memref_slice %arg10[%mul3A_761] : memref<768xf32, #tpu.memory_space<vmem_shared>> -> memref<16xf32, #tpu.memory_space<vmem_shared>>
      tpu.wait_dma2 semaphore(%run_scoped3A : memref<!tpu.dma_semaphore, #tpu.memory_space<semaphore_mem>>) src(%arg19 : memref<16xf32, #tpu.memory_space<vmem>>) dst(%dma_wait3A_1146 : memref<16xf32, #tpu.memory_space<vmem_shared>>)
      tpu.yield
    }) : () -> ()
    %barrier3A_762 = arith.constant 0 : index
    tpu.barrier barrier_id(%barrier3A_762)
    tpu.enqueue_dma source(%arg9 : memref<10240xf32, #tpu.memory_space<vmem_shared>>) target(%arg13 : memref<10240xf32, #tpu.memory_space<vmem>>) target_semaphore(%arg23 : memref<!tpu.dma_semaphore, #tpu.memory_space<semaphore_mem>>)
    %parallel_loop3A_763 = arith.constant 0 : i32
    %parallel_loop3A_764 = arith.constant 80 : i32
    %parallel_loop3A_765 = arith.constant 1 : i32
    scf.for %parallel_loop3A_1143 = %parallel_loop3A_763 to %parallel_loop3A_764 step %parallel_loop3A_765  : i32 {
      %parallel_loop3A_1144 = arith.constant 128 : i32
      %parallel_loop3A_1145 = arith.muli %parallel_loop3A_1143, %parallel_loop3A_1144 : i32
      %parallel_loop3A_1146 = arith.constant 0 : i32
      %parallel_loop3A_1147 = arith.addi %parallel_loop3A_1145, %parallel_loop3A_1146 : i32
      %parallel_loop3A_1148 = arith.index_cast %parallel_loop3A_1147 : i32 to index
      %parallel_loop3A_1149 = tpu.vector_load %arg14[%parallel_loop3A_1148] {strides = array<i32>} : memref<10240xf32, #tpu.memory_space<vmem>>, vector<16xf32>,
      tpu.vector_store %arg14[%parallel_loop3A_1148], %broadcast_in_dim3A_11 {strides = array<i32>} : memref<10240xf32, #tpu.memory_space<vmem>>, vector<16xf32>,
      %parallel_loop3A_1150 = arith.constant 16 : i32
      %parallel_loop3A_1151 = arith.addi %parallel_loop3A_1145, %parallel_loop3A_1150 : i32
      %parallel_loop3A_1152 = arith.index_cast %parallel_loop3A_1151 : i32 to index
      %parallel_loop3A_1153 = tpu.vector_load %arg14[%parallel_loop3A_1152] {strides = array<i32>} : memref<10240xf32, #tpu.memory_space<vmem>>, vector<16xf32>,
      tpu.vector_store %arg14[%parallel_loop3A_1152], %broadcast_in_dim3A_11 {strides = array<i32>} : memref<10240xf32, #tpu.memory_space<vmem>>, vector<16xf32>,
      %parallel_loop3A_1154 = arith.constant 32 : i32
      %parallel_loop3A_1155 = arith.addi %parallel_loop3A_1145, %parallel_loop3A_1154 : i32
      %parallel_loop3A_1156 = arith.index_cast %parallel_loop3A_1155 : i32 to index
      %parallel_loop3A_1157 = tpu.vector_load %arg14[%parallel_loop3A_1156] {strides = array<i32>} : memref<10240xf32, #tpu.memory_space<vmem>>, vector<16xf32>,
      tpu.vector_store %arg14[%parallel_loop3A_1156], %broadcast_in_dim3A_11 {strides = array<i32>} : memref<10240xf32, #tpu.memory_space<vmem>>, vector<16xf32>,
      %parallel_loop3A_1158 = arith.constant 48 : i32
      %parallel_loop3A_1159 = arith.addi %parallel_loop3A_1145, %parallel_loop3A_1158 : i32
      %parallel_loop3A_1160 = arith.index_cast %parallel_loop3A_1159 : i32 to index
      %parallel_loop3A_1161 = tpu.vector_load %arg14[%parallel_loop3A_1160] {strides = array<i32>} : memref<10240xf32, #tpu.memory_space<vmem>>, vector<16xf32>,
      tpu.vector_store %arg14[%parallel_loop3A_1160], %broadcast_in_dim3A_11 {strides = array<i32>} : memref<10240xf32, #tpu.memory_space<vmem>>, vector<16xf32>,
      %parallel_loop3A_1162 = arith.constant 64 : i32
      %parallel_loop3A_1163 = arith.addi %parallel_loop3A_1145, %parallel_loop3A_1162 : i32
      %parallel_loop3A_1164 = arith.index_cast %parallel_loop3A_1163 : i32 to index
      %parallel_loop3A_1165 = tpu.vector_load %arg14[%parallel_loop3A_1164] {strides = array<i32>} : memref<10240xf32, #tpu.memory_space<vmem>>, vector<16xf32>,
      tpu.vector_store %arg14[%parallel_loop3A_1164], %broadcast_in_dim3A_11 {strides = array<i32>} : memref<10240xf32, #tpu.memory_space<vmem>>, vector<16xf32>,
      %parallel_loop3A_1166 = arith.constant 80 : i32
      %parallel_loop3A_1167 = arith.addi %parallel_loop3A_1145, %parallel_loop3A_1166 : i32
      %parallel_loop3A_1168 = arith.index_cast %parallel_loop3A_1167 : i32 to index
      %parallel_loop3A_1169 = tpu.vector_load %arg14[%parallel_loop3A_1168] {strides = array<i32>} : memref<10240xf32, #tpu.memory_space<vmem>>, vector<16xf32>,
      tpu.vector_store %arg14[%parallel_loop3A_1168], %broadcast_in_dim3A_11 {strides = array<i32>} : memref<10240xf32, #tpu.memory_space<vmem>>, vector<16xf32>,
      %parallel_loop3A_1170 = arith.constant 96 : i32
      %parallel_loop3A_1171 = arith.addi %parallel_loop3A_1145, %parallel_loop3A_1170 : i32
      %parallel_loop3A_1172 = arith.index_cast %parallel_loop3A_1171 : i32 to index
      %parallel_loop3A_1173 = tpu.vector_load %arg14[%parallel_loop3A_1172] {strides = array<i32>} : memref<10240xf32, #tpu.memory_space<vmem>>, vector<16xf32>,
      tpu.vector_store %arg14[%parallel_loop3A_1172], %broadcast_in_dim3A_11 {strides = array<i32>} : memref<10240xf32, #tpu.memory_space<vmem>>, vector<16xf32>,
      %parallel_loop3A_1174 = arith.constant 112 : i32
      %parallel_loop3A_1175 = arith.addi %parallel_loop3A_1145, %parallel_loop3A_1174 : i32
      %parallel_loop3A_1176 = arith.index_cast %parallel_loop3A_1175 : i32 to index
      %parallel_loop3A_1177 = tpu.vector_load %arg14[%parallel_loop3A_1176] {strides = array<i32>} : memref<10240xf32, #tpu.memory_space<vmem>>, vector<16xf32>,
      tpu.vector_store %arg14[%parallel_loop3A_1176], %broadcast_in_dim3A_11 {strides = array<i32>} : memref<10240xf32, #tpu.memory_space<vmem>>, vector<16xf32>,
    } {sc.loop_unroll_factor = 4 : i64, sc.parallel_access}
    tpu.wait_dma2 semaphore(%arg23 : memref<!tpu.dma_semaphore, #tpu.memory_space<semaphore_mem>>) src(%arg9 : memref<10240xf32, #tpu.memory_space<vmem_shared>>) dst(%arg13 : memref<10240xf32, #tpu.memory_space<vmem>>)
    %parallel_loop3A_766 = arith.constant 0 : i32
    %parallel_loop3A_767 = arith.constant 1250 : i32
    %parallel_loop3A_768 = arith.constant 1 : i32
    scf.for %parallel_loop3A_1143 = %parallel_loop3A_766 to %parallel_loop3A_767 step %parallel_loop3A_768  : i32 {
      %parallel_loop3A_1144 = arith.constant 16 : i32
      %parallel_loop3A_1145 = arith.muli %parallel_loop3A_1143, %parallel_loop3A_1144 : i32
      %parallel_loop3A_1146 = arith.index_cast %parallel_loop3A_1145 : i32 to index
      %parallel_loop3A_1147 = tpu.vector_load %arg11[%parallel_loop3A_1146] {strides = array<i32>} : memref<20000xi32, #tpu.memory_space<vmem>>, vector<16xi32>,
      %parallel_loop3A_1148 = arith.index_cast %parallel_loop3A_1145 : i32 to index
      %parallel_loop3A_1149 = tpu.vector_load %arg12[%parallel_loop3A_1148] {strides = array<i32>} : memref<20000xi32, #tpu.memory_space<vmem>>, vector<16xi32>,
      %parallel_loop3A_1150 = tpu.vector_load_idx %arg13[%parallel_loop3A_1147] : memref<10240xf32, #tpu.memory_space<vmem>>[vector<16xi32>], vector<16xf32>,
      tpu.vector_store_idx %arg14[%parallel_loop3A_1149], %parallel_loop3A_1150 {add = true} : memref<10240xf32, #tpu.memory_space<vmem>>[vector<16xi32>], vector<16xf32>,
    } {sc.loop_unroll_factor = 25 : i64, sc.parallel_access}
    %dma_start3A_769 = arith.constant 0 : i32
    %dma_start3A_770 = arith.constant 0 : i32
    %dma_start3A_771 = tpu.memref_slice %arg14[%dma_start3A_770] : memref<10240xf32, #tpu.memory_space<vmem>> -> memref<640xf32, #tpu.memory_space<vmem>>
    %dma_start3A_772 = arith.constant 0 : i32
    %dma_start3A_773 = tpu.memref_slice %arg8[%dma_start3A_769, %arg1, %dma_start3A_772] : memref<16x16x640xf32, #tpu.memory_space<vmem_shared>> -> memref<1x1x640xf32, #tpu.memory_space<vmem_shared>>
    %dma_start3A_774 = tpu.memref_squeeze %dma_start3A_773 : memref<1x1x640xf32, #tpu.memory_space<vmem_shared>> -> memref<640xf32, #tpu.memory_space<vmem_shared>>
    %dma_start3A_775 = arith.constant 0 : i32
    %dma_start3A_776 = tpu.memref_slice %arg8[%dma_start3A_769, %arg1, %dma_start3A_775] : memref<16x16x640xf32, #tpu.memory_space<vmem_shared>> -> memref<1x1x640xf32, #tpu.memory_space<vmem_shared>>
    %dma_start3A_777 = tpu.memref_squeeze %dma_start3A_776 : memref<1x1x640xf32, #tpu.memory_space<vmem_shared>> -> memref<640xf32, #tpu.memory_space<vmem_shared>>
    %dma_start3A_778 = arith.constant 0 : i32
    %dma_start3A_779 = tpu.memref_slice %arg14[%dma_start3A_778] : memref<10240xf32, #tpu.memory_space<vmem>> -> memref<640xf32, #tpu.memory_space<vmem>>
    tpu.enqueue_dma source(%dma_start3A_779 : memref<640xf32, #tpu.memory_space<vmem>>) target(%dma_start3A_777 : memref<640xf32, #tpu.memory_space<vmem_shared>>) target_semaphore(%arg23 : memref<!tpu.dma_semaphore, #tpu.memory_space<semaphore_mem>>)
    %dma_start3A_780 = arith.constant 1 : i32
    %dma_start3A_781 = arith.constant 640 : i32
    %dma_start3A_782 = tpu.memref_slice %arg14[%dma_start3A_781] : memref<10240xf32, #tpu.memory_space<vmem>> -> memref<640xf32, #tpu.memory_space<vmem>>
    %dma_start3A_783 = arith.constant 0 : i32
    %dma_start3A_784 = tpu.memref_slice %arg8[%dma_start3A_780, %arg1, %dma_start3A_783] : memref<16x16x640xf32, #tpu.memory_space<vmem_shared>> -> memref<1x1x640xf32, #tpu.memory_space<vmem_shared>>
    %dma_start3A_785 = tpu.memref_squeeze %dma_start3A_784 : memref<1x1x640xf32, #tpu.memory_space<vmem_shared>> -> memref<640xf32, #tpu.memory_space<vmem_shared>>
    %dma_start3A_786 = arith.constant 0 : i32
    %dma_start3A_787 = tpu.memref_slice %arg8[%dma_start3A_780, %arg1, %dma_start3A_786] : memref<16x16x640xf32, #tpu.memory_space<vmem_shared>> -> memref<1x1x640xf32, #tpu.memory_space<vmem_shared>>
    %dma_start3A_788 = tpu.memref_squeeze %dma_start3A_787 : memref<1x1x640xf32, #tpu.memory_space<vmem_shared>> -> memref<640xf32, #tpu.memory_space<vmem_shared>>
    %dma_start3A_789 = arith.constant 640 : i32
    %dma_start3A_790 = tpu.memref_slice %arg14[%dma_start3A_789] : memref<10240xf32, #tpu.memory_space<vmem>> -> memref<640xf32, #tpu.memory_space<vmem>>
    tpu.enqueue_dma source(%dma_start3A_790 : memref<640xf32, #tpu.memory_space<vmem>>) target(%dma_start3A_788 : memref<640xf32, #tpu.memory_space<vmem_shared>>) target_semaphore(%arg23 : memref<!tpu.dma_semaphore, #tpu.memory_space<semaphore_mem>>)
    %dma_start3A_791 = arith.constant 2 : i32
    %dma_start3A_792 = arith.constant 1280 : i32
    %dma_start3A_793 = tpu.memref_slice %arg14[%dma_start3A_792] : memref<10240xf32, #tpu.memory_space<vmem>> -> memref<640xf32, #tpu.memory_space<vmem>>
    %dma_start3A_794 = arith.constant 0 : i32
    %dma_start3A_795 = tpu.memref_slice %arg8[%dma_start3A_791, %arg1, %dma_start3A_794] : memref<16x16x640xf32, #tpu.memory_space<vmem_shared>> -> memref<1x1x640xf32, #tpu.memory_space<vmem_shared>>
    %dma_start3A_796 = tpu.memref_squeeze %dma_start3A_795 : memref<1x1x640xf32, #tpu.memory_space<vmem_shared>> -> memref<640xf32, #tpu.memory_space<vmem_shared>>
    %dma_start3A_797 = arith.constant 0 : i32
    %dma_start3A_798 = tpu.memref_slice %arg8[%dma_start3A_791, %arg1, %dma_start3A_797] : memref<16x16x640xf32, #tpu.memory_space<vmem_shared>> -> memref<1x1x640xf32, #tpu.memory_space<vmem_shared>>
    %dma_start3A_799 = tpu.memref_squeeze %dma_start3A_798 : memref<1x1x640xf32, #tpu.memory_space<vmem_shared>> -> memref<640xf32, #tpu.memory_space<vmem_shared>>
    %dma_start3A_800 = arith.constant 1280 : i32
    %dma_start3A_801 = tpu.memref_slice %arg14[%dma_start3A_800] : memref<10240xf32, #tpu.memory_space<vmem>> -> memref<640xf32, #tpu.memory_space<vmem>>
    tpu.enqueue_dma source(%dma_start3A_801 : memref<640xf32, #tpu.memory_space<vmem>>) target(%dma_start3A_799 : memref<640xf32, #tpu.memory_space<vmem_shared>>) target_semaphore(%arg23 : memref<!tpu.dma_semaphore, #tpu.memory_space<semaphore_mem>>)
    %dma_start3A_802 = arith.constant 3 : i32
    %dma_start3A_803 = arith.constant 1920 : i32
    %dma_start3A_804 = tpu.memref_slice %arg14[%dma_start3A_803] : memref<10240xf32, #tpu.memory_space<vmem>> -> memref<640xf32, #tpu.memory_space<vmem>>
    %dma_start3A_805 = arith.constant 0 : i32
    %dma_start3A_806 = tpu.memref_slice %arg8[%dma_start3A_802, %arg1, %dma_start3A_805] : memref<16x16x640xf32, #tpu.memory_space<vmem_shared>> -> memref<1x1x640xf32, #tpu.memory_space<vmem_shared>>
    %dma_start3A_807 = tpu.memref_squeeze %dma_start3A_806 : memref<1x1x640xf32, #tpu.memory_space<vmem_shared>> -> memref<640xf32, #tpu.memory_space<vmem_shared>>
    %dma_start3A_808 = arith.constant 0 : i32
    %dma_start3A_809 = tpu.memref_slice %arg8[%dma_start3A_802, %arg1, %dma_start3A_808] : memref<16x16x640xf32, #tpu.memory_space<vmem_shared>> -> memref<1x1x640xf32, #tpu.memory_space<vmem_shared>>
    %dma_start3A_810 = tpu.memref_squeeze %dma_start3A_809 : memref<1x1x640xf32, #tpu.memory_space<vmem_shared>> -> memref<640xf32, #tpu.memory_space<vmem_shared>>
    %dma_start3A_811 = arith.constant 1920 : i32
    %dma_start3A_812 = tpu.memref_slice %arg14[%dma_start3A_811] : memref<10240xf32, #tpu.memory_space<vmem>> -> memref<640xf32, #tpu.memory_space<vmem>>
    tpu.enqueue_dma source(%dma_start3A_812 : memref<640xf32, #tpu.memory_space<vmem>>) target(%dma_start3A_810 : memref<640xf32, #tpu.memory_space<vmem_shared>>) target_semaphore(%arg23 : memref<!tpu.dma_semaphore, #tpu.memory_space<semaphore_mem>>)
    %dma_start3A_813 = arith.constant 4 : i32
    %dma_start3A_814 = arith.constant 2560 : i32
    %dma_start3A_815 = tpu.memref_slice %arg14[%dma_start3A_814] : memref<10240xf32, #tpu.memory_space<vmem>> -> memref<640xf32, #tpu.memory_space<vmem>>
    %dma_start3A_816 = arith.constant 0 : i32
    %dma_start3A_817 = tpu.memref_slice %arg8[%dma_start3A_813, %arg1, %dma_start3A_816] : memref<16x16x640xf32, #tpu.memory_space<vmem_shared>> -> memref<1x1x640xf32, #tpu.memory_space<vmem_shared>>
    %dma_start3A_818 = tpu.memref_squeeze %dma_start3A_817 : memref<1x1x640xf32, #tpu.memory_space<vmem_shared>> -> memref<640xf32, #tpu.memory_space<vmem_shared>>
    %dma_start3A_819 = arith.constant 0 : i32
    %dma_start3A_820 = tpu.memref_slice %arg8[%dma_start3A_813, %arg1, %dma_start3A_819] : memref<16x16x640xf32, #tpu.memory_space<vmem_shared>> -> memref<1x1x640xf32, #tpu.memory_space<vmem_shared>>
    %dma_start3A_821 = tpu.memref_squeeze %dma_start3A_820 : memref<1x1x640xf32, #tpu.memory_space<vmem_shared>> -> memref<640xf32, #tpu.memory_space<vmem_shared>>
    %dma_start3A_822 = arith.constant 2560 : i32
    %dma_start3A_823 = tpu.memref_slice %arg14[%dma_start3A_822] : memref<10240xf32, #tpu.memory_space<vmem>> -> memref<640xf32, #tpu.memory_space<vmem>>
    tpu.enqueue_dma source(%dma_start3A_823 : memref<640xf32, #tpu.memory_space<vmem>>) target(%dma_start3A_821 : memref<640xf32, #tpu.memory_space<vmem_shared>>) target_semaphore(%arg23 : memref<!tpu.dma_semaphore, #tpu.memory_space<semaphore_mem>>)
    %dma_start3A_824 = arith.constant 5 : i32
    %dma_start3A_825 = arith.constant 3200 : i32
    %dma_start3A_826 = tpu.memref_slice %arg14[%dma_start3A_825] : memref<10240xf32, #tpu.memory_space<vmem>> -> memref<640xf32, #tpu.memory_space<vmem>>
    %dma_start3A_827 = arith.constant 0 : i32
    %dma_start3A_828 = tpu.memref_slice %arg8[%dma_start3A_824, %arg1, %dma_start3A_827] : memref<16x16x640xf32, #tpu.memory_space<vmem_shared>> -> memref<1x1x640xf32, #tpu.memory_space<vmem_shared>>
    %dma_start3A_829 = tpu.memref_squeeze %dma_start3A_828 : memref<1x1x640xf32, #tpu.memory_space<vmem_shared>> -> memref<640xf32, #tpu.memory_space<vmem_shared>>
    %dma_start3A_830 = arith.constant 0 : i32
    %dma_start3A_831 = tpu.memref_slice %arg8[%dma_start3A_824, %arg1, %dma_start3A_830] : memref<16x16x640xf32, #tpu.memory_space<vmem_shared>> -> memref<1x1x640xf32, #tpu.memory_space<vmem_shared>>
    %dma_start3A_832 = tpu.memref_squeeze %dma_start3A_831 : memref<1x1x640xf32, #tpu.memory_space<vmem_shared>> -> memref<640xf32, #tpu.memory_space<vmem_shared>>
    %dma_start3A_833 = arith.constant 3200 : i32
    %dma_start3A_834 = tpu.memref_slice %arg14[%dma_start3A_833] : memref<10240xf32, #tpu.memory_space<vmem>> -> memref<640xf32, #tpu.memory_space<vmem>>
    tpu.enqueue_dma source(%dma_start3A_834 : memref<640xf32, #tpu.memory_space<vmem>>) target(%dma_start3A_832 : memref<640xf32, #tpu.memory_space<vmem_shared>>) target_semaphore(%arg23 : memref<!tpu.dma_semaphore, #tpu.memory_space<semaphore_mem>>)
    %dma_start3A_835 = arith.constant 6 : i32
    %dma_start3A_836 = arith.constant 3840 : i32
    %dma_start3A_837 = tpu.memref_slice %arg14[%dma_start3A_836] : memref<10240xf32, #tpu.memory_space<vmem>> -> memref<640xf32, #tpu.memory_space<vmem>>
    %dma_start3A_838 = arith.constant 0 : i32
    %dma_start3A_839 = tpu.memref_slice %arg8[%dma_start3A_835, %arg1, %dma_start3A_838] : memref<16x16x640xf32, #tpu.memory_space<vmem_shared>> -> memref<1x1x640xf32, #tpu.memory_space<vmem_shared>>
    %dma_start3A_840 = tpu.memref_squeeze %dma_start3A_839 : memref<1x1x640xf32, #tpu.memory_space<vmem_shared>> -> memref<640xf32, #tpu.memory_space<vmem_shared>>
    %dma_start3A_841 = arith.constant 0 : i32
    %dma_start3A_842 = tpu.memref_slice %arg8[%dma_start3A_835, %arg1, %dma_start3A_841] : memref<16x16x640xf32, #tpu.memory_space<vmem_shared>> -> memref<1x1x640xf32, #tpu.memory_space<vmem_shared>>
    %dma_start3A_843 = tpu.memref_squeeze %dma_start3A_842 : memref<1x1x640xf32, #tpu.memory_space<vmem_shared>> -> memref<640xf32, #tpu.memory_space<vmem_shared>>
    %dma_start3A_844 = arith.constant 3840 : i32
    %dma_start3A_845 = tpu.memref_slice %arg14[%dma_start3A_844] : memref<10240xf32, #tpu.memory_space<vmem>> -> memref<640xf32, #tpu.memory_space<vmem>>
    tpu.enqueue_dma source(%dma_start3A_845 : memref<640xf32, #tpu.memory_space<vmem>>) target(%dma_start3A_843 : memref<640xf32, #tpu.memory_space<vmem_shared>>) target_semaphore(%arg23 : memref<!tpu.dma_semaphore, #tpu.memory_space<semaphore_mem>>)
    %dma_start3A_846 = arith.constant 7 : i32
    %dma_start3A_847 = arith.constant 4480 : i32
    %dma_start3A_848 = tpu.memref_slice %arg14[%dma_start3A_847] : memref<10240xf32, #tpu.memory_space<vmem>> -> memref<640xf32, #tpu.memory_space<vmem>>
    %dma_start3A_849 = arith.constant 0 : i32
    %dma_start3A_850 = tpu.memref_slice %arg8[%dma_start3A_846, %arg1, %dma_start3A_849] : memref<16x16x640xf32, #tpu.memory_space<vmem_shared>> -> memref<1x1x640xf32, #tpu.memory_space<vmem_shared>>
    %dma_start3A_851 = tpu.memref_squeeze %dma_start3A_850 : memref<1x1x640xf32, #tpu.memory_space<vmem_shared>> -> memref<640xf32, #tpu.memory_space<vmem_shared>>
    %dma_start3A_852 = arith.constant 0 : i32
    %dma_start3A_853 = tpu.memref_slice %arg8[%dma_start3A_846, %arg1, %dma_start3A_852] : memref<16x16x640xf32, #tpu.memory_space<vmem_shared>> -> memref<1x1x640xf32, #tpu.memory_space<vmem_shared>>
    %dma_start3A_854 = tpu.memref_squeeze %dma_start3A_853 : memref<1x1x640xf32, #tpu.memory_space<vmem_shared>> -> memref<640xf32, #tpu.memory_space<vmem_shared>>
    %dma_start3A_855 = arith.constant 4480 : i32
    %dma_start3A_856 = tpu.memref_slice %arg14[%dma_start3A_855] : memref<10240xf32, #tpu.memory_space<vmem>> -> memref<640xf32, #tpu.memory_space<vmem>>
    tpu.enqueue_dma source(%dma_start3A_856 : memref<640xf32, #tpu.memory_space<vmem>>) target(%dma_start3A_854 : memref<640xf32, #tpu.memory_space<vmem_shared>>) target_semaphore(%arg23 : memref<!tpu.dma_semaphore, #tpu.memory_space<semaphore_mem>>)
    %dma_start3A_857 = arith.constant 8 : i32
    %dma_start3A_858 = arith.constant 5120 : i32
    %dma_start3A_859 = tpu.memref_slice %arg14[%dma_start3A_858] : memref<10240xf32, #tpu.memory_space<vmem>> -> memref<640xf32, #tpu.memory_space<vmem>>
    %dma_start3A_860 = arith.constant 0 : i32
    %dma_start3A_861 = tpu.memref_slice %arg8[%dma_start3A_857, %arg1, %dma_start3A_860] : memref<16x16x640xf32, #tpu.memory_space<vmem_shared>> -> memref<1x1x640xf32, #tpu.memory_space<vmem_shared>>
    %dma_start3A_862 = tpu.memref_squeeze %dma_start3A_861 : memref<1x1x640xf32, #tpu.memory_space<vmem_shared>> -> memref<640xf32, #tpu.memory_space<vmem_shared>>
    %dma_start3A_863 = arith.constant 0 : i32
    %dma_start3A_864 = tpu.memref_slice %arg8[%dma_start3A_857, %arg1, %dma_start3A_863] : memref<16x16x640xf32, #tpu.memory_space<vmem_shared>> -> memref<1x1x640xf32, #tpu.memory_space<vmem_shared>>
    %dma_start3A_865 = tpu.memref_squeeze %dma_start3A_864 : memref<1x1x640xf32, #tpu.memory_space<vmem_shared>> -> memref<640xf32, #tpu.memory_space<vmem_shared>>
    %dma_start3A_866 = arith.constant 5120 : i32
    %dma_start3A_867 = tpu.memref_slice %arg14[%dma_start3A_866] : memref<10240xf32, #tpu.memory_space<vmem>> -> memref<640xf32, #tpu.memory_space<vmem>>
    tpu.enqueue_dma source(%dma_start3A_867 : memref<640xf32, #tpu.memory_space<vmem>>) target(%dma_start3A_865 : memref<640xf32, #tpu.memory_space<vmem_shared>>) target_semaphore(%arg23 : memref<!tpu.dma_semaphore, #tpu.memory_space<semaphore_mem>>)
    %dma_start3A_868 = arith.constant 9 : i32
    %dma_start3A_869 = arith.constant 5760 : i32
    %dma_start3A_870 = tpu.memref_slice %arg14[%dma_start3A_869] : memref<10240xf32, #tpu.memory_space<vmem>> -> memref<640xf32, #tpu.memory_space<vmem>>
    %dma_start3A_871 = arith.constant 0 : i32
    %dma_start3A_872 = tpu.memref_slice %arg8[%dma_start3A_868, %arg1, %dma_start3A_871] : memref<16x16x640xf32, #tpu.memory_space<vmem_shared>> -> memref<1x1x640xf32, #tpu.memory_space<vmem_shared>>
    %dma_start3A_873 = tpu.memref_squeeze %dma_start3A_872 : memref<1x1x640xf32, #tpu.memory_space<vmem_shared>> -> memref<640xf32, #tpu.memory_space<vmem_shared>>
    %dma_start3A_874 = arith.constant 0 : i32
    %dma_start3A_875 = tpu.memref_slice %arg8[%dma_start3A_868, %arg1, %dma_start3A_874] : memref<16x16x640xf32, #tpu.memory_space<vmem_shared>> -> memref<1x1x640xf32, #tpu.memory_space<vmem_shared>>
    %dma_start3A_876 = tpu.memref_squeeze %dma_start3A_875 : memref<1x1x640xf32, #tpu.memory_space<vmem_shared>> -> memref<640xf32, #tpu.memory_space<vmem_shared>>
    %dma_start3A_877 = arith.constant 5760 : i32
    %dma_start3A_878 = tpu.memref_slice %arg14[%dma_start3A_877] : memref<10240xf32, #tpu.memory_space<vmem>> -> memref<640xf32, #tpu.memory_space<vmem>>
    tpu.enqueue_dma source(%dma_start3A_878 : memref<640xf32, #tpu.memory_space<vmem>>) target(%dma_start3A_876 : memref<640xf32, #tpu.memory_space<vmem_shared>>) target_semaphore(%arg23 : memref<!tpu.dma_semaphore, #tpu.memory_space<semaphore_mem>>)
    %dma_start3A_879 = arith.constant 10 : i32
    %dma_start3A_880 = arith.constant 6400 : i32
    %dma_start3A_881 = tpu.memref_slice %arg14[%dma_start3A_880] : memref<10240xf32, #tpu.memory_space<vmem>> -> memref<640xf32, #tpu.memory_space<vmem>>
    %dma_start3A_882 = arith.constant 0 : i32
    %dma_start3A_883 = tpu.memref_slice %arg8[%dma_start3A_879, %arg1, %dma_start3A_882] : memref<16x16x640xf32, #tpu.memory_space<vmem_shared>> -> memref<1x1x640xf32, #tpu.memory_space<vmem_shared>>
    %dma_start3A_884 = tpu.memref_squeeze %dma_start3A_883 : memref<1x1x640xf32, #tpu.memory_space<vmem_shared>> -> memref<640xf32, #tpu.memory_space<vmem_shared>>
    %dma_start3A_885 = arith.constant 0 : i32
    %dma_start3A_886 = tpu.memref_slice %arg8[%dma_start3A_879, %arg1, %dma_start3A_885] : memref<16x16x640xf32, #tpu.memory_space<vmem_shared>> -> memref<1x1x640xf32, #tpu.memory_space<vmem_shared>>
    %dma_start3A_887 = tpu.memref_squeeze %dma_start3A_886 : memref<1x1x640xf32, #tpu.memory_space<vmem_shared>> -> memref<640xf32, #tpu.memory_space<vmem_shared>>
    %dma_start3A_888 = arith.constant 6400 : i32
    %dma_start3A_889 = tpu.memref_slice %arg14[%dma_start3A_888] : memref<10240xf32, #tpu.memory_space<vmem>> -> memref<640xf32, #tpu.memory_space<vmem>>
    tpu.enqueue_dma source(%dma_start3A_889 : memref<640xf32, #tpu.memory_space<vmem>>) target(%dma_start3A_887 : memref<640xf32, #tpu.memory_space<vmem_shared>>) target_semaphore(%arg23 : memref<!tpu.dma_semaphore, #tpu.memory_space<semaphore_mem>>)
    %dma_start3A_890 = arith.constant 11 : i32
    %dma_start3A_891 = arith.constant 7040 : i32
    %dma_start3A_892 = tpu.memref_slice %arg14[%dma_start3A_891] : memref<10240xf32, #tpu.memory_space<vmem>> -> memref<640xf32, #tpu.memory_space<vmem>>
    %dma_start3A_893 = arith.constant 0 : i32
    %dma_start3A_894 = tpu.memref_slice %arg8[%dma_start3A_890, %arg1, %dma_start3A_893] : memref<16x16x640xf32, #tpu.memory_space<vmem_shared>> -> memref<1x1x640xf32, #tpu.memory_space<vmem_shared>>
    %dma_start3A_895 = tpu.memref_squeeze %dma_start3A_894 : memref<1x1x640xf32, #tpu.memory_space<vmem_shared>> -> memref<640xf32, #tpu.memory_space<vmem_shared>>
    %dma_start3A_896 = arith.constant 0 : i32
    %dma_start3A_897 = tpu.memref_slice %arg8[%dma_start3A_890, %arg1, %dma_start3A_896] : memref<16x16x640xf32, #tpu.memory_space<vmem_shared>> -> memref<1x1x640xf32, #tpu.memory_space<vmem_shared>>
    %dma_start3A_898 = tpu.memref_squeeze %dma_start3A_897 : memref<1x1x640xf32, #tpu.memory_space<vmem_shared>> -> memref<640xf32, #tpu.memory_space<vmem_shared>>
    %dma_start3A_899 = arith.constant 7040 : i32
    %dma_start3A_900 = tpu.memref_slice %arg14[%dma_start3A_899] : memref<10240xf32, #tpu.memory_space<vmem>> -> memref<640xf32, #tpu.memory_space<vmem>>
    tpu.enqueue_dma source(%dma_start3A_900 : memref<640xf32, #tpu.memory_space<vmem>>) target(%dma_start3A_898 : memref<640xf32, #tpu.memory_space<vmem_shared>>) target_semaphore(%arg23 : memref<!tpu.dma_semaphore, #tpu.memory_space<semaphore_mem>>)
    %dma_start3A_901 = arith.constant 12 : i32
    %dma_start3A_902 = arith.constant 7680 : i32
    %dma_start3A_903 = tpu.memref_slice %arg14[%dma_start3A_902] : memref<10240xf32, #tpu.memory_space<vmem>> -> memref<640xf32, #tpu.memory_space<vmem>>
    %dma_start3A_904 = arith.constant 0 : i32
    %dma_start3A_905 = tpu.memref_slice %arg8[%dma_start3A_901, %arg1, %dma_start3A_904] : memref<16x16x640xf32, #tpu.memory_space<vmem_shared>> -> memref<1x1x640xf32, #tpu.memory_space<vmem_shared>>
    %dma_start3A_906 = tpu.memref_squeeze %dma_start3A_905 : memref<1x1x640xf32, #tpu.memory_space<vmem_shared>> -> memref<640xf32, #tpu.memory_space<vmem_shared>>
    %dma_start3A_907 = arith.constant 0 : i32
    %dma_start3A_908 = tpu.memref_slice %arg8[%dma_start3A_901, %arg1, %dma_start3A_907] : memref<16x16x640xf32, #tpu.memory_space<vmem_shared>> -> memref<1x1x640xf32, #tpu.memory_space<vmem_shared>>
    %dma_start3A_909 = tpu.memref_squeeze %dma_start3A_908 : memref<1x1x640xf32, #tpu.memory_space<vmem_shared>> -> memref<640xf32, #tpu.memory_space<vmem_shared>>
    %dma_start3A_910 = arith.constant 7680 : i32
    %dma_start3A_911 = tpu.memref_slice %arg14[%dma_start3A_910] : memref<10240xf32, #tpu.memory_space<vmem>> -> memref<640xf32, #tpu.memory_space<vmem>>
    tpu.enqueue_dma source(%dma_start3A_911 : memref<640xf32, #tpu.memory_space<vmem>>) target(%dma_start3A_909 : memref<640xf32, #tpu.memory_space<vmem_shared>>) target_semaphore(%arg23 : memref<!tpu.dma_semaphore, #tpu.memory_space<semaphore_mem>>)
    %dma_start3A_912 = arith.constant 13 : i32
    %dma_start3A_913 = arith.constant 8320 : i32
    %dma_start3A_914 = tpu.memref_slice %arg14[%dma_start3A_913] : memref<10240xf32, #tpu.memory_space<vmem>> -> memref<640xf32, #tpu.memory_space<vmem>>
    %dma_start3A_915 = arith.constant 0 : i32
    %dma_start3A_916 = tpu.memref_slice %arg8[%dma_start3A_912, %arg1, %dma_start3A_915] : memref<16x16x640xf32, #tpu.memory_space<vmem_shared>> -> memref<1x1x640xf32, #tpu.memory_space<vmem_shared>>
    %dma_start3A_917 = tpu.memref_squeeze %dma_start3A_916 : memref<1x1x640xf32, #tpu.memory_space<vmem_shared>> -> memref<640xf32, #tpu.memory_space<vmem_shared>>
    %dma_start3A_918 = arith.constant 0 : i32
    %dma_start3A_919 = tpu.memref_slice %arg8[%dma_start3A_912, %arg1, %dma_start3A_918] : memref<16x16x640xf32, #tpu.memory_space<vmem_shared>> -> memref<1x1x640xf32, #tpu.memory_space<vmem_shared>>
    %dma_start3A_920 = tpu.memref_squeeze %dma_start3A_919 : memref<1x1x640xf32, #tpu.memory_space<vmem_shared>> -> memref<640xf32, #tpu.memory_space<vmem_shared>>
    %dma_start3A_921 = arith.constant 8320 : i32
    %dma_start3A_922 = tpu.memref_slice %arg14[%dma_start3A_921] : memref<10240xf32, #tpu.memory_space<vmem>> -> memref<640xf32, #tpu.memory_space<vmem>>
    tpu.enqueue_dma source(%dma_start3A_922 : memref<640xf32, #tpu.memory_space<vmem>>) target(%dma_start3A_920 : memref<640xf32, #tpu.memory_space<vmem_shared>>) target_semaphore(%arg23 : memref<!tpu.dma_semaphore, #tpu.memory_space<semaphore_mem>>)
    %dma_start3A_923 = arith.constant 14 : i32
    %dma_start3A_924 = arith.constant 8960 : i32
    %dma_start3A_925 = tpu.memref_slice %arg14[%dma_start3A_924] : memref<10240xf32, #tpu.memory_space<vmem>> -> memref<640xf32, #tpu.memory_space<vmem>>
    %dma_start3A_926 = arith.constant 0 : i32
    %dma_start3A_927 = tpu.memref_slice %arg8[%dma_start3A_923, %arg1, %dma_start3A_926] : memref<16x16x640xf32, #tpu.memory_space<vmem_shared>> -> memref<1x1x640xf32, #tpu.memory_space<vmem_shared>>
    %dma_start3A_928 = tpu.memref_squeeze %dma_start3A_927 : memref<1x1x640xf32, #tpu.memory_space<vmem_shared>> -> memref<640xf32, #tpu.memory_space<vmem_shared>>
    %dma_start3A_929 = arith.constant 0 : i32
    %dma_start3A_930 = tpu.memref_slice %arg8[%dma_start3A_923, %arg1, %dma_start3A_929] : memref<16x16x640xf32, #tpu.memory_space<vmem_shared>> -> memref<1x1x640xf32, #tpu.memory_space<vmem_shared>>
    %dma_start3A_931 = tpu.memref_squeeze %dma_start3A_930 : memref<1x1x640xf32, #tpu.memory_space<vmem_shared>> -> memref<640xf32, #tpu.memory_space<vmem_shared>>
    %dma_start3A_932 = arith.constant 8960 : i32
    %dma_start3A_933 = tpu.memref_slice %arg14[%dma_start3A_932] : memref<10240xf32, #tpu.memory_space<vmem>> -> memref<640xf32, #tpu.memory_space<vmem>>
    tpu.enqueue_dma source(%dma_start3A_933 : memref<640xf32, #tpu.memory_space<vmem>>) target(%dma_start3A_931 : memref<640xf32, #tpu.memory_space<vmem_shared>>) target_semaphore(%arg23 : memref<!tpu.dma_semaphore, #tpu.memory_space<semaphore_mem>>)
    %dma_start3A_934 = arith.constant 15 : i32
    %dma_start3A_935 = arith.constant 9600 : i32
    %dma_start3A_936 = tpu.memref_slice %arg14[%dma_start3A_935] : memref<10240xf32, #tpu.memory_space<vmem>> -> memref<640xf32, #tpu.memory_space<vmem>>
    %dma_start3A_937 = arith.constant 0 : i32
    %dma_start3A_938 = tpu.memref_slice %arg8[%dma_start3A_934, %arg1, %dma_start3A_937] : memref<16x16x640xf32, #tpu.memory_space<vmem_shared>> -> memref<1x1x640xf32, #tpu.memory_space<vmem_shared>>
    %dma_start3A_939 = tpu.memref_squeeze %dma_start3A_938 : memref<1x1x640xf32, #tpu.memory_space<vmem_shared>> -> memref<640xf32, #tpu.memory_space<vmem_shared>>
    %dma_start3A_940 = arith.constant 0 : i32
    %dma_start3A_941 = tpu.memref_slice %arg8[%dma_start3A_934, %arg1, %dma_start3A_940] : memref<16x16x640xf32, #tpu.memory_space<vmem_shared>> -> memref<1x1x640xf32, #tpu.memory_space<vmem_shared>>
    %dma_start3A_942 = tpu.memref_squeeze %dma_start3A_941 : memref<1x1x640xf32, #tpu.memory_space<vmem_shared>> -> memref<640xf32, #tpu.memory_space<vmem_shared>>
    %dma_start3A_943 = arith.constant 9600 : i32
    %dma_start3A_944 = tpu.memref_slice %arg14[%dma_start3A_943] : memref<10240xf32, #tpu.memory_space<vmem>> -> memref<640xf32, #tpu.memory_space<vmem>>
    tpu.enqueue_dma source(%dma_start3A_944 : memref<640xf32, #tpu.memory_space<vmem>>) target(%dma_start3A_942 : memref<640xf32, #tpu.memory_space<vmem_shared>>) target_semaphore(%arg23 : memref<!tpu.dma_semaphore, #tpu.memory_space<semaphore_mem>>)
    %dma_wait3A_945 = arith.constant 0 : i32
    %dma_wait3A_946 = arith.constant 0 : i32
    %dma_wait3A_947 = tpu.memref_slice %arg14[%dma_wait3A_946] : memref<10240xf32, #tpu.memory_space<vmem>> -> memref<640xf32, #tpu.memory_space<vmem>>
    %dma_wait3A_948 = arith.constant 0 : i32
    %dma_wait3A_949 = tpu.memref_slice %arg8[%dma_wait3A_945, %arg1, %dma_wait3A_948] : memref<16x16x640xf32, #tpu.memory_space<vmem_shared>> -> memref<1x1x640xf32, #tpu.memory_space<vmem_shared>>
    %dma_wait3A_950 = tpu.memref_squeeze %dma_wait3A_949 : memref<1x1x640xf32, #tpu.memory_space<vmem_shared>> -> memref<640xf32, #tpu.memory_space<vmem_shared>>
    %dma_wait3A_951 = arith.constant 0 : i32
    %dma_wait3A_952 = tpu.memref_slice %arg8[%dma_wait3A_945, %arg1, %dma_wait3A_951] : memref<16x16x640xf32, #tpu.memory_space<vmem_shared>> -> memref<1x1x640xf32, #tpu.memory_space<vmem_shared>>
    %dma_wait3A_953 = tpu.memref_squeeze %dma_wait3A_952 : memref<1x1x640xf32, #tpu.memory_space<vmem_shared>> -> memref<640xf32, #tpu.memory_space<vmem_shared>>
    %dma_wait3A_954 = arith.constant 0 : i32
    %dma_wait3A_955 = tpu.memref_slice %arg14[%dma_wait3A_954] : memref<10240xf32, #tpu.memory_space<vmem>> -> memref<640xf32, #tpu.memory_space<vmem>>
    tpu.wait_dma2 semaphore(%arg23 : memref<!tpu.dma_semaphore, #tpu.memory_space<semaphore_mem>>) src(%dma_wait3A_955 : memref<640xf32, #tpu.memory_space<vmem>>) dst(%dma_wait3A_953 : memref<640xf32, #tpu.memory_space<vmem_shared>>)
    %dma_wait3A_956 = arith.constant 1 : i32
    %dma_wait3A_957 = arith.constant 640 : i32
    %dma_wait3A_958 = tpu.memref_slice %arg14[%dma_wait3A_957] : memref<10240xf32, #tpu.memory_space<vmem>> -> memref<640xf32, #tpu.memory_space<vmem>>
    %dma_wait3A_959 = arith.constant 0 : i32
    %dma_wait3A_960 = tpu.memref_slice %arg8[%dma_wait3A_956, %arg1, %dma_wait3A_959] : memref<16x16x640xf32, #tpu.memory_space<vmem_shared>> -> memref<1x1x640xf32, #tpu.memory_space<vmem_shared>>
    %dma_wait3A_961 = tpu.memref_squeeze %dma_wait3A_960 : memref<1x1x640xf32, #tpu.memory_space<vmem_shared>> -> memref<640xf32, #tpu.memory_space<vmem_shared>>
    %dma_wait3A_962 = arith.constant 0 : i32
    %dma_wait3A_963 = tpu.memref_slice %arg8[%dma_wait3A_956, %arg1, %dma_wait3A_962] : memref<16x16x640xf32, #tpu.memory_space<vmem_shared>> -> memref<1x1x640xf32, #tpu.memory_space<vmem_shared>>
    %dma_wait3A_964 = tpu.memref_squeeze %dma_wait3A_963 : memref<1x1x640xf32, #tpu.memory_space<vmem_shared>> -> memref<640xf32, #tpu.memory_space<vmem_shared>>
    %dma_wait3A_965 = arith.constant 640 : i32
    %dma_wait3A_966 = tpu.memref_slice %arg14[%dma_wait3A_965] : memref<10240xf32, #tpu.memory_space<vmem>> -> memref<640xf32, #tpu.memory_space<vmem>>
    tpu.wait_dma2 semaphore(%arg23 : memref<!tpu.dma_semaphore, #tpu.memory_space<semaphore_mem>>) src(%dma_wait3A_966 : memref<640xf32, #tpu.memory_space<vmem>>) dst(%dma_wait3A_964 : memref<640xf32, #tpu.memory_space<vmem_shared>>)
    %dma_wait3A_967 = arith.constant 2 : i32
    %dma_wait3A_968 = arith.constant 1280 : i32
    %dma_wait3A_969 = tpu.memref_slice %arg14[%dma_wait3A_968] : memref<10240xf32, #tpu.memory_space<vmem>> -> memref<640xf32, #tpu.memory_space<vmem>>
    %dma_wait3A_970 = arith.constant 0 : i32
    %dma_wait3A_971 = tpu.memref_slice %arg8[%dma_wait3A_967, %arg1, %dma_wait3A_970] : memref<16x16x640xf32, #tpu.memory_space<vmem_shared>> -> memref<1x1x640xf32, #tpu.memory_space<vmem_shared>>
    %dma_wait3A_972 = tpu.memref_squeeze %dma_wait3A_971 : memref<1x1x640xf32, #tpu.memory_space<vmem_shared>> -> memref<640xf32, #tpu.memory_space<vmem_shared>>
    %dma_wait3A_973 = arith.constant 0 : i32
    %dma_wait3A_974 = tpu.memref_slice %arg8[%dma_wait3A_967, %arg1, %dma_wait3A_973] : memref<16x16x640xf32, #tpu.memory_space<vmem_shared>> -> memref<1x1x640xf32, #tpu.memory_space<vmem_shared>>
    %dma_wait3A_975 = tpu.memref_squeeze %dma_wait3A_974 : memref<1x1x640xf32, #tpu.memory_space<vmem_shared>> -> memref<640xf32, #tpu.memory_space<vmem_shared>>
    %dma_wait3A_976 = arith.constant 1280 : i32
    %dma_wait3A_977 = tpu.memref_slice %arg14[%dma_wait3A_976] : memref<10240xf32, #tpu.memory_space<vmem>> -> memref<640xf32, #tpu.memory_space<vmem>>
    tpu.wait_dma2 semaphore(%arg23 : memref<!tpu.dma_semaphore, #tpu.memory_space<semaphore_mem>>) src(%dma_wait3A_977 : memref<640xf32, #tpu.memory_space<vmem>>) dst(%dma_wait3A_975 : memref<640xf32, #tpu.memory_space<vmem_shared>>)
    %dma_wait3A_978 = arith.constant 3 : i32
    %dma_wait3A_979 = arith.constant 1920 : i32
    %dma_wait3A_980 = tpu.memref_slice %arg14[%dma_wait3A_979] : memref<10240xf32, #tpu.memory_space<vmem>> -> memref<640xf32, #tpu.memory_space<vmem>>
    %dma_wait3A_981 = arith.constant 0 : i32
    %dma_wait3A_982 = tpu.memref_slice %arg8[%dma_wait3A_978, %arg1, %dma_wait3A_981] : memref<16x16x640xf32, #tpu.memory_space<vmem_shared>> -> memref<1x1x640xf32, #tpu.memory_space<vmem_shared>>
    %dma_wait3A_983 = tpu.memref_squeeze %dma_wait3A_982 : memref<1x1x640xf32, #tpu.memory_space<vmem_shared>> -> memref<640xf32, #tpu.memory_space<vmem_shared>>
    %dma_wait3A_984 = arith.constant 0 : i32
    %dma_wait3A_985 = tpu.memref_slice %arg8[%dma_wait3A_978, %arg1, %dma_wait3A_984] : memref<16x16x640xf32, #tpu.memory_space<vmem_shared>> -> memref<1x1x640xf32, #tpu.memory_space<vmem_shared>>
    %dma_wait3A_986 = tpu.memref_squeeze %dma_wait3A_985 : memref<1x1x640xf32, #tpu.memory_space<vmem_shared>> -> memref<640xf32, #tpu.memory_space<vmem_shared>>
    %dma_wait3A_987 = arith.constant 1920 : i32
    %dma_wait3A_988 = tpu.memref_slice %arg14[%dma_wait3A_987] : memref<10240xf32, #tpu.memory_space<vmem>> -> memref<640xf32, #tpu.memory_space<vmem>>
    tpu.wait_dma2 semaphore(%arg23 : memref<!tpu.dma_semaphore, #tpu.memory_space<semaphore_mem>>) src(%dma_wait3A_988 : memref<640xf32, #tpu.memory_space<vmem>>) dst(%dma_wait3A_986 : memref<640xf32, #tpu.memory_space<vmem_shared>>)
    %dma_wait3A_989 = arith.constant 4 : i32
    %dma_wait3A_990 = arith.constant 2560 : i32
    %dma_wait3A_991 = tpu.memref_slice %arg14[%dma_wait3A_990] : memref<10240xf32, #tpu.memory_space<vmem>> -> memref<640xf32, #tpu.memory_space<vmem>>
    %dma_wait3A_992 = arith.constant 0 : i32
    %dma_wait3A_993 = tpu.memref_slice %arg8[%dma_wait3A_989, %arg1, %dma_wait3A_992] : memref<16x16x640xf32, #tpu.memory_space<vmem_shared>> -> memref<1x1x640xf32, #tpu.memory_space<vmem_shared>>
    %dma_wait3A_994 = tpu.memref_squeeze %dma_wait3A_993 : memref<1x1x640xf32, #tpu.memory_space<vmem_shared>> -> memref<640xf32, #tpu.memory_space<vmem_shared>>
    %dma_wait3A_995 = arith.constant 0 : i32
    %dma_wait3A_996 = tpu.memref_slice %arg8[%dma_wait3A_989, %arg1, %dma_wait3A_995] : memref<16x16x640xf32, #tpu.memory_space<vmem_shared>> -> memref<1x1x640xf32, #tpu.memory_space<vmem_shared>>
    %dma_wait3A_997 = tpu.memref_squeeze %dma_wait3A_996 : memref<1x1x640xf32, #tpu.memory_space<vmem_shared>> -> memref<640xf32, #tpu.memory_space<vmem_shared>>
    %dma_wait3A_998 = arith.constant 2560 : i32
    %dma_wait3A_999 = tpu.memref_slice %arg14[%dma_wait3A_998] : memref<10240xf32, #tpu.memory_space<vmem>> -> memref<640xf32, #tpu.memory_space<vmem>>
    tpu.wait_dma2 semaphore(%arg23 : memref<!tpu.dma_semaphore, #tpu.memory_space<semaphore_mem>>) src(%dma_wait3A_999 : memref<640xf32, #tpu.memory_space<vmem>>) dst(%dma_wait3A_997 : memref<640xf32, #tpu.memory_space<vmem_shared>>)
    %dma_wait3A_1000 = arith.constant 5 : i32
    %dma_wait3A_1001 = arith.constant 3200 : i32
    %dma_wait3A_1002 = tpu.memref_slice %arg14[%dma_wait3A_1001] : memref<10240xf32, #tpu.memory_space<vmem>> -> memref<640xf32, #tpu.memory_space<vmem>>
    %dma_wait3A_1003 = arith.constant 0 : i32
    %dma_wait3A_1004 = tpu.memref_slice %arg8[%dma_wait3A_1000, %arg1, %dma_wait3A_1003] : memref<16x16x640xf32, #tpu.memory_space<vmem_shared>> -> memref<1x1x640xf32, #tpu.memory_space<vmem_shared>>
    %dma_wait3A_1005 = tpu.memref_squeeze %dma_wait3A_1004 : memref<1x1x640xf32, #tpu.memory_space<vmem_shared>> -> memref<640xf32, #tpu.memory_space<vmem_shared>>
    %dma_wait3A_1006 = arith.constant 0 : i32
    %dma_wait3A_1007 = tpu.memref_slice %arg8[%dma_wait3A_1000, %arg1, %dma_wait3A_1006] : memref<16x16x640xf32, #tpu.memory_space<vmem_shared>> -> memref<1x1x640xf32, #tpu.memory_space<vmem_shared>>
    %dma_wait3A_1008 = tpu.memref_squeeze %dma_wait3A_1007 : memref<1x1x640xf32, #tpu.memory_space<vmem_shared>> -> memref<640xf32, #tpu.memory_space<vmem_shared>>
    %dma_wait3A_1009 = arith.constant 3200 : i32
    %dma_wait3A_1010 = tpu.memref_slice %arg14[%dma_wait3A_1009] : memref<10240xf32, #tpu.memory_space<vmem>> -> memref<640xf32, #tpu.memory_space<vmem>>
    tpu.wait_dma2 semaphore(%arg23 : memref<!tpu.dma_semaphore, #tpu.memory_space<semaphore_mem>>) src(%dma_wait3A_1010 : memref<640xf32, #tpu.memory_space<vmem>>) dst(%dma_wait3A_1008 : memref<640xf32, #tpu.memory_space<vmem_shared>>)
    %dma_wait3A_1011 = arith.constant 6 : i32
    %dma_wait3A_1012 = arith.constant 3840 : i32
    %dma_wait3A_1013 = tpu.memref_slice %arg14[%dma_wait3A_1012] : memref<10240xf32, #tpu.memory_space<vmem>> -> memref<640xf32, #tpu.memory_space<vmem>>
    %dma_wait3A_1014 = arith.constant 0 : i32
    %dma_wait3A_1015 = tpu.memref_slice %arg8[%dma_wait3A_1011, %arg1, %dma_wait3A_1014] : memref<16x16x640xf32, #tpu.memory_space<vmem_shared>> -> memref<1x1x640xf32, #tpu.memory_space<vmem_shared>>
    %dma_wait3A_1016 = tpu.memref_squeeze %dma_wait3A_1015 : memref<1x1x640xf32, #tpu.memory_space<vmem_shared>> -> memref<640xf32, #tpu.memory_space<vmem_shared>>
    %dma_wait3A_1017 = arith.constant 0 : i32
    %dma_wait3A_1018 = tpu.memref_slice %arg8[%dma_wait3A_1011, %arg1, %dma_wait3A_1017] : memref<16x16x640xf32, #tpu.memory_space<vmem_shared>> -> memref<1x1x640xf32, #tpu.memory_space<vmem_shared>>
    %dma_wait3A_1019 = tpu.memref_squeeze %dma_wait3A_1018 : memref<1x1x640xf32, #tpu.memory_space<vmem_shared>> -> memref<640xf32, #tpu.memory_space<vmem_shared>>
    %dma_wait3A_1020 = arith.constant 3840 : i32
    %dma_wait3A_1021 = tpu.memref_slice %arg14[%dma_wait3A_1020] : memref<10240xf32, #tpu.memory_space<vmem>> -> memref<640xf32, #tpu.memory_space<vmem>>
    tpu.wait_dma2 semaphore(%arg23 : memref<!tpu.dma_semaphore, #tpu.memory_space<semaphore_mem>>) src(%dma_wait3A_1021 : memref<640xf32, #tpu.memory_space<vmem>>) dst(%dma_wait3A_1019 : memref<640xf32, #tpu.memory_space<vmem_shared>>)
    %dma_wait3A_1022 = arith.constant 7 : i32
    %dma_wait3A_1023 = arith.constant 4480 : i32
    %dma_wait3A_1024 = tpu.memref_slice %arg14[%dma_wait3A_1023] : memref<10240xf32, #tpu.memory_space<vmem>> -> memref<640xf32, #tpu.memory_space<vmem>>
    %dma_wait3A_1025 = arith.constant 0 : i32
    %dma_wait3A_1026 = tpu.memref_slice %arg8[%dma_wait3A_1022, %arg1, %dma_wait3A_1025] : memref<16x16x640xf32, #tpu.memory_space<vmem_shared>> -> memref<1x1x640xf32, #tpu.memory_space<vmem_shared>>
    %dma_wait3A_1027 = tpu.memref_squeeze %dma_wait3A_1026 : memref<1x1x640xf32, #tpu.memory_space<vmem_shared>> -> memref<640xf32, #tpu.memory_space<vmem_shared>>
    %dma_wait3A_1028 = arith.constant 0 : i32
    %dma_wait3A_1029 = tpu.memref_slice %arg8[%dma_wait3A_1022, %arg1, %dma_wait3A_1028] : memref<16x16x640xf32, #tpu.memory_space<vmem_shared>> -> memref<1x1x640xf32, #tpu.memory_space<vmem_shared>>
    %dma_wait3A_1030 = tpu.memref_squeeze %dma_wait3A_1029 : memref<1x1x640xf32, #tpu.memory_space<vmem_shared>> -> memref<640xf32, #tpu.memory_space<vmem_shared>>
    %dma_wait3A_1031 = arith.constant 4480 : i32
    %dma_wait3A_1032 = tpu.memref_slice %arg14[%dma_wait3A_1031] : memref<10240xf32, #tpu.memory_space<vmem>> -> memref<640xf32, #tpu.memory_space<vmem>>
    tpu.wait_dma2 semaphore(%arg23 : memref<!tpu.dma_semaphore, #tpu.memory_space<semaphore_mem>>) src(%dma_wait3A_1032 : memref<640xf32, #tpu.memory_space<vmem>>) dst(%dma_wait3A_1030 : memref<640xf32, #tpu.memory_space<vmem_shared>>)
    %dma_wait3A_1033 = arith.constant 8 : i32
    %dma_wait3A_1034 = arith.constant 5120 : i32
    %dma_wait3A_1035 = tpu.memref_slice %arg14[%dma_wait3A_1034] : memref<10240xf32, #tpu.memory_space<vmem>> -> memref<640xf32, #tpu.memory_space<vmem>>
    %dma_wait3A_1036 = arith.constant 0 : i32
    %dma_wait3A_1037 = tpu.memref_slice %arg8[%dma_wait3A_1033, %arg1, %dma_wait3A_1036] : memref<16x16x640xf32, #tpu.memory_space<vmem_shared>> -> memref<1x1x640xf32, #tpu.memory_space<vmem_shared>>
    %dma_wait3A_1038 = tpu.memref_squeeze %dma_wait3A_1037 : memref<1x1x640xf32, #tpu.memory_space<vmem_shared>> -> memref<640xf32, #tpu.memory_space<vmem_shared>>
    %dma_wait3A_1039 = arith.constant 0 : i32
    %dma_wait3A_1040 = tpu.memref_slice %arg8[%dma_wait3A_1033, %arg1, %dma_wait3A_1039] : memref<16x16x640xf32, #tpu.memory_space<vmem_shared>> -> memref<1x1x640xf32, #tpu.memory_space<vmem_shared>>
    %dma_wait3A_1041 = tpu.memref_squeeze %dma_wait3A_1040 : memref<1x1x640xf32, #tpu.memory_space<vmem_shared>> -> memref<640xf32, #tpu.memory_space<vmem_shared>>
    %dma_wait3A_1042 = arith.constant 5120 : i32
    %dma_wait3A_1043 = tpu.memref_slice %arg14[%dma_wait3A_1042] : memref<10240xf32, #tpu.memory_space<vmem>> -> memref<640xf32, #tpu.memory_space<vmem>>
    tpu.wait_dma2 semaphore(%arg23 : memref<!tpu.dma_semaphore, #tpu.memory_space<semaphore_mem>>) src(%dma_wait3A_1043 : memref<640xf32, #tpu.memory_space<vmem>>) dst(%dma_wait3A_1041 : memref<640xf32, #tpu.memory_space<vmem_shared>>)
    %dma_wait3A_1044 = arith.constant 9 : i32
    %dma_wait3A_1045 = arith.constant 5760 : i32
    %dma_wait3A_1046 = tpu.memref_slice %arg14[%dma_wait3A_1045] : memref<10240xf32, #tpu.memory_space<vmem>> -> memref<640xf32, #tpu.memory_space<vmem>>
    %dma_wait3A_1047 = arith.constant 0 : i32
    %dma_wait3A_1048 = tpu.memref_slice %arg8[%dma_wait3A_1044, %arg1, %dma_wait3A_1047] : memref<16x16x640xf32, #tpu.memory_space<vmem_shared>> -> memref<1x1x640xf32, #tpu.memory_space<vmem_shared>>
    %dma_wait3A_1049 = tpu.memref_squeeze %dma_wait3A_1048 : memref<1x1x640xf32, #tpu.memory_space<vmem_shared>> -> memref<640xf32, #tpu.memory_space<vmem_shared>>
    %dma_wait3A_1050 = arith.constant 0 : i32
    %dma_wait3A_1051 = tpu.memref_slice %arg8[%dma_wait3A_1044, %arg1, %dma_wait3A_1050] : memref<16x16x640xf32, #tpu.memory_space<vmem_shared>> -> memref<1x1x640xf32, #tpu.memory_space<vmem_shared>>
    %dma_wait3A_1052 = tpu.memref_squeeze %dma_wait3A_1051 : memref<1x1x640xf32, #tpu.memory_space<vmem_shared>> -> memref<640xf32, #tpu.memory_space<vmem_shared>>
    %dma_wait3A_1053 = arith.constant 5760 : i32
    %dma_wait3A_1054 = tpu.memref_slice %arg14[%dma_wait3A_1053] : memref<10240xf32, #tpu.memory_space<vmem>> -> memref<640xf32, #tpu.memory_space<vmem>>
    tpu.wait_dma2 semaphore(%arg23 : memref<!tpu.dma_semaphore, #tpu.memory_space<semaphore_mem>>) src(%dma_wait3A_1054 : memref<640xf32, #tpu.memory_space<vmem>>) dst(%dma_wait3A_1052 : memref<640xf32, #tpu.memory_space<vmem_shared>>)
    %dma_wait3A_1055 = arith.constant 10 : i32
    %dma_wait3A_1056 = arith.constant 6400 : i32
    %dma_wait3A_1057 = tpu.memref_slice %arg14[%dma_wait3A_1056] : memref<10240xf32, #tpu.memory_space<vmem>> -> memref<640xf32, #tpu.memory_space<vmem>>
    %dma_wait3A_1058 = arith.constant 0 : i32
    %dma_wait3A_1059 = tpu.memref_slice %arg8[%dma_wait3A_1055, %arg1, %dma_wait3A_1058] : memref<16x16x640xf32, #tpu.memory_space<vmem_shared>> -> memref<1x1x640xf32, #tpu.memory_space<vmem_shared>>
    %dma_wait3A_1060 = tpu.memref_squeeze %dma_wait3A_1059 : memref<1x1x640xf32, #tpu.memory_space<vmem_shared>> -> memref<640xf32, #tpu.memory_space<vmem_shared>>
    %dma_wait3A_1061 = arith.constant 0 : i32
    %dma_wait3A_1062 = tpu.memref_slice %arg8[%dma_wait3A_1055, %arg1, %dma_wait3A_1061] : memref<16x16x640xf32, #tpu.memory_space<vmem_shared>> -> memref<1x1x640xf32, #tpu.memory_space<vmem_shared>>
    %dma_wait3A_1063 = tpu.memref_squeeze %dma_wait3A_1062 : memref<1x1x640xf32, #tpu.memory_space<vmem_shared>> -> memref<640xf32, #tpu.memory_space<vmem_shared>>
    %dma_wait3A_1064 = arith.constant 6400 : i32
    %dma_wait3A_1065 = tpu.memref_slice %arg14[%dma_wait3A_1064] : memref<10240xf32, #tpu.memory_space<vmem>> -> memref<640xf32, #tpu.memory_space<vmem>>
    tpu.wait_dma2 semaphore(%arg23 : memref<!tpu.dma_semaphore, #tpu.memory_space<semaphore_mem>>) src(%dma_wait3A_1065 : memref<640xf32, #tpu.memory_space<vmem>>) dst(%dma_wait3A_1063 : memref<640xf32, #tpu.memory_space<vmem_shared>>)
    %dma_wait3A_1066 = arith.constant 11 : i32
    %dma_wait3A_1067 = arith.constant 7040 : i32
    %dma_wait3A_1068 = tpu.memref_slice %arg14[%dma_wait3A_1067] : memref<10240xf32, #tpu.memory_space<vmem>> -> memref<640xf32, #tpu.memory_space<vmem>>
    %dma_wait3A_1069 = arith.constant 0 : i32
    %dma_wait3A_1070 = tpu.memref_slice %arg8[%dma_wait3A_1066, %arg1, %dma_wait3A_1069] : memref<16x16x640xf32, #tpu.memory_space<vmem_shared>> -> memref<1x1x640xf32, #tpu.memory_space<vmem_shared>>
    %dma_wait3A_1071 = tpu.memref_squeeze %dma_wait3A_1070 : memref<1x1x640xf32, #tpu.memory_space<vmem_shared>> -> memref<640xf32, #tpu.memory_space<vmem_shared>>
    %dma_wait3A_1072 = arith.constant 0 : i32
    %dma_wait3A_1073 = tpu.memref_slice %arg8[%dma_wait3A_1066, %arg1, %dma_wait3A_1072] : memref<16x16x640xf32, #tpu.memory_space<vmem_shared>> -> memref<1x1x640xf32, #tpu.memory_space<vmem_shared>>
    %dma_wait3A_1074 = tpu.memref_squeeze %dma_wait3A_1073 : memref<1x1x640xf32, #tpu.memory_space<vmem_shared>> -> memref<640xf32, #tpu.memory_space<vmem_shared>>
    %dma_wait3A_1075 = arith.constant 7040 : i32
    %dma_wait3A_1076 = tpu.memref_slice %arg14[%dma_wait3A_1075] : memref<10240xf32, #tpu.memory_space<vmem>> -> memref<640xf32, #tpu.memory_space<vmem>>
    tpu.wait_dma2 semaphore(%arg23 : memref<!tpu.dma_semaphore, #tpu.memory_space<semaphore_mem>>) src(%dma_wait3A_1076 : memref<640xf32, #tpu.memory_space<vmem>>) dst(%dma_wait3A_1074 : memref<640xf32, #tpu.memory_space<vmem_shared>>)
    %dma_wait3A_1077 = arith.constant 12 : i32
    %dma_wait3A_1078 = arith.constant 7680 : i32
    %dma_wait3A_1079 = tpu.memref_slice %arg14[%dma_wait3A_1078] : memref<10240xf32, #tpu.memory_space<vmem>> -> memref<640xf32, #tpu.memory_space<vmem>>
    %dma_wait3A_1080 = arith.constant 0 : i32
    %dma_wait3A_1081 = tpu.memref_slice %arg8[%dma_wait3A_1077, %arg1, %dma_wait3A_1080] : memref<16x16x640xf32, #tpu.memory_space<vmem_shared>> -> memref<1x1x640xf32, #tpu.memory_space<vmem_shared>>
    %dma_wait3A_1082 = tpu.memref_squeeze %dma_wait3A_1081 : memref<1x1x640xf32, #tpu.memory_space<vmem_shared>> -> memref<640xf32, #tpu.memory_space<vmem_shared>>
    %dma_wait3A_1083 = arith.constant 0 : i32
    %dma_wait3A_1084 = tpu.memref_slice %arg8[%dma_wait3A_1077, %arg1, %dma_wait3A_1083] : memref<16x16x640xf32, #tpu.memory_space<vmem_shared>> -> memref<1x1x640xf32, #tpu.memory_space<vmem_shared>>
    %dma_wait3A_1085 = tpu.memref_squeeze %dma_wait3A_1084 : memref<1x1x640xf32, #tpu.memory_space<vmem_shared>> -> memref<640xf32, #tpu.memory_space<vmem_shared>>
    %dma_wait3A_1086 = arith.constant 7680 : i32
    %dma_wait3A_1087 = tpu.memref_slice %arg14[%dma_wait3A_1086] : memref<10240xf32, #tpu.memory_space<vmem>> -> memref<640xf32, #tpu.memory_space<vmem>>
    tpu.wait_dma2 semaphore(%arg23 : memref<!tpu.dma_semaphore, #tpu.memory_space<semaphore_mem>>) src(%dma_wait3A_1087 : memref<640xf32, #tpu.memory_space<vmem>>) dst(%dma_wait3A_1085 : memref<640xf32, #tpu.memory_space<vmem_shared>>)
    %dma_wait3A_1088 = arith.constant 13 : i32
    %dma_wait3A_1089 = arith.constant 8320 : i32
    %dma_wait3A_1090 = tpu.memref_slice %arg14[%dma_wait3A_1089] : memref<10240xf32, #tpu.memory_space<vmem>> -> memref<640xf32, #tpu.memory_space<vmem>>
    %dma_wait3A_1091 = arith.constant 0 : i32
    %dma_wait3A_1092 = tpu.memref_slice %arg8[%dma_wait3A_1088, %arg1, %dma_wait3A_1091] : memref<16x16x640xf32, #tpu.memory_space<vmem_shared>> -> memref<1x1x640xf32, #tpu.memory_space<vmem_shared>>
    %dma_wait3A_1093 = tpu.memref_squeeze %dma_wait3A_1092 : memref<1x1x640xf32, #tpu.memory_space<vmem_shared>> -> memref<640xf32, #tpu.memory_space<vmem_shared>>
    %dma_wait3A_1094 = arith.constant 0 : i32
    %dma_wait3A_1095 = tpu.memref_slice %arg8[%dma_wait3A_1088, %arg1, %dma_wait3A_1094] : memref<16x16x640xf32, #tpu.memory_space<vmem_shared>> -> memref<1x1x640xf32, #tpu.memory_space<vmem_shared>>
    %dma_wait3A_1096 = tpu.memref_squeeze %dma_wait3A_1095 : memref<1x1x640xf32, #tpu.memory_space<vmem_shared>> -> memref<640xf32, #tpu.memory_space<vmem_shared>>
    %dma_wait3A_1097 = arith.constant 8320 : i32
    %dma_wait3A_1098 = tpu.memref_slice %arg14[%dma_wait3A_1097] : memref<10240xf32, #tpu.memory_space<vmem>> -> memref<640xf32, #tpu.memory_space<vmem>>
    tpu.wait_dma2 semaphore(%arg23 : memref<!tpu.dma_semaphore, #tpu.memory_space<semaphore_mem>>) src(%dma_wait3A_1098 : memref<640xf32, #tpu.memory_space<vmem>>) dst(%dma_wait3A_1096 : memref<640xf32, #tpu.memory_space<vmem_shared>>)
    %dma_wait3A_1099 = arith.constant 14 : i32
    %dma_wait3A_1100 = arith.constant 8960 : i32
    %dma_wait3A_1101 = tpu.memref_slice %arg14[%dma_wait3A_1100] : memref<10240xf32, #tpu.memory_space<vmem>> -> memref<640xf32, #tpu.memory_space<vmem>>
    %dma_wait3A_1102 = arith.constant 0 : i32
    %dma_wait3A_1103 = tpu.memref_slice %arg8[%dma_wait3A_1099, %arg1, %dma_wait3A_1102] : memref<16x16x640xf32, #tpu.memory_space<vmem_shared>> -> memref<1x1x640xf32, #tpu.memory_space<vmem_shared>>
    %dma_wait3A_1104 = tpu.memref_squeeze %dma_wait3A_1103 : memref<1x1x640xf32, #tpu.memory_space<vmem_shared>> -> memref<640xf32, #tpu.memory_space<vmem_shared>>
    %dma_wait3A_1105 = arith.constant 0 : i32
    %dma_wait3A_1106 = tpu.memref_slice %arg8[%dma_wait3A_1099, %arg1, %dma_wait3A_1105] : memref<16x16x640xf32, #tpu.memory_space<vmem_shared>> -> memref<1x1x640xf32, #tpu.memory_space<vmem_shared>>
    %dma_wait3A_1107 = tpu.memref_squeeze %dma_wait3A_1106 : memref<1x1x640xf32, #tpu.memory_space<vmem_shared>> -> memref<640xf32, #tpu.memory_space<vmem_shared>>
    %dma_wait3A_1108 = arith.constant 8960 : i32
    %dma_wait3A_1109 = tpu.memref_slice %arg14[%dma_wait3A_1108] : memref<10240xf32, #tpu.memory_space<vmem>> -> memref<640xf32, #tpu.memory_space<vmem>>
    tpu.wait_dma2 semaphore(%arg23 : memref<!tpu.dma_semaphore, #tpu.memory_space<semaphore_mem>>) src(%dma_wait3A_1109 : memref<640xf32, #tpu.memory_space<vmem>>) dst(%dma_wait3A_1107 : memref<640xf32, #tpu.memory_space<vmem_shared>>)
    %dma_wait3A_1110 = arith.constant 15 : i32
    %dma_wait3A_1111 = arith.constant 9600 : i32
    %dma_wait3A_1112 = tpu.memref_slice %arg14[%dma_wait3A_1111] : memref<10240xf32, #tpu.memory_space<vmem>> -> memref<640xf32, #tpu.memory_space<vmem>>
    %dma_wait3A_1113 = arith.constant 0 : i32
    %dma_wait3A_1114 = tpu.memref_slice %arg8[%dma_wait3A_1110, %arg1, %dma_wait3A_1113] : memref<16x16x640xf32, #tpu.memory_space<vmem_shared>> -> memref<1x1x640xf32, #tpu.memory_space<vmem_shared>>
    %dma_wait3A_1115 = tpu.memref_squeeze %dma_wait3A_1114 : memref<1x1x640xf32, #tpu.memory_space<vmem_shared>> -> memref<640xf32, #tpu.memory_space<vmem_shared>>
    %dma_wait3A_1116 = arith.constant 0 : i32
    %dma_wait3A_1117 = tpu.memref_slice %arg8[%dma_wait3A_1110, %arg1, %dma_wait3A_1116] : memref<16x16x640xf32, #tpu.memory_space<vmem_shared>> -> memref<1x1x640xf32, #tpu.memory_space<vmem_shared>>
    %dma_wait3A_1118 = tpu.memref_squeeze %dma_wait3A_1117 : memref<1x1x640xf32, #tpu.memory_space<vmem_shared>> -> memref<640xf32, #tpu.memory_space<vmem_shared>>
    %dma_wait3A_1119 = arith.constant 9600 : i32
    %dma_wait3A_1120 = tpu.memref_slice %arg14[%dma_wait3A_1119] : memref<10240xf32, #tpu.memory_space<vmem>> -> memref<640xf32, #tpu.memory_space<vmem>>
    tpu.wait_dma2 semaphore(%arg23 : memref<!tpu.dma_semaphore, #tpu.memory_space<semaphore_mem>>) src(%dma_wait3A_1120 : memref<640xf32, #tpu.memory_space<vmem>>) dst(%dma_wait3A_1118 : memref<640xf32, #tpu.memory_space<vmem_shared>>)
    %barrier3A_1121 = arith.constant 0 : index
    tpu.barrier barrier_id(%barrier3A_1121)
    "tpu.region"() ({
      %run_scoped3A = tpu.sem_alloc : memref<!tpu.dma_semaphore, #tpu.memory_space<semaphore_mem>>
      %dma_start3A_1143 = arith.constant 0 : i32
      %dma_start3A_1144 = arith.constant 0 : i32
      %dma_start3A_1145 = tpu.memref_slice %arg8[%arg1, %dma_start3A_1143, %dma_start3A_1144] : memref<16x16x640xf32, #tpu.memory_space<vmem_shared>> -> memref<1x16x640xf32, #tpu.memory_space<vmem_shared>>
      %dma_start3A_1146 = tpu.memref_squeeze %dma_start3A_1145 : memref<1x16x640xf32, #tpu.memory_space<vmem_shared>> -> memref<16x640xf32, #tpu.memory_space<vmem_shared>>
      %dma_start3A_1147 = arith.constant 0 : i32
      %dma_start3A_1148 = arith.constant 0 : i32
      %dma_start3A_1149 = tpu.memref_slice %arg8[%arg1, %dma_start3A_1147, %dma_start3A_1148] : memref<16x16x640xf32, #tpu.memory_space<vmem_shared>> -> memref<1x16x640xf32, #tpu.memory_space<vmem_shared>>
      %dma_start3A_1150 = tpu.memref_squeeze %dma_start3A_1149 : memref<1x16x640xf32, #tpu.memory_space<vmem_shared>> -> memref<16x640xf32, #tpu.memory_space<vmem_shared>>
      tpu.enqueue_dma source(%dma_start3A_1150 : memref<16x640xf32, #tpu.memory_space<vmem_shared>>) target(%arg15 : memref<16x640xf32, #tpu.memory_space<vmem>>) target_semaphore(%run_scoped3A : memref<!tpu.dma_semaphore, #tpu.memory_space<semaphore_mem>>)
      %dma_wait3A_1151 = arith.constant 0 : i32
      %dma_wait3A_1152 = arith.constant 0 : i32
      %dma_wait3A_1153 = tpu.memref_slice %arg8[%arg1, %dma_wait3A_1151, %dma_wait3A_1152] : memref<16x16x640xf32, #tpu.memory_space<vmem_shared>> -> memref<1x16x640xf32, #tpu.memory_space<vmem_shared>>
      %dma_wait3A_1154 = tpu.memref_squeeze %dma_wait3A_1153 : memref<1x16x640xf32, #tpu.memory_space<vmem_shared>> -> memref<16x640xf32, #tpu.memory_space<vmem_shared>>
      %dma_wait3A_1155 = arith.constant 0 : i32
      %dma_wait3A_1156 = arith.constant 0 : i32
      %dma_wait3A_1157 = tpu.memref_slice %arg8[%arg1, %dma_wait3A_1155, %dma_wait3A_1156] : memref<16x16x640xf32, #tpu.memory_space<vmem_shared>> -> memref<1x16x640xf32, #tpu.memory_space<vmem_shared>>
      %dma_wait3A_1158 = tpu.memref_squeeze %dma_wait3A_1157 : memref<1x16x640xf32, #tpu.memory_space<vmem_shared>> -> memref<16x640xf32, #tpu.memory_space<vmem_shared>>
      tpu.wait_dma2 semaphore(%run_scoped3A : memref<!tpu.dma_semaphore, #tpu.memory_space<semaphore_mem>>) src(%dma_wait3A_1158 : memref<16x640xf32, #tpu.memory_space<vmem_shared>>) dst(%arg15 : memref<16x640xf32, #tpu.memory_space<vmem>>)
      tpu.yield
    }) : () -> ()
    %get3A_1122 = arith.constant 0 : index
    %get3A_1123 = tpu.vector_load %arg18[%get3A_1122] {strides = array<i32>} : memref<16xf32, #tpu.memory_space<vmem>>, vector<16xf32>,
    %slice3A_1124 = vector.extract_strided_slice %get3A_1123 {offsets = [4], sizes = [1], strides = [1]} : vector<16xf32> to vector<1xf32>
    %squeeze3A_1125 = vector.extract %slice3A_1124[0] : f32 from vector<1xf32>
    %slice3A_1126 = vector.extract_strided_slice %get3A_1123 {offsets = [5], sizes = [1], strides = [1]} : vector<16xf32> to vector<1xf32>
    %squeeze3A_1127 = vector.extract %slice3A_1126[0] : f32 from vector<1xf32>
    %slice3A_1128 = vector.extract_strided_slice %get3A_1123 {offsets = [6], sizes = [1], strides = [1]} : vector<16xf32> to vector<1xf32>
    %squeeze3A_1129 = vector.extract %slice3A_1128[0] : f32 from vector<1xf32>
    %parallel_loop3A_1130 = arith.constant 0 : i32
    %parallel_loop3A_1131 = arith.constant 40 : i32
    %parallel_loop3A_1132 = arith.constant 1 : i32
    %parallel_loop3A_1133 = scf.for %parallel_loop3A_1143 = %parallel_loop3A_1130 to %parallel_loop3A_1131 step %parallel_loop3A_1132 iter_args(%parallel_loop3A_1144 = %broadcast_in_dim3A_11) -> (vector<16xf32>)  : i32 {
      %parallel_loop3A_1145 = arith.constant 16 : i32
      %parallel_loop3A_1146 = arith.muli %parallel_loop3A_1143, %parallel_loop3A_1145 : i32
      %parallel_loop3A_1147 = arith.constant 0 : i32
      %parallel_loop3A_1148 = arith.index_cast %parallel_loop3A_1147 : i32 to index
      %parallel_loop3A_1149 = arith.index_cast %parallel_loop3A_1146 : i32 to index
      %parallel_loop3A_1150 = tpu.vector_load %arg15[%parallel_loop3A_1148, %parallel_loop3A_1149] {strides = array<i32>} : memref<16x640xf32, #tpu.memory_space<vmem>>, vector<16xf32>,
      %parallel_loop3A_1151 = arith.constant 1 : i32
      %parallel_loop3A_1152 = arith.index_cast %parallel_loop3A_1151 : i32 to index
      %parallel_loop3A_1153 = arith.index_cast %parallel_loop3A_1146 : i32 to index
      %parallel_loop3A_1154 = tpu.vector_load %arg15[%parallel_loop3A_1152, %parallel_loop3A_1153] {strides = array<i32>} : memref<16x640xf32, #tpu.memory_space<vmem>>, vector<16xf32>,
      %parallel_loop3A_1155 = arith.addf %parallel_loop3A_1150, %parallel_loop3A_1154 : vector<16xf32>
      %parallel_loop3A_1156 = arith.constant 2 : i32
      %parallel_loop3A_1157 = arith.index_cast %parallel_loop3A_1156 : i32 to index
      %parallel_loop3A_1158 = arith.index_cast %parallel_loop3A_1146 : i32 to index
      %parallel_loop3A_1159 = tpu.vector_load %arg15[%parallel_loop3A_1157, %parallel_loop3A_1158] {strides = array<i32>} : memref<16x640xf32, #tpu.memory_space<vmem>>, vector<16xf32>,
      %parallel_loop3A_1160 = arith.addf %parallel_loop3A_1155, %parallel_loop3A_1159 : vector<16xf32>
      %parallel_loop3A_1161 = arith.constant 3 : i32
      %parallel_loop3A_1162 = arith.index_cast %parallel_loop3A_1161 : i32 to index
      %parallel_loop3A_1163 = arith.index_cast %parallel_loop3A_1146 : i32 to index
      %parallel_loop3A_1164 = tpu.vector_load %arg15[%parallel_loop3A_1162, %parallel_loop3A_1163] {strides = array<i32>} : memref<16x640xf32, #tpu.memory_space<vmem>>, vector<16xf32>,
      %parallel_loop3A_1165 = arith.addf %parallel_loop3A_1160, %parallel_loop3A_1164 : vector<16xf32>
      %parallel_loop3A_1166 = arith.constant 4 : i32
      %parallel_loop3A_1167 = arith.index_cast %parallel_loop3A_1166 : i32 to index
      %parallel_loop3A_1168 = arith.index_cast %parallel_loop3A_1146 : i32 to index
      %parallel_loop3A_1169 = tpu.vector_load %arg15[%parallel_loop3A_1167, %parallel_loop3A_1168] {strides = array<i32>} : memref<16x640xf32, #tpu.memory_space<vmem>>, vector<16xf32>,
      %parallel_loop3A_1170 = arith.addf %parallel_loop3A_1165, %parallel_loop3A_1169 : vector<16xf32>
      %parallel_loop3A_1171 = arith.constant 5 : i32
      %parallel_loop3A_1172 = arith.index_cast %parallel_loop3A_1171 : i32 to index
      %parallel_loop3A_1173 = arith.index_cast %parallel_loop3A_1146 : i32 to index
      %parallel_loop3A_1174 = tpu.vector_load %arg15[%parallel_loop3A_1172, %parallel_loop3A_1173] {strides = array<i32>} : memref<16x640xf32, #tpu.memory_space<vmem>>, vector<16xf32>,
      %parallel_loop3A_1175 = arith.addf %parallel_loop3A_1170, %parallel_loop3A_1174 : vector<16xf32>
      %parallel_loop3A_1176 = arith.constant 6 : i32
      %parallel_loop3A_1177 = arith.index_cast %parallel_loop3A_1176 : i32 to index
      %parallel_loop3A_1178 = arith.index_cast %parallel_loop3A_1146 : i32 to index
      %parallel_loop3A_1179 = tpu.vector_load %arg15[%parallel_loop3A_1177, %parallel_loop3A_1178] {strides = array<i32>} : memref<16x640xf32, #tpu.memory_space<vmem>>, vector<16xf32>,
      %parallel_loop3A_1180 = arith.addf %parallel_loop3A_1175, %parallel_loop3A_1179 : vector<16xf32>
      %parallel_loop3A_1181 = arith.constant 7 : i32
      %parallel_loop3A_1182 = arith.index_cast %parallel_loop3A_1181 : i32 to index
      %parallel_loop3A_1183 = arith.index_cast %parallel_loop3A_1146 : i32 to index
      %parallel_loop3A_1184 = tpu.vector_load %arg15[%parallel_loop3A_1182, %parallel_loop3A_1183] {strides = array<i32>} : memref<16x640xf32, #tpu.memory_space<vmem>>, vector<16xf32>,
      %parallel_loop3A_1185 = arith.addf %parallel_loop3A_1180, %parallel_loop3A_1184 : vector<16xf32>
      %parallel_loop3A_1186 = arith.constant 8 : i32
      %parallel_loop3A_1187 = arith.index_cast %parallel_loop3A_1186 : i32 to index
      %parallel_loop3A_1188 = arith.index_cast %parallel_loop3A_1146 : i32 to index
      %parallel_loop3A_1189 = tpu.vector_load %arg15[%parallel_loop3A_1187, %parallel_loop3A_1188] {strides = array<i32>} : memref<16x640xf32, #tpu.memory_space<vmem>>, vector<16xf32>,
      %parallel_loop3A_1190 = arith.addf %parallel_loop3A_1185, %parallel_loop3A_1189 : vector<16xf32>
      %parallel_loop3A_1191 = arith.constant 9 : i32
      %parallel_loop3A_1192 = arith.index_cast %parallel_loop3A_1191 : i32 to index
      %parallel_loop3A_1193 = arith.index_cast %parallel_loop3A_1146 : i32 to index
      %parallel_loop3A_1194 = tpu.vector_load %arg15[%parallel_loop3A_1192, %parallel_loop3A_1193] {strides = array<i32>} : memref<16x640xf32, #tpu.memory_space<vmem>>, vector<16xf32>,
      %parallel_loop3A_1195 = arith.addf %parallel_loop3A_1190, %parallel_loop3A_1194 : vector<16xf32>
      %parallel_loop3A_1196 = arith.constant 10 : i32
      %parallel_loop3A_1197 = arith.index_cast %parallel_loop3A_1196 : i32 to index
      %parallel_loop3A_1198 = arith.index_cast %parallel_loop3A_1146 : i32 to index
      %parallel_loop3A_1199 = tpu.vector_load %arg15[%parallel_loop3A_1197, %parallel_loop3A_1198] {strides = array<i32>} : memref<16x640xf32, #tpu.memory_space<vmem>>, vector<16xf32>,
      %parallel_loop3A_1200 = arith.addf %parallel_loop3A_1195, %parallel_loop3A_1199 : vector<16xf32>
      %parallel_loop3A_1201 = arith.constant 11 : i32
      %parallel_loop3A_1202 = arith.index_cast %parallel_loop3A_1201 : i32 to index
      %parallel_loop3A_1203 = arith.index_cast %parallel_loop3A_1146 : i32 to index
      %parallel_loop3A_1204 = tpu.vector_load %arg15[%parallel_loop3A_1202, %parallel_loop3A_1203] {strides = array<i32>} : memref<16x640xf32, #tpu.memory_space<vmem>>, vector<16xf32>,
      %parallel_loop3A_1205 = arith.addf %parallel_loop3A_1200, %parallel_loop3A_1204 : vector<16xf32>
      %parallel_loop3A_1206 = arith.constant 12 : i32
      %parallel_loop3A_1207 = arith.index_cast %parallel_loop3A_1206 : i32 to index
      %parallel_loop3A_1208 = arith.index_cast %parallel_loop3A_1146 : i32 to index
      %parallel_loop3A_1209 = tpu.vector_load %arg15[%parallel_loop3A_1207, %parallel_loop3A_1208] {strides = array<i32>} : memref<16x640xf32, #tpu.memory_space<vmem>>, vector<16xf32>,
      %parallel_loop3A_1210 = arith.addf %parallel_loop3A_1205, %parallel_loop3A_1209 : vector<16xf32>
      %parallel_loop3A_1211 = arith.constant 13 : i32
      %parallel_loop3A_1212 = arith.index_cast %parallel_loop3A_1211 : i32 to index
      %parallel_loop3A_1213 = arith.index_cast %parallel_loop3A_1146 : i32 to index
      %parallel_loop3A_1214 = tpu.vector_load %arg15[%parallel_loop3A_1212, %parallel_loop3A_1213] {strides = array<i32>} : memref<16x640xf32, #tpu.memory_space<vmem>>, vector<16xf32>,
      %parallel_loop3A_1215 = arith.addf %parallel_loop3A_1210, %parallel_loop3A_1214 : vector<16xf32>
      %parallel_loop3A_1216 = arith.constant 14 : i32
      %parallel_loop3A_1217 = arith.index_cast %parallel_loop3A_1216 : i32 to index
      %parallel_loop3A_1218 = arith.index_cast %parallel_loop3A_1146 : i32 to index
      %parallel_loop3A_1219 = tpu.vector_load %arg15[%parallel_loop3A_1217, %parallel_loop3A_1218] {strides = array<i32>} : memref<16x640xf32, #tpu.memory_space<vmem>>, vector<16xf32>,
      %parallel_loop3A_1220 = arith.addf %parallel_loop3A_1215, %parallel_loop3A_1219 : vector<16xf32>
      %parallel_loop3A_1221 = arith.constant 15 : i32
      %parallel_loop3A_1222 = arith.index_cast %parallel_loop3A_1221 : i32 to index
      %parallel_loop3A_1223 = arith.index_cast %parallel_loop3A_1146 : i32 to index
      %parallel_loop3A_1224 = tpu.vector_load %arg15[%parallel_loop3A_1222, %parallel_loop3A_1223] {strides = array<i32>} : memref<16x640xf32, #tpu.memory_space<vmem>>, vector<16xf32>,
      %parallel_loop3A_1225 = arith.addf %parallel_loop3A_1220, %parallel_loop3A_1224 : vector<16xf32>
      %parallel_loop3A_1226 = vector.broadcast %squeeze3A_1125 : f32 to vector<16xf32>
      %parallel_loop3A_1227 = arith.mulf %parallel_loop3A_1226, %parallel_loop3A_1225 : vector<16xf32>
      %parallel_loop3A_1228 = vector.broadcast %squeeze3A_1127 : f32 to vector<16xf32>
      %parallel_loop3A_1229 = arith.addf %parallel_loop3A_1227, %parallel_loop3A_1228 : vector<16xf32>
      %parallel_loop3A_1230 = arith.addi %mul3A_0, %parallel_loop3A_1146 : i32
      %parallel_loop3A_1231 = arith.index_cast %parallel_loop3A_1230 : i32 to index
      %parallel_loop3A_1232 = tpu.vector_load %arg13[%parallel_loop3A_1231] {strides = array<i32>} : memref<10240xf32, #tpu.memory_space<vmem>>, vector<16xf32>,
      %parallel_loop3A_1233 = vector.broadcast %squeeze3A_1129 : f32 to vector<16xf32>
      %parallel_loop3A_1234 = arith.mulf %parallel_loop3A_1233, %parallel_loop3A_1232 : vector<16xf32>
      %parallel_loop3A_1235 = arith.addf %parallel_loop3A_1229, %parallel_loop3A_1234 : vector<16xf32>
      %parallel_loop3A_1236 = arith.constant 0.000000e+00 : f32
      %parallel_loop3A_1237 = vector.broadcast %parallel_loop3A_1236 : f32 to vector<16xf32>
      %parallel_loop3A_1238 = arith.maximumf %parallel_loop3A_1235, %parallel_loop3A_1237 : vector<16xf32>
      %parallel_loop3A_1239 = arith.addi %mul3A_0, %parallel_loop3A_1146 : i32
      %parallel_loop3A_1240 = vector.broadcast %parallel_loop3A_1239 : i32 to vector<16xi32>
      %parallel_loop3A_1241 = arith.addi %parallel_loop3A_1240, %iota3A : vector<16xi32>
      %parallel_loop3A_1242 = arith.constant 10000 : i32
      %parallel_loop3A_1243 = vector.broadcast %parallel_loop3A_1242 : i32 to vector<16xi32>
      %parallel_loop3A_1244 = arith.cmpi slt, %parallel_loop3A_1241, %parallel_loop3A_1243 : vector<16xi32>
      %parallel_loop3A_1245 = arith.constant 0.000000e+00 : f32
      %parallel_loop3A_1246 = vector.broadcast %parallel_loop3A_1245 : f32 to vector<16xf32>
      %parallel_loop3A_1247 = arith.select %parallel_loop3A_1244, %parallel_loop3A_1238, %parallel_loop3A_1246 : vector<16xi1>, vector<16xf32>
      %parallel_loop3A_1248 = arith.index_cast %parallel_loop3A_1146 : i32 to index
      %parallel_loop3A_1249 = tpu.vector_load %arg16[%parallel_loop3A_1248] {strides = array<i32>} : memref<640xf32, #tpu.memory_space<vmem>>, vector<16xf32>,
      tpu.vector_store %arg16[%parallel_loop3A_1248], %parallel_loop3A_1247 {strides = array<i32>} : memref<640xf32, #tpu.memory_space<vmem>>, vector<16xf32>,
      %parallel_loop3A_1250 = arith.addf %parallel_loop3A_1144, %parallel_loop3A_1247 : vector<16xf32>
      scf.yield %parallel_loop3A_1250 : vector<16xf32>
    } {sc.loop_unroll_factor = 4 : i64, sc.parallel_access}
    %swap3A_1134 = arith.constant 0 : index
    %swap3A_1135 = tpu.vector_load %arg19[%swap3A_1134] {strides = array<i32>} : memref<16xf32, #tpu.memory_space<vmem>>, vector<16xf32>,
    tpu.vector_store %arg19[%swap3A_1134], %parallel_loop3A_1133 {strides = array<i32>} : memref<16xf32, #tpu.memory_space<vmem>>, vector<16xf32>,
    "tpu.region"() ({
      %run_scoped3A = tpu.sem_alloc : memref<!tpu.dma_semaphore, #tpu.memory_space<semaphore_mem>>
      %dma_start3A_1143 = tpu.memref_slice %arg9[%mul3A_0] : memref<10240xf32, #tpu.memory_space<vmem_shared>> -> memref<640xf32, #tpu.memory_space<vmem_shared>>
      %dma_start3A_1144 = tpu.memref_slice %arg9[%mul3A_0] : memref<10240xf32, #tpu.memory_space<vmem_shared>> -> memref<640xf32, #tpu.memory_space<vmem_shared>>
      tpu.enqueue_dma source(%arg16 : memref<640xf32, #tpu.memory_space<vmem>>) target(%dma_start3A_1144 : memref<640xf32, #tpu.memory_space<vmem_shared>>) target_semaphore(%run_scoped3A : memref<!tpu.dma_semaphore, #tpu.memory_space<semaphore_mem>>)
      %dma_wait3A_1145 = tpu.memref_slice %arg9[%mul3A_0] : memref<10240xf32, #tpu.memory_space<vmem_shared>> -> memref<640xf32, #tpu.memory_space<vmem_shared>>
      %dma_wait3A_1146 = tpu.memref_slice %arg9[%mul3A_0] : memref<10240xf32, #tpu.memory_space<vmem_shared>> -> memref<640xf32, #tpu.memory_space<vmem_shared>>
      tpu.wait_dma2 semaphore(%run_scoped3A : memref<!tpu.dma_semaphore, #tpu.memory_space<semaphore_mem>>) src(%arg16 : memref<640xf32, #tpu.memory_space<vmem>>) dst(%dma_wait3A_1146 : memref<640xf32, #tpu.memory_space<vmem_shared>>)
      tpu.yield
    }) : () -> ()
    %add3A_1136 = arith.constant 32 : i32
    %add3A_1137 = arith.addi %add3A_1136, %arg1 : i32
    %mul3A_1138 = arith.constant 16 : i32
    %mul3A_1139 = arith.muli %add3A_1137, %mul3A_1138 : i32
    "tpu.region"() ({
      %run_scoped3A = tpu.sem_alloc : memref<!tpu.dma_semaphore, #tpu.memory_space<semaphore_mem>>
      %dma_start3A_1143 = tpu.memref_slice %arg10[%mul3A_1139] : memref<768xf32, #tpu.memory_space<vmem_shared>> -> memref<16xf32, #tpu.memory_space<vmem_shared>>
      %dma_start3A_1144 = tpu.memref_slice %arg10[%mul3A_1139] : memref<768xf32, #tpu.memory_space<vmem_shared>> -> memref<16xf32, #tpu.memory_space<vmem_shared>>
      tpu.enqueue_dma source(%arg19 : memref<16xf32, #tpu.memory_space<vmem>>) target(%dma_start3A_1144 : memref<16xf32, #tpu.memory_space<vmem_shared>>) target_semaphore(%run_scoped3A : memref<!tpu.dma_semaphore, #tpu.memory_space<semaphore_mem>>)
      %dma_wait3A_1145 = tpu.memref_slice %arg10[%mul3A_1139] : memref<768xf32, #tpu.memory_space<vmem_shared>> -> memref<16xf32, #tpu.memory_space<vmem_shared>>
      %dma_wait3A_1146 = tpu.memref_slice %arg10[%mul3A_1139] : memref<768xf32, #tpu.memory_space<vmem_shared>> -> memref<16xf32, #tpu.memory_space<vmem_shared>>
      tpu.wait_dma2 semaphore(%run_scoped3A : memref<!tpu.dma_semaphore, #tpu.memory_space<semaphore_mem>>) src(%arg19 : memref<16xf32, #tpu.memory_space<vmem>>) dst(%dma_wait3A_1146 : memref<16xf32, #tpu.memory_space<vmem_shared>>)
      tpu.yield
    }) : () -> ()
    %barrier3A_1140 = arith.constant 0 : index
    tpu.barrier barrier_id(%barrier3A_1140)
    %eq3A = arith.constant 0 : i32
    %eq3A_1141 = arith.cmpi eq, %arg1, %eq3A : i32
    %convert_element_type3A = arith.extui %eq3A_1141 : i1 to i32
    %cond3A = arith.constant 0 : i32
    %cond3A_1142 = arith.cmpi ne, %convert_element_type3A, %cond3A : i32
    scf.if %cond3A_1142 {
      "tpu.region"() ({
        %run_scoped3A = tpu.sem_alloc : memref<!tpu.dma_semaphore, #tpu.memory_space<semaphore_mem>>
        tpu.enqueue_dma source(%arg4 : memref<128xf32, #tpu.memory_space<hbm>>) target(%arg20 : memref<128xf32, #tpu.memory_space<vmem>>) target_semaphore(%run_scoped3A : memref<!tpu.dma_semaphore, #tpu.memory_space<semaphore_mem>>)
        tpu.wait_dma2 semaphore(%run_scoped3A : memref<!tpu.dma_semaphore, #tpu.memory_space<semaphore_mem>>) src(%arg4 : memref<128xf32, #tpu.memory_space<hbm>>) dst(%arg20 : memref<128xf32, #tpu.memory_space<vmem>>)
        tpu.yield
      }) : () -> ()
      "tpu.region"() ({
        %run_scoped3A = tpu.sem_alloc : memref<!tpu.dma_semaphore, #tpu.memory_space<semaphore_mem>>
        %dma_start3A_1312 = arith.constant 0 : i32
        %dma_start3A_1313 = tpu.memref_slice %arg7[%dma_start3A_1312] : memref<144xf32, #tpu.memory_space<hbm>> -> memref<128xf32, #tpu.memory_space<hbm>>
        %dma_start3A_1314 = arith.constant 0 : i32
        %dma_start3A_1315 = tpu.memref_slice %arg7[%dma_start3A_1314] : memref<144xf32, #tpu.memory_space<hbm>> -> memref<128xf32, #tpu.memory_space<hbm>>
        tpu.enqueue_dma source(%arg20 : memref<128xf32, #tpu.memory_space<vmem>>) target(%dma_start3A_1315 : memref<128xf32, #tpu.memory_space<hbm>>) target_semaphore(%run_scoped3A : memref<!tpu.dma_semaphore, #tpu.memory_space<semaphore_mem>>)
        %dma_wait3A_1316 = arith.constant 0 : i32
        %dma_wait3A_1317 = tpu.memref_slice %arg7[%dma_wait3A_1316] : memref<144xf32, #tpu.memory_space<hbm>> -> memref<128xf32, #tpu.memory_space<hbm>>
        %dma_wait3A_1318 = arith.constant 0 : i32
        %dma_wait3A_1319 = tpu.memref_slice %arg7[%dma_wait3A_1318] : memref<144xf32, #tpu.memory_space<hbm>> -> memref<128xf32, #tpu.memory_space<hbm>>
        tpu.wait_dma2 semaphore(%run_scoped3A : memref<!tpu.dma_semaphore, #tpu.memory_space<semaphore_mem>>) src(%arg20 : memref<128xf32, #tpu.memory_space<vmem>>) dst(%dma_wait3A_1319 : memref<128xf32, #tpu.memory_space<hbm>>)
        tpu.yield
      }) : () -> ()
      "tpu.region"() ({
        %run_scoped3A = tpu.sem_alloc : memref<!tpu.dma_semaphore, #tpu.memory_space<semaphore_mem>>
        tpu.enqueue_dma source(%arg10 : memref<768xf32, #tpu.memory_space<vmem_shared>>) target(%arg21 : memref<768xf32, #tpu.memory_space<vmem>>) target_semaphore(%run_scoped3A : memref<!tpu.dma_semaphore, #tpu.memory_space<semaphore_mem>>)
        tpu.wait_dma2 semaphore(%run_scoped3A : memref<!tpu.dma_semaphore, #tpu.memory_space<semaphore_mem>>) src(%arg10 : memref<768xf32, #tpu.memory_space<vmem_shared>>) dst(%arg21 : memref<768xf32, #tpu.memory_space<vmem>>)
        tpu.yield
      }) : () -> ()
      %get3A_1143 = arith.constant 0 : index
      %get3A_1144 = tpu.vector_load %arg21[%get3A_1143] {strides = array<i32>} : memref<768xf32, #tpu.memory_space<vmem>>, vector<16xf32>,
      %get3A_1145 = arith.constant 16 : index
      %get3A_1146 = tpu.vector_load %arg21[%get3A_1145] {strides = array<i32>} : memref<768xf32, #tpu.memory_space<vmem>>, vector<16xf32>,
      %add3A_1147 = arith.addf %get3A_1144, %get3A_1146 : vector<16xf32>
      %get3A_1148 = arith.constant 32 : index
      %get3A_1149 = tpu.vector_load %arg21[%get3A_1148] {strides = array<i32>} : memref<768xf32, #tpu.memory_space<vmem>>, vector<16xf32>,
      %add3A_1150 = arith.addf %add3A_1147, %get3A_1149 : vector<16xf32>
      %get3A_1151 = arith.constant 48 : index
      %get3A_1152 = tpu.vector_load %arg21[%get3A_1151] {strides = array<i32>} : memref<768xf32, #tpu.memory_space<vmem>>, vector<16xf32>,
      %add3A_1153 = arith.addf %add3A_1150, %get3A_1152 : vector<16xf32>
      %get3A_1154 = arith.constant 64 : index
      %get3A_1155 = tpu.vector_load %arg21[%get3A_1154] {strides = array<i32>} : memref<768xf32, #tpu.memory_space<vmem>>, vector<16xf32>,
      %add3A_1156 = arith.addf %add3A_1153, %get3A_1155 : vector<16xf32>
      %get3A_1157 = arith.constant 80 : index
      %get3A_1158 = tpu.vector_load %arg21[%get3A_1157] {strides = array<i32>} : memref<768xf32, #tpu.memory_space<vmem>>, vector<16xf32>,
      %add3A_1159 = arith.addf %add3A_1156, %get3A_1158 : vector<16xf32>
      %get3A_1160 = arith.constant 96 : index
      %get3A_1161 = tpu.vector_load %arg21[%get3A_1160] {strides = array<i32>} : memref<768xf32, #tpu.memory_space<vmem>>, vector<16xf32>,
      %add3A_1162 = arith.addf %add3A_1159, %get3A_1161 : vector<16xf32>
      %get3A_1163 = arith.constant 112 : index
      %get3A_1164 = tpu.vector_load %arg21[%get3A_1163] {strides = array<i32>} : memref<768xf32, #tpu.memory_space<vmem>>, vector<16xf32>,
      %add3A_1165 = arith.addf %add3A_1162, %get3A_1164 : vector<16xf32>
      %get3A_1166 = arith.constant 128 : index
      %get3A_1167 = tpu.vector_load %arg21[%get3A_1166] {strides = array<i32>} : memref<768xf32, #tpu.memory_space<vmem>>, vector<16xf32>,
      %add3A_1168 = arith.addf %add3A_1165, %get3A_1167 : vector<16xf32>
      %get3A_1169 = arith.constant 144 : index
      %get3A_1170 = tpu.vector_load %arg21[%get3A_1169] {strides = array<i32>} : memref<768xf32, #tpu.memory_space<vmem>>, vector<16xf32>,
      %add3A_1171 = arith.addf %add3A_1168, %get3A_1170 : vector<16xf32>
      %get3A_1172 = arith.constant 160 : index
      %get3A_1173 = tpu.vector_load %arg21[%get3A_1172] {strides = array<i32>} : memref<768xf32, #tpu.memory_space<vmem>>, vector<16xf32>,
      %add3A_1174 = arith.addf %add3A_1171, %get3A_1173 : vector<16xf32>
      %get3A_1175 = arith.constant 176 : index
      %get3A_1176 = tpu.vector_load %arg21[%get3A_1175] {strides = array<i32>} : memref<768xf32, #tpu.memory_space<vmem>>, vector<16xf32>,
      %add3A_1177 = arith.addf %add3A_1174, %get3A_1176 : vector<16xf32>
      %get3A_1178 = arith.constant 192 : index
      %get3A_1179 = tpu.vector_load %arg21[%get3A_1178] {strides = array<i32>} : memref<768xf32, #tpu.memory_space<vmem>>, vector<16xf32>,
      %add3A_1180 = arith.addf %add3A_1177, %get3A_1179 : vector<16xf32>
      %get3A_1181 = arith.constant 208 : index
      %get3A_1182 = tpu.vector_load %arg21[%get3A_1181] {strides = array<i32>} : memref<768xf32, #tpu.memory_space<vmem>>, vector<16xf32>,
      %add3A_1183 = arith.addf %add3A_1180, %get3A_1182 : vector<16xf32>
      %get3A_1184 = arith.constant 224 : index
      %get3A_1185 = tpu.vector_load %arg21[%get3A_1184] {strides = array<i32>} : memref<768xf32, #tpu.memory_space<vmem>>, vector<16xf32>,
      %add3A_1186 = arith.addf %add3A_1183, %get3A_1185 : vector<16xf32>
      %get3A_1187 = arith.constant 240 : index
      %get3A_1188 = tpu.vector_load %arg21[%get3A_1187] {strides = array<i32>} : memref<768xf32, #tpu.memory_space<vmem>>, vector<16xf32>,
      %add3A_1189 = arith.addf %add3A_1186, %get3A_1188 : vector<16xf32>
      %reduce_sum3A = arith.constant true
      %reduce_sum3A_1190 = vector.broadcast %reduce_sum3A : i1 to vector<16xi1>
      %reduce_sum3A_1191 = tpu.scan <sum>, %add3A_1189 masked %reduce_sum3A_1190 : vector<16xf32>, vector<16xi1> -> vector<16xf32>
      %reduce_sum3A_1192 = vector.extract %reduce_sum3A_1191[15] : f32 from vector<16xf32>
      %get3A_1193 = arith.constant 256 : index
      %get3A_1194 = tpu.vector_load %arg21[%get3A_1193] {strides = array<i32>} : memref<768xf32, #tpu.memory_space<vmem>>, vector<16xf32>,
      %get3A_1195 = arith.constant 272 : index
      %get3A_1196 = tpu.vector_load %arg21[%get3A_1195] {strides = array<i32>} : memref<768xf32, #tpu.memory_space<vmem>>, vector<16xf32>,
      %add3A_1197 = arith.addf %get3A_1194, %get3A_1196 : vector<16xf32>
      %get3A_1198 = arith.constant 288 : index
      %get3A_1199 = tpu.vector_load %arg21[%get3A_1198] {strides = array<i32>} : memref<768xf32, #tpu.memory_space<vmem>>, vector<16xf32>,
      %add3A_1200 = arith.addf %add3A_1197, %get3A_1199 : vector<16xf32>
      %get3A_1201 = arith.constant 304 : index
      %get3A_1202 = tpu.vector_load %arg21[%get3A_1201] {strides = array<i32>} : memref<768xf32, #tpu.memory_space<vmem>>, vector<16xf32>,
      %add3A_1203 = arith.addf %add3A_1200, %get3A_1202 : vector<16xf32>
      %get3A_1204 = arith.constant 320 : index
      %get3A_1205 = tpu.vector_load %arg21[%get3A_1204] {strides = array<i32>} : memref<768xf32, #tpu.memory_space<vmem>>, vector<16xf32>,
      %add3A_1206 = arith.addf %add3A_1203, %get3A_1205 : vector<16xf32>
      %get3A_1207 = arith.constant 336 : index
      %get3A_1208 = tpu.vector_load %arg21[%get3A_1207] {strides = array<i32>} : memref<768xf32, #tpu.memory_space<vmem>>, vector<16xf32>,
      %add3A_1209 = arith.addf %add3A_1206, %get3A_1208 : vector<16xf32>
      %get3A_1210 = arith.constant 352 : index
      %get3A_1211 = tpu.vector_load %arg21[%get3A_1210] {strides = array<i32>} : memref<768xf32, #tpu.memory_space<vmem>>, vector<16xf32>,
      %add3A_1212 = arith.addf %add3A_1209, %get3A_1211 : vector<16xf32>
      %get3A_1213 = arith.constant 368 : index
      %get3A_1214 = tpu.vector_load %arg21[%get3A_1213] {strides = array<i32>} : memref<768xf32, #tpu.memory_space<vmem>>, vector<16xf32>,
      %add3A_1215 = arith.addf %add3A_1212, %get3A_1214 : vector<16xf32>
      %get3A_1216 = arith.constant 384 : index
      %get3A_1217 = tpu.vector_load %arg21[%get3A_1216] {strides = array<i32>} : memref<768xf32, #tpu.memory_space<vmem>>, vector<16xf32>,
      %add3A_1218 = arith.addf %add3A_1215, %get3A_1217 : vector<16xf32>
      %get3A_1219 = arith.constant 400 : index
      %get3A_1220 = tpu.vector_load %arg21[%get3A_1219] {strides = array<i32>} : memref<768xf32, #tpu.memory_space<vmem>>, vector<16xf32>,
      %add3A_1221 = arith.addf %add3A_1218, %get3A_1220 : vector<16xf32>
      %get3A_1222 = arith.constant 416 : index
      %get3A_1223 = tpu.vector_load %arg21[%get3A_1222] {strides = array<i32>} : memref<768xf32, #tpu.memory_space<vmem>>, vector<16xf32>,
      %add3A_1224 = arith.addf %add3A_1221, %get3A_1223 : vector<16xf32>
      %get3A_1225 = arith.constant 432 : index
      %get3A_1226 = tpu.vector_load %arg21[%get3A_1225] {strides = array<i32>} : memref<768xf32, #tpu.memory_space<vmem>>, vector<16xf32>,
      %add3A_1227 = arith.addf %add3A_1224, %get3A_1226 : vector<16xf32>
      %get3A_1228 = arith.constant 448 : index
      %get3A_1229 = tpu.vector_load %arg21[%get3A_1228] {strides = array<i32>} : memref<768xf32, #tpu.memory_space<vmem>>, vector<16xf32>,
      %add3A_1230 = arith.addf %add3A_1227, %get3A_1229 : vector<16xf32>
      %get3A_1231 = arith.constant 464 : index
      %get3A_1232 = tpu.vector_load %arg21[%get3A_1231] {strides = array<i32>} : memref<768xf32, #tpu.memory_space<vmem>>, vector<16xf32>,
      %add3A_1233 = arith.addf %add3A_1230, %get3A_1232 : vector<16xf32>
      %get3A_1234 = arith.constant 480 : index
      %get3A_1235 = tpu.vector_load %arg21[%get3A_1234] {strides = array<i32>} : memref<768xf32, #tpu.memory_space<vmem>>, vector<16xf32>,
      %add3A_1236 = arith.addf %add3A_1233, %get3A_1235 : vector<16xf32>
      %get3A_1237 = arith.constant 496 : index
      %get3A_1238 = tpu.vector_load %arg21[%get3A_1237] {strides = array<i32>} : memref<768xf32, #tpu.memory_space<vmem>>, vector<16xf32>,
      %add3A_1239 = arith.addf %add3A_1236, %get3A_1238 : vector<16xf32>
      %reduce_sum3A_1240 = arith.constant true
      %reduce_sum3A_1241 = vector.broadcast %reduce_sum3A_1240 : i1 to vector<16xi1>
      %reduce_sum3A_1242 = tpu.scan <sum>, %add3A_1239 masked %reduce_sum3A_1241 : vector<16xf32>, vector<16xi1> -> vector<16xf32>
      %reduce_sum3A_1243 = vector.extract %reduce_sum3A_1242[15] : f32 from vector<16xf32>
      %get3A_1244 = arith.constant 512 : index
      %get3A_1245 = tpu.vector_load %arg21[%get3A_1244] {strides = array<i32>} : memref<768xf32, #tpu.memory_space<vmem>>, vector<16xf32>,
      %get3A_1246 = arith.constant 528 : index
      %get3A_1247 = tpu.vector_load %arg21[%get3A_1246] {strides = array<i32>} : memref<768xf32, #tpu.memory_space<vmem>>, vector<16xf32>,
      %add3A_1248 = arith.addf %get3A_1245, %get3A_1247 : vector<16xf32>
      %get3A_1249 = arith.constant 544 : index
      %get3A_1250 = tpu.vector_load %arg21[%get3A_1249] {strides = array<i32>} : memref<768xf32, #tpu.memory_space<vmem>>, vector<16xf32>,
      %add3A_1251 = arith.addf %add3A_1248, %get3A_1250 : vector<16xf32>
      %get3A_1252 = arith.constant 560 : index
      %get3A_1253 = tpu.vector_load %arg21[%get3A_1252] {strides = array<i32>} : memref<768xf32, #tpu.memory_space<vmem>>, vector<16xf32>,
      %add3A_1254 = arith.addf %add3A_1251, %get3A_1253 : vector<16xf32>
      %get3A_1255 = arith.constant 576 : index
      %get3A_1256 = tpu.vector_load %arg21[%get3A_1255] {strides = array<i32>} : memref<768xf32, #tpu.memory_space<vmem>>, vector<16xf32>,
      %add3A_1257 = arith.addf %add3A_1254, %get3A_1256 : vector<16xf32>
      %get3A_1258 = arith.constant 592 : index
      %get3A_1259 = tpu.vector_load %arg21[%get3A_1258] {strides = array<i32>} : memref<768xf32, #tpu.memory_space<vmem>>, vector<16xf32>,
      %add3A_1260 = arith.addf %add3A_1257, %get3A_1259 : vector<16xf32>
      %get3A_1261 = arith.constant 608 : index
      %get3A_1262 = tpu.vector_load %arg21[%get3A_1261] {strides = array<i32>} : memref<768xf32, #tpu.memory_space<vmem>>, vector<16xf32>,
      %add3A_1263 = arith.addf %add3A_1260, %get3A_1262 : vector<16xf32>
      %get3A_1264 = arith.constant 624 : index
      %get3A_1265 = tpu.vector_load %arg21[%get3A_1264] {strides = array<i32>} : memref<768xf32, #tpu.memory_space<vmem>>, vector<16xf32>,
      %add3A_1266 = arith.addf %add3A_1263, %get3A_1265 : vector<16xf32>
      %get3A_1267 = arith.constant 640 : index
      %get3A_1268 = tpu.vector_load %arg21[%get3A_1267] {strides = array<i32>} : memref<768xf32, #tpu.memory_space<vmem>>, vector<16xf32>,
      %add3A_1269 = arith.addf %add3A_1266, %get3A_1268 : vector<16xf32>
      %get3A_1270 = arith.constant 656 : index
      %get3A_1271 = tpu.vector_load %arg21[%get3A_1270] {strides = array<i32>} : memref<768xf32, #tpu.memory_space<vmem>>, vector<16xf32>,
      %add3A_1272 = arith.addf %add3A_1269, %get3A_1271 : vector<16xf32>
      %get3A_1273 = arith.constant 672 : index
      %get3A_1274 = tpu.vector_load %arg21[%get3A_1273] {strides = array<i32>} : memref<768xf32, #tpu.memory_space<vmem>>, vector<16xf32>,
      %add3A_1275 = arith.addf %add3A_1272, %get3A_1274 : vector<16xf32>
      %get3A_1276 = arith.constant 688 : index
      %get3A_1277 = tpu.vector_load %arg21[%get3A_1276] {strides = array<i32>} : memref<768xf32, #tpu.memory_space<vmem>>, vector<16xf32>,
      %add3A_1278 = arith.addf %add3A_1275, %get3A_1277 : vector<16xf32>
      %get3A_1279 = arith.constant 704 : index
      %get3A_1280 = tpu.vector_load %arg21[%get3A_1279] {strides = array<i32>} : memref<768xf32, #tpu.memory_space<vmem>>, vector<16xf32>,
      %add3A_1281 = arith.addf %add3A_1278, %get3A_1280 : vector<16xf32>
      %get3A_1282 = arith.constant 720 : index
      %get3A_1283 = tpu.vector_load %arg21[%get3A_1282] {strides = array<i32>} : memref<768xf32, #tpu.memory_space<vmem>>, vector<16xf32>,
      %add3A_1284 = arith.addf %add3A_1281, %get3A_1283 : vector<16xf32>
      %get3A_1285 = arith.constant 736 : index
      %get3A_1286 = tpu.vector_load %arg21[%get3A_1285] {strides = array<i32>} : memref<768xf32, #tpu.memory_space<vmem>>, vector<16xf32>,
      %add3A_1287 = arith.addf %add3A_1284, %get3A_1286 : vector<16xf32>
      %get3A_1288 = arith.constant 752 : index
      %get3A_1289 = tpu.vector_load %arg21[%get3A_1288] {strides = array<i32>} : memref<768xf32, #tpu.memory_space<vmem>>, vector<16xf32>,
      %add3A_1290 = arith.addf %add3A_1287, %get3A_1289 : vector<16xf32>
      %reduce_sum3A_1291 = arith.constant true
      %reduce_sum3A_1292 = vector.broadcast %reduce_sum3A_1291 : i1 to vector<16xi1>
      %reduce_sum3A_1293 = tpu.scan <sum>, %add3A_1290 masked %reduce_sum3A_1292 : vector<16xf32>, vector<16xi1> -> vector<16xf32>
      %reduce_sum3A_1294 = vector.extract %reduce_sum3A_1293[15] : f32 from vector<16xf32>
      %eq3A_1295 = arith.constant 0 : i32
      %eq3A_1296 = vector.broadcast %eq3A_1295 : i32 to vector<16xi32>
      %eq3A_1297 = arith.cmpi eq, %iota3A, %eq3A_1296 : vector<16xi32>
      %eq3A_1298 = arith.constant 1 : i32
      %eq3A_1299 = vector.broadcast %eq3A_1298 : i32 to vector<16xi32>
      %eq3A_1300 = arith.cmpi eq, %iota3A, %eq3A_1299 : vector<16xi32>
      %eq3A_1301 = arith.constant 2 : i32
      %eq3A_1302 = vector.broadcast %eq3A_1301 : i32 to vector<16xi32>
      %eq3A_1303 = arith.cmpi eq, %iota3A, %eq3A_1302 : vector<16xi32>
      %jit3A = arith.constant 0.000000e+00 : f32
      %broadcast_in_dim3A_1304 = vector.broadcast %reduce_sum3A_1294 : f32 to vector<16xf32>
      %broadcast_in_dim3A_1305 = vector.broadcast %jit3A : f32 to vector<16xf32>
      %select_n3A = arith.select %eq3A_1303, %broadcast_in_dim3A_1304, %broadcast_in_dim3A_1305 : vector<16xi1>, vector<16xf32>
      %broadcast_in_dim3A_1306 = vector.broadcast %reduce_sum3A_1243 : f32 to vector<16xf32>
      %select_n3A_1307 = arith.select %eq3A_1300, %broadcast_in_dim3A_1306, %select_n3A : vector<16xi1>, vector<16xf32>
      %broadcast_in_dim3A_1308 = vector.broadcast %reduce_sum3A_1192 : f32 to vector<16xf32>
      %select_n3A_1309 = arith.select %eq3A_1297, %broadcast_in_dim3A_1308, %select_n3A_1307 : vector<16xi1>, vector<16xf32>
      %swap3A_1310 = arith.constant 0 : index
      %swap3A_1311 = tpu.vector_load %arg22[%swap3A_1310] {strides = array<i32>} : memref<16xf32, #tpu.memory_space<vmem>>, vector<16xf32>,
      tpu.vector_store %arg22[%swap3A_1310], %select_n3A_1309 {strides = array<i32>} : memref<16xf32, #tpu.memory_space<vmem>>, vector<16xf32>,
      "tpu.region"() ({
        %run_scoped3A = tpu.sem_alloc : memref<!tpu.dma_semaphore, #tpu.memory_space<semaphore_mem>>
        %dma_start3A_1312 = arith.constant 128 : i32
        %dma_start3A_1313 = tpu.memref_slice %arg7[%dma_start3A_1312] : memref<144xf32, #tpu.memory_space<hbm>> -> memref<16xf32, #tpu.memory_space<hbm>>
        %dma_start3A_1314 = arith.constant 128 : i32
        %dma_start3A_1315 = tpu.memref_slice %arg7[%dma_start3A_1314] : memref<144xf32, #tpu.memory_space<hbm>> -> memref<16xf32, #tpu.memory_space<hbm>>
        tpu.enqueue_dma source(%arg22 : memref<16xf32, #tpu.memory_space<vmem>>) target(%dma_start3A_1315 : memref<16xf32, #tpu.memory_space<hbm>>) target_semaphore(%run_scoped3A : memref<!tpu.dma_semaphore, #tpu.memory_space<semaphore_mem>>)
        %dma_wait3A_1316 = arith.constant 128 : i32
        %dma_wait3A_1317 = tpu.memref_slice %arg7[%dma_wait3A_1316] : memref<144xf32, #tpu.memory_space<hbm>> -> memref<16xf32, #tpu.memory_space<hbm>>
        %dma_wait3A_1318 = arith.constant 128 : i32
        %dma_wait3A_1319 = tpu.memref_slice %arg7[%dma_wait3A_1318] : memref<144xf32, #tpu.memory_space<hbm>> -> memref<16xf32, #tpu.memory_space<hbm>>
        tpu.wait_dma2 semaphore(%run_scoped3A : memref<!tpu.dma_semaphore, #tpu.memory_space<semaphore_mem>>) src(%arg22 : memref<16xf32, #tpu.memory_space<vmem>>) dst(%dma_wait3A_1319 : memref<16xf32, #tpu.memory_space<hbm>>)
        tpu.yield
      }) : () -> ()
    } else {
    }
    return
  }
}

module attributes {stable_mosaic.version = 14 : i64} {
  func.func @_tc_body(%arg0: memref<10000x128xf32, #tpu.memory_space<vmem>>, %arg1: memref<128x1xf32, #tpu.memory_space<vmem>>, %arg2: memref<128x1xf32, #tpu.memory_space<vmem>>, %arg3: memref<1xf32, #tpu.memory_space<vmem>>, %arg4: memref<1x1xf32, #tpu.memory_space<vmem>>, %arg5: memref<1xf32, #tpu.memory_space<vmem>>, %arg6: memref<1x1xf32, #tpu.memory_space<vmem>>, %arg7: memref<1x1xf32, #tpu.memory_space<vmem>>, %arg8: memref<1xf32, #tpu.memory_space<vmem>>, %arg9: memref<1x1xf32, #tpu.memory_space<vmem>>, %arg10: memref<10240x1xf32, #tpu.memory_space<vmem>>, %arg11: memref<10240x1xf32, #tpu.memory_space<vmem>>, %arg12: memref<128xf32, #tpu.memory_space<vmem>>, %arg13: memref<16xf32, #tpu.memory_space<vmem>>) attributes {dimension_semantics = [], scalar_prefetch = 0 : i64, scratch_operands = 0 : i64, tpu.core_type = #tpu.core_type<tc>} {
    %get3A = arith.constant 0 : index
    %get3A_0 = arith.constant 0 : index
    %get3A_1 = vector.load %arg0[%get3A, %get3A_0] : memref<10000x128xf32, #tpu.memory_space<vmem>>, vector<10000x128xf32>
    %broadcast_in_dim3A = arith.constant 0.000000e+00 : f32
    %broadcast_in_dim3A_2 = vector.broadcast %broadcast_in_dim3A : f32 to vector<240x1xf32>
    %get3A_3 = arith.constant 0 : index
    %get3A_4 = arith.constant 0 : index
    %get3A_5 = vector.load %arg1[%get3A_3, %get3A_4] : memref<128x1xf32, #tpu.memory_space<vmem>>, vector<128x1xf32>
    %dot_general3A = arith.constant dense<0.000000e+00> : vector<10000x1xf32>
    %dot_general3A_6 = tpu.matmul %get3A_1, %get3A_5, %dot_general3A {dimension_numbers = #tpu.dot_dimension_numbers<[1], [0], [0], [1], [0, 0, 1, 1], [], []>, transpose_lhs_hint = false} : vector<10000x128xf32>, vector<128x1xf32>, vector<10000x1xf32> -> vector<10000x1xf32>
    %swap3A = arith.constant 0 : index
    %swap3A_7 = arith.constant 0 : index
    %swap3A_8 = vector.load %arg10[%swap3A, %swap3A_7] : memref<10240x1xf32, #tpu.memory_space<vmem>>, vector<10000x1xf32>
    tpu.vector_store %arg10[%swap3A, %swap3A_7], %dot_general3A_6 {strides = array<i32>} : memref<10240x1xf32, #tpu.memory_space<vmem>>, vector<10000x1xf32>,
    %swap3A_9 = arith.constant 10000 : index
    %swap3A_10 = arith.constant 0 : index
    %swap3A_11 = vector.load %arg10[%swap3A_9, %swap3A_10] : memref<10240x1xf32, #tpu.memory_space<vmem>>, vector<240x1xf32>
    tpu.vector_store %arg10[%swap3A_9, %swap3A_10], %broadcast_in_dim3A_2 {strides = array<i32>} : memref<10240x1xf32, #tpu.memory_space<vmem>>, vector<240x1xf32>,
    %get3A_12 = arith.constant 0 : index
    %get3A_13 = arith.constant 0 : index
    %get3A_14 = vector.load %arg2[%get3A_12, %get3A_13] : memref<128x1xf32, #tpu.memory_space<vmem>>, vector<128x1xf32>
    %dot_general3A_15 = arith.constant dense<0.000000e+00> : vector<10000x1xf32>
    %dot_general3A_16 = tpu.matmul %get3A_1, %get3A_14, %dot_general3A_15 {dimension_numbers = #tpu.dot_dimension_numbers<[1], [0], [0], [1], [0, 0, 1, 1], [], []>, transpose_lhs_hint = false} : vector<10000x128xf32>, vector<128x1xf32>, vector<10000x1xf32> -> vector<10000x1xf32>
    %swap3A_17 = arith.constant 0 : index
    %swap3A_18 = arith.constant 0 : index
    %swap3A_19 = vector.load %arg11[%swap3A_17, %swap3A_18] : memref<10240x1xf32, #tpu.memory_space<vmem>>, vector<10000x1xf32>
    tpu.vector_store %arg11[%swap3A_17, %swap3A_18], %dot_general3A_16 {strides = array<i32>} : memref<10240x1xf32, #tpu.memory_space<vmem>>, vector<10000x1xf32>,
    %swap3A_20 = arith.constant 10000 : index
    %swap3A_21 = arith.constant 0 : index
    %swap3A_22 = vector.load %arg11[%swap3A_20, %swap3A_21] : memref<10240x1xf32, #tpu.memory_space<vmem>>, vector<240x1xf32>
    tpu.vector_store %arg11[%swap3A_20, %swap3A_21], %broadcast_in_dim3A_2 {strides = array<i32>} : memref<10240x1xf32, #tpu.memory_space<vmem>>, vector<240x1xf32>,
    %reduce_sum3A = arith.constant dense<0.000000e+00> : vector<128xf32>
    %reduce_sum3A_23 = vector.multi_reduction <add>, %get3A_1, %reduce_sum3A [0] : vector<10000x128xf32> to vector<128xf32>
    %swap3A_24 = arith.constant 0 : index
    %swap3A_25 = vector.load %arg12[%swap3A_24] : memref<128xf32, #tpu.memory_space<vmem>>, vector<128xf32>
    tpu.vector_store %arg12[%swap3A_24], %reduce_sum3A_23 {strides = array<i32>} : memref<128xf32, #tpu.memory_space<vmem>>, vector<128xf32>,
    %get3A_26 = arith.constant 0 : index
    %get3A_27 = vector.load %arg3[%get3A_26] : memref<1xf32, #tpu.memory_space<vmem>>, vector<1xf32>
    %get3A_28 = arith.constant 0 : index
    %get3A_29 = arith.constant 0 : index
    %get3A_30 = vector.load %arg4[%get3A_28, %get3A_29] : memref<1x1xf32, #tpu.memory_space<vmem>>, vector<1x1xf32>
    %reshape3A = vector.shape_cast %get3A_30 : vector<1x1xf32> to vector<1xf32>
    %get3A_31 = arith.constant 0 : index
    %get3A_32 = vector.load %arg5[%get3A_31] : memref<1xf32, #tpu.memory_space<vmem>>, vector<1xf32>
    %get3A_33 = arith.constant 0 : index
    %get3A_34 = arith.constant 0 : index
    %get3A_35 = vector.load %arg6[%get3A_33, %get3A_34] : memref<1x1xf32, #tpu.memory_space<vmem>>, vector<1x1xf32>
    %reshape3A_36 = vector.shape_cast %get3A_35 : vector<1x1xf32> to vector<1xf32>
    %get3A_37 = arith.constant 0 : index
    %get3A_38 = arith.constant 0 : index
    %get3A_39 = vector.load %arg7[%get3A_37, %get3A_38] : memref<1x1xf32, #tpu.memory_space<vmem>>, vector<1x1xf32>
    %reshape3A_40 = vector.shape_cast %get3A_39 : vector<1x1xf32> to vector<1xf32>
    %get3A_41 = arith.constant 0 : index
    %get3A_42 = vector.load %arg8[%get3A_41] : memref<1xf32, #tpu.memory_space<vmem>>, vector<1xf32>
    %get3A_43 = arith.constant 0 : index
    %get3A_44 = arith.constant 0 : index
    %get3A_45 = vector.load %arg9[%get3A_43, %get3A_44] : memref<1x1xf32, #tpu.memory_space<vmem>>, vector<1x1xf32>
    %reshape3A_46 = vector.shape_cast %get3A_45 : vector<1x1xf32> to vector<1xf32>
    %broadcast_in_dim3A_47 = arith.constant 0.000000e+00 : f32
    %broadcast_in_dim3A_48 = vector.broadcast %broadcast_in_dim3A_47 : f32 to vector<9xf32>
    %concatenate3A = tpu.concatenate %get3A_27, %reshape3A, %get3A_32, %reshape3A_36, %reshape3A_40, %get3A_42, %reshape3A_46, %broadcast_in_dim3A_48 in 0 : vector<1xf32>, vector<1xf32>, vector<1xf32>, vector<1xf32>, vector<1xf32>, vector<1xf32>, vector<1xf32>, vector<9xf32> -> vector<16xf32>
    %swap3A_49 = arith.constant 0 : index
    %swap3A_50 = vector.load %arg13[%swap3A_49] : memref<16xf32, #tpu.memory_space<vmem>>, vector<16xf32>
    tpu.vector_store %arg13[%swap3A_49], %concatenate3A {strides = array<i32>} : memref<16xf32, #tpu.memory_space<vmem>>, vector<16xf32>,
    return
  }
}

</mosaic_0001>

<sc_bundles>
// kernel: kernel.4.cloned.1.call-start
scs
__scs_entry_jumppad:
0x0: {  	(pc) =	sbr.rel $0x88, $3  }
0x1: {  	(tag) =	ssettag $0x0;
	lr =	simm.s32 $0x1  }
0x2: {  	[smem:$0x3F96] =	sst lr;
	_ =	strace $0xD0000000  }
0x3: {  	_ = 	snop  }
0x4: {  	_ = 	snop  }
0x5: {  	_ = 	snop  }
0x6: {  	_ = 	snop  }
0x7: {  	_ = 	snop  }
__scs_overlays_trampoline_lowered:
0x8: {  	[smem:$0x3FA5] =	sst s0  }
0x9: {  	[smem:$0x3FA6] =	sst s1  }
0xa: {  	[smem:$0x3FA7] =	sst s2  }
0xb: {  	[smem:$0x3FA8] =	sst s3  }
0xc: {  	[smem:$0x3FA9] =	sst s4  }
0xd: {  	[smem:$0x3FAA] =	sst s5  }
0xe: {  	[smem:$0x3FAB] =	sst s6  }
0xf: {  	[smem:$0x3FAC] =	sst s7  }
0x10: {  	[smem:$0x3FAD] =	sst s8  }
0x11: {  	[smem:$0x3FAE] =	sst s9;
	s0 =	simm.s32 @!p0 $0x0  }
0x12: {  	s1 =	sld [smem:$0x3F94];
	s0 =	simm.s32 @p0 $0x1  }
0x13: {  	[smem:$0x3FAF] =	sst s0;
	s0 =	simm.s32 @!p1 $0x0  }
0x14: {  	s2 =	sld [smem:$0x3F93];
	s0 =	simm.s32 @p1 $0x1  }
0x15: {  	[smem:$0x3FB0] =	sst s0;
	s0 =	simm.s32 @!p2 $0x0  }
0x16: {  	s3 =	sld [smem:$0x3FDB];
	s0 =	simm.s32 @p2 $0x1  }
0x17: {  	s4 =	simm.s32 $0x1BF5;
	[smem:$0x3FB2] =	sst s0  }
0x18: {  	s0 =	sld [smem:$0x3F95];
	_ =	swait.ge [sflag:s4], $0x0  }
0x19: {  	s7 =	sld [smem:$0x3F96]  }
0x1a: {  	s8 =	sadd.s32 $0xFFFFE003, lr  }
0x1b: {  	s9 =	sadd.s32 $0xFFFFFEF7, lr;
	s5 =	simm.s32 $0xFFFFFFFF;
	p2 =	slt.u32 s8, $0xFFFFF086  }
0x1c: {  	p1 =	slt.u32 s9, $0xF7A;
	s5 =	simm.s32 @!p2 $0x0  }
0x1d: {  	s5 =	simm.s32 @p1 $0x1;
	p0 =	seq.s32 s7, s2  }
0x1e: {  	s7 =	smul.u32 @!p0 $0xF7A, s2;
	p2 =	seq.s32 @!p0 s5, $0x0  }
0x1f: {  	s9 =	smul.u32 $0xF7A, s1;
	s8 =	simm.s32 @!p0 $0x1BF5;
	p2 =	por !p2, p0  }
0x20: {  	[sflag:s8] =	ssyncset.s32 @!p0 $0xFFFFF086;
	s6 =	sadd.s32 @!p0 s3, s7;
	s7 =	simm.s32 @!p0 $0x108  }
0x21: {  	s3 =	sadd.s32 s3, s9;
	s6 =	sadd.s32 @!p0 $0x88, s6;
	s7 =	simm.s32 @p2 $0x1082  }
0x22: {  	[simem:s7], [sflag:s8] =	dma.local @!p0 [hbm:s6], $0xF7A  }
0x23: {  	s9 =	sor.u32 $0xD0000000, s2;
	s6 =	simm.s32 $0x108;
	_ =	swait.ge @!p0 [sflag:s8], $0x0  }
0x24: {  	s3 =	sadd.s32 $0x88, s3;
	s6 =	simm.s32 @!p1 $0x1082;
	[sflag:s4] =	ssyncset.s32 $0xFFFFF086  }
0x25: {  	[simem:s6], [sflag:s4] =	dma.local [hbm:s3], $0xF7A  }
0x26: {  	[smem:$0x3F96] =	sst s1;
	(tag) =	ssettag s2;
	_ =	strace s9  }
0x27: {  	s1 =	sld [smem:$0x3FA6]  }
0x28: {  	s2 =	sld [smem:$0x3FA7]  }
0x29: {  	s4 =	sld [smem:$0x3FA9]  }
0x2a: {  	p0 =	seq.s32 s5, $0x0;
	s5 =	sld [smem:$0x3FAA]  }
0x2b: {  	s6 =	sld [smem:$0x3FAB]  }
0x2c: {  	s7 =	sld [smem:$0x3FAC]  }
0x2d: {  	s3 =	simm.s32 $0x108;
	s8 =	sld [smem:$0x3FAD]  }
0x2e: {  	s3 =	simm.s32 @!p0 $0x1082;
	s9 =	sld [smem:$0x3FAE]  }
0x2f: {  	lr =	sadd.s32 s0, s3;
	s0 =	sld [smem:$0x3FA5]  }
0x30: {  	s3 =	sld [smem:$0x3FA8]  }
0x31: {  	[smem:$0x3FB1] =	sst s10  }
0x32: {  	s10 =	sld [smem:$0x3FAF];
	_ =	sdelay $0x3  }
0x33: {  	p0 =	seq.s32 s10, $0x1;
	s10 =	sld [smem:$0x3FB1];
	_ =	sdelay $0x3  }
0x34: {  	[smem:$0x3FB1] =	sst s10  }
0x35: {  	s10 =	sld [smem:$0x3FB0];
	_ =	sdelay $0x3  }
0x36: {  	p1 =	seq.s32 s10, $0x1;
	s10 =	sld [smem:$0x3FB1];
	_ =	sdelay $0x3  }
0x37: {  	[smem:$0x3FB1] =	sst s10  }
0x38: {  	s10 =	sld [smem:$0x3FB2]  }
0x39: {  	_ = 	snop;
	(pc) =	sbr.ind lr, $3  }
0x3a: {  	_ = 	snop  }
0x3b: {  	_ = 	snop  }
0x3c: {  	p2 =	seq.s32 s10, $0x1;
	s10 =	sld [smem:$0x3FB1]  }
0x3d: {  	_ =	shalt  }
0x3e: {  	_ =	shalt  }
0x3f: {  	_ =	shalt  }
0x40: {  	_ =	shalt  }
0x41: {  	_ =	shalt  }
0x42: {  	_ =	shalt  }
0x43: {  	_ =	shalt  }
0x44: {  	_ =	shalt  }
0x45: {  	_ =	shalt  }
0x46: {  	_ =	shalt  }
0x47: {  	_ =	shalt  }
0x48: {  	_ =	shalt  }
0x49: {  	_ =	shalt  }
0x4a: {  	_ =	shalt  }
0x4b: {  	_ =	shalt  }
0x4c: {  	_ =	shalt  }
0x4d: {  	_ =	shalt  }
0x4e: {  	_ =	shalt  }
0x4f: {  	_ =	shalt  }
0x50: {  	_ =	shalt  }
0x51: {  	_ =	shalt  }
0x52: {  	_ =	shalt  }
0x53: {  	_ =	shalt  }
0x54: {  	_ =	shalt  }
0x55: {  	_ =	shalt  }
0x56: {  	_ =	shalt  }
0x57: {  	_ =	shalt  }
0x58: {  	_ =	shalt  }
0x59: {  	_ =	shalt  }
0x5a: {  	_ =	shalt  }
0x5b: {  	_ =	shalt  }
0x5c: {  	_ =	shalt  }
0x5d: {  	_ =	shalt  }
0x5e: {  	_ =	shalt  }
0x5f: {  	_ =	shalt  }
0x60: {  	_ =	shalt  }
0x61: {  	_ =	shalt  }
0x62: {  	_ =	shalt  }
0x63: {  	_ =	shalt  }
0x64: {  	_ =	shalt  }
0x65: {  	_ =	shalt  }
0x66: {  	_ =	shalt  }
0x67: {  	_ =	shalt  }
0x68: {  	_ =	shalt  }
0x69: {  	_ =	shalt  }
0x6a: {  	_ =	shalt  }
0x6b: {  	_ =	shalt  }
0x6c: {  	_ =	shalt  }
0x6d: {  	_ =	shalt  }
0x6e: {  	_ =	shalt  }
0x6f: {  	_ =	shalt  }
0x70: {  	_ =	shalt  }
0x71: {  	_ =	shalt  }
0x72: {  	_ =	shalt  }
0x73: {  	_ =	shalt  }
0x74: {  	_ =	shalt  }
0x75: {  	_ =	shalt  }
0x76: {  	_ =	shalt  }
0x77: {  	_ =	shalt  }
0x78: {  	_ =	shalt  }
0x79: {  	_ =	shalt  }
0x7a: {  	_ =	shalt  }
0x7b: {  	_ =	shalt  }
0x7c: {  	_ =	shalt  }
0x7d: {  	_ =	shalt  }
0x7e: {  	_ =	shalt  }
0x7f: {  	_ =	shalt  }
0x80: {  	_ =	shalt  }
0x81: {  	_ =	shalt  }
0x82: {  	_ =	shalt  }
0x83: {  	_ =	shalt  }
0x84: {  	_ =	shalt  }
0x85: {  	_ =	shalt  }
0x86: {  	_ =	shalt  }
0x87: {  	_ =	shalt  }
.Lfunc_end0:
.L_simem_size_0:
called_computation_lowered:
.L_overlay_start_0:
0x88: {  	s0 =	sld [smem:$0x3FD9]  }
0x89: {  	s1 =	sld [smem:$0x3FFE];
	_ =	sdelay $0x3  }
0x8a: {  	s0 =	sadd.s32 s1, s0  }
0x8b: {  	[smem:$0x3FBD] =	sst s0  }
0x8c: {  	_ = 	snop  }
0x8d: {  	s0 =	sld [smem:$0x3FD0];
	(tm) =	ssettm $0x1  }
0x8e: {  	s16 =	sld [smem:$0x3FFB];
	_ =	sdelay $0x3  }
0x8f: {  	_ =	strace s16  }
0x90: {  	s1 =	sld [smem:$0x3FFC];
	_ =	sdelay $0x3  }
0x91: {  	_ =	strace s1  }
0x92: {  	s1 =	sld [smem:$0x3FFD];
	_ =	sdelay $0x3  }
0x93: {  	_ =	strace s1  }
0x94: {  	_ =	strace $0x8FFFFFFF  }
0x95: {  	s17 =	sld [smem:$0x3FDB];
	_ =	sdelay $0x1  }
0x96: {  	s2 =	simm.s32 $_scs_section_size  }
0x97: {  	s3 =	simm.s32 $_size__tile_overlayer_lowered;
	s4 =	simm.s32 $_tile_overlayer_lowered  }
0x98: {  	s20 =	simm.s32 $0x1BFF;
	s19 =	sshll.u32 s4, $0x1;
	s1 =	sadd.s32 s2, s17  }
0x99: {  	s5 =	simm.s32 $0x0;
	s18 =	sshll.u32 s3, $0x1;
	s3 =	sadd.s32 s19, s1  }
0x9a: {  	[timem:s5], [sflag:s20] =	dma.local [hbm:s3], s18  }
0x9b: {  	_ =	swait.ge [sflag:s20], s18  }
0x9c: {  	s2 =	ssub.s32 $0x0, s18;
	[sflag:s20] =	ssyncset.done $0x0  }
0x9d: {  	[sflag:s20] =	ssyncadd.s32 s2;
	_ =	sdelay $0x1  }
0x9e: {  	s21 =	simm.s32 $0x1B8B  }
0x9f: {  	_ =	swait.ge [sflag:s21], $0x1  }
0xa0: {  	[sflag:s21] =	ssyncset.done $0x0  }
0xa1: {  	s23 =	simm.s32 $0x1B8E;
	s22 =	sld [smem:$0x3FFE];
	[sflag:s21] =	ssyncadd.s32 $0xFFFFFFFF  }
0xa2: {  	s24 =	simm.s32 $execute0_lowered;
	[smem:$0x3FD2] =	sst s23  }
0xa3: {  	s3 =	sshll.u32 s24, $0x1;
	_ =	strace $0x80000046;
	[dreg:$0x1] =	wrdreg $0xFFFFFFFF  }
0xa4: {  	s25 =	simm.s32 $_size_execute0_lowered;
	s1 =	sadd.s32 s1, s3;
	[dreg:$0x0] =	wrdreg $0x0  }
0xa5: {  	s3 =	sshll.u32 s25, $0x1;
	[dreg:$0x2] =	wrdreg s1  }
0xa6: {  	[dreg:$0x3] =	wrdreg s3  }
0xa7: {  	[dreg:$0x4] =	wrdreg $0xC0  }
0xa8: {  	_ =	task [dreg:s5], $0x5FFFF  }
0xa9: {  	[dreg:$0x1] =	wrdreg $0xFFFFFFFF  }
0xaa: {  	[dreg:$0x0] =	wrdreg $0x60  }
0xab: {  	[dreg:$0x2] =	wrdreg s22  }
0xac: {  	[dreg:$0x3] =	wrdreg s0  }
0xad: {  	[dreg:$0x4] =	wrdreg $0x0  }
0xae: {  	[dreg:$0x5] =	wrdreg $0x28000  }
0xaf: {  	[dreg:$0x6] =	wrdreg $0x2A800  }
0xb0: {  	[dreg:$0x7] =	wrdreg $0x9  }
0xb1: {  	_ =	task.clear_ibuf [dreg:s5], $0x8FFFF;
	_ =	strace $0x90000046  }
0xb2: {  	s26 =	simm.s32 $0x9;
	_ =	strace $0x80000048  }
0xb3: {  	_ =	swait.ge [sflag:s26], $0x1  }
0xb4: {  	[sflag:s26] =	ssyncadd.s32 $0xFFFFFFFF  }
0xb5: {  	_ =	strace $0x90000048  }
0xb6: {  	_ =	sfence  }
0xb7: {  	s28 =	sld [smem:$0x0];
	_ =	sdelay $0x1  }
0xb8: {  	s29 =	srdreg.scid  }
0xb9: {  	s30 =	sshll.u32 s29, $0xD;
	s31 =	sshrl.u32 s29, $0x2  }
0xba: {  	s2 =	sand.u32 $0x4000, s30;
	s1 =	sand.u32 $0x1, s29;
	s0 =	sadd.s32 s31, s28  }
0xbb: {  	s1 =	sor.u32 s2, s1;
	s0 =	sshll.u32 s0, $0x11  }
0xbc: {  	s0 =	sor.u32 s0, s1  }
0xbd: {  	s0 =	sadd.s32 $0x8F2B, s0  }
0xbe: {  	[sflag:s0] =	ssyncadd.remote.s32 $0x1  }
0xbf: {  	_ =	sfence.sel $0xFFFF  }
0xc0: {  	[dreg:$0x0] =	wrdreg $0xFFFFFFFF;
	(pc) =	sbr.abs _section_cstart, $3  }
0xc1: {  	[dreg:$0x1] =	wrdreg $0xFFFFFFFF  }
0xc2: {  	_ =	task.clear_ibuf [dreg:s5], $0x2FFFF;
	_ =	strace $0x9FFFFFFF  }
0xc3: {  	(tm) =	ssettm $0x7FFFFFFF  }
tec
execute0_lowered:
.L_overlay_start_1:
0x0: {  	(tag) =	ssettag $0x1  }
0x1: {  	s3 =	stileid.u32  }
0x2: {  	s0 =	smul.u32 $0x4E20, s3  }
0x3: {  	s1 =	rddreg [dreg:$0x0]  }
0x4: {  	s7 =	rddreg [dreg:$0x2];
	s2 =	simm.s32 $0x0;
	s0 =	sshrl.u32 s0, $0x3  }
0x5: {  	s4 =	simm.s32 $0x2AB0;
	[smem:$0x7FF] =	sst s2;
	s0 =	sadd.s32 s0, s1  }
0x6: {  	s5 =	smul.u32 $0x280, s3;
	_ =	strace $0x80000047;
	s22 =	sadd.s32 $0x1400, s0  }
0x7: {  	[tilespmem:s4], [sflag:$0x1] =	stream.linear.gather [hbm4b:s22+s2], $0x4E20, $0x38;
	[tilespmem:$0x149B0] =	vst v63  }
0x8: {  	s24 =	simm.s32 $0x7930;
	s23 =	sshrl.u32 s5, $0x3;
	s0 =	sadd.s32 $0xB040, s0  }
0x9: {  	[tilespmem:s24], [sflag:$0x1] =	stream.linear.gather [hbm4b:s0+s2], $0x4E20, $0x38;
	[tilespmem:$0x149B0] =	vst v63  }
0xa: {  	s28 =	simm.s32 $0x144B0;
	s26 =	sadd.s32 $0x600, s1;
	s25 =	sadd.s32 s23, s1  }
0xb: {  	[tilespmem:s28], [sflag:$0x1] =	stream.linear.gather [hbm4b:s26+s2], $0x80, $0x38;
	[tilespmem:$0x149B0] =	vst v63  }
0xc: {  	s29 =	simm.s32 $0x14230;
	s0 =	sadd.s32 $0xE00, s25  }
0xd: {  	[tilespmem:s29], [sflag:$0x1] =	stream.linear.gather [hbm4b:s0+s2], $0x280, $0x38;
	[tilespmem:$0x149B0] =	vst v63  }
0xe: {  	s31 =	simm.s32 $0xC7B0;
	s30 =	sadd.s32 $0x800, s1;
	s0 =	simm.s32 $0xF0B0  }
0xf: {  	v0 =	vimm.f32 $0.0e+00;
	[tilespmem:s31], [sflag:$0x1] =	stream.linear.gather [hbm4b:s30+s2], $0x2800, $0x38;
	[tilespmem:$0x149B0] =	vst v63  }
0x10: {  	[tilespmem:s0+$0xFFFFFF00] =	vst v0  }
0x11: {  	[tilespmem:s0+$0xF0] =	vst v0  }
0x12: {  	[tilespmem:s0+$0xE0] =	vst v0  }
0x13: {  	[tilespmem:s0+$0xD0] =	vst v0  }
0x14: {  	[tilespmem:s0+$0xC0] =	vst v0  }
0x15: {  	[tilespmem:s0+$0xB0] =	vst v0  }
0x16: {  	[tilespmem:s0+$0xA0] =	vst v0  }
0x17: {  	[tilespmem:s0+$0x90] =	vst v0  }
0x18: {  	[tilespmem:s0+$0x80] =	vst v0  }
0x19: {  	[tilespmem:s0+$0x70] =	vst v0  }
0x1a: {  	[tilespmem:s0+$0x60] =	vst v0  }
0x1b: {  	[tilespmem:s0+$0x50] =	vst v0  }
0x1c: {  	[tilespmem:s0+$0x40] =	vst v0  }
0x1d: {  	[tilespmem:s0+$0x30] =	vst v0  }
0x1e: {  	[tilespmem:s0+$0x20] =	vst v0  }
0x1f: {  	[tilespmem:s0+$0x10] =	vst v0  }
0x20: {  	[tilespmem:s0+$0x0] =	vst v0  }
0x21: {  	[tilespmem:s0+$0xFFFFFFF0] =	vst v0  }
0x22: {  	[tilespmem:s0+$0xFFFFFFE0] =	vst v0  }
0x23: {  	[tilespmem:s0+$0xFFFFFFD0] =	vst v0  }
0x24: {  	[tilespmem:s0+$0xFFFFFFC0] =	vst v0  }
0x25: {  	[tilespmem:s0+$0xFFFFFFB0] =	vst v0  }
0x26: {  	[tilespmem:s0+$0xFFFFFFA0] =	vst v0  }
0x27: {  	[tilespmem:s0+$0xFFFFFF90] =	vst v0  }
0x28: {  	[tilespmem:s0+$0xFFFFFF80] =	vst v0  }
0x29: {  	[tilespmem:s0+$0xFFFFFF70] =	vst v0  }
0x2a: {  	[tilespmem:s0+$0xFFFFFF60] =	vst v0  }
0x2b: {  	[tilespmem:s0+$0xFFFFFF50] =	vst v0  }
0x2c: {  	[tilespmem:s0+$0xFFFFFF40] =	vst v0  }
0x2d: {  	s1 =	sadd.s32 $0x400, s1;
	[tilespmem:s0+$0xFFFFFF30] =	vst v0  }
0x2e: {  	[dreg:$0x6] =	wrdreg s1  }
0x2f: {  	s1 =	simm.s32 $0x0;
	[tilespmem:s0+$0xFFFFFF20] =	vst v0  }
.LBB2_1:
0x30: {  	s1 =	sadd.s32 $0x4, s1;
	[tilespmem:s0+$0xFFFFFF10] =	vst v0;
	s0 =	sadd.s32 $0x200, s0  }
0x31: {  	[tilespmem:s0+$0xFFFFFF00] =	vst v0;
	p0 =	slt.u32 s1, $0x4C  }
0x32: {  	[tilespmem:s0+$0xF0] =	vst v0  }
0x33: {  	[tilespmem:s0+$0xE0] =	vst v0  }
0x34: {  	[tilespmem:s0+$0xD0] =	vst v0  }
0x35: {  	[tilespmem:s0+$0xC0] =	vst v0  }
0x36: {  	[tilespmem:s0+$0xB0] =	vst v0  }
0x37: {  	[tilespmem:s0+$0xA0] =	vst v0  }
0x38: {  	[tilespmem:s0+$0x90] =	vst v0  }
0x39: {  	[tilespmem:s0+$0x80] =	vst v0  }
0x3a: {  	[tilespmem:s0+$0x70] =	vst v0  }
0x3b: {  	[tilespmem:s0+$0x60] =	vst v0  }
0x3c: {  	[tilespmem:s0+$0x50] =	vst v0  }
0x3d: {  	[tilespmem:s0+$0x40] =	vst v0  }
0x3e: {  	[tilespmem:s0+$0x30] =	vst v0  }
0x3f: {  	[tilespmem:s0+$0x20] =	vst v0  }
0x40: {  	[tilespmem:s0+$0x10] =	vst v0  }
0x41: {  	[tilespmem:s0+$0x0] =	vst v0  }
0x42: {  	[tilespmem:s0+$0xFFFFFFF0] =	vst v0  }
0x43: {  	[tilespmem:s0+$0xFFFFFFE0] =	vst v0  }
0x44: {  	[tilespmem:s0+$0xFFFFFFD0] =	vst v0  }
0x45: {  	[tilespmem:s0+$0xFFFFFFC0] =	vst v0  }
0x46: {  	[tilespmem:s0+$0xFFFFFFB0] =	vst v0  }
0x47: {  	[tilespmem:s0+$0xFFFFFFA0] =	vst v0  }
0x48: {  	[tilespmem:s0+$0xFFFFFF90] =	vst v0  }
0x49: {  	[tilespmem:s0+$0xFFFFFF80] =	vst v0  }
0x4a: {  	[tilespmem:s0+$0xFFFFFF70] =	vst v0  }
.Ltmp0:
0x4b: {  	[tilespmem:s0+$0xFFFFFF60] =	vst v0;
	(pc) =	sbr.rel @p0 .LBB2_1-.Ltmp0, $4  }
0x4c: {  	[tilespmem:s0+$0xFFFFFF50] =	vst v0  }
0x4d: {  	[tilespmem:s0+$0xFFFFFF40] =	vst v0  }
0x4e: {  	[tilespmem:s0+$0xFFFFFF30] =	vst v0  }
0x4f: {  	[tilespmem:s0+$0xFFFFFF20] =	vst v0  }
0x50: {  	[tilespmem:s0+$0xFFFFFF10] =	vst v0;
	s30 =	simm.s32 $0x1  }
0x51: {  	_ =	swait.ge [sflag:s30], $0x4E20  }
0x52: {  	[sflag:s30] =	ssyncset.done $0x0  }
0x53: {  	[sflag:s30] =	ssyncadd.s32 $0xFFFFB1E0  }
0x54: {  	_ =	swait.ge [sflag:s30], $0x4E20  }
0x55: {  	[sflag:s30] =	ssyncset.done $0x0  }
0x56: {  	[sflag:s30] =	ssyncadd.s32 $0xFFFFB1E0  }
0x57: {  	_ =	swait.ge [sflag:s30], $0x80  }
0x58: {  	[sflag:s30] =	ssyncset.done $0x0  }
0x59: {  	[sflag:s30] =	ssyncadd.s32 $0xFFFFFF80  }
0x5a: {  	_ =	swait.ge [sflag:s30], $0x280  }
0x5b: {  	[sflag:s30] =	ssyncset.done $0x0  }
0x5c: {  	[sflag:s30] =	ssyncadd.s32 $0xFFFFFD80  }
0x5d: {  	_ =	swait.ge [sflag:s30], $0x2800  }
0x5e: {  	[sflag:s30] =	ssyncset.done $0x0  }
0x5f: {  	s31 =	simm.s32 $0x0;
	s3 =	simm.s32 $0x2B70;
	[sflag:s30] =	ssyncadd.s32 $0xFFFFD800  }
0x60: {  	s2 =	sand.u32 $0x7FF0, s31;
	v55 =	vld [tilespmem:s3+$0xB0]  }
0x61: {  	v1 =	vld [tilespmem:s2+$0x2C30]  }
0x62: {  	v2 =	vld [tilespmem:s2+$0x2B30]  }
0x63: {  	v3 =	vld [tilespmem:s2+$0x2BB0]  }
0x64: {  	v4 =	vld [tilespmem:s2+$0x79B0]  }
0x65: {  	s0 =	simm.s32 $0x79F0;
	v5 =	vld [tilespmem:s2+$0x7A30]  }
0x66: {  	v6 =	vld [tilespmem:s0+$0xB0]  }
0x67: {  	v7 =	vld [tilespmem:s2+$0x7AB0]  }
0x68: {  	v8 =	vld [tilespmem:s3+$0xFFFFFF50]  }
0x69: {  	v9 =	vld [tilespmem:s3+$0xFFFFFF60]  }
0x6a: {  	v56 =	vld [tilespmem:s3+$0xFFFFFF70]  }
0x6b: {  	v57 =	vld [tilespmem:s3+$0xFFFFFF80]  }
0x6c: {  	v58 =	vld [tilespmem:s3+$0xFFFFFF90]  }
0x6d: {  	v59 =	vld [tilespmem:s3+$0xFFFFFFA0]  }
0x6e: {  	v60 =	vld [tilespmem:s3+$0xFFFFFFB0]  }
0x6f: {  	v61 =	vld [tilespmem:s3+$0xFFFFFFD0]  }
0x70: {  	v62 =	vld [tilespmem:s3+$0xFFFFFFE0]  }
0x71: {  	v63 =	vld [tilespmem:s3+$0xFFFFFFF0]  }
0x72: {  	v10 =	vld [tilespmem:s3+$0x0]  }
0x73: {  	v11 =	vld [tilespmem:s3+$0x10]  }
0x74: {  	v12 =	vld [tilespmem:s3+$0x20]  }
0x75: {  	v13 =	vld [tilespmem:s3+$0x30]  }
0x76: {  	v14 =	vld [tilespmem:s3+$0x50]  }
0x77: {  	v15 =	vld [tilespmem:s3+$0x60]  }
0x78: {  	v16 =	vld [tilespmem:s3+$0x70]  }
0x79: {  	v17 =	vld [tilespmem:s3+$0x80]  }
0x7a: {  	v18 =	vld [tilespmem:s3+$0x90]  }
0x7b: {  	v19 =	vld [tilespmem:s3+$0xA0]  }
0x7c: {  	v20 =	vld [tilespmem:s3+$0xFFFFFF40]  }
0x7d: {  	v21 =	vld [tilespmem:s0+$0xFFFFFF40]  }
0x7e: {  	v22 =	vld [tilespmem:s0+$0xFFFFFF50]  }
0x7f: {  	v23 =	vld [tilespmem:s0+$0xFFFFFF60]  }
0x80: {  	v24 =	vld [tilespmem:s0+$0xFFFFFF70]  }
0x81: {  	v25 =	vld [tilespmem:s0+$0xFFFFFF80]  }
0x82: {  	v26 =	vld [tilespmem:s0+$0xFFFFFF90]  }
0x83: {  	v27 =	vld [tilespmem:s0+$0xFFFFFFA0]  }
0x84: {  	v28 =	vld [tilespmem:s0+$0xFFFFFFB0]  }
0x85: {  	v29 =	vld [tilespmem:s0+$0xFFFFFFD0]  }
0x86: {  	v30 =	vld [tilespmem:s0+$0xFFFFFFE0]  }
0x87: {  	v31 =	vld [tilespmem:s0+$0xFFFFFFF0]  }
0x88: {  	v32 =	vld [tilespmem:s0+$0x0]  }
0x89: {  	v33 =	vld [tilespmem:s0+$0x10]  }
0x8a: {  	v34 =	vld [tilespmem:s0+$0x20]  }
0x8b: {  	v35 =	vld [tilespmem:s0+$0x30]  }
0x8c: {  	v36 =	vld [tilespmem:s0+$0x50]  }
0x8d: {  	v37 =	vld [tilespmem:s0+$0x60]  }
0x8e: {  	v38 =	vld [tilespmem:s0+$0x70]  }
0x8f: {  	v39 =	vld [tilespmem:s0+$0x80]  }
0x90: {  	v40 =	vld [tilespmem:s0+$0x90]  }
0x91: {  	s1 =	simm.s32 $0xC7B0;
	v41 =	vld [tilespmem:s0+$0xA0]  }
0x92: {  	v0 =	vld.idx.msk [tilespmem:v55+s1+$0x0], $0xffff  }
0x93: {  	v1 =	vld.idx.msk [tilespmem:v1+s1+$0x0], $0xffff  }
0x94: {  	v2 =	vld.idx.msk [tilespmem:v2+s1+$0x0], $0xffff  }
0x95: {  	v3 =	vld.idx.msk [tilespmem:v3+s1+$0x0], $0xffff  }
0x96: {  	v8 =	vld.idx.msk [tilespmem:v8+s1+$0x0], $0xffff  }
0x97: {  	v9 =	vld.idx.msk [tilespmem:v9+s1+$0x0], $0xffff  }
0x98: {  	v20 =	vld.idx.msk [tilespmem:v20+s1+$0x0], $0xffff  }
0x99: {  	v10 =	vld.idx.msk [tilespmem:v10+s1+$0x0], $0xffff  }
0x9a: {  	v11 =	vld.idx.msk [tilespmem:v11+s1+$0x0], $0xffff  }
0x9b: {  	v12 =	vld.idx.msk [tilespmem:v12+s1+$0x0], $0xffff  }
0x9c: {  	v13 =	vld.idx.msk [tilespmem:v13+s1+$0x0], $0xffff  }
0x9d: {  	v14 =	vld.idx.msk [tilespmem:v14+s1+$0x0], $0xffff  }
0x9e: {  	v15 =	vld.idx.msk [tilespmem:v15+s1+$0x0], $0xffff  }
0x9f: {  	v16 =	vld.idx.msk [tilespmem:v16+s1+$0x0], $0xffff  }
0xa0: {  	v17 =	vld.idx.msk [tilespmem:v17+s1+$0x0], $0xffff  }
0xa1: {  	v18 =	vld.idx.msk [tilespmem:v18+s1+$0x0], $0xffff  }
0xa2: {  	s2 =	simm.s32 $0xEFB0;
	v19 =	vld.idx.msk [tilespmem:v19+s1+$0x0], $0xffff  }
0xa3: {  	[tilespmem:v6+s2+$0x0] =	vst.idx.add.f32.msk $0xffff, v0  }
0xa4: {  	[tilespmem:v7+s2+$0x0] =	vst.idx.add.f32.msk $0xffff, v1  }
0xa5: {  	[tilespmem:v4+s2+$0x0] =	vst.idx.add.f32.msk $0xffff, v2  }
0xa6: {  	[tilespmem:v5+s2+$0x0] =	vst.idx.add.f32.msk $0xffff, v3  }
0xa7: {  	v0 =	vld.idx.msk [tilespmem:v56+s1+$0x0], $0xffff  }
0xa8: {  	v1 =	vld.idx.msk [tilespmem:v57+s1+$0x0], $0xffff  }
0xa9: {  	v2 =	vld.idx.msk [tilespmem:v58+s1+$0x0], $0xffff  }
0xaa: {  	v3 =	vld.idx.msk [tilespmem:v59+s1+$0x0], $0xffff  }
0xab: {  	v4 =	vld.idx.msk [tilespmem:v60+s1+$0x0], $0xffff  }
0xac: {  	v5 =	vld.idx.msk [tilespmem:v61+s1+$0x0], $0xffff  }
0xad: {  	v6 =	vld.idx.msk [tilespmem:v62+s1+$0x0], $0xffff  }
0xae: {  	v7 =	vld.idx.msk [tilespmem:v63+s1+$0x0], $0xffff  }
0xaf: {  	[tilespmem:v21+s2+$0x0] =	vst.idx.add.f32.msk $0xffff, v20  }
0xb0: {  	[tilespmem:v22+s2+$0x0] =	vst.idx.add.f32.msk $0xffff, v8  }
0xb1: {  	[tilespmem:v23+s2+$0x0] =	vst.idx.add.f32.msk $0xffff, v9  }
0xb2: {  	[tilespmem:v32+s2+$0x0] =	vst.idx.add.f32.msk $0xffff, v10  }
0xb3: {  	[tilespmem:v33+s2+$0x0] =	vst.idx.add.f32.msk $0xffff, v11  }
0xb4: {  	[tilespmem:v34+s2+$0x0] =	vst.idx.add.f32.msk $0xffff, v12  }
0xb5: {  	[tilespmem:v35+s2+$0x0] =	vst.idx.add.f32.msk $0xffff, v13  }
0xb6: {  	[tilespmem:v36+s2+$0x0] =	vst.idx.add.f32.msk $0xffff, v14  }
0xb7: {  	[tilespmem:v37+s2+$0x0] =	vst.idx.add.f32.msk $0xffff, v15  }
0xb8: {  	[tilespmem:v38+s2+$0x0] =	vst.idx.add.f32.msk $0xffff, v16  }
0xb9: {  	[tilespmem:v39+s2+$0x0] =	vst.idx.add.f32.msk $0xffff, v17  }
0xba: {  	[tilespmem:v40+s2+$0x0] =	vst.idx.add.f32.msk $0xffff, v18  }
0xbb: {  	[tilespmem:v41+s2+$0x0] =	vst.idx.add.f32.msk $0xffff, v19  }
0xbc: {  	[tilespmem:v24+s2+$0x0] =	vst.idx.add.f32.msk $0xffff, v0  }
0xbd: {  	[tilespmem:v25+s2+$0x0] =	vst.idx.add.f32.msk $0xffff, v1  }
0xbe: {  	[tilespmem:v26+s2+$0x0] =	vst.idx.add.f32.msk $0xffff, v2  }
0xbf: {  	[tilespmem:v27+s2+$0x0] =	vst.idx.add.f32.msk $0xffff, v3  }
0xc0: {  	[tilespmem:v28+s2+$0x0] =	vst.idx.add.f32.msk $0xffff, v4  }
0xc1: {  	[tilespmem:v29+s2+$0x0] =	vst.idx.add.f32.msk $0xffff, v5  }
0xc2: {  	[tilespmem:v30+s2+$0x0] =	vst.idx.add.f32.msk $0xffff, v6  }
0xc3: {  	s4 =	simm.s32 $0x190;
	s6 =	simm.s32 $0x2D00;
	s3 =	simm.s32 $0x0;
	[tilespmem:v31+s2+$0x0] =	vst.idx.add.f32.msk $0xffff, v7  }
.LBB2_3:
0xc4: {  	s8 =	sand.u32 $0x7FF0, s4;
	v0 =	vld [tilespmem:s6+$0xB0];
	s3 =	sadd.s32 $0x19, s3  }
0xc5: {  	v1 =	vld [tilespmem:s8+$0x2C30];
	p0 =	slt.u32 s3, $0x4C9  }
0xc6: {  	v2 =	vld [tilespmem:s8+$0x2B30]  }
0xc7: {  	v3 =	vld [tilespmem:s8+$0x2BB0]  }
0xc8: {  	v4 =	vld [tilespmem:s8+$0x79B0]  }
0xc9: {  	s0 =	sadd.s32 $0x190, s0;
	v5 =	vld [tilespmem:s8+$0x7A30]  }
0xca: {  	v6 =	vld [tilespmem:s0+$0xB0]  }
0xcb: {  	v7 =	vld [tilespmem:s8+$0x7AB0]  }
0xcc: {  	v0 =	vld.idx.msk [tilespmem:v0+s1+$0x0], $0xffff  }
0xcd: {  	v1 =	vld.idx.msk [tilespmem:v1+s1+$0x0], $0xffff  }
0xce: {  	v2 =	vld.idx.msk [tilespmem:v2+s1+$0x0], $0xffff  }
0xcf: {  	v3 =	vld.idx.msk [tilespmem:v3+s1+$0x0], $0xffff  }
0xd0: {  	v8 =	vld [tilespmem:s6+$0xFFFFFF50]  }
0xd1: {  	v9 =	vld [tilespmem:s6+$0xFFFFFF60]  }
0xd2: {  	[tilespmem:v6+s2+$0x0] =	vst.idx.add.f32.msk $0xffff, v0  }
0xd3: {  	[tilespmem:v7+s2+$0x0] =	vst.idx.add.f32.msk $0xffff, v1  }
0xd4: {  	[tilespmem:v4+s2+$0x0] =	vst.idx.add.f32.msk $0xffff, v2  }
0xd5: {  	[tilespmem:v5+s2+$0x0] =	vst.idx.add.f32.msk $0xffff, v3  }
0xd6: {  	v0 =	vld [tilespmem:s6+$0xFFFFFF70]  }
0xd7: {  	v1 =	vld [tilespmem:s6+$0xFFFFFF80]  }
0xd8: {  	v2 =	vld [tilespmem:s6+$0xFFFFFF90]  }
0xd9: {  	v3 =	vld [tilespmem:s6+$0xFFFFFFA0]  }
0xda: {  	v4 =	vld [tilespmem:s6+$0xFFFFFFB0]  }
0xdb: {  	v5 =	vld [tilespmem:s6+$0xFFFFFFD0]  }
0xdc: {  	v6 =	vld [tilespmem:s6+$0xFFFFFFE0]  }
0xdd: {  	v7 =	vld [tilespmem:s6+$0xFFFFFFF0]  }
0xde: {  	v10 =	vld [tilespmem:s6+$0x0]  }
0xdf: {  	v11 =	vld [tilespmem:s6+$0x10]  }
0xe0: {  	v12 =	vld [tilespmem:s6+$0x20]  }
0xe1: {  	v13 =	vld [tilespmem:s6+$0x30]  }
0xe2: {  	v14 =	vld [tilespmem:s6+$0x50]  }
0xe3: {  	v15 =	vld [tilespmem:s6+$0x60]  }
0xe4: {  	v16 =	vld [tilespmem:s6+$0x70]  }
0xe5: {  	v17 =	vld [tilespmem:s6+$0x80]  }
0xe6: {  	v18 =	vld [tilespmem:s6+$0x90]  }
0xe7: {  	v19 =	vld [tilespmem:s6+$0xA0]  }
0xe8: {  	v20 =	vld [tilespmem:s6+$0xFFFFFF40]  }
0xe9: {  	v8 =	vld.idx.msk [tilespmem:v8+s1+$0x0], $0xffff  }
0xea: {  	v9 =	vld.idx.msk [tilespmem:v9+s1+$0x0], $0xffff  }
0xeb: {  	v0 =	vld.idx.msk [tilespmem:v0+s1+$0x0], $0xffff  }
0xec: {  	v1 =	vld.idx.msk [tilespmem:v1+s1+$0x0], $0xffff  }
0xed: {  	v2 =	vld.idx.msk [tilespmem:v2+s1+$0x0], $0xffff  }
0xee: {  	v3 =	vld.idx.msk [tilespmem:v3+s1+$0x0], $0xffff  }
0xef: {  	v4 =	vld.idx.msk [tilespmem:v4+s1+$0x0], $0xffff  }
0xf0: {  	v20 =	vld.idx.msk [tilespmem:v20+s1+$0x0], $0xffff  }
0xf1: {  	v5 =	vld.idx.msk [tilespmem:v5+s1+$0x0], $0xffff  }
0xf2: {  	v6 =	vld.idx.msk [tilespmem:v6+s1+$0x0], $0xffff  }
0xf3: {  	v7 =	vld.idx.msk [tilespmem:v7+s1+$0x0], $0xffff  }
0xf4: {  	v10 =	vld.idx.msk [tilespmem:v10+s1+$0x0], $0xffff  }
0xf5: {  	v11 =	vld.idx.msk [tilespmem:v11+s1+$0x0], $0xffff  }
0xf6: {  	v12 =	vld.idx.msk [tilespmem:v12+s1+$0x0], $0xffff  }
0xf7: {  	v13 =	vld.idx.msk [tilespmem:v13+s1+$0x0], $0xffff  }
0xf8: {  	v14 =	vld.idx.msk [tilespmem:v14+s1+$0x0], $0xffff  }
0xf9: {  	v15 =	vld.idx.msk [tilespmem:v15+s1+$0x0], $0xffff  }
0xfa: {  	v16 =	vld.idx.msk [tilespmem:v16+s1+$0x0], $0xffff  }
0xfb: {  	v17 =	vld.idx.msk [tilespmem:v17+s1+$0x0], $0xffff  }
0xfc: {  	v18 =	vld.idx.msk [tilespmem:v18+s1+$0x0], $0xffff  }
0xfd: {  	v19 =	vld.idx.msk [tilespmem:v19+s1+$0x0], $0xffff  }
0xfe: {  	v21 =	vld [tilespmem:s0+$0xFFFFFF40]  }
0xff: {  	v22 =	vld [tilespmem:s0+$0xFFFFFF50]  }
0x100: {  	v23 =	vld [tilespmem:s0+$0xFFFFFF60]  }
0x101: {  	v24 =	vld [tilespmem:s0+$0xFFFFFF70]  }
0x102: {  	v25 =	vld [tilespmem:s0+$0xFFFFFF80]  }
0x103: {  	v26 =	vld [tilespmem:s0+$0xFFFFFF90]  }
0x104: {  	v27 =	vld [tilespmem:s0+$0xFFFFFFA0]  }
0x105: {  	v28 =	vld [tilespmem:s0+$0xFFFFFFB0]  }
0x106: {  	v29 =	vld [tilespmem:s0+$0xFFFFFFD0]  }
0x107: {  	v30 =	vld [tilespmem:s0+$0xFFFFFFE0]  }
0x108: {  	v31 =	vld [tilespmem:s0+$0xFFFFFFF0]  }
0x109: {  	v32 =	vld [tilespmem:s0+$0x0]  }
0x10a: {  	v33 =	vld [tilespmem:s0+$0x10]  }
0x10b: {  	v34 =	vld [tilespmem:s0+$0x20]  }
0x10c: {  	v35 =	vld [tilespmem:s0+$0x30]  }
0x10d: {  	v36 =	vld [tilespmem:s0+$0x50]  }
0x10e: {  	v37 =	vld [tilespmem:s0+$0x60]  }
0x10f: {  	v38 =	vld [tilespmem:s0+$0x70]  }
0x110: {  	v39 =	vld [tilespmem:s0+$0x80]  }
0x111: {  	v40 =	vld [tilespmem:s0+$0x90]  }
0x112: {  	v41 =	vld [tilespmem:s0+$0xA0]  }
0x113: {  	[tilespmem:v21+s2+$0x0] =	vst.idx.add.f32.msk $0xffff, v20  }
0x114: {  	[tilespmem:v22+s2+$0x0] =	vst.idx.add.f32.msk $0xffff, v8  }
0x115: {  	[tilespmem:v23+s2+$0x0] =	vst.idx.add.f32.msk $0xffff, v9  }
0x116: {  	[tilespmem:v24+s2+$0x0] =	vst.idx.add.f32.msk $0xffff, v0  }
0x117: {  	[tilespmem:v25+s2+$0x0] =	vst.idx.add.f32.msk $0xffff, v1  }
0x118: {  	[tilespmem:v26+s2+$0x0] =	vst.idx.add.f32.msk $0xffff, v2  }
0x119: {  	[tilespmem:v27+s2+$0x0] =	vst.idx.add.f32.msk $0xffff, v3  }
0x11a: {  	[tilespmem:v28+s2+$0x0] =	vst.idx.add.f32.msk $0xffff, v4  }
0x11b: {  	[tilespmem:v29+s2+$0x0] =	vst.idx.add.f32.msk $0xffff, v5  }
0x11c: {  	[tilespmem:v30+s2+$0x0] =	vst.idx.add.f32.msk $0xffff, v6  }
0x11d: {  	[tilespmem:v31+s2+$0x0] =	vst.idx.add.f32.msk $0xffff, v7  }
0x11e: {  	[tilespmem:v32+s2+$0x0] =	vst.idx.add.f32.msk $0xffff, v10  }
0x11f: {  	[tilespmem:v33+s2+$0x0] =	vst.idx.add.f32.msk $0xffff, v11  }
0x120: {  	[tilespmem:v34+s2+$0x0] =	vst.idx.add.f32.msk $0xffff, v12  }
0x121: {  	[tilespmem:v35+s2+$0x0] =	vst.idx.add.f32.msk $0xffff, v13  }
0x122: {  	[tilespmem:v36+s2+$0x0] =	vst.idx.add.f32.msk $0xffff, v14  }
.Ltmp1:
0x123: {  	[tilespmem:v37+s2+$0x0] =	vst.idx.add.f32.msk $0xffff, v15;
	(pc) =	sbr.rel @p0 .LBB2_3-.Ltmp1, $4  }
0x124: {  	[tilespmem:v38+s2+$0x0] =	vst.idx.add.f32.msk $0xffff, v16  }
0x125: {  	[tilespmem:v39+s2+$0x0] =	vst.idx.add.f32.msk $0xffff, v17  }
0x126: {  	[tilespmem:v40+s2+$0x0] =	vst.idx.add.f32.msk $0xffff, v18  }
0x127: {  	s4 =	sadd.s32 $0x190, s4;
	s6 =	sadd.s32 $0x190, s6;
	[tilespmem:v41+s2+$0x0] =	vst.idx.add.f32.msk $0xffff, v19  }
0x128: {  	s3 =	stileid.u32  }
0x129: {  	s0 =	sshrl.u32 s3, $0x3  }
0x12a: {  	s0 =	smul.u32 $0x5000, s0;
	_ =	sdelay $0x1  }
0x12b: {  	s1 =	sshll.u32 s3, $0x7;
	s0 =	sshrl.u32 s0, $0x2  }
0x12c: {  	s2 =	simm.s32 $0xEFB0;
	s1 =	sand.u32 $0x380, s1;
	s0 =	sadd.s32 s0, s7  }
0x12d: {  	s9 =	sadd.s32 s1, s0;
	s0 =	simm.s32 $0x80;
	s1 =	simm.s32 $0x400  }
0x12e: {  	[spmem:s9] =	stream.strided.scatter [tilespmem:s2], [sflag:$0x1], $0x280, s1, s0, $0x38;
	[tilespmem:$0x149B0] =	vst v63  }
0x12f: {  	s26 =	simm.s32 $0xF230;
	s4 =	sadd.s32 $0x2800, s9  }
0x130: {  	[spmem:s4] =	stream.strided.scatter [tilespmem:s26], [sflag:$0x1], $0x280, s1, s0, $0x38;
	[tilespmem:$0x149B0] =	vst v63  }
0x131: {  	s29 =	simm.s32 $0xF4B0;
	s28 =	sadd.s32 $0x5000, s9  }
0x132: {  	[spmem:s28] =	stream.strided.scatter [tilespmem:s29], [sflag:$0x1], $0x280, s1, s0, $0x38;
	[tilespmem:$0x149B0] =	vst v63  }
0x133: {  	s31 =	simm.s32 $0xF730;
	s30 =	sadd.s32 $0x7800, s9  }
0x134: {  	[spmem:s30] =	stream.strided.scatter [tilespmem:s31], [sflag:$0x1], $0x280, s1, s0, $0x38;
	[tilespmem:$0x149B0] =	vst v63  }
0x135: {  	s8 =	simm.s32 $0xF9B0;
	s6 =	sadd.s32 $0xA000, s9  }
0x136: {  	[spmem:s6] =	stream.strided.scatter [tilespmem:s8], [sflag:$0x1], $0x280, s1, s0, $0x38;
	[tilespmem:$0x149B0] =	vst v63  }
0x137: {  	s11 =	simm.s32 $0xFC30;
	s10 =	sadd.s32 $0xC800, s9  }
0x138: {  	[spmem:s10] =	stream.strided.scatter [tilespmem:s11], [sflag:$0x1], $0x280, s1, s0, $0x38;
	[tilespmem:$0x149B0] =	vst v63  }
0x139: {  	s13 =	simm.s32 $0xFEB0;
	s15 =	simm.s32 $0x10130;
	s12 =	sadd.s32 $0xF000, s9  }
0x13a: {  	[spmem:s12] =	stream.strided.scatter [tilespmem:s13], [sflag:$0x1], $0x280, s1, s0, $0x38;
	[tilespmem:$0x149B0] =	vst v63  }
0x13b: {  	s17 =	simm.s32 $0x103B0;
	s14 =	sadd.s32 $0x11800, s9;
	[dreg:$0x7] =	wrdreg s4  }
0x13c: {  	[spmem:s14] =	stream.strided.scatter [tilespmem:s15], [sflag:$0x1], $0x280, s1, s0, $0x38;
	[tilespmem:$0x149B0] =	vst v63  }
0x13d: {  	s19 =	simm.s32 $0x10630;
	s16 =	sadd.s32 $0x14000, s9;
	[dreg:$0x8] =	wrdreg s28  }
0x13e: {  	[spmem:s16] =	stream.strided.scatter [tilespmem:s17], [sflag:$0x1], $0x280, s1, s0, $0x38;
	[tilespmem:$0x149B0] =	vst v63  }
0x13f: {  	s20 =	simm.s32 $0x108B0;
	s18 =	sadd.s32 $0x16800, s9;
	[dreg:$0x9] =	wrdreg s30  }
0x140: {  	[spmem:s18] =	stream.strided.scatter [tilespmem:s19], [sflag:$0x1], $0x280, s1, s0, $0x38;
	[tilespmem:$0x149B0] =	vst v63  }
0x141: {  	s21 =	simm.s32 $0x10B30;
	[dreg:$0xa] =	wrdreg s6;
	s19 =	sadd.s32 $0x19000, s9  }
0x142: {  	[spmem:s19] =	stream.strided.scatter [tilespmem:s20], [sflag:$0x1], $0x280, s1, s0, $0x38;
	[tilespmem:$0x149B0] =	vst v63  }
0x143: {  	s22 =	simm.s32 $0x10DB0;
	[dreg:$0xb] =	wrdreg s10;
	s20 =	sadd.s32 $0x1B800, s9  }
0x144: {  	[spmem:s20] =	stream.strided.scatter [tilespmem:s21], [sflag:$0x1], $0x280, s1, s0, $0x38;
	[tilespmem:$0x149B0] =	vst v63  }
0x145: {  	s23 =	simm.s32 $0x11030;
	[dreg:$0xc] =	wrdreg s12;
	s21 =	sadd.s32 $0x1E000, s9  }
0x146: {  	[spmem:s21] =	stream.strided.scatter [tilespmem:s22], [sflag:$0x1], $0x280, s1, s0, $0x38;
	[tilespmem:$0x149B0] =	vst v63  }
0x147: {  	s24 =	simm.s32 $0x112B0;
	[dreg:$0xd] =	wrdreg s14;
	s22 =	sadd.s32 $0x20800, s9  }
0x148: {  	[spmem:s22] =	stream.strided.scatter [tilespmem:s23], [sflag:$0x1], $0x280, s1, s0, $0x38;
	[tilespmem:$0x149B0] =	vst v63  }
0x149: {  	s25 =	simm.s32 $0x11530;
	[dreg:$0xe] =	wrdreg s16;
	s23 =	sadd.s32 $0x23000, s9  }
0x14a: {  	[spmem:s23] =	stream.strided.scatter [tilespmem:s24], [sflag:$0x1], $0x280, s1, s0, $0x38;
	[tilespmem:$0x149B0] =	vst v63  }
0x14b: {  	[dreg:$0xf] =	wrdreg s18;
	s26 =	simm.s32 $0x1;
	s24 =	sadd.s32 $0x25800, s9  }
0x14c: {  	[spmem:s24] =	stream.strided.scatter [tilespmem:s25], [sflag:$0x1], $0x280, s1, s0, $0x38;
	[tilespmem:$0x149B0] =	vst v63  }
0x14d: {  	_ =	swait.ge [sflag:s26], $0x280  }
0x14e: {  	[sflag:s26] =	ssyncset.done $0x0  }
0x14f: {  	[sflag:s26] =	ssyncadd.s32 $0xFFFFFD80  }
0x150: {  	_ =	swait.ge [sflag:s26], $0x280  }
0x151: {  	[sflag:s26] =	ssyncset.done $0x0  }
0x152: {  	[sflag:s26] =	ssyncadd.s32 $0xFFFFFD80  }
0x153: {  	_ =	swait.ge [sflag:s26], $0x280  }
0x154: {  	[sflag:s26] =	ssyncset.done $0x0  }
0x155: {  	[sflag:s26] =	ssyncadd.s32 $0xFFFFFD80  }
0x156: {  	_ =	swait.ge [sflag:s26], $0x280  }
0x157: {  	[sflag:s26] =	ssyncset.done $0x0  }
0x158: {  	[sflag:s26] =	ssyncadd.s32 $0xFFFFFD80  }
0x159: {  	_ =	swait.ge [sflag:s26], $0x280  }
0x15a: {  	[sflag:s26] =	ssyncset.done $0x0  }
0x15b: {  	[sflag:s26] =	ssyncadd.s32 $0xFFFFFD80  }
0x15c: {  	_ =	swait.ge [sflag:s26], $0x280  }
0x15d: {  	[sflag:s26] =	ssyncset.done $0x0  }
0x15e: {  	[sflag:s26] =	ssyncadd.s32 $0xFFFFFD80  }
0x15f: {  	_ =	swait.ge [sflag:s26], $0x280  }
0x160: {  	[sflag:s26] =	ssyncset.done $0x0  }
0x161: {  	[sflag:s26] =	ssyncadd.s32 $0xFFFFFD80  }
0x162: {  	_ =	swait.ge [sflag:s26], $0x280  }
0x163: {  	[sflag:s26] =	ssyncset.done $0x0  }
0x164: {  	[sflag:s26] =	ssyncadd.s32 $0xFFFFFD80  }
0x165: {  	_ =	swait.ge [sflag:s26], $0x280  }
0x166: {  	[sflag:s26] =	ssyncset.done $0x0  }
0x167: {  	[sflag:s26] =	ssyncadd.s32 $0xFFFFFD80  }
0x168: {  	_ =	swait.ge [sflag:s26], $0x280  }
0x169: {  	[sflag:s26] =	ssyncset.done $0x0  }
0x16a: {  	[sflag:s26] =	ssyncadd.s32 $0xFFFFFD80  }
0x16b: {  	_ =	swait.ge [sflag:s26], $0x280  }
0x16c: {  	[sflag:s26] =	ssyncset.done $0x0  }
0x16d: {  	[sflag:s26] =	ssyncadd.s32 $0xFFFFFD80  }
0x16e: {  	_ =	swait.ge [sflag:s26], $0x280  }
0x16f: {  	[sflag:s26] =	ssyncset.done $0x0  }
0x170: {  	[sflag:s26] =	ssyncadd.s32 $0xFFFFFD80  }
0x171: {  	_ =	swait.ge [sflag:s26], $0x280  }
0x172: {  	[sflag:s26] =	ssyncset.done $0x0  }
0x173: {  	[sflag:s26] =	ssyncadd.s32 $0xFFFFFD80  }
0x174: {  	_ =	swait.ge [sflag:s26], $0x280  }
0x175: {  	[sflag:s26] =	ssyncset.done $0x0  }
0x176: {  	[sflag:s26] =	ssyncadd.s32 $0xFFFFFD80  }
0x177: {  	_ =	swait.ge [sflag:s26], $0x280  }
0x178: {  	[sflag:s26] =	ssyncset.done $0x0  }
0x179: {  	[sflag:s26] =	ssyncadd.s32 $0xFFFFFD80  }
0x17a: {  	s28 =	smul.u32 $0xA000, s3;
	_ =	swait.ge [sflag:s26], $0x280  }
0x17b: {  	s29 =	simm.s32 $0x117B0;
	[sflag:s26] =	ssyncset.done $0x0  }
0x17c: {  	s30 =	simm.s32 $0x2;
	s1 =	sshrl.u32 s28, $0x2;
	[sflag:s26] =	ssyncadd.s32 $0xFFFFFD80  }
0x17d: {  	s31 =	simm.s32 $0x0;
	s25 =	sadd.s32 s1, s7;
	[bflag:$0x0] =	sbarrier.arrive $0xFFFF  }
0x17e: {  	[tilespmem:s29], [sflag:$0x2] =	stream.linear.gather [spmem:s25], $0x2800, $0x38;
	[tilespmem:$0x149B0] =	vst v63  }
0x17f: {  	s2 =	simm.s32 $0x20;
	s8 =	sand.u32 $0x1C00, s31;
	_ =	swait.ge [sflag:s30], $0x2800  }
0x180: {  	s10 =	sand.u32 $0x60, s2;
	s0 =	sadd.s32 $0x12F30, s8;
	[sflag:s30] =	ssyncset.done $0x0  }
0x181: {  	s4 =	sadd.s32 s10, s0;
	[sflag:s30] =	ssyncadd.s32 $0xFFFFD800  }
0x182: {  	v0 =	vld [tilespmem:s4+$0x0];
	_ =	sdelay $0x3  }
0x183: {  	s1 =	sadd.s32 $0x12EB0, s8  }
0x184: {  	s6 =	sadd.s32 s10, s1;
	[tilespmem:$0x1FFF0] =	vst v0  }
0x185: {  	v0 =	vld [tilespmem:s6+$0x0];
	_ =	sdelay $0x2  }
0x186: {  	s3 =	simm.s32 $0x0  }
0x187: {  	s11 =	sand.u32 $0x40, s3  }
0x188: {  	s7 =	sor.u32 s11, s0;
	[tilespmem:$0x1FFE0] =	vst v0  }
0x189: {  	v0 =	vld [tilespmem:s7+$0x0];
	_ =	sdelay $0x3  }
0x18a: {  	s2 =	sadd.s32 $0x12E30, s8  }
0x18b: {  	s12 =	sadd.s32 s10, s2;
	[tilespmem:$0x1FFD0] =	vst v0  }
0x18c: {  	v0 =	vld [tilespmem:s12+$0x0];
	_ =	sdelay $0x4  }
0x18d: {  	s6 =	sor.u32 s11, s1;
	[tilespmem:$0x1FFC0] =	vst v0  }
0x18e: {  	v0 =	vld [tilespmem:s6+$0x0];
	_ =	sdelay $0x3  }
0x18f: {  	s3 =	sadd.s32 $0x12DB0, s8  }
0x190: {  	s13 =	sadd.s32 s10, s3;
	[tilespmem:$0x1FFB0] =	vst v0  }
0x191: {  	s14 =	sor.u32 s11, s2;
	s4 =	sadd.s32 $0x12D30, s8;
	v13 =	vld [tilespmem:s13+$0x0]  }
0x192: {  	s15 =	sadd.s32 s10, s4;
	v12 =	vld [tilespmem:s14+$0x0]  }
0x193: {  	s16 =	sor.u32 s11, s3;
	s6 =	sadd.s32 $0x12CB0, s8;
	v16 =	vld [tilespmem:s15+$0x0]  }
0x194: {  	s17 =	sadd.s32 s10, s6;
	v18 =	vld [tilespmem:s16+$0x0]  }
0x195: {  	s7 =	sadd.s32 $0x12C30, s8;
	s12 =	sor.u32 s11, s4;
	v19 =	vld [tilespmem:s17+$0x0]  }
0x196: {  	s26 =	sadd.s32 $0x12BB0, s8;
	s18 =	sadd.s32 s10, s7;
	v21 =	vld [tilespmem:s12+$0x0]  }
0x197: {  	s28 =	sadd.s32 s10, s26;
	v22 =	vld [tilespmem:s18+$0x0]  }
0x198: {  	s29 =	sor.u32 s11, s7;
	v26 =	vld [tilespmem:s28+$0x0]  }
0x199: {  	s30 =	sor.u32 s11, s26;
	s8 =	sadd.s32 $0x117B0, s8;
	v27 =	vld [tilespmem:s29+$0x0]  }
0x19a: {  	s10 =	sadd.s32 s10, s8;
	v31 =	vld [tilespmem:s30+$0x0]  }
0x19b: {  	v32 =	vld [tilespmem:s10+$0x380]  }
0x19c: {  	v30 =	vld [tilespmem:s10+$0x300]  }
0x19d: {  	v25 =	vld [tilespmem:s10+$0x280]  }
0x19e: {  	v20 =	vld [tilespmem:s10+$0x200]  }
0x19f: {  	v14 =	vld [tilespmem:s10+$0x180]  }
0x1a0: {  	v9 =	vld [tilespmem:s10+$0x100]  }
0x1a1: {  	v5 =	vld [tilespmem:s10+$0x0]  }
0x1a2: {  	s13 =	sor.u32 s11, s6;
	s11 =	sor.u32 s11, s8;
	v15 =	vld [tilespmem:s10+$0x80]  }
0x1a3: {  	v28 =	vld [tilespmem:s11+$0x380]  }
0x1a4: {  	v23 =	vld [tilespmem:s11+$0x300]  }
0x1a5: {  	v17 =	vld [tilespmem:s11+$0x280]  }
0x1a6: {  	v11 =	vld [tilespmem:s11+$0x200]  }
0x1a7: {  	v6 =	vld [tilespmem:s11+$0x180]  }
0x1a8: {  	v4 =	vld [tilespmem:s11+$0x100]  }
0x1a9: {  	s31 =	simm.s32 $0x10;
	v0 =	vld [tilespmem:s11+$0x0]  }
0x1aa: {  	v1 =	vld [tilespmem:s11+$0x80];
	s11 =	sand.u32 $0x50, s31  }
0x1ab: {  	v24 =	vld [tilespmem:s13+$0x0];
	s13 =	sadd.s32 s11, s8  }
0x1ac: {  	v39 =	vld [tilespmem:s13+$0x0]  }
0x1ad: {  	v40 =	vld [tilespmem:s13+$0x80]  }
0x1ae: {  	v41 =	vld [tilespmem:s13+$0x100]  }
0x1af: {  	v42 =	vld [tilespmem:s13+$0x180]  }
0x1b0: {  	v43 =	vld [tilespmem:s13+$0x200]  }
0x1b1: {  	v44 =	vld [tilespmem:s13+$0x280]  }
0x1b2: {  	s14 =	simm.s32 $0x30;
	v45 =	vld [tilespmem:s13+$0x300]  }
0x1b3: {  	s15 =	sand.u32 $0x70, s14;
	s16 =	sadd.s32 s11, s26;
	v46 =	vld [tilespmem:s13+$0x380]  }
0x1b4: {  	s8 =	sadd.s32 s15, s8;
	v47 =	vld [tilespmem:s16+$0x0]  }
0x1b5: {  	v48 =	vld [tilespmem:s8+$0x0]  }
0x1b6: {  	v49 =	vld [tilespmem:s8+$0x80]  }
0x1b7: {  	v50 =	vld [tilespmem:s8+$0x100]  }
0x1b8: {  	v51 =	vld [tilespmem:s8+$0x180]  }
0x1b9: {  	v52 =	vld [tilespmem:s8+$0x200]  }
0x1ba: {  	v53 =	vld [tilespmem:s8+$0x280]  }
0x1bb: {  	v54 =	vld [tilespmem:s8+$0x300]  }
0x1bc: {  	s17 =	sadd.s32 s11, s7;
	v55 =	vld [tilespmem:s8+$0x380]  }
0x1bd: {  	s18 =	sadd.s32 s15, s26;
	v56 =	vld [tilespmem:s17+$0x0]  }
0x1be: {  	s26 =	sadd.s32 s11, s6;
	v57 =	vld [tilespmem:s18+$0x0]  }
0x1bf: {  	s7 =	sadd.s32 s15, s7;
	v58 =	vld [tilespmem:s26+$0x0]  }
0x1c0: {  	s28 =	sadd.s32 s11, s4;
	v59 =	vld [tilespmem:s7+$0x0]  }
0x1c1: {  	s6 =	sadd.s32 s15, s6;
	v60 =	vld [tilespmem:s28+$0x0]  }
0x1c2: {  	s29 =	sadd.s32 s11, s3;
	v61 =	vld [tilespmem:s6+$0x0]  }
0x1c3: {  	s4 =	sadd.s32 s15, s4;
	v62 =	vld [tilespmem:s29+$0x0]  }
0x1c4: {  	s30 =	sadd.s32 s11, s2;
	v63 =	vld [tilespmem:s4+$0x0]  }
0x1c5: {  	s3 =	sadd.s32 s15, s3;
	v3 =	vld [tilespmem:s30+$0x0]  }
0x1c6: {  	s31 =	sadd.s32 s11, s1;
	v7 =	vld [tilespmem:s3+$0x0]  }
0x1c7: {  	s2 =	sadd.s32 s15, s2;
	v8 =	vld [tilespmem:s31+$0x0]  }
0x1c8: {  	s1 =	sadd.s32 s15, s1;
	v10 =	vld [tilespmem:s2+$0x0]  }
0x1c9: {  	s6 =	sadd.s32 s11, s0;
	v37 =	vld [tilespmem:s1+$0x0]  }
0x1ca: {  	s7 =	simm.s32 $0x14250;
	v38 =	vld [tilespmem:s6+$0x0]  }
0x1cb: {  	s0 =	sadd.s32 s15, s0;
	v35 =	vld [tilespmem:s7+$0xFFFFFFE0]  }
0x1cc: {  	s8 =	simm.s32 $0x200;
	v36 =	vld [tilespmem:s0+$0x0]  }
0x1cd: {  	s10 =	simm.s32 $0x60;
	s11 =	sand.u32 $0x1C00, s8;
	v33 =	vld [tilespmem:s7+$0xFFFFFFF0]  }
0x1ce: {  	s0 =	sand.u32 $0x60, s10;
	v29 =	vld [tilespmem:s7+$0x10];
	s4 =	sadd.s32 $0x12F30, s11  }
0x1cf: {  	v34 =	vld [tilespmem:s7+$0x0];
	s2 =	sadd.s32 $0x12EB0, s11;
	s13 =	sadd.s32 s0, s4  }
0x1d0: {  	s1 =	sadd.s32 $0x12E30, s11;
	v2 =	vadd.f32 v1, v0;
	s14 =	sadd.s32 s0, s2;
	v0 =	vld [tilespmem:s13+$0x0]  }
0x1d1: {  	s12 =	simm.s32 $0x40;
	v15 =	vadd.f32 v15, v5;
	s3 =	sadd.s32 $0x12DB0, s11;
	s16 =	sadd.s32 s0, s1;
	v1 =	vld [tilespmem:s14+$0x0]  }
0x1d2: {  	s12 =	sand.u32 $0x40, s12;
	s18 =	sadd.s32 s0, s3;
	v5 =	vld [tilespmem:s16+$0x0]  }
0x1d3: {  	s6 =	sadd.s32 $0x12D30, s11;
	s15 =	sor.u32 s12, s4;
	v15 =	vadd.f32 v9, v15;
	v9 =	vld [tilespmem:s18+$0x0]  }
0x1d4: {  	s28 =	sadd.s32 s0, s6;
	v2 =	vadd.f32 v4, v2;
	v4 =	vld [tilespmem:s15+$0x0]  }
0x1d5: {  	s29 =	sor.u32 s12, s3;
	v48 =	vadd.f32 v49, v48;
	v49 =	vadd.f32 v14, v15;
	v14 =	vld [tilespmem:s28+$0x0]  }
0x1d6: {  	s17 =	sor.u32 s12, s2;
	v15 =	vld [tilespmem:s29+$0x0]  }
0x1d7: {  	v2 =	vadd.f32 v6, v2;
	v6 =	vld [tilespmem:s17+$0x0]  }
0x1d8: {  	v39 =	vadd.f32 v40, v39;
	v40 =	vadd.f32 v50, v48;
	v48 =	vld [tilespmem:$0x1FFE0]  }
0x1d9: {  	s31 =	sor.u32 s12, s6;
	v50 =	vld [tilespmem:$0x1FFF0]  }
0x1da: {  	s26 =	sor.u32 s12, s1;
	v39 =	vadd.f32 v41, v39;
	s17 =	sadd.s32 $0x117B0, s11;
	v41 =	vadd.f32 v20, v49;
	v20 =	vld [tilespmem:s31+$0x0]  }
0x1db: {  	s28 =	sadd.s32 s0, s17;
	v2 =	vadd.f32 v11, v2;
	v11 =	vld [tilespmem:s26+$0x0]  }
0x1dc: {  	s7 =	sadd.s32 $0x12CB0, s11;
	v49 =	vld [tilespmem:s28+$0x100]  }
0x1dd: {  	s8 =	sadd.s32 $0x12C30, s11;
	s14 =	sor.u32 s12, s7;
	v39 =	vadd.f32 v42, v39;
	v40 =	vadd.f32 v51, v40;
	v51 =	vld [tilespmem:s28+$0x0]  }
0x1de: {  	s10 =	sadd.s32 $0x12BB0, s11;
	s30 =	sadd.s32 s0, s7;
	s13 =	sadd.s32 s0, s8;
	v41 =	vadd.f32 v25, v41;
	v25 =	vld [tilespmem:s14+$0x0]  }
0x1df: {  	s16 =	sor.u32 s12, s8;
	s15 =	sadd.s32 s0, s10;
	s0 =	simm.s32 $0x70;
	v2 =	vadd.f32 v17, v2;
	v39 =	vadd.f32 v43, v39;
	v17 =	vld [tilespmem:s30+$0x0]  }
0x1e0: {  	s18 =	sor.u32 s12, s10;
	s26 =	sor.u32 s12, s17;
	s12 =	sand.u32 $0x70, s0;
	v40 =	vadd.f32 v52, v40;
	v41 =	vadd.f32 v30, v41;
	v30 =	vld [tilespmem:s16+$0x0]  }
0x1e1: {  	v2 =	vadd.f32 v23, v2;
	v39 =	vadd.f32 v44, v39;
	v23 =	vld [tilespmem:s13+$0x0];
	s13 =	sadd.s32 s12, s17  }
0x1e2: {  	v40 =	vadd.f32 v53, v40;
	v32 =	vadd.f32 v32, v41;
	v42 =	vld [tilespmem:s13+$0x180]  }
0x1e3: {  	v2 =	vadd.f32 v28, v2;
	v39 =	vadd.f32 v45, v39;
	v28 =	vld [tilespmem:s15+$0x0]  }
0x1e4: {  	v40 =	vadd.f32 v54, v40;
	v45 =	vld [tilespmem:$0x1FFB0]  }
0x1e5: {  	v26 =	vadd.f32 v26, v32;
	v32 =	vld [tilespmem:s26+$0x200];
	v39 =	vadd.f32 v46, v39  }
0x1e6: {  	v2 =	vadd.f32 v31, v2;
	v53 =	vadd.f32 v55, v40;
	v40 =	vld [tilespmem:s26+$0x300]  }
0x1e7: {  	v46 =	vld [tilespmem:$0x1FFC0];
	v22 =	vadd.f32 v22, v26;
	v52 =	vadd.f32 v47, v39  }
0x1e8: {  	v26 =	vld [tilespmem:s26+$0x100];
	v2 =	vadd.f32 v27, v2;
	v55 =	vadd.f32 v57, v53  }
0x1e9: {  	s29 =	simm.s32 $0x50;
	v39 =	vld [tilespmem:s26+$0x380];
	v19 =	vadd.f32 v19, v22;
	v54 =	vadd.f32 v56, v52  }
0x1ea: {  	s11 =	sand.u32 $0x50, s29;
	v27 =	vld [tilespmem:s26+$0x280];
	v2 =	vadd.f32 v24, v2;
	v57 =	vadd.f32 v59, v55  }
0x1eb: {  	s14 =	sadd.s32 s11, s17;
	v47 =	vld [tilespmem:$0x1FFD0];
	v16 =	vadd.f32 v16, v19;
	v56 =	vadd.f32 v58, v54  }
0x1ec: {  	v53 =	vld [tilespmem:s14+$0x80];
	v2 =	vadd.f32 v21, v2;
	v43 =	vadd.f32 v61, v57  }
0x1ed: {  	v59 =	vld [tilespmem:s26+$0x0];
	v13 =	vadd.f32 v13, v16;
	v58 =	vadd.f32 v60, v56  }
0x1ee: {  	v54 =	vld [tilespmem:s28+$0x80];
	v2 =	vadd.f32 v18, v2;
	v44 =	vadd.f32 v63, v43  }
0x1ef: {  	v60 =	vld [tilespmem:s26+$0x80];
	v13 =	vadd.f32 v46, v13;
	v18 =	vadd.f32 v62, v58  }
0x1f0: {  	v24 =	vld [tilespmem:s26+$0x180];
	v12 =	vadd.f32 v12, v2;
	v7 =	vadd.f32 v7, v44  }
0x1f1: {  	v2 =	vld.msk [tilespmem:$0x144B0 ss:$0x0], $0xffff;
	v13 =	vadd.f32 v48, v13;
	v3 =	vadd.f32 v3, v18  }
0x1f2: {  	v52 =	vld [tilespmem:s14+$0x0];
	v12 =	vadd.f32 v45, v12;
	v7 =	vadd.f32 v10, v7  }
0x1f3: {  	v55 =	vld [tilespmem:s14+$0x100];
	v13 =	vadd.f32 v50, v13;
	v3 =	vadd.f32 v8, v3  }
0x1f4: {  	v19 =	vld [tilespmem:s28+$0x380];
	v21 =	vadd.f32 v60, v59;
	v60 =	vadd.f32 v54, v51  }
0x1f5: {  	v10 =	vld [tilespmem:s28+$0x180];
	v12 =	vadd.f32 v47, v12;
	v3 =	vadd.f32 v38, v3  }
0x1f6: {  	v57 =	vld [tilespmem:s13+$0x0];
	v7 =	vadd.f32 v37, v7;
	v13 =	vadd.f32 v13, v2  }
0x1f7: {  	v61 =	vld [tilespmem:s13+$0x100];
	v21 =	vadd.f32 v26, v21;
	v3 =	vadd.f32 v3, v2  }
0x1f8: {  	v8 =	vld [tilespmem:s28+$0x200];
	v22 =	vadd.f32 v49, v60;
	v12 =	vadd.f32 v12, v2  }
0x1f9: {  	s26 =	sadd.s32 $0x30, s5;
	v58 =	vld [tilespmem:s13+$0x80];
	v7 =	vadd.f32 v36, v7;
	v3 =	vadd.f32 v3, v33  }
0x1fa: {  	v16 =	vld [tilespmem:s28+$0x280];
	v56 =	vimm.f32 $0.0e+00;
	s30 =	sadd.s32 $0xFFFFFFE0, s26;
	v13 =	vadd.f32 v13, v34;
	v10 =	vadd.f32 v10, v22  }
0x1fb: {  	p4 =	slt.u32 s30, $0x2710;
	v59 =	vld [tilespmem:s14+$0x180];
	v12 =	vadd.f32 v12, v35;
	v7 =	vadd.f32 v7, v2;
	v3 =	vmax.f32 v3, $0.0e+00  }
0x1fc: {  	v18 =	vld [tilespmem:s28+$0x300];
	s28 =	sadd.s32 $0xFFFFFFD0, s26;
	v21 =	vadd.f32 v24, v21;
	v26 =	vpsel !p4, $0x0, v3;
	v3 =	vadd.f32 v53, v52  }
0x1fd: {  	v63 =	vld [tilespmem:s14+$0x200];
	p0 =	slt.u32 s28, $0x2710;
	v8 =	vadd.f32 v8, v10;
	v12 =	vmax.f32 v12, $0.0e+00;
	v7 =	vadd.f32 v7, v29  }
0x1fe: {  	v31 =	vld [tilespmem:s18+$0x0];
	v29 =	vadd.f32 v58, v57;
	v12 =	vpsel !p0, $0x0, v12;
	v62 =	vadd.f32 v55, v3  }
0x1ff: {  	p6 =	slt.u32 s26, $0x2710;
	v44 =	vld [tilespmem:s14+$0x280];
	v8 =	vadd.f32 v16, v8;
	v34 =	vadd.f32 v12, v56;
	v7 =	vmax.f32 v7, $0.0e+00  }
0x200: {  	v45 =	vld [tilespmem:s13+$0x200];
	v43 =	vpsel !p6, $0x0, v7;
	v7 =	vadd.f32 v32, v21;
	v24 =	vadd.f32 v59, v62  }
0x201: {  	v46 =	vld [tilespmem:s14+$0x300];
	v29 =	vadd.f32 v61, v29;
	v8 =	vadd.f32 v18, v8  }
0x202: {  	v47 =	vld [tilespmem:s13+$0x280];
	v7 =	vadd.f32 v27, v7;
	v24 =	vadd.f32 v63, v24  }
0x203: {  	v48 =	vld [tilespmem:s14+$0x380];
	v34 =	vadd.f32 v26, v34;
	v10 =	vadd.f32 v42, v29  }
0x204: {  	s15 =	sadd.s32 s11, s10;
	s31 =	sadd.s32 $0xFFFFFFF0, s26;
	v49 =	vld [tilespmem:s13+$0x300];
	v7 =	vadd.f32 v40, v7;
	v21 =	vadd.f32 v44, v24  }
0x205: {  	p5 =	slt.u32 s31, $0x2710;
	v50 =	vld [tilespmem:s15+$0x0];
	v13 =	vmax.f32 v13, $0.0e+00;
	v8 =	vadd.f32 v19, v8;
	v10 =	vadd.f32 v45, v10  }
0x206: {  	s16 =	sadd.s32 s11, s8;
	v51 =	vld [tilespmem:s13+$0x380];
	v13 =	vpsel !p5, $0x0, v13;
	v7 =	vadd.f32 v39, v7;
	v21 =	vadd.f32 v46, v21  }
0x207: {  	s10 =	sadd.s32 s12, s10;
	v52 =	vld [tilespmem:s16+$0x0];
	v3 =	vadd.f32 v13, v34;
	v10 =	vadd.f32 v47, v10  }
0x208: {  	s17 =	sadd.s32 s11, s7;
	v53 =	vld [tilespmem:s10+$0x0];
	v7 =	vadd.f32 v31, v7;
	v21 =	vadd.f32 v48, v21  }
0x209: {  	s8 =	sadd.s32 s12, s8;
	v54 =	vld [tilespmem:s17+$0x0];
	v8 =	vadd.f32 v28, v8;
	v10 =	vadd.f32 v49, v10  }
0x20a: {  	s18 =	sadd.s32 s11, s6;
	v55 =	vld [tilespmem:s8+$0x0];
	v7 =	vadd.f32 v30, v7;
	v21 =	vadd.f32 v50, v21  }
0x20b: {  	s7 =	sadd.s32 s12, s7;
	v56 =	vld [tilespmem:s18+$0x0];
	v3 =	vadd.f32 v43, v3;
	v10 =	vadd.f32 v51, v10  }
0x20c: {  	s26 =	sadd.s32 s11, s3;
	v58 =	vld [tilespmem:s7+$0x0];
	v7 =	vadd.f32 v25, v7;
	v57 =	vadd.f32 v52, v21  }
0x20d: {  	s6 =	sadd.s32 s12, s6;
	v59 =	vld [tilespmem:s26+$0x0];
	v8 =	vadd.f32 v23, v8;
	v10 =	vadd.f32 v53, v10  }
0x20e: {  	v60 =	vld [tilespmem:s6+$0x0];
	s28 =	sadd.s32 s11, s1;
	v7 =	vadd.f32 v20, v7;
	v16 =	vadd.f32 v54, v57  }
0x20f: {  	s3 =	sadd.s32 s12, s3;
	v61 =	vld [tilespmem:s28+$0x0];
	v8 =	vadd.f32 v17, v8;
	v10 =	vadd.f32 v55, v10  }
0x210: {  	s29 =	sadd.s32 s11, s2;
	v62 =	vld [tilespmem:s3+$0x0];
	v7 =	vadd.f32 v15, v7;
	v15 =	vadd.f32 v56, v16  }
0x211: {  	s1 =	sadd.s32 s12, s1;
	v63 =	vld [tilespmem:s29+$0x0];
	v14 =	vadd.f32 v14, v8;
	v19 =	vadd.f32 v58, v10  }
0x212: {  	s30 =	sadd.s32 s11, s4;
	v8 =	vld [tilespmem:s1+$0x0];
	s1 =	simm.s32 $0x13FD0;
	v7 =	vadd.f32 v11, v7;
	v11 =	vadd.f32 v59, v15  }
0x213: {  	s2 =	sadd.s32 s12, s2;
	[tilespmem:s1+$0xFFFFFFE0] =	vst v12;
	v9 =	vadd.f32 v9, v14;
	v10 =	vld [tilespmem:s30+$0x0];
	v12 =	vadd.f32 v60, v19  }
0x214: {  	[tilespmem:s1+$0xFFFFFFF0] =	vst v26;
	v14 =	vadd.f32 v6, v7;
	v6 =	vld [tilespmem:s2+$0x0];
	s2 =	simm.s32 $0x14290;
	v15 =	vadd.f32 v61, v11  }
0x215: {  	s31 =	sadd.s32 s12, s4;
	[tilespmem:s1+$0x0] =	vst v13;
	v5 =	vadd.f32 v5, v9;
	v9 =	vadd.f32 v62, v12;
	v7 =	vld [tilespmem:s2+$0xFFFFFFE0]  }
0x216: {  	s4 =	simm.s32 $0x4;
	s6 =	simm.s32 $0x400;
	s7 =	simm.s32 $0xB0;
	[tilespmem:s1+$0x10] =	vst v43;
	v11 =	vadd.f32 v4, v14;
	v4 =	vld [tilespmem:s31+$0x0];
	v12 =	vadd.f32 v63, v15  }
.LBB2_5:
0x217: {  	s11 =	sand.u32 $0x1C00, s6;
	s3 =	sadd.s32 $0xFFFFFFF0, s7;
	v13 =	vld [tilespmem:s2+$0xFFFFFFF0];
	v1 =	vadd.f32 v1, v5;
	v5 =	vadd.f32 v8, v9  }
0x218: {  	s8 =	sadd.s32 $0x12F30, s11;
	s13 =	sand.u32 $0x60, s3;
	v8 =	vadd.f32 v11, v2;
	v9 =	vadd.f32 v10, v12;
	v10 =	vld [tilespmem:s2+$0x10]  }
0x219: {  	s3 =	sadd.s32 $0xFFFFFFD0, s7;
	s26 =	sadd.s32 $0x12EB0, s11;
	s10 =	sadd.s32 s13, s8;
	v11 =	vadd.f32 v0, v1;
	v12 =	vld [tilespmem:s2+$0x0];
	v5 =	vadd.f32 v6, v5  }
0x21a: {  	s30 =	sadd.s32 s0, s5;
	s14 =	sand.u32 $0x40, s3;
	s12 =	sadd.s32 s13, s26;
	v0 =	vld [tilespmem:s10+$0x0];
	v6 =	vadd.f32 v8, v7;
	v7 =	vadd.f32 v9, v2  }
0x21b: {  	s3 =	sadd.s32 $0x12E30, s11;
	s0 =	sor.u32 s14, s8;
	s10 =	sadd.s32 $0xFFFFFFD0, s30;
	v1 =	vld [tilespmem:s12+$0x0];
	v8 =	vadd.f32 v4, v5  }
0x21c: {  	s1 =	sadd.s32 $0x40, s1;
	p0 =	slt.u32 s10, $0x2710;
	v9 =	vadd.f32 v11, v2;
	v4 =	vld [tilespmem:s0+$0x0];
	s0 =	sadd.s32 s13, s3;
	v6 =	vmax.f32 v6, $0.0e+00;
	v7 =	vadd.f32 v7, v13  }
0x21d: {  	s28 =	sadd.s32 $0x12DB0, s11;
	s10 =	sor.u32 s14, s26;
	v5 =	vld [tilespmem:s0+$0x0];
	v11 =	vpsel !p0, $0x0, v6;
	s0 =	sadd.s32 $0xFFFFFFE0, s30;
	v13 =	vadd.f32 v8, v2  }
0x21e: {  	v6 =	vld [tilespmem:s10+$0x0];
	s10 =	sadd.s32 s13, s28;
	[tilespmem:s1+$0xFFFFFFE0] =	vst v11;
	v3 =	vadd.f32 v11, v3;
	v8 =	vmax.f32 v7, $0.0e+00;
	p0 =	slt.u32 s0, $0x2710;
	v9 =	vadd.f32 v9, v12;
	s0 =	smov.u32 s7  }
0x21f: {  	s29 =	sadd.s32 $0x12D30, s11;
	s12 =	sor.u32 s14, s3;
	v7 =	vld [tilespmem:s10+$0x0];
	v11 =	vpsel !p0, $0x0, v8;
	s10 =	sadd.s32 $0xFFFFFFF0, s30  }
0x220: {  	v12 =	vadd.f32 v13, v10;
	v8 =	vld [tilespmem:s12+$0x0];
	s12 =	sadd.s32 s13, s29;
	[tilespmem:s1+$0xFFFFFFF0] =	vst v11;
	v3 =	vadd.f32 v11, v3;
	v11 =	vmax.f32 v9, $0.0e+00;
	p0 =	slt.u32 s10, $0x2710  }
0x221: {  	s31 =	sor.u32 s14, s28;
	s10 =	sadd.s32 $0x12CB0, s11;
	v9 =	vld [tilespmem:s12+$0x0];
	v11 =	vpsel !p0, $0x0, v11  }
0x222: {  	v12 =	vmax.f32 v12, $0.0e+00;
	p0 =	slt.u32 s30, $0x2710;
	v10 =	vld [tilespmem:s31+$0x0];
	s31 =	sadd.s32 s13, s10;
	[tilespmem:s1+$0x0] =	vst v11;
	v3 =	vadd.f32 v11, v3  }
0x223: {  	s12 =	sadd.s32 $0x12C30, s11;
	s30 =	sor.u32 s14, s29;
	v13 =	vpsel !p0, $0x0, v12;
	v11 =	vld [tilespmem:s31+$0x0]  }
0x224: {  	s31 =	sadd.s32 s13, s12;
	v12 =	vld [tilespmem:s30+$0x0];
	[tilespmem:s1+$0x10] =	vst v13;
	v3 =	vadd.f32 v13, v3  }
0x225: {  	s15 =	sor.u32 s14, s10;
	s30 =	sadd.s32 $0x12BB0, s11;
	v13 =	vld [tilespmem:s31+$0x0]  }
0x226: {  	v14 =	vld [tilespmem:s15+$0x0];
	s15 =	sadd.s32 s13, s30  }
0x227: {  	s31 =	sadd.s32 $0x117B0, s11;
	s11 =	sor.u32 s14, s12;
	v15 =	vld [tilespmem:s15+$0x0]  }
0x228: {  	s15 =	sadd.s32 s13, s31;
	v16 =	vld [tilespmem:s11+$0x0]  }
0x229: {  	s11 =	sor.u32 s14, s30;
	v17 =	vld [tilespmem:s15+$0x380]  }
0x22a: {  	v18 =	vld [tilespmem:s11+$0x0]  }
0x22b: {  	s16 =	sor.u32 s14, s31;
	v19 =	vld [tilespmem:s15+$0x300]  }
0x22c: {  	v20 =	vld [tilespmem:s16+$0x380]  }
0x22d: {  	v21 =	vld [tilespmem:s15+$0x280]  }
0x22e: {  	v22 =	vld [tilespmem:s16+$0x300]  }
0x22f: {  	v23 =	vld [tilespmem:s15+$0x200]  }
0x230: {  	v24 =	vld [tilespmem:s16+$0x280]  }
0x231: {  	v25 =	vld [tilespmem:s15+$0x180]  }
0x232: {  	s11 =	sand.u32 $0x70, s7;
	v26 =	vld [tilespmem:s16+$0x200]  }
0x233: {  	s14 =	sadd.s32 s11, s31;
	v27 =	vld [tilespmem:s15+$0x100]  }
0x234: {  	v28 =	vld [tilespmem:s14+$0x0]  }
0x235: {  	v29 =	vld [tilespmem:s16+$0x180]  }
0x236: {  	s4 =	sadd.s32 $0x4, s4;
	v30 =	vld [tilespmem:s15+$0x0]  }
0x237: {  	p0 =	slt.u32 s4, $0x24;
	s13 =	sadd.s32 $0xFFFFFFE0, s7;
	v31 =	vld [tilespmem:s16+$0x100]  }
0x238: {  	s13 =	sand.u32 $0x50, s13;
	v32 =	vld [tilespmem:s16+$0x0]  }
0x239: {  	v33 =	vld [tilespmem:s16+$0x80];
	s16 =	sadd.s32 s13, s31  }
0x23a: {  	v34 =	vld [tilespmem:s16+$0x0]  }
0x23b: {  	v35 =	vld [tilespmem:s16+$0x80]  }
0x23c: {  	v36 =	vld [tilespmem:s15+$0x80]  }
0x23d: {  	v37 =	vld [tilespmem:s16+$0x100]  }
0x23e: {  	v32 =	vadd.f32 v33, v32;
	v33 =	vld [tilespmem:s14+$0x80]  }
0x23f: {  	v38 =	vld [tilespmem:s16+$0x180]  }
0x240: {  	v31 =	vadd.f32 v31, v32;
	v32 =	vadd.f32 v35, v34;
	v34 =	vld [tilespmem:s14+$0x100]  }
0x241: {  	v35 =	vld [tilespmem:s16+$0x200];
	v30 =	vadd.f32 v36, v30  }
0x242: {  	v29 =	vadd.f32 v29, v31;
	v31 =	vadd.f32 v37, v32;
	v32 =	vld [tilespmem:s14+$0x180]  }
0x243: {  	v36 =	vld [tilespmem:s16+$0x280];
	v27 =	vadd.f32 v27, v30;
	v28 =	vadd.f32 v33, v28  }
0x244: {  	v26 =	vadd.f32 v26, v29;
	v29 =	vadd.f32 v38, v31;
	v30 =	vld [tilespmem:s14+$0x200]  }
0x245: {  	v31 =	vld [tilespmem:s16+$0x300];
	v25 =	vadd.f32 v25, v27;
	v27 =	vadd.f32 v34, v28  }
0x246: {  	v24 =	vadd.f32 v24, v26;
	v26 =	vadd.f32 v35, v29;
	v28 =	vld [tilespmem:s14+$0x280]  }
0x247: {  	v29 =	vld [tilespmem:s16+$0x380];
	v23 =	vadd.f32 v23, v25;
	v25 =	vadd.f32 v32, v27  }
0x248: {  	s15 =	sadd.s32 s13, s30;
	v22 =	vadd.f32 v22, v24;
	v24 =	vadd.f32 v36, v26;
	v26 =	vld [tilespmem:s14+$0x300]  }
0x249: {  	v27 =	vld [tilespmem:s15+$0x0];
	v21 =	vadd.f32 v21, v23;
	v23 =	vadd.f32 v30, v25  }
0x24a: {  	s15 =	sadd.s32 s13, s12;
	v20 =	vadd.f32 v20, v22;
	v22 =	vadd.f32 v31, v24;
	v24 =	vld [tilespmem:s14+$0x380]  }
0x24b: {  	s14 =	sadd.s32 s11, s30;
	v25 =	vld [tilespmem:s15+$0x0];
	v19 =	vadd.f32 v19, v21;
	v21 =	vadd.f32 v28, v23  }
0x24c: {  	s15 =	sadd.s32 s13, s10;
	v18 =	vadd.f32 v18, v20;
	v20 =	vadd.f32 v29, v22;
	v22 =	vld [tilespmem:s14+$0x0]  }
0x24d: {  	s12 =	sadd.s32 s11, s12;
	v23 =	vld [tilespmem:s15+$0x0];
	v17 =	vadd.f32 v17, v19;
	v19 =	vadd.f32 v26, v21  }
0x24e: {  	s14 =	sadd.s32 s13, s29;
	v16 =	vadd.f32 v16, v18;
	v18 =	vadd.f32 v27, v20;
	v20 =	vld [tilespmem:s12+$0x0]  }
0x24f: {  	s10 =	sadd.s32 s11, s10;
	v21 =	vld [tilespmem:s14+$0x0];
	v15 =	vadd.f32 v15, v17;
	v17 =	vadd.f32 v24, v19  }
0x250: {  	s12 =	sadd.s32 s13, s28;
	v14 =	vadd.f32 v14, v16;
	v16 =	vadd.f32 v25, v18;
	v18 =	vld [tilespmem:s10+$0x0]  }
0x251: {  	s10 =	sadd.s32 s11, s29;
	v19 =	vld [tilespmem:s12+$0x0];
	v13 =	vadd.f32 v13, v15;
	v15 =	vadd.f32 v22, v17  }
0x252: {  	s12 =	sadd.s32 s13, s3;
	v12 =	vadd.f32 v12, v14;
	v14 =	vadd.f32 v23, v16;
	v16 =	vld [tilespmem:s10+$0x0]  }
0x253: {  	s10 =	sadd.s32 s11, s28;
	v17 =	vld [tilespmem:s12+$0x0];
	v11 =	vadd.f32 v11, v13;
	v13 =	vadd.f32 v20, v15  }
0x254: {  	s12 =	sadd.s32 s13, s26;
	v10 =	vadd.f32 v10, v12;
	v12 =	vadd.f32 v21, v14;
	v14 =	vld [tilespmem:s10+$0x0]  }
0x255: {  	s3 =	sadd.s32 s11, s3;
	v15 =	vld [tilespmem:s12+$0x0];
	v9 =	vadd.f32 v9, v11;
	v11 =	vadd.f32 v18, v13  }
.Ltmp2:
0x256: {  	s10 =	sadd.s32 s13, s8;
	v13 =	vadd.f32 v8, v10;
	v12 =	vadd.f32 v19, v12;
	v8 =	vld [tilespmem:s3+$0x0];
	(pc) =	sbr.rel @p0 .LBB2_5-.Ltmp2, $4  }
0x257: {  	s3 =	sadd.s32 s11, s26;
	v10 =	vld [tilespmem:s10+$0x0];
	v9 =	vadd.f32 v7, v9;
	v11 =	vadd.f32 v16, v11  }
0x258: {  	s2 =	sadd.s32 $0x40, s2;
	v13 =	vadd.f32 v6, v13;
	v12 =	vadd.f32 v17, v12;
	v6 =	vld [tilespmem:s3+$0x0]  }
0x259: {  	s3 =	sadd.s32 s11, s8;
	v7 =	vld [tilespmem:s2+$0xFFFFFFE0];
	v5 =	vadd.f32 v5, v9;
	v9 =	vadd.f32 v14, v11  }
0x25a: {  	s6 =	sadd.s32 $0x200, s6;
	s7 =	sadd.s32 $0x40, s7;
	v11 =	vadd.f32 v4, v13;
	v12 =	vadd.f32 v15, v12;
	v4 =	vld [tilespmem:s3+$0x0]  }
0x25b: {  	v13 =	vld [tilespmem:s2+$0xFFFFFFF0];
	v1 =	vadd.f32 v1, v5;
	v55 =	vadd.f32 v8, v9  }
0x25c: {  	v56 =	vadd.f32 v11, v2;
	v57 =	vadd.f32 v10, v12  }
0x25d: {  	v0 =	vadd.f32 v0, v1;
	v1 =	vld [tilespmem:s2+$0x0];
	v5 =	vadd.f32 v6, v55  }
0x25e: {  	s0 =	sadd.s32 s0, s5;
	v58 =	vadd.f32 v56, v7;
	v59 =	vadd.f32 v57, v2  }
0x25f: {  	v60 =	vld [tilespmem:s2+$0x10];
	s15 =	sadd.s32 $0xFFFFFFD0, s0;
	v4 =	vadd.f32 v4, v5  }
0x260: {  	p0 =	slt.u32 s15, $0x2710;
	v0 =	vadd.f32 v0, v2;
	v61 =	vmax.f32 v58, $0.0e+00;
	v62 =	vadd.f32 v59, v13  }
0x261: {  	s16 =	sadd.s32 $0xFFFFFFE0, s0;
	v5 =	vpsel !p0, $0x0, v61;
	v2 =	vadd.f32 v4, v2  }
0x262: {  	p4 =	slt.u32 s16, $0x2710;
	v3 =	vadd.f32 v5, v3;
	v63 =	vmax.f32 v62, $0.0e+00;
	v0 =	vadd.f32 v0, v1  }
0x263: {  	s17 =	sadd.s32 $0xFFFFFFF0, s0;
	v1 =	vpsel !p4, $0x0, v63  }
0x264: {  	p5 =	slt.u32 s17, $0x2710;
	v2 =	vadd.f32 v2, v60;
	v3 =	vadd.f32 v1, v3;
	v0 =	vmax.f32 v0, $0.0e+00  }
0x265: {  	s1 =	sadd.s32 $0x40, s1;
	v0 =	vpsel !p5, $0x0, v0  }
0x266: {  	p6 =	slt.u32 s0, $0x2710;
	[tilespmem:s1+$0xFFFFFFE0] =	vst v5;
	v2 =	vmax.f32 v2, $0.0e+00;
	v3 =	vadd.f32 v0, v3  }
0x267: {  	[tilespmem:s1+$0xFFFFFFF0] =	vst v1;
	v1 =	vpsel !p6, $0x0, v2  }
0x268: {  	[tilespmem:s1+$0x0] =	vst v0;
	v0 =	vadd.f32 v1, v3  }
0x269: {  	s3 =	rddreg [dreg:$0x3];
	[tilespmem:s1+$0x10] =	vst v1  }
0x26a: {  	s18 =	simm.s32 $0x13FB0;
	s26 =	simm.s32 $0x2;
	s17 =	sadd.s32 s5, s3;
	[tilespmem:$0x14530] =	vst v0  }
0x26b: {  	[spmem:s17] =	stream.linear.scatter [tilespmem:s18], [sflag:$0x2], $0x280, $0x38;
	[tilespmem:$0x149B0] =	vst v63  }
0x26c: {  	_ =	swait.ge [sflag:s26], $0x280  }
0x26d: {  	s28 =	stileid.u32;
	[sflag:s26] =	ssyncset.done $0x0  }
0x26e: {  	s1 =	sshll.u32 s28, $0x4;
	s29 =	rddreg [dreg:$0x4]  }
0x26f: {  	s30 =	simm.s32 $0x14530;
	[sflag:s26] =	ssyncadd.s32 $0xFFFFFD80;
	s18 =	sadd.s32 s1, s29  }
0x270: {  	[spmem:s18] =	stream.linear.scatter [tilespmem:s30], [sflag:$0x2], $0x10, $0x38;
	[tilespmem:$0x149B0] =	vst v63  }
0x271: {  	_ =	swait.ge [sflag:s26], $0x10  }
0x272: {  	[sflag:s26] =	ssyncset.done $0x0  }
0x273: {  	[sflag:s26] =	ssyncadd.s32 $0xFFFFFFF0  }
0x274: {  	s31 =	simm.s32 $0xC7B0;
	s0 =	simm.s32 $0xF0B0;
	[bflag:$0x0] =	sbarrier.arrive $0xFFFF  }
0x275: {  	v0 =	vimm.f32 $0.0e+00;
	[tilespmem:s31], [sflag:$0x1] =	stream.linear.gather [spmem:s3], $0x2800, $0x38;
	[tilespmem:$0x149B0] =	vst v63  }
0x276: {  	[tilespmem:s0+$0xFFFFFF00] =	vst v0  }
0x277: {  	[tilespmem:s0+$0xF0] =	vst v0  }
0x278: {  	[tilespmem:s0+$0xE0] =	vst v0  }
0x279: {  	[tilespmem:s0+$0xD0] =	vst v0  }
0x27a: {  	[tilespmem:s0+$0xC0] =	vst v0  }
0x27b: {  	[tilespmem:s0+$0xB0] =	vst v0  }
0x27c: {  	[tilespmem:s0+$0xA0] =	vst v0  }
0x27d: {  	[tilespmem:s0+$0x90] =	vst v0  }
0x27e: {  	[tilespmem:s0+$0x80] =	vst v0  }
0x27f: {  	[tilespmem:s0+$0x70] =	vst v0  }
0x280: {  	[tilespmem:s0+$0x60] =	vst v0  }
0x281: {  	[tilespmem:s0+$0x50] =	vst v0  }
0x282: {  	[tilespmem:s0+$0x40] =	vst v0  }
0x283: {  	[tilespmem:s0+$0x30] =	vst v0  }
0x284: {  	[tilespmem:s0+$0x20] =	vst v0  }
0x285: {  	[tilespmem:s0+$0x10] =	vst v0  }
0x286: {  	[tilespmem:s0+$0x0] =	vst v0  }
0x287: {  	[tilespmem:s0+$0xFFFFFFF0] =	vst v0  }
0x288: {  	[tilespmem:s0+$0xFFFFFFE0] =	vst v0  }
0x289: {  	[tilespmem:s0+$0xFFFFFFD0] =	vst v0  }
0x28a: {  	[tilespmem:s0+$0xFFFFFFC0] =	vst v0  }
0x28b: {  	[tilespmem:s0+$0xFFFFFFB0] =	vst v0  }
0x28c: {  	[tilespmem:s0+$0xFFFFFFA0] =	vst v0  }
0x28d: {  	[tilespmem:s0+$0xFFFFFF90] =	vst v0  }
0x28e: {  	[tilespmem:s0+$0xFFFFFF80] =	vst v0  }
0x28f: {  	[tilespmem:s0+$0xFFFFFF70] =	vst v0  }
0x290: {  	[tilespmem:s0+$0xFFFFFF60] =	vst v0  }
0x291: {  	[tilespmem:s0+$0xFFFFFF50] =	vst v0  }
0x292: {  	[tilespmem:s0+$0xFFFFFF40] =	vst v0  }
0x293: {  	[tilespmem:s0+$0xFFFFFF30] =	vst v0  }
0x294: {  	s1 =	simm.s32 $0x0;
	[tilespmem:s0+$0xFFFFFF20] =	vst v0  }
.LBB2_7:
0x295: {  	s1 =	sadd.s32 $0x4, s1;
	[tilespmem:s0+$0xFFFFFF10] =	vst v0;
	s0 =	sadd.s32 $0x200, s0  }
0x296: {  	[tilespmem:s0+$0xFFFFFF00] =	vst v0;
	p0 =	slt.u32 s1, $0x4C  }
0x297: {  	[tilespmem:s0+$0xF0] =	vst v0  }
0x298: {  	[tilespmem:s0+$0xE0] =	vst v0  }
0x299: {  	[tilespmem:s0+$0xD0] =	vst v0  }
0x29a: {  	[tilespmem:s0+$0xC0] =	vst v0  }
0x29b: {  	[tilespmem:s0+$0xB0] =	vst v0  }
0x29c: {  	[tilespmem:s0+$0xA0] =	vst v0  }
0x29d: {  	[tilespmem:s0+$0x90] =	vst v0  }
0x29e: {  	[tilespmem:s0+$0x80] =	vst v0  }
0x29f: {  	[tilespmem:s0+$0x70] =	vst v0  }
0x2a0: {  	[tilespmem:s0+$0x60] =	vst v0  }
0x2a1: {  	[tilespmem:s0+$0x50] =	vst v0  }
0x2a2: {  	[tilespmem:s0+$0x40] =	vst v0  }
0x2a3: {  	[tilespmem:s0+$0x30] =	vst v0  }
0x2a4: {  	[tilespmem:s0+$0x20] =	vst v0  }
0x2a5: {  	[tilespmem:s0+$0x10] =	vst v0  }
0x2a6: {  	[tilespmem:s0+$0x0] =	vst v0  }
0x2a7: {  	[tilespmem:s0+$0xFFFFFFF0] =	vst v0  }
0x2a8: {  	[tilespmem:s0+$0xFFFFFFE0] =	vst v0  }
0x2a9: {  	[tilespmem:s0+$0xFFFFFFD0] =	vst v0  }
0x2aa: {  	[tilespmem:s0+$0xFFFFFFC0] =	vst v0  }
0x2ab: {  	[tilespmem:s0+$0xFFFFFFB0] =	vst v0  }
0x2ac: {  	[tilespmem:s0+$0xFFFFFFA0] =	vst v0  }
0x2ad: {  	[tilespmem:s0+$0xFFFFFF90] =	vst v0  }
0x2ae: {  	[tilespmem:s0+$0xFFFFFF80] =	vst v0  }
0x2af: {  	[tilespmem:s0+$0xFFFFFF70] =	vst v0  }
.Ltmp3:
0x2b0: {  	[tilespmem:s0+$0xFFFFFF60] =	vst v0;
	(pc) =	sbr.rel @p0 .LBB2_7-.Ltmp3, $4  }
0x2b1: {  	[tilespmem:s0+$0xFFFFFF50] =	vst v0  }
0x2b2: {  	[tilespmem:s0+$0xFFFFFF40] =	vst v0  }
0x2b3: {  	[tilespmem:s0+$0xFFFFFF30] =	vst v0  }
0x2b4: {  	[tilespmem:s0+$0xFFFFFF20] =	vst v0  }
0x2b5: {  	[tilespmem:s0+$0xFFFFFF10] =	vst v0;
	s30 =	simm.s32 $0x1  }
0x2b6: {  	_ =	swait.ge [sflag:s30], $0x2800  }
0x2b7: {  	[sflag:s30] =	ssyncset.done $0x0  }
0x2b8: {  	s31 =	simm.s32 $0x0;
	s3 =	simm.s32 $0x2B70;
	[sflag:s30] =	ssyncadd.s32 $0xFFFFD800  }
0x2b9: {  	s2 =	sand.u32 $0x7FF0, s31;
	v55 =	vld [tilespmem:s3+$0xB0]  }
0x2ba: {  	v1 =	vld [tilespmem:s2+$0x2C30]  }
0x2bb: {  	v2 =	vld [tilespmem:s2+$0x2B30]  }
0x2bc: {  	v3 =	vld [tilespmem:s2+$0x2BB0]  }
0x2bd: {  	v4 =	vld [tilespmem:s2+$0x79B0]  }
0x2be: {  	s0 =	simm.s32 $0x79F0;
	v5 =	vld [tilespmem:s2+$0x7A30]  }
0x2bf: {  	v6 =	vld [tilespmem:s0+$0xB0]  }
0x2c0: {  	v7 =	vld [tilespmem:s2+$0x7AB0]  }
0x2c1: {  	v8 =	vld [tilespmem:s3+$0xFFFFFF50]  }
0x2c2: {  	v9 =	vld [tilespmem:s3+$0xFFFFFF60]  }
0x2c3: {  	v56 =	vld [tilespmem:s3+$0xFFFFFF70]  }
0x2c4: {  	v57 =	vld [tilespmem:s3+$0xFFFFFF80]  }
0x2c5: {  	v58 =	vld [tilespmem:s3+$0xFFFFFF90]  }
0x2c6: {  	v59 =	vld [tilespmem:s3+$0xFFFFFFA0]  }
0x2c7: {  	v60 =	vld [tilespmem:s3+$0xFFFFFFB0]  }
0x2c8: {  	v61 =	vld [tilespmem:s3+$0xFFFFFFD0]  }
0x2c9: {  	v62 =	vld [tilespmem:s3+$0xFFFFFFE0]  }
0x2ca: {  	v63 =	vld [tilespmem:s3+$0xFFFFFFF0]  }
0x2cb: {  	v10 =	vld [tilespmem:s3+$0x0]  }
0x2cc: {  	v11 =	vld [tilespmem:s3+$0x10]  }
0x2cd: {  	v12 =	vld [tilespmem:s3+$0x20]  }
0x2ce: {  	v13 =	vld [tilespmem:s3+$0x30]  }
0x2cf: {  	v14 =	vld [tilespmem:s3+$0x50]  }
0x2d0: {  	v15 =	vld [tilespmem:s3+$0x60]  }
0x2d1: {  	v16 =	vld [tilespmem:s3+$0x70]  }
0x2d2: {  	v17 =	vld [tilespmem:s3+$0x80]  }
0x2d3: {  	v18 =	vld [tilespmem:s3+$0x90]  }
0x2d4: {  	v19 =	vld [tilespmem:s3+$0xA0]  }
0x2d5: {  	v20 =	vld [tilespmem:s3+$0xFFFFFF40]  }
0x2d6: {  	v21 =	vld [tilespmem:s0+$0xFFFFFF40]  }
0x2d7: {  	v22 =	vld [tilespmem:s0+$0xFFFFFF50]  }
0x2d8: {  	v23 =	vld [tilespmem:s0+$0xFFFFFF60]  }
0x2d9: {  	v24 =	vld [tilespmem:s0+$0xFFFFFF70]  }
0x2da: {  	v25 =	vld [tilespmem:s0+$0xFFFFFF80]  }
0x2db: {  	v26 =	vld [tilespmem:s0+$0xFFFFFF90]  }
0x2dc: {  	v27 =	vld [tilespmem:s0+$0xFFFFFFA0]  }
0x2dd: {  	v28 =	vld [tilespmem:s0+$0xFFFFFFB0]  }
0x2de: {  	v29 =	vld [tilespmem:s0+$0xFFFFFFD0]  }
0x2df: {  	v30 =	vld [tilespmem:s0+$0xFFFFFFE0]  }
0x2e0: {  	v31 =	vld [tilespmem:s0+$0xFFFFFFF0]  }
0x2e1: {  	v32 =	vld [tilespmem:s0+$0x0]  }
0x2e2: {  	v33 =	vld [tilespmem:s0+$0x10]  }
0x2e3: {  	v34 =	vld [tilespmem:s0+$0x20]  }
0x2e4: {  	v35 =	vld [tilespmem:s0+$0x30]  }
0x2e5: {  	v36 =	vld [tilespmem:s0+$0x50]  }
0x2e6: {  	v37 =	vld [tilespmem:s0+$0x60]  }
0x2e7: {  	v38 =	vld [tilespmem:s0+$0x70]  }
0x2e8: {  	v39 =	vld [tilespmem:s0+$0x80]  }
0x2e9: {  	v40 =	vld [tilespmem:s0+$0x90]  }
0x2ea: {  	s1 =	simm.s32 $0xC7B0;
	v41 =	vld [tilespmem:s0+$0xA0]  }
0x2eb: {  	v0 =	vld.idx.msk [tilespmem:v55+s1+$0x0], $0xffff  }
0x2ec: {  	v1 =	vld.idx.msk [tilespmem:v1+s1+$0x0], $0xffff  }
0x2ed: {  	v2 =	vld.idx.msk [tilespmem:v2+s1+$0x0], $0xffff  }
0x2ee: {  	v3 =	vld.idx.msk [tilespmem:v3+s1+$0x0], $0xffff  }
0x2ef: {  	v8 =	vld.idx.msk [tilespmem:v8+s1+$0x0], $0xffff  }
0x2f0: {  	v9 =	vld.idx.msk [tilespmem:v9+s1+$0x0], $0xffff  }
0x2f1: {  	v20 =	vld.idx.msk [tilespmem:v20+s1+$0x0], $0xffff  }
0x2f2: {  	v10 =	vld.idx.msk [tilespmem:v10+s1+$0x0], $0xffff  }
0x2f3: {  	v11 =	vld.idx.msk [tilespmem:v11+s1+$0x0], $0xffff  }
0x2f4: {  	v12 =	vld.idx.msk [tilespmem:v12+s1+$0x0], $0xffff  }
0x2f5: {  	v13 =	vld.idx.msk [tilespmem:v13+s1+$0x0], $0xffff  }
0x2f6: {  	v14 =	vld.idx.msk [tilespmem:v14+s1+$0x0], $0xffff  }
0x2f7: {  	v15 =	vld.idx.msk [tilespmem:v15+s1+$0x0], $0xffff  }
0x2f8: {  	v16 =	vld.idx.msk [tilespmem:v16+s1+$0x0], $0xffff  }
0x2f9: {  	v17 =	vld.idx.msk [tilespmem:v17+s1+$0x0], $0xffff  }
0x2fa: {  	v18 =	vld.idx.msk [tilespmem:v18+s1+$0x0], $0xffff  }
0x2fb: {  	s2 =	simm.s32 $0xEFB0;
	v19 =	vld.idx.msk [tilespmem:v19+s1+$0x0], $0xffff  }
0x2fc: {  	[tilespmem:v6+s2+$0x0] =	vst.idx.add.f32.msk $0xffff, v0  }
0x2fd: {  	[tilespmem:v7+s2+$0x0] =	vst.idx.add.f32.msk $0xffff, v1  }
0x2fe: {  	[tilespmem:v4+s2+$0x0] =	vst.idx.add.f32.msk $0xffff, v2  }
0x2ff: {  	[tilespmem:v5+s2+$0x0] =	vst.idx.add.f32.msk $0xffff, v3  }
0x300: {  	v0 =	vld.idx.msk [tilespmem:v56+s1+$0x0], $0xffff  }
0x301: {  	v1 =	vld.idx.msk [tilespmem:v57+s1+$0x0], $0xffff  }
0x302: {  	v2 =	vld.idx.msk [tilespmem:v58+s1+$0x0], $0xffff  }
0x303: {  	v3 =	vld.idx.msk [tilespmem:v59+s1+$0x0], $0xffff  }
0x304: {  	v4 =	vld.idx.msk [tilespmem:v60+s1+$0x0], $0xffff  }
0x305: {  	v5 =	vld.idx.msk [tilespmem:v61+s1+$0x0], $0xffff  }
0x306: {  	v6 =	vld.idx.msk [tilespmem:v62+s1+$0x0], $0xffff  }
0x307: {  	v7 =	vld.idx.msk [tilespmem:v63+s1+$0x0], $0xffff  }
0x308: {  	[tilespmem:v21+s2+$0x0] =	vst.idx.add.f32.msk $0xffff, v20  }
0x309: {  	[tilespmem:v22+s2+$0x0] =	vst.idx.add.f32.msk $0xffff, v8  }
0x30a: {  	[tilespmem:v23+s2+$0x0] =	vst.idx.add.f32.msk $0xffff, v9  }
0x30b: {  	[tilespmem:v32+s2+$0x0] =	vst.idx.add.f32.msk $0xffff, v10  }
0x30c: {  	[tilespmem:v33+s2+$0x0] =	vst.idx.add.f32.msk $0xffff, v11  }
0x30d: {  	[tilespmem:v34+s2+$0x0] =	vst.idx.add.f32.msk $0xffff, v12  }
0x30e: {  	[tilespmem:v35+s2+$0x0] =	vst.idx.add.f32.msk $0xffff, v13  }
0x30f: {  	[tilespmem:v36+s2+$0x0] =	vst.idx.add.f32.msk $0xffff, v14  }
0x310: {  	[tilespmem:v37+s2+$0x0] =	vst.idx.add.f32.msk $0xffff, v15  }
0x311: {  	[tilespmem:v38+s2+$0x0] =	vst.idx.add.f32.msk $0xffff, v16  }
0x312: {  	[tilespmem:v39+s2+$0x0] =	vst.idx.add.f32.msk $0xffff, v17  }
0x313: {  	[tilespmem:v40+s2+$0x0] =	vst.idx.add.f32.msk $0xffff, v18  }
0x314: {  	[tilespmem:v41+s2+$0x0] =	vst.idx.add.f32.msk $0xffff, v19  }
0x315: {  	[tilespmem:v24+s2+$0x0] =	vst.idx.add.f32.msk $0xffff, v0  }
0x316: {  	[tilespmem:v25+s2+$0x0] =	vst.idx.add.f32.msk $0xffff, v1  }
0x317: {  	[tilespmem:v26+s2+$0x0] =	vst.idx.add.f32.msk $0xffff, v2  }
0x318: {  	[tilespmem:v27+s2+$0x0] =	vst.idx.add.f32.msk $0xffff, v3  }
0x319: {  	[tilespmem:v28+s2+$0x0] =	vst.idx.add.f32.msk $0xffff, v4  }
0x31a: {  	[tilespmem:v29+s2+$0x0] =	vst.idx.add.f32.msk $0xffff, v5  }
0x31b: {  	[tilespmem:v30+s2+$0x0] =	vst.idx.add.f32.msk $0xffff, v6  }
0x31c: {  	s4 =	simm.s32 $0x190;
	s6 =	simm.s32 $0x2D00;
	s3 =	simm.s32 $0x0;
	[tilespmem:v31+s2+$0x0] =	vst.idx.add.f32.msk $0xffff, v7  }
.LBB2_9:
0x31d: {  	s7 =	sand.u32 $0x7FF0, s4;
	v0 =	vld [tilespmem:s6+$0xB0];
	s3 =	sadd.s32 $0x19, s3  }
0x31e: {  	v1 =	vld [tilespmem:s7+$0x2C30];
	p0 =	slt.u32 s3, $0x4C9  }
0x31f: {  	v2 =	vld [tilespmem:s7+$0x2B30]  }
0x320: {  	v3 =	vld [tilespmem:s7+$0x2BB0]  }
0x321: {  	v4 =	vld [tilespmem:s7+$0x79B0]  }
0x322: {  	s0 =	sadd.s32 $0x190, s0;
	v5 =	vld [tilespmem:s7+$0x7A30]  }
0x323: {  	v6 =	vld [tilespmem:s0+$0xB0]  }
0x324: {  	v7 =	vld [tilespmem:s7+$0x7AB0]  }
0x325: {  	v0 =	vld.idx.msk [tilespmem:v0+s1+$0x0], $0xffff  }
0x326: {  	v1 =	vld.idx.msk [tilespmem:v1+s1+$0x0], $0xffff  }
0x327: {  	v2 =	vld.idx.msk [tilespmem:v2+s1+$0x0], $0xffff  }
0x328: {  	v3 =	vld.idx.msk [tilespmem:v3+s1+$0x0], $0xffff  }
0x329: {  	v8 =	vld [tilespmem:s6+$0xFFFFFF50]  }
0x32a: {  	v9 =	vld [tilespmem:s6+$0xFFFFFF60]  }
0x32b: {  	[tilespmem:v6+s2+$0x0] =	vst.idx.add.f32.msk $0xffff, v0  }
0x32c: {  	[tilespmem:v7+s2+$0x0] =	vst.idx.add.f32.msk $0xffff, v1  }
0x32d: {  	[tilespmem:v4+s2+$0x0] =	vst.idx.add.f32.msk $0xffff, v2  }
0x32e: {  	[tilespmem:v5+s2+$0x0] =	vst.idx.add.f32.msk $0xffff, v3  }
0x32f: {  	v0 =	vld [tilespmem:s6+$0xFFFFFF70]  }
0x330: {  	v1 =	vld [tilespmem:s6+$0xFFFFFF80]  }
0x331: {  	v2 =	vld [tilespmem:s6+$0xFFFFFF90]  }
0x332: {  	v3 =	vld [tilespmem:s6+$0xFFFFFFA0]  }
0x333: {  	v4 =	vld [tilespmem:s6+$0xFFFFFFB0]  }
0x334: {  	v5 =	vld [tilespmem:s6+$0xFFFFFFD0]  }
0x335: {  	v6 =	vld [tilespmem:s6+$0xFFFFFFE0]  }
0x336: {  	v7 =	vld [tilespmem:s6+$0xFFFFFFF0]  }
0x337: {  	v10 =	vld [tilespmem:s6+$0x0]  }
0x338: {  	v11 =	vld [tilespmem:s6+$0x10]  }
0x339: {  	v12 =	vld [tilespmem:s6+$0x20]  }
0x33a: {  	v13 =	vld [tilespmem:s6+$0x30]  }
0x33b: {  	v14 =	vld [tilespmem:s6+$0x50]  }
0x33c: {  	v15 =	vld [tilespmem:s6+$0x60]  }
0x33d: {  	v16 =	vld [tilespmem:s6+$0x70]  }
0x33e: {  	v17 =	vld [tilespmem:s6+$0x80]  }
0x33f: {  	v18 =	vld [tilespmem:s6+$0x90]  }
0x340: {  	v19 =	vld [tilespmem:s6+$0xA0]  }
0x341: {  	v20 =	vld [tilespmem:s6+$0xFFFFFF40]  }
0x342: {  	v8 =	vld.idx.msk [tilespmem:v8+s1+$0x0], $0xffff  }
0x343: {  	v9 =	vld.idx.msk [tilespmem:v9+s1+$0x0], $0xffff  }
0x344: {  	v0 =	vld.idx.msk [tilespmem:v0+s1+$0x0], $0xffff  }
0x345: {  	v1 =	vld.idx.msk [tilespmem:v1+s1+$0x0], $0xffff  }
0x346: {  	v2 =	vld.idx.msk [tilespmem:v2+s1+$0x0], $0xffff  }
0x347: {  	v3 =	vld.idx.msk [tilespmem:v3+s1+$0x0], $0xffff  }
0x348: {  	v4 =	vld.idx.msk [tilespmem:v4+s1+$0x0], $0xffff  }
0x349: {  	v20 =	vld.idx.msk [tilespmem:v20+s1+$0x0], $0xffff  }
0x34a: {  	v5 =	vld.idx.msk [tilespmem:v5+s1+$0x0], $0xffff  }
0x34b: {  	v6 =	vld.idx.msk [tilespmem:v6+s1+$0x0], $0xffff  }
0x34c: {  	v7 =	vld.idx.msk [tilespmem:v7+s1+$0x0], $0xffff  }
0x34d: {  	v10 =	vld.idx.msk [tilespmem:v10+s1+$0x0], $0xffff  }
0x34e: {  	v11 =	vld.idx.msk [tilespmem:v11+s1+$0x0], $0xffff  }
0x34f: {  	v12 =	vld.idx.msk [tilespmem:v12+s1+$0x0], $0xffff  }
0x350: {  	v13 =	vld.idx.msk [tilespmem:v13+s1+$0x0], $0xffff  }
0x351: {  	v14 =	vld.idx.msk [tilespmem:v14+s1+$0x0], $0xffff  }
0x352: {  	v15 =	vld.idx.msk [tilespmem:v15+s1+$0x0], $0xffff  }
0x353: {  	v16 =	vld.idx.msk [tilespmem:v16+s1+$0x0], $0xffff  }
0x354: {  	v17 =	vld.idx.msk [tilespmem:v17+s1+$0x0], $0xffff  }
0x355: {  	v18 =	vld.idx.msk [tilespmem:v18+s1+$0x0], $0xffff  }
0x356: {  	v19 =	vld.idx.msk [tilespmem:v19+s1+$0x0], $0xffff  }
0x357: {  	v21 =	vld [tilespmem:s0+$0xFFFFFF40]  }
0x358: {  	v22 =	vld [tilespmem:s0+$0xFFFFFF50]  }
0x359: {  	v23 =	vld [tilespmem:s0+$0xFFFFFF60]  }
0x35a: {  	v24 =	vld [tilespmem:s0+$0xFFFFFF70]  }
0x35b: {  	v25 =	vld [tilespmem:s0+$0xFFFFFF80]  }
0x35c: {  	v26 =	vld [tilespmem:s0+$0xFFFFFF90]  }
0x35d: {  	v27 =	vld [tilespmem:s0+$0xFFFFFFA0]  }
0x35e: {  	v28 =	vld [tilespmem:s0+$0xFFFFFFB0]  }
0x35f: {  	v29 =	vld [tilespmem:s0+$0xFFFFFFD0]  }
0x360: {  	v30 =	vld [tilespmem:s0+$0xFFFFFFE0]  }
0x361: {  	v31 =	vld [tilespmem:s0+$0xFFFFFFF0]  }
0x362: {  	v32 =	vld [tilespmem:s0+$0x0]  }
0x363: {  	v33 =	vld [tilespmem:s0+$0x10]  }
0x364: {  	v34 =	vld [tilespmem:s0+$0x20]  }
0x365: {  	v35 =	vld [tilespmem:s0+$0x30]  }
0x366: {  	v36 =	vld [tilespmem:s0+$0x50]  }
0x367: {  	v37 =	vld [tilespmem:s0+$0x60]  }
0x368: {  	v38 =	vld [tilespmem:s0+$0x70]  }
0x369: {  	v39 =	vld [tilespmem:s0+$0x80]  }
0x36a: {  	v40 =	vld [tilespmem:s0+$0x90]  }
0x36b: {  	v41 =	vld [tilespmem:s0+$0xA0]  }
0x36c: {  	[tilespmem:v21+s2+$0x0] =	vst.idx.add.f32.msk $0xffff, v20  }
0x36d: {  	[tilespmem:v22+s2+$0x0] =	vst.idx.add.f32.msk $0xffff, v8  }
0x36e: {  	[tilespmem:v23+s2+$0x0] =	vst.idx.add.f32.msk $0xffff, v9  }
0x36f: {  	[tilespmem:v24+s2+$0x0] =	vst.idx.add.f32.msk $0xffff, v0  }
0x370: {  	[tilespmem:v25+s2+$0x0] =	vst.idx.add.f32.msk $0xffff, v1  }
0x371: {  	[tilespmem:v26+s2+$0x0] =	vst.idx.add.f32.msk $0xffff, v2  }
0x372: {  	[tilespmem:v27+s2+$0x0] =	vst.idx.add.f32.msk $0xffff, v3  }
0x373: {  	[tilespmem:v28+s2+$0x0] =	vst.idx.add.f32.msk $0xffff, v4  }
0x374: {  	[tilespmem:v29+s2+$0x0] =	vst.idx.add.f32.msk $0xffff, v5  }
0x375: {  	[tilespmem:v30+s2+$0x0] =	vst.idx.add.f32.msk $0xffff, v6  }
0x376: {  	[tilespmem:v31+s2+$0x0] =	vst.idx.add.f32.msk $0xffff, v7  }
0x377: {  	[tilespmem:v32+s2+$0x0] =	vst.idx.add.f32.msk $0xffff, v10  }
0x378: {  	[tilespmem:v33+s2+$0x0] =	vst.idx.add.f32.msk $0xffff, v11  }
0x379: {  	[tilespmem:v34+s2+$0x0] =	vst.idx.add.f32.msk $0xffff, v12  }
0x37a: {  	[tilespmem:v35+s2+$0x0] =	vst.idx.add.f32.msk $0xffff, v13  }
0x37b: {  	[tilespmem:v36+s2+$0x0] =	vst.idx.add.f32.msk $0xffff, v14  }
.Ltmp4:
0x37c: {  	[tilespmem:v37+s2+$0x0] =	vst.idx.add.f32.msk $0xffff, v15;
	(pc) =	sbr.rel @p0 .LBB2_9-.Ltmp4, $4  }
0x37d: {  	[tilespmem:v38+s2+$0x0] =	vst.idx.add.f32.msk $0xffff, v16  }
0x37e: {  	[tilespmem:v39+s2+$0x0] =	vst.idx.add.f32.msk $0xffff, v17  }
0x37f: {  	[tilespmem:v40+s2+$0x0] =	vst.idx.add.f32.msk $0xffff, v18  }
0x380: {  	s4 =	sadd.s32 $0x190, s4;
	s6 =	sadd.s32 $0x190, s6;
	[tilespmem:v41+s2+$0x0] =	vst.idx.add.f32.msk $0xffff, v19  }
0x381: {  	s0 =	simm.s32 $0x80;
	s1 =	simm.s32 $0x400;
	s2 =	simm.s32 $0xEFB0  }
0x382: {  	[spmem:s9] =	stream.strided.scatter [tilespmem:s2], [sflag:$0x1], $0x280, s1, s0, $0x38;
	[tilespmem:$0x149B0] =	vst v63  }
0x383: {  	s6 =	simm.s32 $0xF230;
	s3 =	rddreg [dreg:$0x7]  }
0x384: {  	[spmem:s3] =	stream.strided.scatter [tilespmem:s6], [sflag:$0x1], $0x280, s1, s0, $0x38;
	[tilespmem:$0x149B0] =	vst v63  }
0x385: {  	s7 =	simm.s32 $0xF4B0;
	s8 =	rddreg [dreg:$0x8]  }
0x386: {  	[spmem:s8] =	stream.strided.scatter [tilespmem:s7], [sflag:$0x1], $0x280, s1, s0, $0x38;
	[tilespmem:$0x149B0] =	vst v63  }
0x387: {  	s10 =	simm.s32 $0xF730;
	s11 =	rddreg [dreg:$0x9]  }
0x388: {  	[spmem:s11] =	stream.strided.scatter [tilespmem:s10], [sflag:$0x1], $0x280, s1, s0, $0x38;
	[tilespmem:$0x149B0] =	vst v63  }
0x389: {  	s12 =	simm.s32 $0xF9B0;
	s13 =	rddreg [dreg:$0xa]  }
0x38a: {  	[spmem:s13] =	stream.strided.scatter [tilespmem:s12], [sflag:$0x1], $0x280, s1, s0, $0x38;
	[tilespmem:$0x149B0] =	vst v63  }
0x38b: {  	s14 =	simm.s32 $0xFC30;
	s15 =	rddreg [dreg:$0xb]  }
0x38c: {  	[spmem:s15] =	stream.strided.scatter [tilespmem:s14], [sflag:$0x1], $0x280, s1, s0, $0x38;
	[tilespmem:$0x149B0] =	vst v63  }
0x38d: {  	s16 =	simm.s32 $0xFEB0;
	s26 =	rddreg [dreg:$0xc]  }
0x38e: {  	[spmem:s26] =	stream.strided.scatter [tilespmem:s16], [sflag:$0x1], $0x280, s1, s0, $0x38;
	[tilespmem:$0x149B0] =	vst v63  }
0x38f: {  	s4 =	simm.s32 $0x10130;
	s6 =	rddreg [dreg:$0xd]  }
0x390: {  	[spmem:s6] =	stream.strided.scatter [tilespmem:s4], [sflag:$0x1], $0x280, s1, s0, $0x38;
	[tilespmem:$0x149B0] =	vst v63  }
0x391: {  	s7 =	simm.s32 $0x103B0;
	s8 =	rddreg [dreg:$0xe]  }
0x392: {  	[spmem:s8] =	stream.strided.scatter [tilespmem:s7], [sflag:$0x1], $0x280, s1, s0, $0x38;
	[tilespmem:$0x149B0] =	vst v63  }
0x393: {  	s10 =	simm.s32 $0x10630;
	s11 =	rddreg [dreg:$0xf]  }
0x394: {  	[spmem:s11] =	stream.strided.scatter [tilespmem:s10], [sflag:$0x1], $0x280, s1, s0, $0x38;
	[tilespmem:$0x149B0] =	vst v63  }
0x395: {  	s12 =	simm.s32 $0x108B0  }
0x396: {  	[spmem:s19] =	stream.strided.scatter [tilespmem:s12], [sflag:$0x1], $0x280, s1, s0, $0x38;
	[tilespmem:$0x149B0] =	vst v63  }
0x397: {  	s13 =	simm.s32 $0x10B30  }
0x398: {  	[spmem:s20] =	stream.strided.scatter [tilespmem:s13], [sflag:$0x1], $0x280, s1, s0, $0x38;
	[tilespmem:$0x149B0] =	vst v63  }
0x399: {  	s14 =	simm.s32 $0x10DB0  }
0x39a: {  	[spmem:s21] =	stream.strided.scatter [tilespmem:s14], [sflag:$0x1], $0x280, s1, s0, $0x38;
	[tilespmem:$0x149B0] =	vst v63  }
0x39b: {  	s15 =	simm.s32 $0x11030  }
0x39c: {  	[spmem:s22] =	stream.strided.scatter [tilespmem:s15], [sflag:$0x1], $0x280, s1, s0, $0x38;
	[tilespmem:$0x149B0] =	vst v63  }
0x39d: {  	s16 =	simm.s32 $0x112B0  }
0x39e: {  	[spmem:s23] =	stream.strided.scatter [tilespmem:s16], [sflag:$0x1], $0x280, s1, s0, $0x38;
	[tilespmem:$0x149B0] =	vst v63  }
0x39f: {  	s2 =	simm.s32 $0x1;
	s26 =	simm.s32 $0x11530  }
0x3a0: {  	[spmem:s24] =	stream.strided.scatter [tilespmem:s26], [sflag:$0x1], $0x280, s1, s0, $0x38;
	[tilespmem:$0x149B0] =	vst v63  }
0x3a1: {  	_ =	swait.ge [sflag:s2], $0x280  }
0x3a2: {  	[sflag:s2] =	ssyncset.done $0x0  }
0x3a3: {  	[sflag:s2] =	ssyncadd.s32 $0xFFFFFD80  }
0x3a4: {  	_ =	swait.ge [sflag:s2], $0x280  }
0x3a5: {  	[sflag:s2] =	ssyncset.done $0x0  }
0x3a6: {  	[sflag:s2] =	ssyncadd.s32 $0xFFFFFD80  }
0x3a7: {  	_ =	swait.ge [sflag:s2], $0x280  }
0x3a8: {  	[sflag:s2] =	ssyncset.done $0x0  }
0x3a9: {  	[sflag:s2] =	ssyncadd.s32 $0xFFFFFD80  }
0x3aa: {  	_ =	swait.ge [sflag:s2], $0x280  }
0x3ab: {  	[sflag:s2] =	ssyncset.done $0x0  }
0x3ac: {  	[sflag:s2] =	ssyncadd.s32 $0xFFFFFD80  }
0x3ad: {  	_ =	swait.ge [sflag:s2], $0x280  }
0x3ae: {  	[sflag:s2] =	ssyncset.done $0x0  }
0x3af: {  	[sflag:s2] =	ssyncadd.s32 $0xFFFFFD80  }
0x3b0: {  	_ =	swait.ge [sflag:s2], $0x280  }
0x3b1: {  	[sflag:s2] =	ssyncset.done $0x0  }
0x3b2: {  	[sflag:s2] =	ssyncadd.s32 $0xFFFFFD80  }
0x3b3: {  	_ =	swait.ge [sflag:s2], $0x280  }
0x3b4: {  	[sflag:s2] =	ssyncset.done $0x0  }
0x3b5: {  	[sflag:s2] =	ssyncadd.s32 $0xFFFFFD80  }
0x3b6: {  	_ =	swait.ge [sflag:s2], $0x280  }
0x3b7: {  	[sflag:s2] =	ssyncset.done $0x0  }
0x3b8: {  	[sflag:s2] =	ssyncadd.s32 $0xFFFFFD80  }
0x3b9: {  	_ =	swait.ge [sflag:s2], $0x280  }
0x3ba: {  	[sflag:s2] =	ssyncset.done $0x0  }
0x3bb: {  	[sflag:s2] =	ssyncadd.s32 $0xFFFFFD80  }
0x3bc: {  	_ =	swait.ge [sflag:s2], $0x280  }
0x3bd: {  	[sflag:s2] =	ssyncset.done $0x0  }
0x3be: {  	[sflag:s2] =	ssyncadd.s32 $0xFFFFFD80  }
0x3bf: {  	_ =	swait.ge [sflag:s2], $0x280  }
0x3c0: {  	[sflag:s2] =	ssyncset.done $0x0  }
0x3c1: {  	[sflag:s2] =	ssyncadd.s32 $0xFFFFFD80  }
0x3c2: {  	_ =	swait.ge [sflag:s2], $0x280  }
0x3c3: {  	[sflag:s2] =	ssyncset.done $0x0  }
0x3c4: {  	[sflag:s2] =	ssyncadd.s32 $0xFFFFFD80  }
0x3c5: {  	_ =	swait.ge [sflag:s2], $0x280  }
0x3c6: {  	[sflag:s2] =	ssyncset.done $0x0  }
0x3c7: {  	[sflag:s2] =	ssyncadd.s32 $0xFFFFFD80  }
0x3c8: {  	_ =	swait.ge [sflag:s2], $0x280  }
0x3c9: {  	[sflag:s2] =	ssyncset.done $0x0  }
0x3ca: {  	[sflag:s2] =	ssyncadd.s32 $0xFFFFFD80  }
0x3cb: {  	_ =	swait.ge [sflag:s2], $0x280  }
0x3cc: {  	[sflag:s2] =	ssyncset.done $0x0  }
0x3cd: {  	[sflag:s2] =	ssyncadd.s32 $0xFFFFFD80  }
0x3ce: {  	_ =	swait.ge [sflag:s2], $0x280  }
0x3cf: {  	[sflag:s2] =	ssyncset.done $0x0  }
0x3d0: {  	s3 =	simm.s32 $0x117B0;
	[sflag:s2] =	ssyncadd.s32 $0xFFFFFD80  }
0x3d1: {  	s4 =	simm.s32 $0x2;
	s6 =	simm.s32 $0x0;
	[bflag:$0x0] =	sbarrier.arrive $0xFFFF  }
0x3d2: {  	[tilespmem:s3], [sflag:$0x2] =	stream.linear.gather [spmem:s25], $0x2800, $0x38;
	[tilespmem:$0x149B0] =	vst v63  }
0x3d3: {  	s7 =	simm.s32 $0x30;
	s12 =	sand.u32 $0x1C00, s6;
	_ =	swait.ge [sflag:s4], $0x2800  }
0x3d4: {  	s0 =	sand.u32 $0x70, s7;
	s2 =	sadd.s32 $0x12F30, s12;
	[sflag:s4] =	ssyncset.done $0x0  }
0x3d5: {  	s8 =	sadd.s32 s0, s2;
	[sflag:s4] =	ssyncadd.s32 $0xFFFFD800  }
0x3d6: {  	v0 =	vld [tilespmem:s8+$0x0];
	_ =	sdelay $0x2  }
0x3d7: {  	s1 =	sadd.s32 $0x0, s5  }
0x3d8: {  	s13 =	sand.u32 $0x40, s6;
	s4 =	sand.u32 $0x7F80, s1  }
0x3d9: {  	s10 =	sor.u32 s13, s4;
	[tilespmem:$0x1FFA0] =	vst v0  }
0x3da: {  	v0 =	vld [tilespmem:s10+$0xC7B0];
	_ =	sdelay $0x2  }
0x3db: {  	s6 =	simm.s32 $0x10  }
0x3dc: {  	s4 =	sand.u32 $0x50, s6  }
0x3dd: {  	s11 =	sadd.s32 s4, s2;
	[tilespmem:$0x1FF90] =	vst v0  }
0x3de: {  	v0 =	vld [tilespmem:s11+$0x0];
	_ =	sdelay $0x4  }
0x3df: {  	s8 =	sor.u32 s13, s2;
	[tilespmem:$0x1FF80] =	vst v0  }
0x3e0: {  	v0 =	vld [tilespmem:s8+$0x0];
	_ =	sdelay $0x2  }
0x3e1: {  	s14 =	simm.s32 $0x20  }
0x3e2: {  	s7 =	sadd.s32 $0x12E30, s12;
	s3 =	sand.u32 $0x60, s14  }
0x3e3: {  	v6 =	vld [tilespmem:$0x144B0];
	s6 =	sadd.s32 $0x12EB0, s12;
	s10 =	sadd.s32 s3, s7;
	[tilespmem:$0x1FF70] =	vst v0  }
0x3e4: {  	s11 =	sor.u32 s13, s6;
	s8 =	sadd.s32 $0x12DB0, s12;
	v13 =	vld [tilespmem:s10+$0x0]  }
0x3e5: {  	s15 =	sadd.s32 s3, s8;
	v14 =	vld [tilespmem:s11+$0x0]  }
0x3e6: {  	s14 =	sor.u32 s13, s7;
	v15 =	vld [tilespmem:s15+$0x0]  }
0x3e7: {  	s2 =	sadd.s32 s3, s2;
	v16 =	vld [tilespmem:s14+$0x0]  }
0x3e8: {  	s10 =	sadd.s32 $0x12D30, s12;
	s15 =	sor.u32 s13, s8;
	v44 =	vld [tilespmem:s2+$0x0]  }
0x3e9: {  	s11 =	sadd.s32 $0x12CB0, s12;
	s16 =	sadd.s32 s3, s10;
	v19 =	vld [tilespmem:s15+$0x0]  }
0x3ea: {  	s26 =	sadd.s32 s3, s11;
	v18 =	vld [tilespmem:s16+$0x0]  }
0x3eb: {  	s15 =	sadd.s32 $0x12C30, s12;
	s16 =	sor.u32 s13, s10;
	v21 =	vld [tilespmem:s26+$0x0]  }
0x3ec: {  	s14 =	sadd.s32 s3, s15;
	v22 =	vld [tilespmem:s16+$0x0]  }
0x3ed: {  	s26 =	sor.u32 s13, s11;
	v24 =	vld [tilespmem:s14+$0x0]  }
0x3ee: {  	s16 =	sadd.s32 $0x12BB0, s12;
	v26 =	vld [tilespmem:s26+$0x0];
	s26 =	sor.u32 s13, s15  }
0x3ef: {  	s14 =	sadd.s32 s3, s16;
	v29 =	vld [tilespmem:s26+$0x0]  }
0x3f0: {  	s12 =	sadd.s32 $0x117B0, s12;
	s26 =	sor.u32 s13, s16;
	v28 =	vld [tilespmem:s14+$0x0]  }
0x3f1: {  	s13 =	sor.u32 s13, s12;
	v27 =	vld [tilespmem:s26+$0x0]  }
0x3f2: {  	v23 =	vld [tilespmem:s13+$0x380]  }
0x3f3: {  	v17 =	vld [tilespmem:s13+$0x300]  }
0x3f4: {  	v9 =	vld [tilespmem:s13+$0x280]  }
0x3f5: {  	v7 =	vld [tilespmem:s13+$0x200]  }
0x3f6: {  	v3 =	vld [tilespmem:s13+$0x180]  }
0x3f7: {  	v2 =	vld [tilespmem:s13+$0x100]  }
0x3f8: {  	v0 =	vld [tilespmem:s13+$0x0]  }
0x3f9: {  	s14 =	sadd.s32 s3, s12;
	v42 =	vld [tilespmem:s13+$0x80]  }
0x3fa: {  	v30 =	vld [tilespmem:s14+$0x380]  }
0x3fb: {  	v25 =	vld [tilespmem:s14+$0x300]  }
0x3fc: {  	v20 =	vld [tilespmem:s14+$0x280]  }
0x3fd: {  	v10 =	vld [tilespmem:s14+$0x200]  }
0x3fe: {  	v8 =	vld [tilespmem:s14+$0x180]  }
0x3ff: {  	s26 =	sadd.s32 s0, s12;
	v4 =	vld [tilespmem:s14+$0x100]  }
0x400: {  	v48 =	vld [tilespmem:s26+$0x0]  }
0x401: {  	s12 =	sadd.s32 s4, s12;
	v43 =	vld [tilespmem:s14+$0x0]  }
0x402: {  	v49 =	vld [tilespmem:s12+$0x0]  }
0x403: {  	v50 =	vld [tilespmem:s12+$0x80]  }
0x404: {  	v51 =	vld [tilespmem:s14+$0x80]  }
0x405: {  	v52 =	vld [tilespmem:s12+$0x100]  }
0x406: {  	v53 =	vld [tilespmem:s26+$0x80]  }
0x407: {  	v54 =	vld [tilespmem:s12+$0x180]  }
0x408: {  	v55 =	vld [tilespmem:s26+$0x100]  }
0x409: {  	v56 =	vld [tilespmem:s12+$0x200]  }
0x40a: {  	v57 =	vld [tilespmem:s26+$0x180]  }
0x40b: {  	v58 =	vld [tilespmem:s12+$0x280]  }
0x40c: {  	v59 =	vld [tilespmem:s26+$0x200]  }
0x40d: {  	v60 =	vld [tilespmem:s12+$0x300]  }
0x40e: {  	v61 =	vld [tilespmem:s26+$0x280]  }
0x40f: {  	v62 =	vld [tilespmem:s12+$0x380]  }
0x410: {  	s13 =	sadd.s32 s4, s16;
	v63 =	vld [tilespmem:s26+$0x300]  }
0x411: {  	v5 =	vld [tilespmem:s13+$0x0]  }
0x412: {  	s14 =	sadd.s32 s4, s15;
	v11 =	vld [tilespmem:s26+$0x380]  }
0x413: {  	s13 =	sadd.s32 s0, s16;
	v12 =	vld [tilespmem:s14+$0x0]  }
0x414: {  	s15 =	sadd.s32 s0, s15;
	v47 =	vld [tilespmem:s13+$0x0]  }
0x415: {  	s16 =	sadd.s32 s4, s10;
	v45 =	vld [tilespmem:s15+$0x0]  }
0x416: {  	s26 =	sadd.s32 s4, s8;
	v40 =	vld [tilespmem:s16+$0x0]  }
0x417: {  	s10 =	sadd.s32 s0, s10;
	v36 =	vld [tilespmem:s26+$0x0]  }
0x418: {  	s8 =	sadd.s32 s0, s8;
	v37 =	vld [tilespmem:s10+$0x0]  }
0x419: {  	s14 =	sadd.s32 s4, s11;
	v34 =	vld [tilespmem:s8+$0x0]  }
0x41a: {  	s11 =	sadd.s32 s0, s11;
	v46 =	vld [tilespmem:s14+$0x0]  }
0x41b: {  	s13 =	sadd.s32 s4, s7;
	v41 =	vld [tilespmem:s11+$0x0]  }
0x41c: {  	s7 =	sadd.s32 s0, s7;
	s15 =	simm.s32 $0x200;
	s10 =	simm.s32 $0x40;
	v33 =	vld [tilespmem:s13+$0x0]  }
0x41d: {  	s26 =	sadd.s32 $0x40, s5;
	s16 =	simm.s32 $0x70;
	s14 =	sadd.s32 s4, s6;
	v35 =	vld [tilespmem:s7+$0x0]  }
0x41e: {  	s8 =	sadd.s32 $0x10, s1;
	s13 =	sand.u32 $0x1C00, s15;
	v31 =	vld [tilespmem:s14+$0x0];
	s14 =	sadd.s32 s3, s6  }
0x41f: {  	s15 =	sand.u32 $0x7F80, s8;
	s7 =	sadd.s32 $0x20, s1;
	s6 =	sadd.s32 s0, s6;
	v39 =	vld [tilespmem:s14+$0x0]  }
0x420: {  	s28 =	sand.u32 $0x70, s16;
	s29 =	sadd.s32 $0x12F30, s13;
	s4 =	sor.u32 s4, s15;
	v38 =	vld [tilespmem:s6+$0x0]  }
0x421: {  	s14 =	sand.u32 $0x40, s10;
	s16 =	sadd.s32 s28, s29;
	s10 =	sand.u32 $0x7F80, s7;
	v32 =	vld [tilespmem:s4+$0xC7B0]  }
0x422: {  	s11 =	sand.u32 $0x7F80, s26;
	v1 =	vadd.f32 v42, v0;
	s3 =	sor.u32 s3, s10;
	s10 =	sadd.s32 $0x30, s1;
	v0 =	vld [tilespmem:s16+$0x0]  }
0x423: {  	s15 =	simm.s32 $0x50;
	s12 =	sor.u32 s14, s11;
	s16 =	sand.u32 $0x7F80, s10;
	v42 =	vld [tilespmem:s3+$0xC7B0]  }
0x424: {  	s30 =	sand.u32 $0x50, s15;
	v2 =	vadd.f32 v2, v1;
	v1 =	vld [tilespmem:s12+$0xC7B0];
	s0 =	sor.u32 s0, s16  }
0x425: {  	v49 =	vadd.f32 v50, v49;
	v50 =	vadd.f32 v51, v43;
	s11 =	sadd.s32 s30, s29;
	s12 =	simm.s32 $0x60;
	v43 =	vld [tilespmem:s0+$0xC7B0]  }
0x426: {  	s15 =	sor.u32 s14, s29;
	v48 =	vadd.f32 v53, v48;
	s3 =	sadd.s32 $0x12E30, s13;
	s31 =	sand.u32 $0x60, s12;
	v51 =	vadd.f32 v3, v2;
	v2 =	vld [tilespmem:s11+$0x0]  }
0x427: {  	v4 =	vadd.f32 v4, v50;
	s0 =	sadd.s32 $0x12EB0, s13;
	s4 =	sadd.s32 s31, s3;
	v3 =	vld [tilespmem:s15+$0x0]  }
0x428: {  	v48 =	vadd.f32 v55, v48;
	s16 =	sor.u32 s14, s0;
	v53 =	vadd.f32 v7, v51;
	v7 =	vld [tilespmem:s4+$0x0]  }
0x429: {  	v49 =	vadd.f32 v52, v49;
	v4 =	vadd.f32 v8, v4;
	v8 =	vld [tilespmem:s16+$0x0]  }
0x42a: {  	s2 =	sadd.s32 $0x12DB0, s13;
	s12 =	sor.u32 s14, s3;
	v48 =	vadd.f32 v57, v48;
	v51 =	vld [tilespmem:$0x1FF90]  }
0x42b: {  	s11 =	sadd.s32 s31, s2;
	v49 =	vadd.f32 v54, v49;
	v4 =	vadd.f32 v10, v4;
	v10 =	vld [tilespmem:s12+$0x0]  }
0x42c: {  	v48 =	vadd.f32 v59, v48;
	v50 =	vadd.f32 v9, v53;
	v9 =	vld [tilespmem:s11+$0x0]  }
0x42d: {  	s4 =	sadd.s32 $0x12D30, s13;
	s16 =	sor.u32 s14, s2;
	v49 =	vadd.f32 v56, v49;
	v53 =	vld [tilespmem:$0x1FFA0]  }
0x42e: {  	s15 =	sadd.s32 s31, s4;
	v4 =	vadd.f32 v20, v4;
	v20 =	vld [tilespmem:s16+$0x0];
	v48 =	vadd.f32 v61, v48  }
0x42f: {  	s6 =	sadd.s32 $0x12CB0, s13;
	v49 =	vadd.f32 v58, v49;
	s16 =	sor.u32 s14, s4;
	v50 =	vadd.f32 v17, v50;
	v17 =	vld [tilespmem:s15+$0x0]  }
0x430: {  	s15 =	sadd.s32 s31, s6;
	v4 =	vadd.f32 v25, v4;
	v25 =	vld [tilespmem:s16+$0x0];
	v48 =	vadd.f32 v63, v48  }
0x431: {  	s12 =	sadd.s32 $0x12BB0, s13;
	s11 =	sadd.s32 $0x12C30, s13;
	s13 =	sadd.s32 $0x117B0, s13;
	v50 =	vadd.f32 v23, v50;
	v23 =	vld [tilespmem:s15+$0x0]  }
0x432: {  	v49 =	vadd.f32 v60, v49;
	s15 =	sadd.s32 s31, s13;
	v11 =	vadd.f32 v11, v48;
	v48 =	vld [tilespmem:$0x1FF80]  }
0x433: {  	s16 =	sadd.s32 s31, s11;
	v58 =	vld [tilespmem:s15+$0x80]  }
0x434: {  	v49 =	vadd.f32 v62, v49;
	v50 =	vadd.f32 v27, v50;
	v27 =	vld [tilespmem:s16+$0x0];
	s16 =	sor.u32 s14, s6  }
0x435: {  	v4 =	vadd.f32 v30, v4;
	v30 =	vld [tilespmem:s16+$0x0]  }
0x436: {  	s16 =	sadd.s32 s31, s12;
	v5 =	vadd.f32 v5, v49;
	v49 =	vld [tilespmem:s15+$0x0]  }
0x437: {  	v4 =	vadd.f32 v28, v4;
	v50 =	vadd.f32 v29, v50;
	v29 =	vld [tilespmem:s16+$0x0];
	s16 =	sor.u32 s14, s11  }
0x438: {  	v28 =	vld [tilespmem:s16+$0x0]  }
0x439: {  	v11 =	vadd.f32 v47, v11;
	s16 =	sor.u32 s14, s12;
	v4 =	vadd.f32 v24, v4;
	v24 =	vld [tilespmem:s15+$0x380]  }
0x43a: {  	v5 =	vadd.f32 v12, v5;
	s14 =	sor.u32 s14, s13;
	v26 =	vadd.f32 v26, v50;
	v12 =	vld [tilespmem:s16+$0x0]  }
0x43b: {  	v11 =	vadd.f32 v45, v11;
	v50 =	vld [tilespmem:s14+$0x100];
	v4 =	vadd.f32 v21, v4  }
0x43c: {  	v52 =	vld [tilespmem:s14+$0x0];
	v5 =	vadd.f32 v46, v5;
	v22 =	vadd.f32 v22, v26  }
0x43d: {  	v54 =	vld [tilespmem:s14+$0x80];
	v11 =	vadd.f32 v41, v11;
	v4 =	vadd.f32 v18, v4  }
0x43e: {  	s16 =	sadd.s32 s30, s13;
	v21 =	vld [tilespmem:s14+$0x380];
	v5 =	vadd.f32 v40, v5;
	v19 =	vadd.f32 v19, v22  }
0x43f: {  	v55 =	vld [tilespmem:s16+$0x0];
	v11 =	vadd.f32 v37, v11;
	v4 =	vadd.f32 v15, v4  }
0x440: {  	v57 =	vld [tilespmem:s16+$0x80];
	v5 =	vadd.f32 v36, v5;
	v16 =	vadd.f32 v16, v19  }
0x441: {  	v60 =	vld [tilespmem:s16+$0x100];
	v11 =	vadd.f32 v34, v11;
	v13 =	vadd.f32 v13, v4  }
0x442: {  	s13 =	sadd.s32 s28, s13;
	v4 =	vld [tilespmem:$0x1FF70];
	v14 =	vadd.f32 v14, v16;
	v16 =	vadd.f32 v33, v5  }
0x443: {  	v62 =	vld [tilespmem:s13+$0x0];
	v11 =	vadd.f32 v35, v11  }
0x444: {  	v63 =	vld [tilespmem:s13+$0x80];
	v13 =	vadd.f32 v39, v13;
	v16 =	vadd.f32 v31, v16  }
0x445: {  	v35 =	vld [tilespmem:s14+$0x180];
	v11 =	vadd.f32 v38, v11;
	v39 =	vadd.f32 v54, v52  }
0x446: {  	v46 =	vld [tilespmem:s16+$0x180];
	v5 =	vbroadcast v6, $0x1;
	v13 =	vadd.f32 v44, v13;
	v16 =	vadd.f32 v48, v16  }
0x447: {  	v34 =	vld [tilespmem:s14+$0x200];
	v11 =	vadd.f32 v53, v11;
	v14 =	vadd.f32 v4, v14;
	v4 =	vbroadcast v6, $0x2  }
0x448: {  	v31 =	vld [tilespmem:s15+$0x100];
	v37 =	vadd.f32 v50, v39;
	v6 =	vbroadcast v6, $0x3;
	v16 =	vmul.f32 v16, v5  }
0x449: {  	v26 =	vld [tilespmem:s15+$0x300];
	v36 =	vadd.f32 v58, v49;
	v13 =	vmul.f32 v13, v5;
	v11 =	vmul.f32 v11, v5  }
0x44a: {  	v15 =	vld [tilespmem:s14+$0x280];
	v35 =	vadd.f32 v35, v37;
	v32 =	vmul.f32 v32, v6;
	v16 =	vadd.f32 v16, v4  }
0x44b: {  	v33 =	vld [tilespmem:s15+$0x180];
	v14 =	vmul.f32 v14, v5;
	v38 =	vmul.f32 v51, v6;
	v13 =	vadd.f32 v13, v4  }
0x44c: {  	v18 =	vld [tilespmem:s14+$0x300];
	v56 =	vmul.f32 v42, v6;
	v11 =	vadd.f32 v11, v4;
	v16 =	vadd.f32 v16, v32  }
0x44d: {  	v19 =	vld [tilespmem:s15+$0x200];
	v59 =	vmul.f32 v43, v6;
	v31 =	vadd.f32 v31, v36;
	v34 =	vadd.f32 v34, v35  }
0x44e: {  	p4 =	slt.u32 s8, $0x2710;
	v22 =	vld [tilespmem:s15+$0x280];
	v14 =	vadd.f32 v14, v4;
	v13 =	vadd.f32 v13, v56;
	v16 =	vmax.f32 v16, $0.0e+00  }
0x44f: {  	v48 =	vld [tilespmem:s13+$0x100];
	v11 =	vadd.f32 v11, v59;
	v45 =	vpsel !p4, $0x0, v16;
	v16 =	vadd.f32 v57, v55  }
0x450: {  	v49 =	vld [tilespmem:s16+$0x200];
	v31 =	vadd.f32 v33, v31;
	v15 =	vadd.f32 v15, v34  }
0x451: {  	v51 =	vld [tilespmem:s13+$0x180];
	v14 =	vadd.f32 v14, v38;
	v16 =	vadd.f32 v60, v16  }
0x452: {  	v53 =	vld [tilespmem:s16+$0x280];
	v32 =	vadd.f32 v63, v62;
	v19 =	vadd.f32 v19, v31  }
0x453: {  	v61 =	vimm.f32 $0.0e+00;
	v54 =	vld [tilespmem:s13+$0x200];
	v15 =	vadd.f32 v18, v15;
	v16 =	vadd.f32 v46, v16  }
0x454: {  	p0 =	slt.u32 s1, $0x2710;
	v14 =	vmax.f32 v14, $0.0e+00;
	v32 =	vadd.f32 v48, v32;
	v55 =	vld [tilespmem:s16+$0x300];
	v19 =	vadd.f32 v22, v19  }
0x455: {  	v56 =	vld [tilespmem:s13+$0x280];
	v14 =	vpsel !p0, $0x0, v14;
	v15 =	vadd.f32 v21, v15;
	v16 =	vadd.f32 v49, v16  }
0x456: {  	v57 =	vld [tilespmem:s16+$0x380];
	v43 =	vadd.f32 v14, v61;
	v58 =	vadd.f32 v51, v32  }
0x457: {  	s15 =	sadd.s32 s30, s12;
	v18 =	vld [tilespmem:s13+$0x300];
	v19 =	vadd.f32 v26, v19;
	v16 =	vadd.f32 v53, v16  }
0x458: {  	v59 =	vld [tilespmem:s15+$0x0];
	v12 =	vadd.f32 v12, v15;
	v22 =	vadd.f32 v54, v58  }
0x459: {  	v21 =	vld [tilespmem:s13+$0x380];
	s16 =	sadd.s32 s30, s11;
	v47 =	vadd.f32 v45, v43;
	v16 =	vadd.f32 v55, v16  }
0x45a: {  	p5 =	slt.u32 s7, $0x2710;
	s7 =	sadd.s32 s28, s12;
	v13 =	vmax.f32 v13, $0.0e+00;
	v60 =	vld [tilespmem:s16+$0x0];
	v19 =	vadd.f32 v24, v19;
	v22 =	vadd.f32 v56, v22  }
0x45b: {  	s8 =	sadd.s32 s30, s6;
	v13 =	vpsel !p5, $0x0, v13;
	v12 =	vadd.f32 v28, v12;
	v15 =	vadd.f32 v57, v16;
	v16 =	vld [tilespmem:s7+$0x0]  }
0x45c: {  	p6 =	slt.u32 s10, $0x2710;
	s10 =	sadd.s32 s28, s11;
	v61 =	vld [tilespmem:s8+$0x0];
	v50 =	vadd.f32 v13, v47;
	v18 =	vadd.f32 v18, v22  }
0x45d: {  	v11 =	vmax.f32 v11, $0.0e+00;
	s11 =	sadd.s32 s30, s4;
	v19 =	vadd.f32 v29, v19;
	v22 =	vld [tilespmem:s10+$0x0];
	v15 =	vadd.f32 v59, v15  }
0x45e: {  	s12 =	sadd.s32 s28, s6;
	v52 =	vpsel !p6, $0x0, v11;
	v62 =	vld [tilespmem:s11+$0x0];
	v12 =	vadd.f32 v30, v12;
	v21 =	vadd.f32 v21, v18  }
0x45f: {  	v63 =	vld [tilespmem:s12+$0x0];
	s13 =	sadd.s32 s30, s2;
	v11 =	vadd.f32 v52, v50;
	v15 =	vadd.f32 v60, v15  }
0x460: {  	s1 =	simm.s32 $0x13FD0;
	s4 =	sadd.s32 s28, s4;
	v19 =	vadd.f32 v27, v19;
	v18 =	vld [tilespmem:s13+$0x0];
	v21 =	vadd.f32 v16, v21  }
0x461: {  	s14 =	sadd.s32 s30, s3;
	[tilespmem:s1+$0xFFFFFFE0] =	vst v14;
	v12 =	vadd.f32 v25, v12;
	v16 =	vld [tilespmem:s4+$0x0];
	v14 =	vadd.f32 v61, v15  }
0x462: {  	s15 =	sadd.s32 s28, s2;
	[tilespmem:s1+$0x0] =	vst v13;
	v23 =	vadd.f32 v23, v19;
	v15 =	vld [tilespmem:s14+$0x0];
	v21 =	vadd.f32 v22, v21  }
0x463: {  	s3 =	sadd.s32 s28, s3;
	[tilespmem:s1+$0x10] =	vst v52;
	s16 =	sadd.s32 s30, s0;
	v19 =	vadd.f32 v20, v12;
	v20 =	vadd.f32 v62, v14;
	v14 =	vld [tilespmem:s15+$0x0]  }
0x464: {  	s6 =	simm.s32 $0x80;
	s2 =	simm.s32 $0x4;
	[tilespmem:s1+$0xFFFFFFF0] =	vst v45;
	v13 =	vld [tilespmem:s16+$0x0];
	v17 =	vadd.f32 v17, v23;
	s4 =	simm.s32 $0x400;
	v12 =	vadd.f32 v63, v21  }
.LBB2_11:
0x465: {  	s8 =	sadd.s32 s6, s5;
	s7 =	sadd.s32 $0x30, s6;
	v10 =	vadd.f32 v10, v19;
	v18 =	vadd.f32 v18, v20;
	s11 =	sadd.s32 s31, s0;
	v19 =	vld [tilespmem:s3+$0x0]  }
0x466: {  	s12 =	sand.u32 $0x1C00, s4;
	s10 =	sadd.s32 $0x10, s26;
	s0 =	sadd.s32 s28, s0;
	v9 =	vadd.f32 v9, v17;
	v17 =	vld [tilespmem:s11+$0x0];
	v12 =	vadd.f32 v16, v12  }
0x467: {  	s13 =	sadd.s32 s31, s29;
	s3 =	sand.u32 $0x7F80, s10;
	s11 =	sadd.s32 $0x20, s26;
	v8 =	vadd.f32 v8, v10;
	v10 =	vadd.f32 v15, v18;
	v15 =	vld [tilespmem:s0+$0x0]  }
0x468: {  	s29 =	sadd.s32 $0x12F30, s12;
	s0 =	sand.u32 $0x70, s7;
	s3 =	sor.u32 s30, s3;
	v7 =	vadd.f32 v7, v9;
	v9 =	vld [tilespmem:s13+$0x0];
	v12 =	vadd.f32 v14, v12  }
0x469: {  	s13 =	sand.u32 $0x40, s6;
	s7 =	sadd.s32 s0, s29;
	v3 =	vadd.f32 v3, v8;
	v8 =	vadd.f32 v13, v10;
	v10 =	vld [tilespmem:s3+$0xC7B0];
	s3 =	sand.u32 $0x7F80, s11  }
0x46a: {  	s14 =	sadd.s32 $0x30, s26;
	s15 =	sand.u32 $0x7F80, s8;
	v13 =	vld [tilespmem:s7+$0x0];
	s3 =	sor.u32 s31, s3;
	v12 =	vadd.f32 v19, v12  }
0x46b: {  	s7 =	sor.u32 s13, s15;
	s15 =	sadd.s32 $0x10, s6;
	v3 =	vmul.f32 v3, v5;
	v2 =	vadd.f32 v2, v8;
	v7 =	vadd.f32 v17, v7;
	v8 =	vld [tilespmem:s3+$0xC7B0];
	s3 =	sand.u32 $0x7F80, s14  }
0x46c: {  	v14 =	vmul.f32 v1, v6;
	s30 =	sand.u32 $0x50, s15;
	v1 =	vld [tilespmem:s7+$0xC7B0];
	v12 =	vadd.f32 v15, v12;
	s3 =	sor.u32 s28, s3;
	s28 =	smov.u32 s0  }
0x46d: {  	s0 =	sadd.s32 s30, s29;
	s7 =	sadd.s32 $0x20, s6;
	v15 =	vadd.f32 v3, v4;
	v16 =	vmul.f32 v2, v5;
	v7 =	vadd.f32 v9, v7;
	v17 =	vld [tilespmem:s3+$0xC7B0]  }
0x46e: {  	s15 =	sor.u32 s13, s29;
	s3 =	sadd.s32 $0x12E30, s12;
	s31 =	sand.u32 $0x60, s7;
	v2 =	vld [tilespmem:s0+$0x0];
	v9 =	vmul.f32 v10, v6;
	v10 =	vadd.f32 v0, v12  }
0x46f: {  	s0 =	sadd.s32 $0x12EB0, s12;
	v3 =	vld [tilespmem:s15+$0x0];
	s15 =	sadd.s32 s31, s3;
	v12 =	vadd.f32 v15, v14;
	v14 =	vadd.f32 v16, v4;
	v15 =	vmul.f32 v7, v5;
	v0 =	vmovc v13  }
0x470: {  	s7 =	sadd.s32 $0x12DB0, s12;
	s16 =	sor.u32 s13, s0;
	v7 =	vld [tilespmem:s15+$0x0];
	v13 =	vmul.f32 v8, v6;
	v10 =	vmul.f32 v10, v5  }
0x471: {  	p0 =	slt.u32 s26, $0x2710;
	s26 =	smov.u32 s8;
	s15 =	sadd.s32 s31, s7;
	v8 =	vld [tilespmem:s16+$0x0];
	v12 =	vmax.f32 v12, $0.0e+00;
	v14 =	vadd.f32 v14, v9;
	v15 =	vadd.f32 v15, v4  }
0x472: {  	s1 =	sadd.s32 $0x40, s1;
	s8 =	sadd.s32 $0x12D30, s12;
	s16 =	sor.u32 s13, s3;
	v9 =	vld [tilespmem:s15+$0x0];
	v12 =	vpsel !p0, $0x0, v12;
	v16 =	vadd.f32 v10, v4;
	v17 =	vmul.f32 v17, v6  }
0x473: {  	s15 =	sadd.s32 s31, s8;
	p0 =	slt.u32 s10, $0x2710;
	v10 =	vld [tilespmem:s16+$0x0];
	[tilespmem:s1+$0xFFFFFFE0] =	vst v12;
	v11 =	vadd.f32 v12, v11;
	v14 =	vmax.f32 v14, $0.0e+00;
	v15 =	vadd.f32 v15, v13  }
0x474: {  	s10 =	sadd.s32 $0x12CB0, s12;
	s16 =	sor.u32 s13, s7;
	v12 =	vld [tilespmem:s15+$0x0];
	v14 =	vpsel !p0, $0x0, v14  }
0x475: {  	s15 =	sadd.s32 s31, s10;
	p0 =	slt.u32 s11, $0x2710;
	v16 =	vadd.f32 v16, v17;
	v13 =	vld [tilespmem:s16+$0x0];
	[tilespmem:s1+$0xFFFFFFF0] =	vst v14;
	v11 =	vadd.f32 v14, v11;
	v15 =	vmax.f32 v15, $0.0e+00  }
0x476: {  	s11 =	sadd.s32 $0x12C30, s12;
	s16 =	sor.u32 s13, s8;
	v14 =	vld [tilespmem:s15+$0x0];
	v17 =	vpsel !p0, $0x0, v15  }
0x477: {  	s15 =	sadd.s32 s31, s11;
	p0 =	slt.u32 s14, $0x2710;
	v15 =	vld [tilespmem:s16+$0x0];
	[tilespmem:s1+$0x0] =	vst v17;
	v11 =	vadd.f32 v17, v11;
	v17 =	vmax.f32 v16, $0.0e+00  }
0x478: {  	s14 =	sadd.s32 $0x12BB0, s12;
	s16 =	sor.u32 s13, s10;
	v16 =	vld [tilespmem:s15+$0x0];
	v18 =	vpsel !p0, $0x0, v17  }
0x479: {  	s15 =	sadd.s32 s31, s14;
	v17 =	vld [tilespmem:s16+$0x0];
	[tilespmem:s1+$0x10] =	vst v18;
	v11 =	vadd.f32 v18, v11  }
0x47a: {  	s16 =	sadd.s32 $0x117B0, s12;
	s12 =	sor.u32 s13, s11;
	v18 =	vld [tilespmem:s15+$0x0]  }
0x47b: {  	s15 =	sadd.s32 s31, s16;
	v19 =	vld [tilespmem:s12+$0x0]  }
0x47c: {  	s12 =	sor.u32 s13, s14;
	v20 =	vld [tilespmem:s15+$0x380]  }
0x47d: {  	v21 =	vld [tilespmem:s12+$0x0]  }
0x47e: {  	s13 =	sor.u32 s13, s16;
	v22 =	vld [tilespmem:s15+$0x300]  }
0x47f: {  	v23 =	vld [tilespmem:s13+$0x380]  }
0x480: {  	v24 =	vld [tilespmem:s15+$0x280]  }
0x481: {  	v25 =	vld [tilespmem:s13+$0x300]  }
0x482: {  	v26 =	vld [tilespmem:s15+$0x200]  }
0x483: {  	v27 =	vld [tilespmem:s13+$0x280]  }
0x484: {  	v28 =	vld [tilespmem:s15+$0x180]  }
0x485: {  	v29 =	vld [tilespmem:s13+$0x200]  }
0x486: {  	s12 =	sadd.s32 s28, s16;
	v30 =	vld [tilespmem:s15+$0x100]  }
0x487: {  	v31 =	vld [tilespmem:s12+$0x0]  }
0x488: {  	v32 =	vld [tilespmem:s13+$0x180]  }
0x489: {  	s2 =	sadd.s32 $0x4, s2;
	v33 =	vld [tilespmem:s15+$0x0]  }
0x48a: {  	p0 =	slt.u32 s2, $0x24;
	v34 =	vld [tilespmem:s13+$0x100]  }
0x48b: {  	v35 =	vld [tilespmem:s13+$0x0]  }
0x48c: {  	v36 =	vld [tilespmem:s13+$0x80];
	s13 =	sadd.s32 s30, s16  }
0x48d: {  	v37 =	vld [tilespmem:s13+$0x0]  }
0x48e: {  	v38 =	vld [tilespmem:s13+$0x80]  }
0x48f: {  	v39 =	vld [tilespmem:s15+$0x80]  }
0x490: {  	v40 =	vld [tilespmem:s13+$0x100]  }
0x491: {  	v35 =	vadd.f32 v36, v35;
	v36 =	vld [tilespmem:s12+$0x80]  }
0x492: {  	v41 =	vld [tilespmem:s13+$0x180]  }
0x493: {  	v34 =	vadd.f32 v34, v35;
	v35 =	vadd.f32 v38, v37;
	v37 =	vld [tilespmem:s12+$0x100]  }
0x494: {  	v38 =	vld [tilespmem:s13+$0x200];
	v33 =	vadd.f32 v39, v33  }
0x495: {  	v32 =	vadd.f32 v32, v34;
	v34 =	vadd.f32 v40, v35;
	v35 =	vld [tilespmem:s12+$0x180]  }
0x496: {  	v39 =	vld [tilespmem:s13+$0x280];
	v30 =	vadd.f32 v30, v33;
	v31 =	vadd.f32 v36, v31  }
0x497: {  	v29 =	vadd.f32 v29, v32;
	v32 =	vadd.f32 v41, v34;
	v33 =	vld [tilespmem:s12+$0x200]  }
0x498: {  	v34 =	vld [tilespmem:s13+$0x300];
	v28 =	vadd.f32 v28, v30;
	v30 =	vadd.f32 v37, v31  }
0x499: {  	v27 =	vadd.f32 v27, v29;
	v29 =	vadd.f32 v38, v32;
	v31 =	vld [tilespmem:s12+$0x280]  }
0x49a: {  	v32 =	vld [tilespmem:s13+$0x380];
	v26 =	vadd.f32 v26, v28;
	v28 =	vadd.f32 v35, v30  }
0x49b: {  	s13 =	sadd.s32 s30, s14;
	v25 =	vadd.f32 v25, v27;
	v27 =	vadd.f32 v39, v29;
	v29 =	vld [tilespmem:s12+$0x300]  }
0x49c: {  	v30 =	vld [tilespmem:s13+$0x0];
	v24 =	vadd.f32 v24, v26;
	v26 =	vadd.f32 v33, v28  }
0x49d: {  	s13 =	sadd.s32 s30, s11;
	v23 =	vadd.f32 v23, v25;
	v25 =	vadd.f32 v34, v27;
	v27 =	vld [tilespmem:s12+$0x380]  }
0x49e: {  	s12 =	sadd.s32 s28, s14;
	v28 =	vld [tilespmem:s13+$0x0];
	v22 =	vadd.f32 v22, v24;
	v24 =	vadd.f32 v31, v26  }
0x49f: {  	s13 =	sadd.s32 s30, s10;
	v21 =	vadd.f32 v21, v23;
	v23 =	vadd.f32 v32, v25;
	v25 =	vld [tilespmem:s12+$0x0]  }
0x4a0: {  	s11 =	sadd.s32 s28, s11;
	v26 =	vld [tilespmem:s13+$0x0];
	v20 =	vadd.f32 v20, v22;
	v22 =	vadd.f32 v29, v24  }
0x4a1: {  	s12 =	sadd.s32 s30, s8;
	v19 =	vadd.f32 v19, v21;
	v21 =	vadd.f32 v30, v23;
	v23 =	vld [tilespmem:s11+$0x0]  }
0x4a2: {  	s10 =	sadd.s32 s28, s10;
	v24 =	vld [tilespmem:s12+$0x0];
	v20 =	vadd.f32 v18, v20;
	v22 =	vadd.f32 v27, v22  }
0x4a3: {  	s11 =	sadd.s32 s30, s7;
	v17 =	vadd.f32 v17, v19;
	v19 =	vadd.f32 v28, v21;
	v21 =	vld [tilespmem:s10+$0x0]  }
.Ltmp5:
0x4a4: {  	s8 =	sadd.s32 s28, s8;
	v18 =	vld [tilespmem:s11+$0x0];
	v20 =	vadd.f32 v16, v20;
	v22 =	vadd.f32 v25, v22;
	(pc) =	sbr.rel @p0 .LBB2_11-.Ltmp5, $4  }
0x4a5: {  	s10 =	sadd.s32 s30, s3;
	v17 =	vadd.f32 v15, v17;
	v25 =	vadd.f32 v26, v19;
	v16 =	vld [tilespmem:s8+$0x0]  }
0x4a6: {  	s7 =	sadd.s32 s28, s7;
	v15 =	vld [tilespmem:s10+$0x0];
	v26 =	vadd.f32 v14, v20;
	v22 =	vadd.f32 v23, v22  }
0x4a7: {  	s8 =	sadd.s32 s30, s0;
	v19 =	vadd.f32 v13, v17;
	v20 =	vadd.f32 v24, v25;
	v14 =	vld [tilespmem:s7+$0x0]  }
0x4a8: {  	s4 =	sadd.s32 $0x200, s4;
	s6 =	sadd.s32 $0x40, s6;
	s3 =	sadd.s32 s28, s3;
	v13 =	vld [tilespmem:s8+$0x0];
	v17 =	vadd.f32 v12, v26;
	v12 =	vadd.f32 v21, v22  }
0x4a9: {  	v10 =	vadd.f32 v10, v19;
	v18 =	vadd.f32 v18, v20;
	s2 =	sadd.s32 s31, s0;
	v52 =	vld [tilespmem:s3+$0x0]  }
0x4aa: {  	s7 =	sadd.s32 $0x10, s26;
	s8 =	sadd.s32 s28, s0;
	v9 =	vadd.f32 v9, v17;
	v53 =	vld [tilespmem:s2+$0x0];
	v12 =	vadd.f32 v16, v12  }
0x4ab: {  	s4 =	sadd.s32 s31, s29;
	s10 =	sand.u32 $0x7F80, s7;
	v55 =	vld [tilespmem:s8+$0x0];
	v8 =	vadd.f32 v8, v10;
	v54 =	vadd.f32 v15, v18  }
0x4ac: {  	s11 =	sadd.s32 $0x20, s26;
	v56 =	vld [tilespmem:s4+$0x0];
	s2 =	sor.u32 s30, s10;
	v7 =	vadd.f32 v7, v9;
	v12 =	vadd.f32 v14, v12  }
0x4ad: {  	s12 =	sand.u32 $0x7F80, s11;
	v58 =	vld [tilespmem:s2+$0xC7B0];
	v3 =	vadd.f32 v3, v8;
	v57 =	vadd.f32 v13, v54  }
0x4ae: {  	s13 =	sadd.s32 $0x30, s26;
	s2 =	sor.u32 s31, s12;
	v12 =	vadd.f32 v52, v12  }
0x4af: {  	s14 =	sand.u32 $0x7F80, s13;
	v59 =	vld [tilespmem:s2+$0xC7B0];
	v3 =	vmul.f32 v3, v5;
	v2 =	vadd.f32 v2, v57;
	v7 =	vadd.f32 v53, v7  }
0x4b0: {  	v1 =	vmul.f32 v1, v6;
	s2 =	sor.u32 s28, s14;
	v12 =	vadd.f32 v55, v12  }
0x4b1: {  	v60 =	vld [tilespmem:s2+$0xC7B0];
	v3 =	vadd.f32 v3, v4;
	v2 =	vmul.f32 v2, v5;
	v7 =	vadd.f32 v56, v7  }
0x4b2: {  	v10 =	vmul.f32 v58, v6;
	v0 =	vadd.f32 v0, v12  }
0x4b3: {  	v1 =	vadd.f32 v3, v1;
	v2 =	vadd.f32 v2, v4;
	v3 =	vmul.f32 v7, v5  }
0x4b4: {  	v61 =	vmul.f32 v59, v6;
	v0 =	vmul.f32 v0, v5  }
0x4b5: {  	p0 =	slt.u32 s26, $0x2710;
	v1 =	vmax.f32 v1, $0.0e+00;
	v2 =	vadd.f32 v2, v10;
	v3 =	vadd.f32 v3, v4  }
0x4b6: {  	v62 =	vmul.f32 v60, v6;
	v1 =	vpsel !p0, $0x0, v1;
	v0 =	vadd.f32 v0, v4  }
0x4b7: {  	p4 =	slt.u32 s7, $0x2710;
	v63 =	vadd.f32 v1, v11;
	v2 =	vmax.f32 v2, $0.0e+00;
	v3 =	vadd.f32 v3, v61  }
0x4b8: {  	v2 =	vpsel !p4, $0x0, v2  }
0x4b9: {  	p5 =	slt.u32 s11, $0x2710;
	v0 =	vadd.f32 v0, v62;
	v5 =	vadd.f32 v2, v63;
	v3 =	vmax.f32 v3, $0.0e+00  }
0x4ba: {  	s15 =	sadd.s32 $0x40, s1;
	v3 =	vpsel !p5, $0x0, v3  }
0x4bb: {  	p6 =	slt.u32 s13, $0x2710;
	[tilespmem:s15+$0xFFFFFFE0] =	vst v1;
	v0 =	vmax.f32 v0, $0.0e+00;
	v1 =	vadd.f32 v3, v5  }
0x4bc: {  	[tilespmem:s15+$0xFFFFFFF0] =	vst v2;
	v0 =	vpsel !p6, $0x0, v0  }
0x4bd: {  	[tilespmem:s15+$0x0] =	vst v3;
	v1 =	vadd.f32 v0, v1  }
0x4be: {  	[tilespmem:s15+$0x10] =	vst v0  }
0x4bf: {  	s16 =	simm.s32 $0x13FB0;
	[tilespmem:$0x14530] =	vst v1  }
0x4c0: {  	[spmem:s17] =	stream.linear.scatter [tilespmem:s16], [sflag:$0x2], $0x280, $0x38;
	[tilespmem:$0x149B0] =	vst v63  }
0x4c1: {  	s26 =	smov.u32 s17;
	s17 =	simm.s32 $0x2  }
0x4c2: {  	_ =	swait.ge [sflag:s17], $0x280  }
0x4c3: {  	s29 =	simm.s32 $0x14530;
	[sflag:s17] =	ssyncset.done $0x0  }
0x4c4: {  	s28 =	smov.u32 s18;
	s18 =	sadd.s32 $0x100, s18;
	[sflag:s17] =	ssyncadd.s32 $0xFFFFFD80  }
0x4c5: {  	[spmem:s18] =	stream.linear.scatter [tilespmem:s29], [sflag:$0x2], $0x10, $0x38;
	[tilespmem:$0x149B0] =	vst v63  }
0x4c6: {  	_ =	swait.ge [sflag:s17], $0x10  }
0x4c7: {  	[sflag:s17] =	ssyncset.done $0x0  }
0x4c8: {  	[sflag:s17] =	ssyncadd.s32 $0xFFFFFFF0  }
0x4c9: {  	[bflag:$0x0] =	sbarrier.arrive $0xFFFF  }
0x4ca: {  	s0 =	simm.s32 $0xF0B0;
	s30 =	simm.s32 $0xC7B0;
	s31 =	rddreg [dreg:$0x3]  }
0x4cb: {  	v0 =	vimm.f32 $0.0e+00;
	[tilespmem:s30], [sflag:$0x1] =	stream.linear.gather [spmem:s31], $0x2800, $0x38;
	[tilespmem:$0x149B0] =	vst v63  }
0x4cc: {  	[tilespmem:s0+$0xFFFFFF00] =	vst v0  }
0x4cd: {  	[tilespmem:s0+$0xF0] =	vst v0  }
0x4ce: {  	[tilespmem:s0+$0xE0] =	vst v0  }
0x4cf: {  	[tilespmem:s0+$0xD0] =	vst v0  }
0x4d0: {  	[tilespmem:s0+$0xC0] =	vst v0  }
0x4d1: {  	[tilespmem:s0+$0xB0] =	vst v0  }
0x4d2: {  	[tilespmem:s0+$0xA0] =	vst v0  }
0x4d3: {  	[tilespmem:s0+$0x90] =	vst v0  }
0x4d4: {  	[tilespmem:s0+$0x80] =	vst v0  }
0x4d5: {  	[tilespmem:s0+$0x70] =	vst v0  }
0x4d6: {  	[tilespmem:s0+$0x60] =	vst v0  }
0x4d7: {  	[tilespmem:s0+$0x50] =	vst v0  }
0x4d8: {  	[tilespmem:s0+$0x40] =	vst v0  }
0x4d9: {  	[tilespmem:s0+$0x30] =	vst v0  }
0x4da: {  	[tilespmem:s0+$0x20] =	vst v0  }
0x4db: {  	[tilespmem:s0+$0x10] =	vst v0  }
0x4dc: {  	[tilespmem:s0+$0x0] =	vst v0  }
0x4dd: {  	[tilespmem:s0+$0xFFFFFFF0] =	vst v0  }
0x4de: {  	[tilespmem:s0+$0xFFFFFFE0] =	vst v0  }
0x4df: {  	[tilespmem:s0+$0xFFFFFFD0] =	vst v0  }
0x4e0: {  	[tilespmem:s0+$0xFFFFFFC0] =	vst v0  }
0x4e1: {  	[tilespmem:s0+$0xFFFFFFB0] =	vst v0  }
0x4e2: {  	[tilespmem:s0+$0xFFFFFFA0] =	vst v0  }
0x4e3: {  	[tilespmem:s0+$0xFFFFFF90] =	vst v0  }
0x4e4: {  	[tilespmem:s0+$0xFFFFFF80] =	vst v0  }
0x4e5: {  	[tilespmem:s0+$0xFFFFFF70] =	vst v0  }
0x4e6: {  	[tilespmem:s0+$0xFFFFFF60] =	vst v0  }
0x4e7: {  	[tilespmem:s0+$0xFFFFFF50] =	vst v0  }
0x4e8: {  	[tilespmem:s0+$0xFFFFFF40] =	vst v0  }
0x4e9: {  	[tilespmem:s0+$0xFFFFFF30] =	vst v0  }
0x4ea: {  	s1 =	simm.s32 $0x0;
	[tilespmem:s0+$0xFFFFFF20] =	vst v0  }
.LBB2_13:
0x4eb: {  	s1 =	sadd.s32 $0x4, s1;
	[tilespmem:s0+$0xFFFFFF10] =	vst v0;
	s0 =	sadd.s32 $0x200, s0  }
0x4ec: {  	[tilespmem:s0+$0xFFFFFF00] =	vst v0;
	p0 =	slt.u32 s1, $0x4C  }
0x4ed: {  	[tilespmem:s0+$0xF0] =	vst v0  }
0x4ee: {  	[tilespmem:s0+$0xE0] =	vst v0  }
0x4ef: {  	[tilespmem:s0+$0xD0] =	vst v0  }
0x4f0: {  	[tilespmem:s0+$0xC0] =	vst v0  }
0x4f1: {  	[tilespmem:s0+$0xB0] =	vst v0  }
0x4f2: {  	[tilespmem:s0+$0xA0] =	vst v0  }
0x4f3: {  	[tilespmem:s0+$0x90] =	vst v0  }
0x4f4: {  	[tilespmem:s0+$0x80] =	vst v0  }
0x4f5: {  	[tilespmem:s0+$0x70] =	vst v0  }
0x4f6: {  	[tilespmem:s0+$0x60] =	vst v0  }
0x4f7: {  	[tilespmem:s0+$0x50] =	vst v0  }
0x4f8: {  	[tilespmem:s0+$0x40] =	vst v0  }
0x4f9: {  	[tilespmem:s0+$0x30] =	vst v0  }
0x4fa: {  	[tilespmem:s0+$0x20] =	vst v0  }
0x4fb: {  	[tilespmem:s0+$0x10] =	vst v0  }
0x4fc: {  	[tilespmem:s0+$0x0] =	vst v0  }
0x4fd: {  	[tilespmem:s0+$0xFFFFFFF0] =	vst v0  }
0x4fe: {  	[tilespmem:s0+$0xFFFFFFE0] =	vst v0  }
0x4ff: {  	[tilespmem:s0+$0xFFFFFFD0] =	vst v0  }
0x500: {  	[tilespmem:s0+$0xFFFFFFC0] =	vst v0  }
0x501: {  	[tilespmem:s0+$0xFFFFFFB0] =	vst v0  }
0x502: {  	[tilespmem:s0+$0xFFFFFFA0] =	vst v0  }
0x503: {  	[tilespmem:s0+$0xFFFFFF90] =	vst v0  }
0x504: {  	[tilespmem:s0+$0xFFFFFF80] =	vst v0  }
0x505: {  	[tilespmem:s0+$0xFFFFFF70] =	vst v0  }
.Ltmp6:
0x506: {  	[tilespmem:s0+$0xFFFFFF60] =	vst v0;
	(pc) =	sbr.rel @p0 .LBB2_13-.Ltmp6, $4  }
0x507: {  	[tilespmem:s0+$0xFFFFFF50] =	vst v0  }
0x508: {  	[tilespmem:s0+$0xFFFFFF40] =	vst v0  }
0x509: {  	[tilespmem:s0+$0xFFFFFF30] =	vst v0  }
0x50a: {  	[tilespmem:s0+$0xFFFFFF20] =	vst v0  }
0x50b: {  	[tilespmem:s0+$0xFFFFFF10] =	vst v0;
	s30 =	simm.s32 $0x1  }
0x50c: {  	_ =	swait.ge [sflag:s30], $0x2800  }
0x50d: {  	[sflag:s30] =	ssyncset.done $0x0  }
0x50e: {  	s31 =	simm.s32 $0x0;
	s3 =	simm.s32 $0x2B70;
	[sflag:s30] =	ssyncadd.s32 $0xFFFFD800  }
0x50f: {  	s2 =	sand.u32 $0x7FF0, s31;
	v55 =	vld [tilespmem:s3+$0xB0]  }
0x510: {  	v1 =	vld [tilespmem:s2+$0x2C30]  }
0x511: {  	v2 =	vld [tilespmem:s2+$0x2B30]  }
0x512: {  	v3 =	vld [tilespmem:s2+$0x2BB0]  }
0x513: {  	v4 =	vld [tilespmem:s2+$0x79B0]  }
0x514: {  	s0 =	simm.s32 $0x79F0;
	v5 =	vld [tilespmem:s2+$0x7A30]  }
0x515: {  	v6 =	vld [tilespmem:s0+$0xB0]  }
0x516: {  	v7 =	vld [tilespmem:s2+$0x7AB0]  }
0x517: {  	v8 =	vld [tilespmem:s3+$0xFFFFFF50]  }
0x518: {  	v9 =	vld [tilespmem:s3+$0xFFFFFF60]  }
0x519: {  	v56 =	vld [tilespmem:s3+$0xFFFFFF70]  }
0x51a: {  	v57 =	vld [tilespmem:s3+$0xFFFFFF80]  }
0x51b: {  	v58 =	vld [tilespmem:s3+$0xFFFFFF90]  }
0x51c: {  	v59 =	vld [tilespmem:s3+$0xFFFFFFA0]  }
0x51d: {  	v60 =	vld [tilespmem:s3+$0xFFFFFFB0]  }
0x51e: {  	v61 =	vld [tilespmem:s3+$0xFFFFFFD0]  }
0x51f: {  	v62 =	vld [tilespmem:s3+$0xFFFFFFE0]  }
0x520: {  	v63 =	vld [tilespmem:s3+$0xFFFFFFF0]  }
0x521: {  	v10 =	vld [tilespmem:s3+$0x0]  }
0x522: {  	v11 =	vld [tilespmem:s3+$0x10]  }
0x523: {  	v12 =	vld [tilespmem:s3+$0x20]  }
0x524: {  	v13 =	vld [tilespmem:s3+$0x30]  }
0x525: {  	v14 =	vld [tilespmem:s3+$0x50]  }
0x526: {  	v15 =	vld [tilespmem:s3+$0x60]  }
0x527: {  	v16 =	vld [tilespmem:s3+$0x70]  }
0x528: {  	v17 =	vld [tilespmem:s3+$0x80]  }
0x529: {  	v18 =	vld [tilespmem:s3+$0x90]  }
0x52a: {  	v19 =	vld [tilespmem:s3+$0xA0]  }
0x52b: {  	v20 =	vld [tilespmem:s3+$0xFFFFFF40]  }
0x52c: {  	v21 =	vld [tilespmem:s0+$0xFFFFFF40]  }
0x52d: {  	v22 =	vld [tilespmem:s0+$0xFFFFFF50]  }
0x52e: {  	v23 =	vld [tilespmem:s0+$0xFFFFFF60]  }
0x52f: {  	v24 =	vld [tilespmem:s0+$0xFFFFFF70]  }
0x530: {  	v25 =	vld [tilespmem:s0+$0xFFFFFF80]  }
0x531: {  	v26 =	vld [tilespmem:s0+$0xFFFFFF90]  }
0x532: {  	v27 =	vld [tilespmem:s0+$0xFFFFFFA0]  }
0x533: {  	v28 =	vld [tilespmem:s0+$0xFFFFFFB0]  }
0x534: {  	v29 =	vld [tilespmem:s0+$0xFFFFFFD0]  }
0x535: {  	v30 =	vld [tilespmem:s0+$0xFFFFFFE0]  }
0x536: {  	v31 =	vld [tilespmem:s0+$0xFFFFFFF0]  }
0x537: {  	v32 =	vld [tilespmem:s0+$0x0]  }
0x538: {  	v33 =	vld [tilespmem:s0+$0x10]  }
0x539: {  	v34 =	vld [tilespmem:s0+$0x20]  }
0x53a: {  	v35 =	vld [tilespmem:s0+$0x30]  }
0x53b: {  	v36 =	vld [tilespmem:s0+$0x50]  }
0x53c: {  	v37 =	vld [tilespmem:s0+$0x60]  }
0x53d: {  	v38 =	vld [tilespmem:s0+$0x70]  }
0x53e: {  	v39 =	vld [tilespmem:s0+$0x80]  }
0x53f: {  	v40 =	vld [tilespmem:s0+$0x90]  }
0x540: {  	s1 =	simm.s32 $0xC7B0;
	v41 =	vld [tilespmem:s0+$0xA0]  }
0x541: {  	v0 =	vld.idx.msk [tilespmem:v55+s1+$0x0], $0xffff  }
0x542: {  	v1 =	vld.idx.msk [tilespmem:v1+s1+$0x0], $0xffff  }
0x543: {  	v2 =	vld.idx.msk [tilespmem:v2+s1+$0x0], $0xffff  }
0x544: {  	v3 =	vld.idx.msk [tilespmem:v3+s1+$0x0], $0xffff  }
0x545: {  	v8 =	vld.idx.msk [tilespmem:v8+s1+$0x0], $0xffff  }
0x546: {  	v9 =	vld.idx.msk [tilespmem:v9+s1+$0x0], $0xffff  }
0x547: {  	v20 =	vld.idx.msk [tilespmem:v20+s1+$0x0], $0xffff  }
0x548: {  	v10 =	vld.idx.msk [tilespmem:v10+s1+$0x0], $0xffff  }
0x549: {  	v11 =	vld.idx.msk [tilespmem:v11+s1+$0x0], $0xffff  }
0x54a: {  	v12 =	vld.idx.msk [tilespmem:v12+s1+$0x0], $0xffff  }
0x54b: {  	v13 =	vld.idx.msk [tilespmem:v13+s1+$0x0], $0xffff  }
0x54c: {  	v14 =	vld.idx.msk [tilespmem:v14+s1+$0x0], $0xffff  }
0x54d: {  	v15 =	vld.idx.msk [tilespmem:v15+s1+$0x0], $0xffff  }
0x54e: {  	v16 =	vld.idx.msk [tilespmem:v16+s1+$0x0], $0xffff  }
0x54f: {  	v17 =	vld.idx.msk [tilespmem:v17+s1+$0x0], $0xffff  }
0x550: {  	v18 =	vld.idx.msk [tilespmem:v18+s1+$0x0], $0xffff  }
0x551: {  	s2 =	simm.s32 $0xEFB0;
	v19 =	vld.idx.msk [tilespmem:v19+s1+$0x0], $0xffff  }
0x552: {  	[tilespmem:v6+s2+$0x0] =	vst.idx.add.f32.msk $0xffff, v0  }
0x553: {  	[tilespmem:v7+s2+$0x0] =	vst.idx.add.f32.msk $0xffff, v1  }
0x554: {  	[tilespmem:v4+s2+$0x0] =	vst.idx.add.f32.msk $0xffff, v2  }
0x555: {  	[tilespmem:v5+s2+$0x0] =	vst.idx.add.f32.msk $0xffff, v3  }
0x556: {  	v0 =	vld.idx.msk [tilespmem:v56+s1+$0x0], $0xffff  }
0x557: {  	v1 =	vld.idx.msk [tilespmem:v57+s1+$0x0], $0xffff  }
0x558: {  	v2 =	vld.idx.msk [tilespmem:v58+s1+$0x0], $0xffff  }
0x559: {  	v3 =	vld.idx.msk [tilespmem:v59+s1+$0x0], $0xffff  }
0x55a: {  	v4 =	vld.idx.msk [tilespmem:v60+s1+$0x0], $0xffff  }
0x55b: {  	v5 =	vld.idx.msk [tilespmem:v61+s1+$0x0], $0xffff  }
0x55c: {  	v6 =	vld.idx.msk [tilespmem:v62+s1+$0x0], $0xffff  }
0x55d: {  	v7 =	vld.idx.msk [tilespmem:v63+s1+$0x0], $0xffff  }
0x55e: {  	[tilespmem:v21+s2+$0x0] =	vst.idx.add.f32.msk $0xffff, v20  }
0x55f: {  	[tilespmem:v22+s2+$0x0] =	vst.idx.add.f32.msk $0xffff, v8  }
0x560: {  	[tilespmem:v23+s2+$0x0] =	vst.idx.add.f32.msk $0xffff, v9  }
0x561: {  	[tilespmem:v32+s2+$0x0] =	vst.idx.add.f32.msk $0xffff, v10  }
0x562: {  	[tilespmem:v33+s2+$0x0] =	vst.idx.add.f32.msk $0xffff, v11  }
0x563: {  	[tilespmem:v34+s2+$0x0] =	vst.idx.add.f32.msk $0xffff, v12  }
0x564: {  	[tilespmem:v35+s2+$0x0] =	vst.idx.add.f32.msk $0xffff, v13  }
0x565: {  	[tilespmem:v36+s2+$0x0] =	vst.idx.add.f32.msk $0xffff, v14  }
0x566: {  	[tilespmem:v37+s2+$0x0] =	vst.idx.add.f32.msk $0xffff, v15  }
0x567: {  	[tilespmem:v38+s2+$0x0] =	vst.idx.add.f32.msk $0xffff, v16  }
0x568: {  	[tilespmem:v39+s2+$0x0] =	vst.idx.add.f32.msk $0xffff, v17  }
0x569: {  	[tilespmem:v40+s2+$0x0] =	vst.idx.add.f32.msk $0xffff, v18  }
0x56a: {  	[tilespmem:v41+s2+$0x0] =	vst.idx.add.f32.msk $0xffff, v19  }
0x56b: {  	[tilespmem:v24+s2+$0x0] =	vst.idx.add.f32.msk $0xffff, v0  }
0x56c: {  	[tilespmem:v25+s2+$0x0] =	vst.idx.add.f32.msk $0xffff, v1  }
0x56d: {  	[tilespmem:v26+s2+$0x0] =	vst.idx.add.f32.msk $0xffff, v2  }
0x56e: {  	[tilespmem:v27+s2+$0x0] =	vst.idx.add.f32.msk $0xffff, v3  }
0x56f: {  	[tilespmem:v28+s2+$0x0] =	vst.idx.add.f32.msk $0xffff, v4  }
0x570: {  	[tilespmem:v29+s2+$0x0] =	vst.idx.add.f32.msk $0xffff, v5  }
0x571: {  	[tilespmem:v30+s2+$0x0] =	vst.idx.add.f32.msk $0xffff, v6  }
0x572: {  	s4 =	simm.s32 $0x190;
	s6 =	simm.s32 $0x2D00;
	s3 =	simm.s32 $0x0;
	[tilespmem:v31+s2+$0x0] =	vst.idx.add.f32.msk $0xffff, v7  }
.LBB2_15:
0x573: {  	s7 =	sand.u32 $0x7FF0, s4;
	v0 =	vld [tilespmem:s6+$0xB0];
	s3 =	sadd.s32 $0x19, s3  }
0x574: {  	v1 =	vld [tilespmem:s7+$0x2C30];
	p0 =	slt.u32 s3, $0x4C9  }
0x575: {  	v2 =	vld [tilespmem:s7+$0x2B30]  }
0x576: {  	v3 =	vld [tilespmem:s7+$0x2BB0]  }
0x577: {  	v4 =	vld [tilespmem:s7+$0x79B0]  }
0x578: {  	s0 =	sadd.s32 $0x190, s0;
	v5 =	vld [tilespmem:s7+$0x7A30]  }
0x579: {  	v6 =	vld [tilespmem:s0+$0xB0]  }
0x57a: {  	v7 =	vld [tilespmem:s7+$0x7AB0]  }
0x57b: {  	v0 =	vld.idx.msk [tilespmem:v0+s1+$0x0], $0xffff  }
0x57c: {  	v1 =	vld.idx.msk [tilespmem:v1+s1+$0x0], $0xffff  }
0x57d: {  	v2 =	vld.idx.msk [tilespmem:v2+s1+$0x0], $0xffff  }
0x57e: {  	v3 =	vld.idx.msk [tilespmem:v3+s1+$0x0], $0xffff  }
0x57f: {  	v8 =	vld [tilespmem:s6+$0xFFFFFF50]  }
0x580: {  	v9 =	vld [tilespmem:s6+$0xFFFFFF60]  }
0x581: {  	[tilespmem:v6+s2+$0x0] =	vst.idx.add.f32.msk $0xffff, v0  }
0x582: {  	[tilespmem:v7+s2+$0x0] =	vst.idx.add.f32.msk $0xffff, v1  }
0x583: {  	[tilespmem:v4+s2+$0x0] =	vst.idx.add.f32.msk $0xffff, v2  }
0x584: {  	[tilespmem:v5+s2+$0x0] =	vst.idx.add.f32.msk $0xffff, v3  }
0x585: {  	v0 =	vld [tilespmem:s6+$0xFFFFFF70]  }
0x586: {  	v1 =	vld [tilespmem:s6+$0xFFFFFF80]  }
0x587: {  	v2 =	vld [tilespmem:s6+$0xFFFFFF90]  }
0x588: {  	v3 =	vld [tilespmem:s6+$0xFFFFFFA0]  }
0x589: {  	v4 =	vld [tilespmem:s6+$0xFFFFFFB0]  }
0x58a: {  	v5 =	vld [tilespmem:s6+$0xFFFFFFD0]  }
0x58b: {  	v6 =	vld [tilespmem:s6+$0xFFFFFFE0]  }
0x58c: {  	v7 =	vld [tilespmem:s6+$0xFFFFFFF0]  }
0x58d: {  	v10 =	vld [tilespmem:s6+$0x0]  }
0x58e: {  	v11 =	vld [tilespmem:s6+$0x10]  }
0x58f: {  	v12 =	vld [tilespmem:s6+$0x20]  }
0x590: {  	v13 =	vld [tilespmem:s6+$0x30]  }
0x591: {  	v14 =	vld [tilespmem:s6+$0x50]  }
0x592: {  	v15 =	vld [tilespmem:s6+$0x60]  }
0x593: {  	v16 =	vld [tilespmem:s6+$0x70]  }
0x594: {  	v17 =	vld [tilespmem:s6+$0x80]  }
0x595: {  	v18 =	vld [tilespmem:s6+$0x90]  }
0x596: {  	v19 =	vld [tilespmem:s6+$0xA0]  }
0x597: {  	v20 =	vld [tilespmem:s6+$0xFFFFFF40]  }
0x598: {  	v8 =	vld.idx.msk [tilespmem:v8+s1+$0x0], $0xffff  }
0x599: {  	v9 =	vld.idx.msk [tilespmem:v9+s1+$0x0], $0xffff  }
0x59a: {  	v0 =	vld.idx.msk [tilespmem:v0+s1+$0x0], $0xffff  }
0x59b: {  	v1 =	vld.idx.msk [tilespmem:v1+s1+$0x0], $0xffff  }
0x59c: {  	v2 =	vld.idx.msk [tilespmem:v2+s1+$0x0], $0xffff  }
0x59d: {  	v3 =	vld.idx.msk [tilespmem:v3+s1+$0x0], $0xffff  }
0x59e: {  	v4 =	vld.idx.msk [tilespmem:v4+s1+$0x0], $0xffff  }
0x59f: {  	v20 =	vld.idx.msk [tilespmem:v20+s1+$0x0], $0xffff  }
0x5a0: {  	v5 =	vld.idx.msk [tilespmem:v5+s1+$0x0], $0xffff  }
0x5a1: {  	v6 =	vld.idx.msk [tilespmem:v6+s1+$0x0], $0xffff  }
0x5a2: {  	v7 =	vld.idx.msk [tilespmem:v7+s1+$0x0], $0xffff  }
0x5a3: {  	v10 =	vld.idx.msk [tilespmem:v10+s1+$0x0], $0xffff  }
0x5a4: {  	v11 =	vld.idx.msk [tilespmem:v11+s1+$0x0], $0xffff  }
0x5a5: {  	v12 =	vld.idx.msk [tilespmem:v12+s1+$0x0], $0xffff  }
0x5a6: {  	v13 =	vld.idx.msk [tilespmem:v13+s1+$0x0], $0xffff  }
0x5a7: {  	v14 =	vld.idx.msk [tilespmem:v14+s1+$0x0], $0xffff  }
0x5a8: {  	v15 =	vld.idx.msk [tilespmem:v15+s1+$0x0], $0xffff  }
0x5a9: {  	v16 =	vld.idx.msk [tilespmem:v16+s1+$0x0], $0xffff  }
0x5aa: {  	v17 =	vld.idx.msk [tilespmem:v17+s1+$0x0], $0xffff  }
0x5ab: {  	v18 =	vld.idx.msk [tilespmem:v18+s1+$0x0], $0xffff  }
0x5ac: {  	v19 =	vld.idx.msk [tilespmem:v19+s1+$0x0], $0xffff  }
0x5ad: {  	v21 =	vld [tilespmem:s0+$0xFFFFFF40]  }
0x5ae: {  	v22 =	vld [tilespmem:s0+$0xFFFFFF50]  }
0x5af: {  	v23 =	vld [tilespmem:s0+$0xFFFFFF60]  }
0x5b0: {  	v24 =	vld [tilespmem:s0+$0xFFFFFF70]  }
0x5b1: {  	v25 =	vld [tilespmem:s0+$0xFFFFFF80]  }
0x5b2: {  	v26 =	vld [tilespmem:s0+$0xFFFFFF90]  }
0x5b3: {  	v27 =	vld [tilespmem:s0+$0xFFFFFFA0]  }
0x5b4: {  	v28 =	vld [tilespmem:s0+$0xFFFFFFB0]  }
0x5b5: {  	v29 =	vld [tilespmem:s0+$0xFFFFFFD0]  }
0x5b6: {  	v30 =	vld [tilespmem:s0+$0xFFFFFFE0]  }
0x5b7: {  	v31 =	vld [tilespmem:s0+$0xFFFFFFF0]  }
0x5b8: {  	v32 =	vld [tilespmem:s0+$0x0]  }
0x5b9: {  	v33 =	vld [tilespmem:s0+$0x10]  }
0x5ba: {  	v34 =	vld [tilespmem:s0+$0x20]  }
0x5bb: {  	v35 =	vld [tilespmem:s0+$0x30]  }
0x5bc: {  	v36 =	vld [tilespmem:s0+$0x50]  }
0x5bd: {  	v37 =	vld [tilespmem:s0+$0x60]  }
0x5be: {  	v38 =	vld [tilespmem:s0+$0x70]  }
0x5bf: {  	v39 =	vld [tilespmem:s0+$0x80]  }
0x5c0: {  	v40 =	vld [tilespmem:s0+$0x90]  }
0x5c1: {  	v41 =	vld [tilespmem:s0+$0xA0]  }
0x5c2: {  	[tilespmem:v21+s2+$0x0] =	vst.idx.add.f32.msk $0xffff, v20  }
0x5c3: {  	[tilespmem:v22+s2+$0x0] =	vst.idx.add.f32.msk $0xffff, v8  }
0x5c4: {  	[tilespmem:v23+s2+$0x0] =	vst.idx.add.f32.msk $0xffff, v9  }
0x5c5: {  	[tilespmem:v24+s2+$0x0] =	vst.idx.add.f32.msk $0xffff, v0  }
0x5c6: {  	[tilespmem:v25+s2+$0x0] =	vst.idx.add.f32.msk $0xffff, v1  }
0x5c7: {  	[tilespmem:v26+s2+$0x0] =	vst.idx.add.f32.msk $0xffff, v2  }
0x5c8: {  	[tilespmem:v27+s2+$0x0] =	vst.idx.add.f32.msk $0xffff, v3  }
0x5c9: {  	[tilespmem:v28+s2+$0x0] =	vst.idx.add.f32.msk $0xffff, v4  }
0x5ca: {  	[tilespmem:v29+s2+$0x0] =	vst.idx.add.f32.msk $0xffff, v5  }
0x5cb: {  	[tilespmem:v30+s2+$0x0] =	vst.idx.add.f32.msk $0xffff, v6  }
0x5cc: {  	[tilespmem:v31+s2+$0x0] =	vst.idx.add.f32.msk $0xffff, v7  }
0x5cd: {  	[tilespmem:v32+s2+$0x0] =	vst.idx.add.f32.msk $0xffff, v10  }
0x5ce: {  	[tilespmem:v33+s2+$0x0] =	vst.idx.add.f32.msk $0xffff, v11  }
0x5cf: {  	[tilespmem:v34+s2+$0x0] =	vst.idx.add.f32.msk $0xffff, v12  }
0x5d0: {  	[tilespmem:v35+s2+$0x0] =	vst.idx.add.f32.msk $0xffff, v13  }
0x5d1: {  	[tilespmem:v36+s2+$0x0] =	vst.idx.add.f32.msk $0xffff, v14  }
.Ltmp7:
0x5d2: {  	[tilespmem:v37+s2+$0x0] =	vst.idx.add.f32.msk $0xffff, v15;
	(pc) =	sbr.rel @p0 .LBB2_15-.Ltmp7, $4  }
0x5d3: {  	[tilespmem:v38+s2+$0x0] =	vst.idx.add.f32.msk $0xffff, v16  }
0x5d4: {  	[tilespmem:v39+s2+$0x0] =	vst.idx.add.f32.msk $0xffff, v17  }
0x5d5: {  	[tilespmem:v40+s2+$0x0] =	vst.idx.add.f32.msk $0xffff, v18  }
0x5d6: {  	s4 =	sadd.s32 $0x190, s4;
	s6 =	sadd.s32 $0x190, s6;
	[tilespmem:v41+s2+$0x0] =	vst.idx.add.f32.msk $0xffff, v19  }
0x5d7: {  	s0 =	simm.s32 $0x80;
	s1 =	simm.s32 $0x400;
	s2 =	simm.s32 $0xEFB0  }
0x5d8: {  	[spmem:s9] =	stream.strided.scatter [tilespmem:s2], [sflag:$0x1], $0x280, s1, s0, $0x38;
	[tilespmem:$0x149B0] =	vst v63  }
0x5d9: {  	s29 =	simm.s32 $0xF230;
	s3 =	rddreg [dreg:$0x7]  }
0x5da: {  	[spmem:s3] =	stream.strided.scatter [tilespmem:s29], [sflag:$0x1], $0x280, s1, s0, $0x38;
	[tilespmem:$0x149B0] =	vst v63  }
0x5db: {  	s30 =	simm.s32 $0xF4B0;
	s31 =	rddreg [dreg:$0x8]  }
0x5dc: {  	[spmem:s31] =	stream.strided.scatter [tilespmem:s30], [sflag:$0x1], $0x280, s1, s0, $0x38;
	[tilespmem:$0x149B0] =	vst v63  }
0x5dd: {  	s4 =	rddreg [dreg:$0x9];
	s3 =	simm.s32 $0xF730  }
0x5de: {  	[spmem:s4] =	stream.strided.scatter [tilespmem:s3], [sflag:$0x1], $0x280, s1, s0, $0x38;
	[tilespmem:$0x149B0] =	vst v63  }
0x5df: {  	s6 =	simm.s32 $0xF9B0;
	s7 =	rddreg [dreg:$0xa]  }
0x5e0: {  	[spmem:s7] =	stream.strided.scatter [tilespmem:s6], [sflag:$0x1], $0x280, s1, s0, $0x38;
	[tilespmem:$0x149B0] =	vst v63  }
0x5e1: {  	s8 =	simm.s32 $0xFC30;
	s9 =	rddreg [dreg:$0xb]  }
0x5e2: {  	[spmem:s9] =	stream.strided.scatter [tilespmem:s8], [sflag:$0x1], $0x280, s1, s0, $0x38;
	[tilespmem:$0x149B0] =	vst v63  }
0x5e3: {  	s10 =	simm.s32 $0xFEB0;
	s11 =	rddreg [dreg:$0xc]  }
0x5e4: {  	[spmem:s11] =	stream.strided.scatter [tilespmem:s10], [sflag:$0x1], $0x280, s1, s0, $0x38;
	[tilespmem:$0x149B0] =	vst v63  }
0x5e5: {  	s12 =	simm.s32 $0x10130;
	s13 =	rddreg [dreg:$0xd]  }
0x5e6: {  	[spmem:s13] =	stream.strided.scatter [tilespmem:s12], [sflag:$0x1], $0x280, s1, s0, $0x38;
	[tilespmem:$0x149B0] =	vst v63  }
0x5e7: {  	s14 =	simm.s32 $0x103B0;
	s15 =	rddreg [dreg:$0xe]  }
0x5e8: {  	[spmem:s15] =	stream.strided.scatter [tilespmem:s14], [sflag:$0x1], $0x280, s1, s0, $0x38;
	[tilespmem:$0x149B0] =	vst v63  }
0x5e9: {  	s16 =	simm.s32 $0x10630;
	s17 =	rddreg [dreg:$0xf]  }
0x5ea: {  	[spmem:s17] =	stream.strided.scatter [tilespmem:s16], [sflag:$0x1], $0x280, s1, s0, $0x38;
	[tilespmem:$0x149B0] =	vst v63  }
0x5eb: {  	s18 =	simm.s32 $0x108B0  }
0x5ec: {  	[spmem:s19] =	stream.strided.scatter [tilespmem:s18], [sflag:$0x1], $0x280, s1, s0, $0x38;
	[tilespmem:$0x149B0] =	vst v63  }
0x5ed: {  	s19 =	simm.s32 $0x10B30  }
0x5ee: {  	[spmem:s20] =	stream.strided.scatter [tilespmem:s19], [sflag:$0x1], $0x280, s1, s0, $0x38;
	[tilespmem:$0x149B0] =	vst v63  }
0x5ef: {  	s20 =	simm.s32 $0x10DB0  }
0x5f0: {  	[spmem:s21] =	stream.strided.scatter [tilespmem:s20], [sflag:$0x1], $0x280, s1, s0, $0x38;
	[tilespmem:$0x149B0] =	vst v63  }
0x5f1: {  	s29 =	simm.s32 $0x11030  }
0x5f2: {  	[spmem:s22] =	stream.strided.scatter [tilespmem:s29], [sflag:$0x1], $0x280, s1, s0, $0x38;
	[tilespmem:$0x149B0] =	vst v63  }
0x5f3: {  	s30 =	simm.s32 $0x112B0  }
0x5f4: {  	[spmem:s23] =	stream.strided.scatter [tilespmem:s30], [sflag:$0x1], $0x280, s1, s0, $0x38;
	[tilespmem:$0x149B0] =	vst v63  }
0x5f5: {  	s31 =	simm.s32 $0x11530;
	s3 =	simm.s32 $0x1  }
0x5f6: {  	[spmem:s24] =	stream.strided.scatter [tilespmem:s31], [sflag:$0x1], $0x280, s1, s0, $0x38;
	[tilespmem:$0x149B0] =	vst v63  }
0x5f7: {  	_ =	swait.ge [sflag:s3], $0x280  }
0x5f8: {  	[sflag:s3] =	ssyncset.done $0x0  }
0x5f9: {  	[sflag:s3] =	ssyncadd.s32 $0xFFFFFD80  }
0x5fa: {  	_ =	swait.ge [sflag:s3], $0x280  }
0x5fb: {  	[sflag:s3] =	ssyncset.done $0x0  }
0x5fc: {  	[sflag:s3] =	ssyncadd.s32 $0xFFFFFD80  }
0x5fd: {  	_ =	swait.ge [sflag:s3], $0x280  }
0x5fe: {  	[sflag:s3] =	ssyncset.done $0x0  }
0x5ff: {  	[sflag:s3] =	ssyncadd.s32 $0xFFFFFD80  }
0x600: {  	_ =	swait.ge [sflag:s3], $0x280  }
0x601: {  	[sflag:s3] =	ssyncset.done $0x0  }
0x602: {  	[sflag:s3] =	ssyncadd.s32 $0xFFFFFD80  }
0x603: {  	_ =	swait.ge [sflag:s3], $0x280  }
0x604: {  	[sflag:s3] =	ssyncset.done $0x0  }
0x605: {  	[sflag:s3] =	ssyncadd.s32 $0xFFFFFD80  }
0x606: {  	_ =	swait.ge [sflag:s3], $0x280  }
0x607: {  	[sflag:s3] =	ssyncset.done $0x0  }
0x608: {  	[sflag:s3] =	ssyncadd.s32 $0xFFFFFD80  }
0x609: {  	_ =	swait.ge [sflag:s3], $0x280  }
0x60a: {  	[sflag:s3] =	ssyncset.done $0x0  }
0x60b: {  	[sflag:s3] =	ssyncadd.s32 $0xFFFFFD80  }
0x60c: {  	_ =	swait.ge [sflag:s3], $0x280  }
0x60d: {  	[sflag:s3] =	ssyncset.done $0x0  }
0x60e: {  	[sflag:s3] =	ssyncadd.s32 $0xFFFFFD80  }
0x60f: {  	_ =	swait.ge [sflag:s3], $0x280  }
0x610: {  	[sflag:s3] =	ssyncset.done $0x0  }
0x611: {  	[sflag:s3] =	ssyncadd.s32 $0xFFFFFD80  }
0x612: {  	_ =	swait.ge [sflag:s3], $0x280  }
0x613: {  	[sflag:s3] =	ssyncset.done $0x0  }
0x614: {  	[sflag:s3] =	ssyncadd.s32 $0xFFFFFD80  }
0x615: {  	_ =	swait.ge [sflag:s3], $0x280  }
0x616: {  	[sflag:s3] =	ssyncset.done $0x0  }
0x617: {  	[sflag:s3] =	ssyncadd.s32 $0xFFFFFD80  }
0x618: {  	_ =	swait.ge [sflag:s3], $0x280  }
0x619: {  	[sflag:s3] =	ssyncset.done $0x0  }
0x61a: {  	[sflag:s3] =	ssyncadd.s32 $0xFFFFFD80  }
0x61b: {  	_ =	swait.ge [sflag:s3], $0x280  }
0x61c: {  	[sflag:s3] =	ssyncset.done $0x0  }
0x61d: {  	[sflag:s3] =	ssyncadd.s32 $0xFFFFFD80  }
0x61e: {  	_ =	swait.ge [sflag:s3], $0x280  }
0x61f: {  	[sflag:s3] =	ssyncset.done $0x0  }
0x620: {  	[sflag:s3] =	ssyncadd.s32 $0xFFFFFD80  }
0x621: {  	_ =	swait.ge [sflag:s3], $0x280  }
0x622: {  	[sflag:s3] =	ssyncset.done $0x0  }
0x623: {  	[sflag:s3] =	ssyncadd.s32 $0xFFFFFD80  }
0x624: {  	_ =	swait.ge [sflag:s3], $0x280  }
0x625: {  	[sflag:s3] =	ssyncset.done $0x0  }
0x626: {  	s4 =	simm.s32 $0x117B0;
	[sflag:s3] =	ssyncadd.s32 $0xFFFFFD80  }
0x627: {  	s6 =	simm.s32 $0x2;
	s7 =	simm.s32 $0x0;
	[bflag:$0x0] =	sbarrier.arrive $0xFFFF  }
0x628: {  	[tilespmem:s4], [sflag:$0x2] =	stream.linear.gather [spmem:s25], $0x2800, $0x38;
	[tilespmem:$0x149B0] =	vst v63  }
0x629: {  	s8 =	simm.s32 $0x30;
	s11 =	sand.u32 $0x1C00, s7;
	_ =	swait.ge [sflag:s6], $0x2800  }
0x62a: {  	s2 =	sadd.s32 $0x12F30, s11;
	s0 =	sand.u32 $0x70, s8;
	[sflag:s6] =	ssyncset.done $0x0  }
0x62b: {  	s9 =	sadd.s32 s0, s2;
	[sflag:s6] =	ssyncadd.s32 $0xFFFFD800  }
0x62c: {  	v0 =	vld [tilespmem:s9+$0x0];
	_ =	sdelay $0x2  }
0x62d: {  	s1 =	sadd.s32 $0x0, s5  }
0x62e: {  	s12 =	sand.u32 $0x40, s7;
	s4 =	sand.u32 $0x7F80, s1  }
0x62f: {  	s10 =	sor.u32 s12, s4;
	[tilespmem:$0x1FF60] =	vst v0  }
0x630: {  	v0 =	vld [tilespmem:s10+$0xC7B0];
	_ =	sdelay $0x2  }
0x631: {  	s6 =	simm.s32 $0x10  }
0x632: {  	s4 =	sand.u32 $0x50, s6  }
0x633: {  	s13 =	sadd.s32 s4, s2;
	[tilespmem:$0x1FF50] =	vst v0  }
0x634: {  	v0 =	vld [tilespmem:s13+$0x0];
	_ =	sdelay $0x4  }
0x635: {  	s8 =	sor.u32 s12, s2;
	[tilespmem:$0x1FF40] =	vst v0  }
0x636: {  	v0 =	vld [tilespmem:s8+$0x0];
	_ =	sdelay $0x2  }
0x637: {  	s7 =	simm.s32 $0x20  }
0x638: {  	s3 =	sand.u32 $0x60, s7;
	s6 =	sadd.s32 $0x12E30, s11  }
0x639: {  	s7 =	sadd.s32 $0x12EB0, s11;
	v6 =	vld [tilespmem:$0x144B0];
	s14 =	sadd.s32 s3, s6;
	[tilespmem:$0x1FF30] =	vst v0  }
0x63a: {  	s10 =	sor.u32 s12, s7;
	s8 =	sadd.s32 $0x12DB0, s11;
	v13 =	vld [tilespmem:s14+$0x0]  }
0x63b: {  	s15 =	sadd.s32 s3, s8;
	v14 =	vld [tilespmem:s10+$0x0]  }
0x63c: {  	s9 =	sadd.s32 $0x12D30, s11;
	s13 =	sor.u32 s12, s6;
	v15 =	vld [tilespmem:s15+$0x0]  }
0x63d: {  	s17 =	sadd.s32 $0x12CB0, s11;
	s16 =	sadd.s32 s3, s9;
	v16 =	vld [tilespmem:s13+$0x0]  }
0x63e: {  	s19 =	sadd.s32 $0x12C30, s11;
	s18 =	sadd.s32 s3, s17;
	v18 =	vld [tilespmem:s16+$0x0]  }
0x63f: {  	s21 =	sadd.s32 $0x12BB0, s11;
	s20 =	sadd.s32 s3, s19;
	v21 =	vld [tilespmem:s18+$0x0]  }
0x640: {  	s22 =	sadd.s32 s3, s21;
	v24 =	vld [tilespmem:s20+$0x0]  }
0x641: {  	s23 =	sor.u32 s12, s19;
	s11 =	sadd.s32 $0x117B0, s11;
	v27 =	vld [tilespmem:s22+$0x0]  }
0x642: {  	s24 =	sadd.s32 s3, s11;
	v29 =	vld [tilespmem:s23+$0x0]  }
0x643: {  	s25 =	sor.u32 s12, s21;
	v30 =	vld [tilespmem:s24+$0x380]  }
0x644: {  	v28 =	vld [tilespmem:s25+$0x0]  }
0x645: {  	v25 =	vld [tilespmem:s24+$0x300]  }
0x646: {  	v20 =	vld [tilespmem:s24+$0x280]  }
0x647: {  	v10 =	vld [tilespmem:s24+$0x200]  }
0x648: {  	v8 =	vld [tilespmem:s24+$0x180]  }
0x649: {  	s29 =	sadd.s32 s0, s11;
	v4 =	vld [tilespmem:s24+$0x100]  }
0x64a: {  	v48 =	vld [tilespmem:s29+$0x0]  }
0x64b: {  	v43 =	vld [tilespmem:s24+$0x0]  }
0x64c: {  	v51 =	vld [tilespmem:s24+$0x80]  }
0x64d: {  	v53 =	vld [tilespmem:s29+$0x80]  }
0x64e: {  	v55 =	vld [tilespmem:s29+$0x100]  }
0x64f: {  	v57 =	vld [tilespmem:s29+$0x180]  }
0x650: {  	v59 =	vld [tilespmem:s29+$0x200]  }
0x651: {  	v61 =	vld [tilespmem:s29+$0x280]  }
0x652: {  	s30 =	sadd.s32 s4, s21;
	v63 =	vld [tilespmem:s29+$0x300]  }
0x653: {  	v5 =	vld [tilespmem:s30+$0x0]  }
0x654: {  	s31 =	sadd.s32 s4, s19;
	v11 =	vld [tilespmem:s29+$0x380]  }
0x655: {  	s2 =	sadd.s32 s3, s2;
	v12 =	vld [tilespmem:s31+$0x0]  }
0x656: {  	s14 =	sor.u32 s12, s8;
	v44 =	vld [tilespmem:s2+$0x0]  }
0x657: {  	s15 =	sor.u32 s12, s9;
	v19 =	vld [tilespmem:s14+$0x0]  }
0x658: {  	s16 =	sor.u32 s12, s17;
	v22 =	vld [tilespmem:s15+$0x0]  }
0x659: {  	s12 =	sor.u32 s12, s11;
	v26 =	vld [tilespmem:s16+$0x0]  }
0x65a: {  	v23 =	vld [tilespmem:s12+$0x380]  }
0x65b: {  	v17 =	vld [tilespmem:s12+$0x300]  }
0x65c: {  	v9 =	vld [tilespmem:s12+$0x280]  }
0x65d: {  	v7 =	vld [tilespmem:s12+$0x200]  }
0x65e: {  	v3 =	vld [tilespmem:s12+$0x180]  }
0x65f: {  	v2 =	vld [tilespmem:s12+$0x100]  }
0x660: {  	v0 =	vld [tilespmem:s12+$0x0]  }
0x661: {  	s11 =	sadd.s32 s4, s11;
	v42 =	vld [tilespmem:s12+$0x80]  }
0x662: {  	v49 =	vld [tilespmem:s11+$0x0]  }
0x663: {  	v50 =	vld [tilespmem:s11+$0x80]  }
0x664: {  	v52 =	vld [tilespmem:s11+$0x100]  }
0x665: {  	v54 =	vld [tilespmem:s11+$0x180]  }
0x666: {  	v56 =	vld [tilespmem:s11+$0x200]  }
0x667: {  	v58 =	vld [tilespmem:s11+$0x280]  }
0x668: {  	v60 =	vld [tilespmem:s11+$0x300]  }
0x669: {  	s13 =	sadd.s32 s4, s17;
	v62 =	vld [tilespmem:s11+$0x380]  }
0x66a: {  	s10 =	sadd.s32 s0, s17;
	v46 =	vld [tilespmem:s13+$0x0]  }
0x66b: {  	s17 =	sadd.s32 s4, s8;
	v41 =	vld [tilespmem:s10+$0x0]  }
0x66c: {  	s18 =	sadd.s32 s4, s6;
	v36 =	vld [tilespmem:s17+$0x0]  }
0x66d: {  	s8 =	sadd.s32 s0, s8;
	v33 =	vld [tilespmem:s18+$0x0]  }
0x66e: {  	s20 =	sadd.s32 s0, s6;
	v34 =	vld [tilespmem:s8+$0x0]  }
0x66f: {  	s24 =	sadd.s32 s3, s7;
	v35 =	vld [tilespmem:s20+$0x0]  }
0x670: {  	s25 =	sadd.s32 s0, s7;
	v39 =	vld [tilespmem:s24+$0x0]  }
0x671: {  	s12 =	sadd.s32 s0, s21;
	v38 =	vld [tilespmem:s25+$0x0]  }
0x672: {  	s22 =	simm.s32 $0x40;
	s15 =	sadd.s32 s0, s19;
	v47 =	vld [tilespmem:s12+$0x0]  }
0x673: {  	s23 =	simm.s32 $0x70;
	s16 =	sadd.s32 s4, s9;
	s9 =	sadd.s32 s0, s9;
	v45 =	vld [tilespmem:s15+$0x0]  }
0x674: {  	s19 =	sadd.s32 s4, s7;
	s21 =	simm.s32 $0x200;
	s13 =	sadd.s32 $0x10, s1;
	v40 =	vld [tilespmem:s16+$0x0]  }
0x675: {  	s7 =	sadd.s32 $0x20, s1;
	v37 =	vld [tilespmem:s9+$0x0];
	s18 =	sand.u32 $0x1C00, s21;
	s29 =	sand.u32 $0x7F80, s13  }
0x676: {  	v31 =	vld [tilespmem:s19+$0x0];
	s9 =	sand.u32 $0x70, s23;
	s10 =	sadd.s32 $0x12F30, s18;
	s4 =	sor.u32 s4, s29  }
0x677: {  	s14 =	sadd.s32 $0x30, s1;
	s31 =	sand.u32 $0x7F80, s7;
	s30 =	sadd.s32 s9, s10;
	v32 =	vld [tilespmem:s4+$0xC7B0]  }
0x678: {  	s6 =	sadd.s32 $0x40, s5;
	s16 =	sand.u32 $0x7F80, s14;
	s3 =	sor.u32 s3, s31;
	v1 =	vadd.f32 v42, v0;
	v0 =	vld [tilespmem:s30+$0x0]  }
0x679: {  	s17 =	sand.u32 $0x40, s22;
	s11 =	sand.u32 $0x7F80, s6;
	s0 =	sor.u32 s0, s16;
	v42 =	vld [tilespmem:s3+$0xC7B0]  }
0x67a: {  	s12 =	sor.u32 s17, s11;
	s15 =	simm.s32 $0x50;
	v49 =	vadd.f32 v50, v49;
	v50 =	vadd.f32 v51, v43;
	v43 =	vld [tilespmem:s0+$0xC7B0]  }
0x67b: {  	s11 =	sand.u32 $0x50, s15;
	v2 =	vadd.f32 v2, v1;
	v1 =	vld [tilespmem:s12+$0xC7B0]  }
0x67c: {  	s19 =	sadd.s32 s11, s10;
	v49 =	vadd.f32 v52, v49;
	v52 =	vld [tilespmem:$0x1FF50]  }
0x67d: {  	s21 =	sor.u32 s17, s10;
	s0 =	sadd.s32 $0x12EB0, s18;
	v4 =	vadd.f32 v4, v50;
	v51 =	vadd.f32 v3, v2;
	v2 =	vld [tilespmem:s19+$0x0]  }
0x67e: {  	s20 =	simm.s32 $0x60;
	s22 =	sor.u32 s17, s0;
	v3 =	vld [tilespmem:s21+$0x0]  }
0x67f: {  	v48 =	vadd.f32 v53, v48;
	s3 =	sadd.s32 $0x12E30, s18;
	s12 =	sand.u32 $0x60, s20;
	v4 =	vadd.f32 v8, v4;
	v8 =	vld [tilespmem:s22+$0x0]  }
0x680: {  	s2 =	sadd.s32 $0x12DB0, s18;
	s8 =	sadd.s32 $0x12CB0, s18;
	s4 =	sadd.s32 s12, s3;
	v49 =	vadd.f32 v54, v49;
	v54 =	vld [tilespmem:$0x1FF60]  }
0x681: {  	s15 =	sadd.s32 $0x12C30, s18;
	s29 =	sor.u32 s17, s2;
	v48 =	vadd.f32 v55, v48;
	s24 =	sor.u32 s17, s3;
	v53 =	vadd.f32 v7, v51;
	v7 =	vld [tilespmem:s4+$0x0]  }
0x682: {  	s23 =	sadd.s32 s12, s2;
	s21 =	sadd.s32 $0x12BB0, s18;
	s22 =	sor.u32 s17, s8;
	v4 =	vadd.f32 v10, v4;
	v10 =	vld [tilespmem:s24+$0x0]  }
0x683: {  	v48 =	vadd.f32 v57, v48;
	s4 =	sadd.s32 $0x12D30, s18;
	s18 =	sadd.s32 $0x117B0, s18;
	s24 =	sor.u32 s17, s15;
	v50 =	vadd.f32 v9, v53;
	v9 =	vld [tilespmem:s23+$0x0]  }
0x684: {  	s31 =	sor.u32 s17, s4;
	v4 =	vadd.f32 v20, v4;
	v20 =	vld [tilespmem:s29+$0x0];
	s29 =	sor.u32 s17, s21;
	s17 =	sor.u32 s17, s18  }
0x685: {  	v48 =	vadd.f32 v59, v48;
	v51 =	vld [tilespmem:s17+$0x100]  }
0x686: {  	v49 =	vadd.f32 v56, v49;
	v53 =	vld [tilespmem:s17+$0x0]  }
0x687: {  	s25 =	sadd.s32 s12, s4;
	v48 =	vadd.f32 v61, v48;
	v55 =	vld [tilespmem:s17+$0x80]  }
0x688: {  	v49 =	vadd.f32 v58, v49;
	v50 =	vadd.f32 v17, v50;
	v17 =	vld [tilespmem:s25+$0x0]  }
0x689: {  	v48 =	vadd.f32 v63, v48;
	v4 =	vadd.f32 v25, v4;
	v25 =	vld [tilespmem:s31+$0x0];
	s25 =	sadd.s32 s12, s18  }
0x68a: {  	v49 =	vadd.f32 v60, v49;
	s31 =	sadd.s32 s9, s18;
	v59 =	vld [tilespmem:s25+$0x80];
	v50 =	vadd.f32 v23, v50  }
0x68b: {  	s30 =	sadd.s32 s12, s8;
	v11 =	vadd.f32 v11, v48;
	v48 =	vld [tilespmem:s31+$0x100];
	v4 =	vadd.f32 v30, v4  }
0x68c: {  	v23 =	vld [tilespmem:s30+$0x0];
	v49 =	vadd.f32 v62, v49;
	v50 =	vadd.f32 v28, v50  }
0x68d: {  	v30 =	vld [tilespmem:s22+$0x0];
	v11 =	vadd.f32 v47, v11;
	v4 =	vadd.f32 v27, v4  }
0x68e: {  	s30 =	sadd.s32 s11, s18;
	v62 =	vld [tilespmem:s31+$0x0];
	v5 =	vadd.f32 v5, v49;
	v50 =	vadd.f32 v29, v50  }
0x68f: {  	v56 =	vld [tilespmem:s30+$0x0];
	v11 =	vadd.f32 v45, v11;
	v4 =	vadd.f32 v24, v4  }
0x690: {  	v58 =	vld [tilespmem:s30+$0x80];
	v5 =	vadd.f32 v12, v5;
	v63 =	vadd.f32 v26, v50  }
0x691: {  	s20 =	sadd.s32 s12, s15;
	v60 =	vld [tilespmem:s30+$0x100];
	v11 =	vadd.f32 v41, v11;
	v4 =	vadd.f32 v21, v4  }
0x692: {  	v28 =	vld [tilespmem:s20+$0x0];
	v5 =	vadd.f32 v46, v5;
	v22 =	vadd.f32 v22, v63  }
0x693: {  	v27 =	vld [tilespmem:s24+$0x0];
	v11 =	vadd.f32 v37, v11;
	v4 =	vadd.f32 v18, v4  }
0x694: {  	s23 =	sadd.s32 s12, s21;
	v49 =	vld [tilespmem:$0x1FF40];
	v5 =	vadd.f32 v40, v5;
	v19 =	vadd.f32 v19, v22  }
0x695: {  	v29 =	vld [tilespmem:s23+$0x0];
	v11 =	vadd.f32 v34, v11;
	v4 =	vadd.f32 v15, v4  }
0x696: {  	v63 =	vld [tilespmem:s31+$0x80];
	v5 =	vadd.f32 v36, v5;
	v16 =	vadd.f32 v16, v19  }
0x697: {  	v12 =	vld [tilespmem:s29+$0x0];
	v11 =	vadd.f32 v35, v11;
	v13 =	vadd.f32 v13, v4  }
0x698: {  	v4 =	vld [tilespmem:$0x1FF30];
	v14 =	vadd.f32 v14, v16;
	v16 =	vadd.f32 v33, v5  }
0x699: {  	v24 =	vld [tilespmem:s25+$0x300]  }
0x69a: {  	v26 =	vld [tilespmem:s25+$0x380];
	v11 =	vadd.f32 v38, v11;
	v16 =	vadd.f32 v31, v16  }
0x69b: {  	v21 =	vld [tilespmem:s17+$0x380];
	v40 =	vadd.f32 v63, v62;
	v13 =	vadd.f32 v39, v13  }
0x69c: {  	v35 =	vld [tilespmem:s17+$0x180];
	v5 =	vbroadcast v6, $0x4;
	v39 =	vadd.f32 v55, v53;
	v16 =	vadd.f32 v49, v16  }
0x69d: {  	v50 =	vld [tilespmem:s25+$0x0];
	v11 =	vadd.f32 v54, v11;
	v14 =	vadd.f32 v4, v14;
	v4 =	vbroadcast v6, $0x5  }
0x69e: {  	v34 =	vld [tilespmem:s17+$0x200];
	v36 =	vadd.f32 v48, v40;
	v6 =	vbroadcast v6, $0x6;
	v16 =	vmul.f32 v16, v5  }
0x69f: {  	v46 =	vld [tilespmem:s30+$0x180];
	v13 =	vadd.f32 v44, v13;
	v37 =	vadd.f32 v51, v39  }
0x6a0: {  	v15 =	vld [tilespmem:s17+$0x280];
	v11 =	vmul.f32 v11, v5;
	v32 =	vmul.f32 v32, v6;
	v16 =	vadd.f32 v16, v4  }
0x6a1: {  	v18 =	vld [tilespmem:s17+$0x300];
	v13 =	vmul.f32 v13, v5;
	v35 =	vadd.f32 v35, v37;
	v14 =	vmul.f32 v14, v5  }
0x6a2: {  	v22 =	vld [tilespmem:s25+$0x280];
	v11 =	vadd.f32 v11, v4;
	v43 =	vmul.f32 v43, v6;
	v16 =	vadd.f32 v16, v32  }
0x6a3: {  	v31 =	vld [tilespmem:s25+$0x100];
	v38 =	vmul.f32 v52, v6;
	v13 =	vadd.f32 v13, v4;
	v34 =	vadd.f32 v34, v35  }
0x6a4: {  	p4 =	slt.u32 s13, $0x2710;
	v33 =	vld [tilespmem:s25+$0x180];
	v14 =	vadd.f32 v14, v4;
	v11 =	vadd.f32 v11, v43;
	v16 =	vmax.f32 v16, $0.0e+00  }
0x6a5: {  	v51 =	vld [tilespmem:s31+$0x180];
	v15 =	vadd.f32 v15, v34;
	v45 =	vpsel !p4, $0x0, v16;
	v16 =	vadd.f32 v58, v56  }
0x6a6: {  	v49 =	vld [tilespmem:s30+$0x200];
	v57 =	vmul.f32 v42, v6;
	v14 =	vadd.f32 v14, v38;
	v32 =	vadd.f32 v59, v50  }
0x6a7: {  	v61 =	vimm.f32 $0.0e+00;
	v19 =	vld [tilespmem:s25+$0x200];
	v15 =	vadd.f32 v18, v15;
	v16 =	vadd.f32 v60, v16  }
0x6a8: {  	p0 =	slt.u32 s1, $0x2710;
	v53 =	vld [tilespmem:s30+$0x280];
	v13 =	vadd.f32 v13, v57;
	v14 =	vmax.f32 v14, $0.0e+00;
	v31 =	vadd.f32 v31, v32  }
0x6a9: {  	v54 =	vld [tilespmem:s31+$0x200];
	v14 =	vpsel !p0, $0x0, v14;
	v15 =	vadd.f32 v21, v15;
	v16 =	vadd.f32 v46, v16  }
0x6aa: {  	v55 =	vld [tilespmem:s30+$0x300];
	v44 =	vadd.f32 v14, v61;
	v31 =	vadd.f32 v33, v31  }
0x6ab: {  	v56 =	vld [tilespmem:s31+$0x280];
	v58 =	vadd.f32 v51, v36;
	v16 =	vadd.f32 v49, v16  }
0x6ac: {  	v57 =	vld [tilespmem:s30+$0x380];
	v12 =	vadd.f32 v12, v15;
	v19 =	vadd.f32 v19, v31  }
0x6ad: {  	s18 =	sadd.s32 s11, s21;
	v18 =	vld [tilespmem:s31+$0x300];
	v47 =	vadd.f32 v45, v44;
	v16 =	vadd.f32 v53, v16  }
0x6ae: {  	v59 =	vld [tilespmem:s18+$0x0];
	v19 =	vadd.f32 v22, v19;
	v22 =	vadd.f32 v54, v58  }
0x6af: {  	p5 =	slt.u32 s7, $0x2710;
	s19 =	sadd.s32 s11, s15;
	v13 =	vmax.f32 v13, $0.0e+00;
	v21 =	vld [tilespmem:s31+$0x380];
	v12 =	vadd.f32 v27, v12;
	v16 =	vadd.f32 v55, v16  }
0x6b0: {  	s20 =	sadd.s32 s9, s21;
	v13 =	vpsel !p5, $0x0, v13;
	v60 =	vld [tilespmem:s19+$0x0];
	v19 =	vadd.f32 v24, v19;
	v22 =	vadd.f32 v56, v22  }
0x6b1: {  	s21 =	sadd.s32 s11, s8;
	v50 =	vadd.f32 v13, v47;
	v15 =	vadd.f32 v57, v16;
	v16 =	vld [tilespmem:s20+$0x0]  }
0x6b2: {  	s22 =	sadd.s32 s9, s15;
	v61 =	vld [tilespmem:s21+$0x0];
	v19 =	vadd.f32 v26, v19;
	v18 =	vadd.f32 v18, v22  }
0x6b3: {  	p6 =	slt.u32 s14, $0x2710;
	s23 =	sadd.s32 s11, s4;
	v11 =	vmax.f32 v11, $0.0e+00;
	v12 =	vadd.f32 v30, v12;
	v22 =	vld [tilespmem:s22+$0x0];
	v15 =	vadd.f32 v59, v15  }
0x6b4: {  	s24 =	sadd.s32 s9, s8;
	v62 =	vld [tilespmem:s23+$0x0];
	v52 =	vpsel !p6, $0x0, v11;
	v19 =	vadd.f32 v29, v19;
	v21 =	vadd.f32 v21, v18  }
0x6b5: {  	v63 =	vld [tilespmem:s24+$0x0];
	s25 =	sadd.s32 s11, s2;
	v11 =	vadd.f32 v52, v50;
	v15 =	vadd.f32 v60, v15  }
0x6b6: {  	s1 =	simm.s32 $0x13FD0;
	s4 =	sadd.s32 s9, s4;
	v18 =	vld [tilespmem:s25+$0x0];
	v19 =	vadd.f32 v28, v19;
	v21 =	vadd.f32 v16, v21  }
0x6b7: {  	s29 =	sadd.s32 s11, s3;
	[tilespmem:s1+$0xFFFFFFE0] =	vst v14;
	v12 =	vadd.f32 v25, v12;
	v16 =	vld [tilespmem:s4+$0x0];
	v14 =	vadd.f32 v61, v15  }
0x6b8: {  	s30 =	sadd.s32 s9, s2;
	[tilespmem:s1+$0x10] =	vst v52;
	v23 =	vadd.f32 v23, v19;
	v15 =	vld [tilespmem:s29+$0x0];
	v21 =	vadd.f32 v22, v21  }
0x6b9: {  	s13 =	simm.s32 $0x80;
	[tilespmem:s1+$0x0] =	vst v13;
	s31 =	sadd.s32 s11, s0;
	v19 =	vadd.f32 v20, v12;
	v20 =	vadd.f32 v62, v14;
	v14 =	vld [tilespmem:s30+$0x0]  }
0x6ba: {  	s3 =	sadd.s32 s9, s3;
	s2 =	simm.s32 $0x4;
	[tilespmem:s1+$0xFFFFFFF0] =	vst v45;
	v13 =	vld [tilespmem:s31+$0x0];
	v17 =	vadd.f32 v17, v23;
	s4 =	simm.s32 $0x400;
	v12 =	vadd.f32 v63, v21  }
.LBB2_17:
0x6bb: {  	s8 =	sadd.s32 s13, s5;
	s7 =	sadd.s32 $0x30, s13;
	v10 =	vadd.f32 v10, v19;
	v18 =	vadd.f32 v18, v20;
	s15 =	sadd.s32 s12, s0;
	v19 =	vld [tilespmem:s3+$0x0]  }
0x6bc: {  	s16 =	sand.u32 $0x1C00, s4;
	s14 =	sadd.s32 $0x10, s6;
	s0 =	sadd.s32 s9, s0;
	v9 =	vadd.f32 v9, v17;
	v17 =	vld [tilespmem:s15+$0x0];
	v12 =	vadd.f32 v16, v12  }
0x6bd: {  	s17 =	sadd.s32 s12, s10;
	s3 =	sand.u32 $0x7F80, s14;
	s15 =	sadd.s32 $0x20, s6;
	v8 =	vadd.f32 v8, v10;
	v10 =	vadd.f32 v15, v18;
	v15 =	vld [tilespmem:s0+$0x0]  }
0x6be: {  	s10 =	sadd.s32 $0x12F30, s16;
	s0 =	sand.u32 $0x70, s7;
	s3 =	sor.u32 s11, s3;
	v7 =	vadd.f32 v7, v9;
	v9 =	vld [tilespmem:s17+$0x0];
	v12 =	vadd.f32 v14, v12  }
0x6bf: {  	s17 =	sand.u32 $0x40, s13;
	s7 =	sadd.s32 s0, s10;
	v3 =	vadd.f32 v3, v8;
	v8 =	vadd.f32 v13, v10;
	v10 =	vld [tilespmem:s3+$0xC7B0];
	s3 =	sand.u32 $0x7F80, s15  }
0x6c0: {  	s18 =	sadd.s32 $0x30, s6;
	s11 =	sand.u32 $0x7F80, s8;
	v13 =	vld [tilespmem:s7+$0x0];
	s3 =	sor.u32 s12, s3;
	v12 =	vadd.f32 v19, v12  }
0x6c1: {  	s7 =	sor.u32 s17, s11;
	s11 =	sadd.s32 $0x10, s13;
	v3 =	vmul.f32 v3, v5;
	v2 =	vadd.f32 v2, v8;
	v7 =	vadd.f32 v17, v7;
	v8 =	vld [tilespmem:s3+$0xC7B0];
	s3 =	sand.u32 $0x7F80, s18  }
0x6c2: {  	v14 =	vmul.f32 v1, v6;
	s11 =	sand.u32 $0x50, s11;
	v1 =	vld [tilespmem:s7+$0xC7B0];
	v12 =	vadd.f32 v15, v12;
	s3 =	sor.u32 s9, s3;
	s9 =	smov.u32 s0  }
0x6c3: {  	s0 =	sadd.s32 s11, s10;
	s7 =	sadd.s32 $0x20, s13;
	v15 =	vadd.f32 v3, v4;
	v16 =	vmul.f32 v2, v5;
	v7 =	vadd.f32 v9, v7;
	v17 =	vld [tilespmem:s3+$0xC7B0]  }
0x6c4: {  	s19 =	sor.u32 s17, s10;
	s3 =	sadd.s32 $0x12E30, s16;
	s12 =	sand.u32 $0x60, s7;
	v2 =	vld [tilespmem:s0+$0x0];
	v9 =	vmul.f32 v10, v6;
	v10 =	vadd.f32 v0, v12  }
0x6c5: {  	s0 =	sadd.s32 $0x12EB0, s16;
	v3 =	vld [tilespmem:s19+$0x0];
	s19 =	sadd.s32 s12, s3;
	v12 =	vadd.f32 v15, v14;
	v14 =	vadd.f32 v16, v4;
	v15 =	vmul.f32 v7, v5;
	v0 =	vmovc v13  }
0x6c6: {  	s7 =	sadd.s32 $0x12DB0, s16;
	s20 =	sor.u32 s17, s0;
	v7 =	vld [tilespmem:s19+$0x0];
	v13 =	vmul.f32 v8, v6;
	v10 =	vmul.f32 v10, v5  }
0x6c7: {  	p0 =	slt.u32 s6, $0x2710;
	s6 =	smov.u32 s8;
	s19 =	sadd.s32 s12, s7;
	v8 =	vld [tilespmem:s20+$0x0];
	v12 =	vmax.f32 v12, $0.0e+00;
	v14 =	vadd.f32 v14, v9;
	v15 =	vadd.f32 v15, v4  }
0x6c8: {  	s1 =	sadd.s32 $0x40, s1;
	s8 =	sadd.s32 $0x12D30, s16;
	s20 =	sor.u32 s17, s3;
	v9 =	vld [tilespmem:s19+$0x0];
	v12 =	vpsel !p0, $0x0, v12;
	v16 =	vadd.f32 v10, v4;
	v17 =	vmul.f32 v17, v6  }
0x6c9: {  	s19 =	sadd.s32 s12, s8;
	p0 =	slt.u32 s14, $0x2710;
	v10 =	vld [tilespmem:s20+$0x0];
	[tilespmem:s1+$0xFFFFFFE0] =	vst v12;
	v11 =	vadd.f32 v12, v11;
	v14 =	vmax.f32 v14, $0.0e+00;
	v15 =	vadd.f32 v15, v13  }
0x6ca: {  	s14 =	sadd.s32 $0x12CB0, s16;
	s20 =	sor.u32 s17, s7;
	v12 =	vld [tilespmem:s19+$0x0];
	v14 =	vpsel !p0, $0x0, v14  }
0x6cb: {  	s19 =	sadd.s32 s12, s14;
	p0 =	slt.u32 s15, $0x2710;
	v16 =	vadd.f32 v16, v17;
	v13 =	vld [tilespmem:s20+$0x0];
	[tilespmem:s1+$0xFFFFFFF0] =	vst v14;
	v11 =	vadd.f32 v14, v11;
	v15 =	vmax.f32 v15, $0.0e+00  }
0x6cc: {  	s15 =	sadd.s32 $0x12C30, s16;
	s20 =	sor.u32 s17, s8;
	v14 =	vld [tilespmem:s19+$0x0];
	v17 =	vpsel !p0, $0x0, v15  }
0x6cd: {  	s19 =	sadd.s32 s12, s15;
	p0 =	slt.u32 s18, $0x2710;
	v15 =	vld [tilespmem:s20+$0x0];
	[tilespmem:s1+$0x0] =	vst v17;
	v11 =	vadd.f32 v17, v11;
	v17 =	vmax.f32 v16, $0.0e+00  }
0x6ce: {  	s18 =	sadd.s32 $0x12BB0, s16;
	s20 =	sor.u32 s17, s14;
	v16 =	vld [tilespmem:s19+$0x0];
	v18 =	vpsel !p0, $0x0, v17  }
0x6cf: {  	s19 =	sadd.s32 s12, s18;
	v17 =	vld [tilespmem:s20+$0x0];
	[tilespmem:s1+$0x10] =	vst v18;
	v11 =	vadd.f32 v18, v11  }
0x6d0: {  	s20 =	sadd.s32 $0x117B0, s16;
	s16 =	sor.u32 s17, s15;
	v18 =	vld [tilespmem:s19+$0x0]  }
0x6d1: {  	s19 =	sadd.s32 s12, s20;
	v19 =	vld [tilespmem:s16+$0x0]  }
0x6d2: {  	s16 =	sor.u32 s17, s18;
	v20 =	vld [tilespmem:s19+$0x380]  }
0x6d3: {  	v21 =	vld [tilespmem:s16+$0x0]  }
0x6d4: {  	s17 =	sor.u32 s17, s20;
	v22 =	vld [tilespmem:s19+$0x300]  }
0x6d5: {  	v23 =	vld [tilespmem:s17+$0x380]  }
0x6d6: {  	v24 =	vld [tilespmem:s19+$0x280]  }
0x6d7: {  	v25 =	vld [tilespmem:s17+$0x300]  }
0x6d8: {  	v26 =	vld [tilespmem:s19+$0x200]  }
0x6d9: {  	v27 =	vld [tilespmem:s17+$0x280]  }
0x6da: {  	v28 =	vld [tilespmem:s19+$0x180]  }
0x6db: {  	v29 =	vld [tilespmem:s17+$0x200]  }
0x6dc: {  	s16 =	sadd.s32 s9, s20;
	v30 =	vld [tilespmem:s19+$0x100]  }
0x6dd: {  	v31 =	vld [tilespmem:s16+$0x0]  }
0x6de: {  	v32 =	vld [tilespmem:s17+$0x180]  }
0x6df: {  	s2 =	sadd.s32 $0x4, s2;
	v33 =	vld [tilespmem:s19+$0x0]  }
0x6e0: {  	p0 =	slt.u32 s2, $0x24;
	v34 =	vld [tilespmem:s17+$0x100]  }
0x6e1: {  	v35 =	vld [tilespmem:s17+$0x0]  }
0x6e2: {  	v36 =	vld [tilespmem:s17+$0x80];
	s17 =	sadd.s32 s11, s20  }
0x6e3: {  	v37 =	vld [tilespmem:s17+$0x0]  }
0x6e4: {  	v38 =	vld [tilespmem:s17+$0x80]  }
0x6e5: {  	v39 =	vld [tilespmem:s19+$0x80]  }
0x6e6: {  	v40 =	vld [tilespmem:s17+$0x100]  }
0x6e7: {  	v35 =	vadd.f32 v36, v35;
	v36 =	vld [tilespmem:s16+$0x80]  }
0x6e8: {  	v41 =	vld [tilespmem:s17+$0x180]  }
0x6e9: {  	v34 =	vadd.f32 v34, v35;
	v35 =	vadd.f32 v38, v37;
	v37 =	vld [tilespmem:s16+$0x100]  }
0x6ea: {  	v38 =	vld [tilespmem:s17+$0x200];
	v33 =	vadd.f32 v39, v33  }
0x6eb: {  	v32 =	vadd.f32 v32, v34;
	v34 =	vadd.f32 v40, v35;
	v35 =	vld [tilespmem:s16+$0x180]  }
0x6ec: {  	v39 =	vld [tilespmem:s17+$0x280];
	v30 =	vadd.f32 v30, v33;
	v31 =	vadd.f32 v36, v31  }
0x6ed: {  	v29 =	vadd.f32 v29, v32;
	v32 =	vadd.f32 v41, v34;
	v33 =	vld [tilespmem:s16+$0x200]  }
0x6ee: {  	v34 =	vld [tilespmem:s17+$0x300];
	v28 =	vadd.f32 v28, v30;
	v30 =	vadd.f32 v37, v31  }
0x6ef: {  	v27 =	vadd.f32 v27, v29;
	v29 =	vadd.f32 v38, v32;
	v31 =	vld [tilespmem:s16+$0x280]  }
0x6f0: {  	v32 =	vld [tilespmem:s17+$0x380];
	v26 =	vadd.f32 v26, v28;
	v28 =	vadd.f32 v35, v30  }
0x6f1: {  	s17 =	sadd.s32 s11, s18;
	v25 =	vadd.f32 v25, v27;
	v27 =	vadd.f32 v39, v29;
	v29 =	vld [tilespmem:s16+$0x300]  }
0x6f2: {  	v30 =	vld [tilespmem:s17+$0x0];
	v24 =	vadd.f32 v24, v26;
	v26 =	vadd.f32 v33, v28  }
0x6f3: {  	s17 =	sadd.s32 s11, s15;
	v23 =	vadd.f32 v23, v25;
	v25 =	vadd.f32 v34, v27;
	v27 =	vld [tilespmem:s16+$0x380]  }
0x6f4: {  	s16 =	sadd.s32 s9, s18;
	v28 =	vld [tilespmem:s17+$0x0];
	v22 =	vadd.f32 v22, v24;
	v24 =	vadd.f32 v31, v26  }
0x6f5: {  	s17 =	sadd.s32 s11, s14;
	v21 =	vadd.f32 v21, v23;
	v23 =	vadd.f32 v32, v25;
	v25 =	vld [tilespmem:s16+$0x0]  }
0x6f6: {  	s15 =	sadd.s32 s9, s15;
	v26 =	vld [tilespmem:s17+$0x0];
	v20 =	vadd.f32 v20, v22;
	v22 =	vadd.f32 v29, v24  }
0x6f7: {  	s16 =	sadd.s32 s11, s8;
	v19 =	vadd.f32 v19, v21;
	v21 =	vadd.f32 v30, v23;
	v23 =	vld [tilespmem:s15+$0x0]  }
0x6f8: {  	s14 =	sadd.s32 s9, s14;
	v24 =	vld [tilespmem:s16+$0x0];
	v20 =	vadd.f32 v18, v20;
	v22 =	vadd.f32 v27, v22  }
0x6f9: {  	s15 =	sadd.s32 s11, s7;
	v17 =	vadd.f32 v17, v19;
	v19 =	vadd.f32 v28, v21;
	v21 =	vld [tilespmem:s14+$0x0]  }
.Ltmp8:
0x6fa: {  	s8 =	sadd.s32 s9, s8;
	v18 =	vld [tilespmem:s15+$0x0];
	v20 =	vadd.f32 v16, v20;
	v22 =	vadd.f32 v25, v22;
	(pc) =	sbr.rel @p0 .LBB2_17-.Ltmp8, $4  }
0x6fb: {  	s14 =	sadd.s32 s11, s3;
	v17 =	vadd.f32 v15, v17;
	v25 =	vadd.f32 v26, v19;
	v16 =	vld [tilespmem:s8+$0x0]  }
0x6fc: {  	s7 =	sadd.s32 s9, s7;
	v15 =	vld [tilespmem:s14+$0x0];
	v26 =	vadd.f32 v14, v20;
	v22 =	vadd.f32 v23, v22  }
0x6fd: {  	s8 =	sadd.s32 s11, s0;
	v19 =	vadd.f32 v13, v17;
	v20 =	vadd.f32 v24, v25;
	v14 =	vld [tilespmem:s7+$0x0]  }
0x6fe: {  	s4 =	sadd.s32 $0x200, s4;
	s13 =	sadd.s32 $0x40, s13;
	s3 =	sadd.s32 s9, s3;
	v13 =	vld [tilespmem:s8+$0x0];
	v17 =	vadd.f32 v12, v26;
	v12 =	vadd.f32 v21, v22  }
0x6ff: {  	v10 =	vadd.f32 v10, v19;
	v18 =	vadd.f32 v18, v20;
	s2 =	sadd.s32 s12, s0;
	v50 =	vld [tilespmem:s3+$0x0]  }
0x700: {  	s17 =	sadd.s32 $0x10, s6;
	s18 =	sadd.s32 s9, s0;
	v9 =	vadd.f32 v9, v17;
	v51 =	vld [tilespmem:s2+$0x0];
	v12 =	vadd.f32 v16, v12  }
0x701: {  	s4 =	sadd.s32 s12, s10;
	s19 =	sand.u32 $0x7F80, s17;
	v53 =	vld [tilespmem:s18+$0x0];
	v8 =	vadd.f32 v8, v10;
	v52 =	vadd.f32 v15, v18  }
0x702: {  	s20 =	sadd.s32 $0x20, s6;
	v54 =	vld [tilespmem:s4+$0x0];
	s2 =	sor.u32 s11, s19;
	v7 =	vadd.f32 v7, v9;
	v12 =	vadd.f32 v14, v12  }
0x703: {  	s21 =	sand.u32 $0x7F80, s20;
	v56 =	vld [tilespmem:s2+$0xC7B0];
	v3 =	vadd.f32 v3, v8;
	v55 =	vadd.f32 v13, v52  }
0x704: {  	s22 =	sadd.s32 $0x30, s6;
	s2 =	sor.u32 s12, s21;
	v12 =	vadd.f32 v50, v12  }
0x705: {  	s23 =	sand.u32 $0x7F80, s22;
	v57 =	vld [tilespmem:s2+$0xC7B0];
	v3 =	vmul.f32 v3, v5;
	v2 =	vadd.f32 v2, v55;
	v7 =	vadd.f32 v51, v7  }
0x706: {  	v1 =	vmul.f32 v1, v6;
	s2 =	sor.u32 s9, s23;
	v12 =	vadd.f32 v53, v12  }
0x707: {  	v58 =	vld [tilespmem:s2+$0xC7B0];
	v3 =	vadd.f32 v3, v4;
	v2 =	vmul.f32 v2, v5;
	v7 =	vadd.f32 v54, v7  }
0x708: {  	v10 =	vmul.f32 v56, v6;
	v0 =	vadd.f32 v0, v12  }
0x709: {  	v1 =	vadd.f32 v3, v1;
	v2 =	vadd.f32 v2, v4;
	v59 =	vmul.f32 v7, v5  }
0x70a: {  	v60 =	vmul.f32 v57, v6;
	v0 =	vmul.f32 v0, v5  }
0x70b: {  	p0 =	slt.u32 s6, $0x2710;
	v1 =	vmax.f32 v1, $0.0e+00;
	v2 =	vadd.f32 v2, v10;
	v3 =	vadd.f32 v59, v4  }
0x70c: {  	v61 =	vmul.f32 v58, v6;
	v1 =	vpsel !p0, $0x0, v1;
	v0 =	vadd.f32 v0, v4  }
0x70d: {  	p4 =	slt.u32 s17, $0x2710;
	v62 =	vadd.f32 v1, v11;
	v2 =	vmax.f32 v2, $0.0e+00;
	v3 =	vadd.f32 v3, v60  }
0x70e: {  	v2 =	vpsel !p4, $0x0, v2  }
0x70f: {  	p5 =	slt.u32 s20, $0x2710;
	v0 =	vadd.f32 v0, v61;
	v5 =	vadd.f32 v2, v62;
	v3 =	vmax.f32 v3, $0.0e+00  }
0x710: {  	s24 =	sadd.s32 $0x40, s1;
	v3 =	vpsel !p5, $0x0, v3  }
0x711: {  	p6 =	slt.u32 s22, $0x2710;
	[tilespmem:s24+$0xFFFFFFE0] =	vst v1;
	v0 =	vmax.f32 v0, $0.0e+00;
	v63 =	vadd.f32 v3, v5  }
0x712: {  	[tilespmem:s24+$0xFFFFFFF0] =	vst v2;
	v0 =	vpsel !p6, $0x0, v0  }
0x713: {  	[tilespmem:s24+$0x0] =	vst v3;
	v1 =	vadd.f32 v0, v63  }
0x714: {  	[tilespmem:s24+$0x10] =	vst v0  }
0x715: {  	s25 =	simm.s32 $0x13FB0;
	s0 =	simm.s32 $0x2;
	[tilespmem:$0x14530] =	vst v1  }
0x716: {  	[spmem:s26] =	stream.linear.scatter [tilespmem:s25], [sflag:$0x2], $0x280, $0x38;
	[tilespmem:$0x149B0] =	vst v63  }
0x717: {  	_ =	swait.ge [sflag:s0], $0x280  }
0x718: {  	[sflag:s0] =	ssyncset.done $0x0  }
0x719: {  	s29 =	sadd.s32 $0x200, s28;
	s30 =	simm.s32 $0x14530;
	[sflag:s0] =	ssyncadd.s32 $0xFFFFFD80  }
0x71a: {  	[spmem:s29] =	stream.linear.scatter [tilespmem:s30], [sflag:$0x2], $0x10, $0x38;
	[tilespmem:$0x149B0] =	vst v63  }
0x71b: {  	_ =	swait.ge [sflag:s0], $0x10  }
0x71c: {  	[sflag:s0] =	ssyncset.done $0x0  }
0x71d: {  	s31 =	stileid.u32;
	[sflag:s0] =	ssyncadd.s32 $0xFFFFFFF0  }
0x71e: {  	p0 =	sne.s32 s31, $0x0;
	[bflag:$0x0] =	sbarrier.arrive $0xFFFF  }
0x71f: {  	_ =	sfence.sel @p0 $0x180000  }
0x720: {  	[bflag:$0x0] =	sbarrier.arrive @p0 $0xFFFF  }
0x721: {  	_ =	strace @p0 $0x90000047  }
0x722: {  	[bflag:$0x2] =	sbarrier.arrive @p0 $0xFFFF  }
0x723: {  	_ =	shalt @p0  }
.LBB2_19:
0x724: {  	s1 =	simm.s32 $0x0;
	s2 =	simm.s32 $0x145B0;
	s3 =	rddreg [dreg:$0x6]  }
0x725: {  	[tilespmem:s2], [sflag:$0x2] =	stream.linear.gather [hbm4b:s3+s1], $0x80, $0x38;
	[tilespmem:$0x149B0] =	vst v63  }
0x726: {  	_ =	swait.ge [sflag:s0], $0x80  }
0x727: {  	[sflag:s0] =	ssyncset.done $0x0  }
0x728: {  	[sflag:s0] =	ssyncadd.s32 $0xFFFFFF80  }
0x729: {  	s26 =	rddreg [dreg:$0x1]  }
0x72a: {  	[hbm4b:s26+s1] =	stream.linear.scatter [tilespmem:s2], [sflag:$0x2], $0x80, $0x38;
	[tilespmem:$0x149B0] =	vst v63  }
0x72b: {  	_ =	swait.ge [sflag:s0], $0x80  }
0x72c: {  	[sflag:s0] =	ssyncset.done $0x0  }
0x72d: {  	[sflag:s0] =	ssyncadd.s32 $0xFFFFFF80  }
0x72e: {  	s28 =	simm.s32 $0x14630;
	s4 =	rddreg [dreg:$0x4]  }
0x72f: {  	[tilespmem:s28], [sflag:$0x2] =	stream.linear.gather [spmem:s4], $0x300, $0x38;
	[tilespmem:$0x149B0] =	vst v63  }
0x730: {  	_ =	swait.ge [sflag:s0], $0x300  }
0x731: {  	[sflag:s0] =	ssyncset.done $0x0  }
0x732: {  	[sflag:s0] =	ssyncadd.s32 $0xFFFFFD00  }
0x733: {  	v0 =	vld [tilespmem:$0x14630]  }
0x734: {  	v1 =	vld [tilespmem:$0x14640]  }
0x735: {  	v2 =	vld [tilespmem:$0x14650]  }
0x736: {  	v3 =	vld [tilespmem:$0x14660]  }
0x737: {  	v4 =	vld [tilespmem:$0x14670]  }
0x738: {  	v5 =	vld [tilespmem:$0x14680]  }
0x739: {  	v6 =	vld [tilespmem:$0x14690]  }
0x73a: {  	v7 =	vld [tilespmem:$0x146A0]  }
0x73b: {  	v8 =	vld [tilespmem:$0x146B0]  }
0x73c: {  	v9 =	vld [tilespmem:$0x146C0]  }
0x73d: {  	v10 =	vld [tilespmem:$0x146D0]  }
0x73e: {  	v11 =	vld [tilespmem:$0x146E0]  }
0x73f: {  	v12 =	vld [tilespmem:$0x146F0]  }
0x740: {  	v13 =	vld [tilespmem:$0x14700]  }
0x741: {  	v14 =	vld [tilespmem:$0x14710]  }
0x742: {  	v15 =	vld [tilespmem:$0x14720]  }
0x743: {  	v16 =	vld [tilespmem:$0x14730]  }
0x744: {  	v17 =	vld [tilespmem:$0x14740]  }
0x745: {  	v18 =	vld [tilespmem:$0x14830]  }
0x746: {  	v19 =	vld [tilespmem:$0x14840]  }
0x747: {  	v20 =	vld [tilespmem:$0x14750]  }
0x748: {  	v21 =	vld [tilespmem:$0x14850]  }
0x749: {  	v34 =	vld [tilespmem:$0x14760];
	v0 =	vadd.f32 v1, v0  }
0x74a: {  	v35 =	vld [tilespmem:$0x14860];
	v16 =	vadd.f32 v17, v16  }
0x74b: {  	v37 =	vld [tilespmem:$0x14770];
	v36 =	vadd.f32 v19, v18;
	v0 =	vadd.f32 v2, v0  }
0x74c: {  	v38 =	vld [tilespmem:$0x14870];
	v16 =	vadd.f32 v20, v16  }
0x74d: {  	v39 =	vld [tilespmem:$0x14780];
	v2 =	vadd.f32 v21, v36;
	v0 =	vadd.f32 v3, v0  }
0x74e: {  	v40 =	vld [tilespmem:$0x14880];
	v1 =	vadd.f32 v34, v16  }
0x74f: {  	v41 =	vld [tilespmem:$0x14790];
	v2 =	vadd.f32 v35, v2;
	v0 =	vadd.f32 v4, v0  }
0x750: {  	v42 =	vld [tilespmem:$0x14890];
	v1 =	vadd.f32 v37, v1  }
0x751: {  	v43 =	vld [tilespmem:$0x147A0];
	v2 =	vadd.f32 v38, v2;
	v0 =	vadd.f32 v5, v0  }
0x752: {  	v44 =	vld [tilespmem:$0x148A0];
	v1 =	vadd.f32 v39, v1  }
0x753: {  	v45 =	vld [tilespmem:$0x147B0];
	v2 =	vadd.f32 v40, v2;
	v0 =	vadd.f32 v6, v0  }
0x754: {  	v46 =	vld [tilespmem:$0x148B0];
	v1 =	vadd.f32 v41, v1  }
0x755: {  	v47 =	vld [tilespmem:$0x147C0];
	v2 =	vadd.f32 v42, v2;
	v0 =	vadd.f32 v7, v0  }
0x756: {  	v48 =	vld [tilespmem:$0x148C0];
	v1 =	vadd.f32 v43, v1  }
0x757: {  	v49 =	vld [tilespmem:$0x147D0];
	v2 =	vadd.f32 v44, v2;
	v0 =	vadd.f32 v8, v0  }
0x758: {  	v50 =	vld [tilespmem:$0x148D0];
	v1 =	vadd.f32 v45, v1  }
0x759: {  	v51 =	vld [tilespmem:$0x147E0];
	v2 =	vadd.f32 v46, v2;
	v0 =	vadd.f32 v9, v0  }
0x75a: {  	v52 =	vld [tilespmem:$0x148E0];
	v1 =	vadd.f32 v47, v1  }
0x75b: {  	v53 =	vld [tilespmem:$0x147F0];
	v2 =	vadd.f32 v48, v2;
	v0 =	vadd.f32 v10, v0  }
0x75c: {  	v54 =	vld [tilespmem:$0x148F0];
	v1 =	vadd.f32 v49, v1  }
0x75d: {  	v55 =	vld [tilespmem:$0x14800];
	v2 =	vadd.f32 v50, v2;
	v0 =	vadd.f32 v11, v0  }
0x75e: {  	v56 =	vld [tilespmem:$0x14900];
	v1 =	vadd.f32 v51, v1  }
0x75f: {  	v57 =	vld [tilespmem:$0x14810];
	v2 =	vadd.f32 v52, v2;
	v0 =	vadd.f32 v12, v0  }
0x760: {  	v58 =	vld [tilespmem:$0x14910];
	v1 =	vadd.f32 v53, v1  }
0x761: {  	v59 =	vld [tilespmem:$0x14820];
	v2 =	vadd.f32 v54, v2;
	v0 =	vadd.f32 v13, v0  }
0x762: {  	v60 =	vld [tilespmem:$0x14920];
	v1 =	vadd.f32 v55, v1  }
0x763: {  	v2 =	vadd.f32 v56, v2;
	v0 =	vadd.f32 v14, v0  }
0x764: {  	v1 =	vadd.f32 v57, v1  }
0x765: {  	v2 =	vadd.f32 v58, v2;
	v0 =	vadd.f32 v15, v0  }
0x766: {  	v1 =	vadd.f32 v59, v1  }
0x767: {  	v61 =	vadd.f32 v60, v2;
	(xrf2) =	vadd.scan.msk.f32 $0xffff, v0  }
0x768: {  	(xrf2) =	vadd.scan.msk.f32 $0xffff, v1  }
0x769: {  	(xrf2) =	vadd.scan.msk.f32 $0xffff, v61;
	_ =	sdelay $0x7  }
0x76a: {  	v62, _, _ =	vpop (xrf2)  }
0x76b: {  	v1, _, _ =	vpop (xrf2)  }
0x76c: {  	v63, _, _ =	vpop (xrf2)  }
0x76d: {  	v2 =	vbroadcast v63, $0xF  }
0x76e: {  	vm0 =	vcmask $0xB08;
	v1 =	vbroadcast v1, $0xF  }
0x76f: {  	vm14 =	vcmask $0x3F08;
	v0 =	vbroadcast v62, $0xF;
	v2 =	vnsel vm0, $0x0, v2  }
0x770: {  	vm15 =	vcmask $0x3F04;
	v1 =	vsel vm14, v2, v1  }
0x771: {  	v0 =	vsel vm15, v1, v0  }
0x772: {  	s30 =	simm.s32 $0x14930;
	s29 =	sadd.s32 $0x10, s26;
	[tilespmem:$0x14930] =	vst v0  }
0x773: {  	[hbm4b:s29+s1] =	stream.linear.scatter [tilespmem:s30], [sflag:$0x2], $0x10, $0x38;
	[tilespmem:$0x149B0] =	vst v63  }
0x774: {  	_ =	swait.ge [sflag:s0], $0x10  }
0x775: {  	[sflag:s0] =	ssyncset.done $0x0  }
0x776: {  	[sflag:s0] =	ssyncadd.s32 $0xFFFFFFF0  }
0x777: {  	_ =	sfence.sel $0x180000  }
0x778: {  	[bflag:$0x0] =	sbarrier.arrive $0xFFFF  }
0x779: {  	_ =	strace $0x90000047  }
0x77a: {  	[bflag:$0x2] =	sbarrier.arrive $0xFFFF  }
0x77b: {  	s31 =	rddreg [dreg:$0x5]  }
0x77c: {  	s0 =	sadd.s32 $0x100000, s31  }
0x77d: {  	[sflag:s0] =	ssyncadd.tile.s32 $0x1;
	_ =	shalt  }
.Lfunc_end2:
_tile_overlayer_lowered:
.L_overlay_start_2:
0x77e: {  	(tag) =	ssettag $0x2  }
0x77f: {  	s0 =	rddreg [dreg:$0x0];
	s2 =	stileid.u32  }
0x780: {  	s1 =	rddreg [dreg:$0x1];
	p0 =	sne.s32 s2, $0x0  }
0x781: {  	s3 =	rddreg [dreg:$0x2];
	[bflag:$0x3] =	sbarrier.arrive $0xFFFF;
	s2 =	simm.s32 @!p0 $0x1C02  }
0x782: {  	[timem:s3], [sflag:s2] =	dma.local @!p0 [hbm:s0], s1  }
0x783: {  	s0 =	simm.s32 @!p0 $0x2  }
0x784: {  	_ =	swait.ge @!p0 [sflag:s0], s1  }
0x785: {  	s1 =	ssub.s32 @!p0 $0x0, s1;
	[sflag:s0] =	ssyncset.done @!p0 $0x0  }
0x786: {  	[sflag:s0] =	ssyncadd.s32 @!p0 s1  }
0x787: {  	[bflag:$0x3] =	sbarrier.arrive $0xFFFF  }
0x788: {  	_ =	shalt  }

</sc_bundles>
